<compile_context>
chip_gen: v7x
topology: tpu7x:2x2x1
jax: 0.10.2.dev20260603
libtpu: 0.0.44.dev20260713+nightly
codegen_flags: <defaults>
</compile_context>

<pallas_src>
import functools

import jax
import jax.numpy as jnp
from jax import lax
from jax.experimental import pallas as pl
from jax.experimental.pallas import tpu as pltpu
from jax.experimental.pallas import tpu_sc as plsc

_L = 16
_NW = 32


def _make_emb_kernel(BATCH, HIST, D):
    b_per_w = BATCH // _NW
    nbb = b_per_w // 128
    HP = HIST // 2
    NBLK = nbb * HP
    i_per_w = b_per_w * HIST
    NV = 128 // _L

    mesh = plsc.VectorSubcoreMesh(core_axis_name="c", subcore_axis_name="s")
    nc = mesh.num_cores

    scratch = [
        pltpu.VMEM((i_per_w,), jnp.int32),
        pltpu.VMEM((256,), jnp.int32),
        pltpu.VMEM((256,), jnp.int32),
        pltpu.VMEM((256, 2 * D), jnp.float32),
        pltpu.VMEM((256, 2 * D), jnp.float32),
        pltpu.VMEM((2, D, 128), jnp.float32),
        pltpu.VMEM((2, D, 128), jnp.float32),
        pltpu.SemaphoreType.DMA,
        pltpu.SemaphoreType.DMA,
        pltpu.SemaphoreType.DMA,
        pltpu.SemaphoreType.DMA,
    ]

    @functools.partial(
        pl.kernel,
        out_type=jax.ShapeDtypeStruct((HIST, D, BATCH), jnp.float32),
        mesh=mesh,
        scratch_types=scratch,
        compiler_params=pltpu.CompilerParams(
            needs_layout_passes=False, disable_bounds_checks=True
        ),
    )
    def emb(idx_hbm, tab_hbm, out_hbm, idx_v, gi0, gi1, rw0, rw1, ob0, ob1,
            gs0, gs1, ss0, ss1):
        gi = (gi0, gi1)
        rw = (rw0, rw1)
        ob = (ob0, ob1)
        gsem = (gs0, gs1)
        ssem = (ss0, ss1)
        wid = lax.axis_index("s") * nc + lax.axis_index("c")
        ibase = wid * i_per_w
        pltpu.sync_copy(idx_hbm.at[pl.ds(ibase, i_per_w)], idx_v)

        lanes = lax.iota(jnp.int32, _L)
        jofs = [(lanes + v * _L) * HIST for v in range(NV)]
        rowv = [lanes + v * _L for v in range(NV)]
        rowv2 = [lanes + v * _L + 128 for v in range(NV)]

        def blk_h_bb(k):
            return 2 * lax.rem(k, HP), lax.div(k, HP)

        def load_raws(k):
            h, bb = blk_h_bb(k)
            base = bb * (128 * HIST) + h
            rawsA = [plsc.load_gather(idx_v, [jofs[v] + base]) for v in range(NV)]
            rawsB = [plsc.load_gather(idx_v, [jofs[v] + base + 1]) for v in range(NV)]
            return rawsA, rawsB

        def prep_gather(k, p):
            rawsA, rawsB = load_raws(k)
            for v in range(NV):
                gi[p][pl.ds(v * _L, _L)] = lax.shift_right_logical(rawsA[v], 1)
                gi[p][pl.ds(128 + v * _L, _L)] = lax.shift_right_logical(rawsB[v], 1)
            return pltpu.async_copy(tab_hbm.at[gi[p]], rw[p], gsem[p])

        def transpose_block(k, p):
            rawsA, rawsB = load_raws(k)
            pcA = [(r & 1) * D for r in rawsA]
            pcB = [(r & 1) * D for r in rawsB]

            @plsc.parallel_loop(0, D, unroll=4)
            def _(d):
                for v in range(NV):
                    ob[p][0, d, pl.ds(v * _L, _L)] = plsc.load_gather(
                        rw[p], [rowv[v], pcA[v] + d]
                    )
                    ob[p][1, d, pl.ds(v * _L, _L)] = plsc.load_gather(
                        rw[p], [rowv2[v], pcB[v] + d]
                    )

        def writeback(k, p):
            h, bb = blk_h_bb(k)
            bg = (wid * nbb + bb) * 128
            return pltpu.async_copy(
                ob[p], out_hbm.at[pl.ds(h, 2), :, pl.ds(bg, 128)], ssem[p]
            )

        def wb_wait(p):
            pltpu.make_async_copy(
                ob[p], out_hbm.at[pl.ds(0, 2), :, pl.ds(0, 128)], ssem[p]
            ).wait()

        g0 = prep_gather(0, 0)
        g1 = prep_gather(1, 1)
        g0.wait()
        transpose_block(0, 0)
        writeback(0, 0)

        def lap(L_, carry):
            k = 2 * L_ - 1
            prep_gather(k + 1, 0)
            pltpu.make_async_copy(tab_hbm.at[gi[1]], rw[1], gsem[1]).wait()

            @pl.when(L_ > 1)
            def _():
                wb_wait(1)

            transpose_block(k, 1)
            writeback(k, 1)

            prep_gather(k + 2, 1)
            pltpu.make_async_copy(tab_hbm.at[gi[0]], rw[0], gsem[0]).wait()
            wb_wait(0)
            transpose_block(k + 1, 0)
            writeback(k + 1, 0)
            return carry

        lax.fori_loop(1, (NBLK - 2) // 2 + 1, lap, 0)

        k = NBLK - 1
        pltpu.make_async_copy(tab_hbm.at[gi[1]], rw[1], gsem[1]).wait()
        wb_wait(1)
        transpose_block(k, 1)
        writeback(k, 1)

        wb_wait(0)
        wb_wait(1)

    return emb


def kernel(text_input_ids, embedding_table):
    BATCH, HIST = text_input_ids.shape
    V, D = embedding_table.shape
    idx = text_input_ids.reshape(-1).astype(jnp.int32)
    tab2 = embedding_table.reshape(V // 2, 2 * D)
    emb = _make_emb_kernel(BATCH, HIST, D)
    out = emb(idx, tab2)
    return jnp.transpose(out, (2, 0, 1))

# --- scband reference (transcript-rebuilt; emitter-appended) ---
"""Pipeline reference for scband-text-embedding-model-1125281432022 (READ-ONLY COPY).

The authoritative reference and input builder live on the scoring server;
editing this copy changes nothing except your own understanding.
"""

import jax, jax.numpy as jnp
import numpy as np

VOCAB = 1000000
EMBED_DIM = 64
BATCH = 16384
HIST = 50

def setup_inputs(seed: int = 0) -> dict:
    key = jax.random.key(seed)
    k_idx, k_tab = jax.random.split(key)
    text_input_ids = jax.random.randint(k_idx, (BATCH, HIST), 0, VOCAB, dtype=jnp.int64 if jax.config.jax_enable_x64 else jnp.int32)
    embedding_table = jax.random.normal(k_tab, (VOCAB, EMBED_DIM), dtype=jnp.float32)
    return {"text_input_ids": text_input_ids, "embedding_table": embedding_table}

def reference(text_input_ids, embedding_table):
    # nn.Embedding forward: gather rows of the table by index
    text_embeddings = jnp.take(embedding_table, text_input_ids, axis=0)
    return text_embeddings

if __name__ == "__main__":
    import jax
    _d = setup_inputs()
    print(jax.jit(kernel)(*tuple(_d.values())))

</pallas_src>

<mosaic_0001>
#map = affine_map<(d0, d1) -> (0)>
#map1 = affine_map<(d0, d1) -> (0, 0)>
#map2 = affine_map<(d0, d1) -> (0, 0, 0)>
module attributes {stable_mosaic.version = 14 : i64} {
  func.func @emb(%arg0: i32, %arg1: i32, %arg2: memref<819200xi32, #tpu.memory_space<hbm>>, %arg3: memref<500000x128xf32, #tpu.memory_space<hbm>>, %arg4: memref<50x64x16384xf32, #tpu.memory_space<hbm>>, %arg5: memref<25600xi32, #tpu.memory_space<vmem>>, %arg6: memref<256xi32, #tpu.memory_space<vmem>>, %arg7: memref<256xi32, #tpu.memory_space<vmem>>, %arg8: memref<256x128xf32, #tpu.memory_space<vmem>>, %arg9: memref<256x128xf32, #tpu.memory_space<vmem>>, %arg10: memref<2x64x128xf32, #tpu.memory_space<vmem>>, %arg11: memref<2x64x128xf32, #tpu.memory_space<vmem>>, %arg12: memref<!tpu.dma_semaphore, #tpu.memory_space<semaphore_mem>>, %arg13: memref<!tpu.dma_semaphore, #tpu.memory_space<semaphore_mem>>, %arg14: memref<!tpu.dma_semaphore, #tpu.memory_space<semaphore_mem>>, %arg15: memref<!tpu.dma_semaphore, #tpu.memory_space<semaphore_mem>>) attributes {dimension_semantics = [#tpu.dimension_semantics<core_parallel>, #tpu.dimension_semantics<subcore_parallel>], iteration_bounds = array<i64: 2, 16>, scalar_prefetch = 0 : i64, scratch_operands = 11 : i64, tpu.core_type = #tpu.core_type<sc_vector_subcore>, window_params = [{transform_indices = #map}, {transform_indices = #map1}, {transform_indices = #map2}]} {
    %mul3A = arith.constant 2 : i32
    %mul3A_0 = arith.muli %arg1, %mul3A : i32
    %add3A = arith.addi %mul3A_0, %arg0 : i32
    %mul3A_1 = arith.constant 25600 : i32
    %mul3A_2 = arith.muli %add3A, %mul3A_1 : i32
    "tpu.region"() ({
      %run_scoped3A = tpu.sem_alloc : memref<!tpu.dma_semaphore, #tpu.memory_space<semaphore_mem>>
      %dma_start3A_879 = tpu.memref_slice %arg2[%mul3A_2] : memref<819200xi32, #tpu.memory_space<hbm>> -> memref<25600xi32, #tpu.memory_space<hbm>>
      %dma_start3A_880 = tpu.memref_slice %arg2[%mul3A_2] : memref<819200xi32, #tpu.memory_space<hbm>> -> memref<25600xi32, #tpu.memory_space<hbm>>
      tpu.enqueue_dma source(%dma_start3A_880 : memref<25600xi32, #tpu.memory_space<hbm>>) target(%arg5 : memref<25600xi32, #tpu.memory_space<vmem>>) target_semaphore(%run_scoped3A : memref<!tpu.dma_semaphore, #tpu.memory_space<semaphore_mem>>)
      %dma_wait3A_881 = tpu.memref_slice %arg2[%mul3A_2] : memref<819200xi32, #tpu.memory_space<hbm>> -> memref<25600xi32, #tpu.memory_space<hbm>>
      %dma_wait3A_882 = tpu.memref_slice %arg2[%mul3A_2] : memref<819200xi32, #tpu.memory_space<hbm>> -> memref<25600xi32, #tpu.memory_space<hbm>>
      tpu.wait_dma2 semaphore(%run_scoped3A : memref<!tpu.dma_semaphore, #tpu.memory_space<semaphore_mem>>) src(%dma_wait3A_882 : memref<25600xi32, #tpu.memory_space<hbm>>) dst(%arg5 : memref<25600xi32, #tpu.memory_space<vmem>>)
      tpu.yield
    }) : () -> ()
    %iota3A = tpu.iota {dimensions = array<i32: 0>} : vector<16xi32>
    %add3A_3 = arith.constant 0 : i32
    %add3A_4 = vector.broadcast %add3A_3 : i32 to vector<16xi32>
    %add3A_5 = arith.addi %iota3A, %add3A_4 : vector<16xi32>
    %mul3A_6 = arith.constant 50 : i32
    %mul3A_7 = vector.broadcast %mul3A_6 : i32 to vector<16xi32>
    %mul3A_8 = arith.muli %add3A_5, %mul3A_7 : vector<16xi32>
    %add3A_9 = arith.constant 16 : i32
    %add3A_10 = vector.broadcast %add3A_9 : i32 to vector<16xi32>
    %add3A_11 = arith.addi %iota3A, %add3A_10 : vector<16xi32>
    %mul3A_12 = arith.constant 50 : i32
    %mul3A_13 = vector.broadcast %mul3A_12 : i32 to vector<16xi32>
    %mul3A_14 = arith.muli %add3A_11, %mul3A_13 : vector<16xi32>
    %add3A_15 = arith.constant 32 : i32
    %add3A_16 = vector.broadcast %add3A_15 : i32 to vector<16xi32>
    %add3A_17 = arith.addi %iota3A, %add3A_16 : vector<16xi32>
    %mul3A_18 = arith.constant 50 : i32
    %mul3A_19 = vector.broadcast %mul3A_18 : i32 to vector<16xi32>
    %mul3A_20 = arith.muli %add3A_17, %mul3A_19 : vector<16xi32>
    %add3A_21 = arith.constant 48 : i32
    %add3A_22 = vector.broadcast %add3A_21 : i32 to vector<16xi32>
    %add3A_23 = arith.addi %iota3A, %add3A_22 : vector<16xi32>
    %mul3A_24 = arith.constant 50 : i32
    %mul3A_25 = vector.broadcast %mul3A_24 : i32 to vector<16xi32>
    %mul3A_26 = arith.muli %add3A_23, %mul3A_25 : vector<16xi32>
    %add3A_27 = arith.constant 64 : i32
    %add3A_28 = vector.broadcast %add3A_27 : i32 to vector<16xi32>
    %add3A_29 = arith.addi %iota3A, %add3A_28 : vector<16xi32>
    %mul3A_30 = arith.constant 50 : i32
    %mul3A_31 = vector.broadcast %mul3A_30 : i32 to vector<16xi32>
    %mul3A_32 = arith.muli %add3A_29, %mul3A_31 : vector<16xi32>
    %add3A_33 = arith.constant 80 : i32
    %add3A_34 = vector.broadcast %add3A_33 : i32 to vector<16xi32>
    %add3A_35 = arith.addi %iota3A, %add3A_34 : vector<16xi32>
    %mul3A_36 = arith.constant 50 : i32
    %mul3A_37 = vector.broadcast %mul3A_36 : i32 to vector<16xi32>
    %mul3A_38 = arith.muli %add3A_35, %mul3A_37 : vector<16xi32>
    %add3A_39 = arith.constant 96 : i32
    %add3A_40 = vector.broadcast %add3A_39 : i32 to vector<16xi32>
    %add3A_41 = arith.addi %iota3A, %add3A_40 : vector<16xi32>
    %mul3A_42 = arith.constant 50 : i32
    %mul3A_43 = vector.broadcast %mul3A_42 : i32 to vector<16xi32>
    %mul3A_44 = arith.muli %add3A_41, %mul3A_43 : vector<16xi32>
    %add3A_45 = arith.constant 112 : i32
    %add3A_46 = vector.broadcast %add3A_45 : i32 to vector<16xi32>
    %add3A_47 = arith.addi %iota3A, %add3A_46 : vector<16xi32>
    %mul3A_48 = arith.constant 50 : i32
    %mul3A_49 = vector.broadcast %mul3A_48 : i32 to vector<16xi32>
    %mul3A_50 = arith.muli %add3A_47, %mul3A_49 : vector<16xi32>
    %add3A_51 = arith.constant 0 : i32
    %add3A_52 = vector.broadcast %add3A_51 : i32 to vector<16xi32>
    %add3A_53 = arith.addi %iota3A, %add3A_52 : vector<16xi32>
    %add3A_54 = arith.constant 16 : i32
    %add3A_55 = vector.broadcast %add3A_54 : i32 to vector<16xi32>
    %add3A_56 = arith.addi %iota3A, %add3A_55 : vector<16xi32>
    %add3A_57 = arith.constant 32 : i32
    %add3A_58 = vector.broadcast %add3A_57 : i32 to vector<16xi32>
    %add3A_59 = arith.addi %iota3A, %add3A_58 : vector<16xi32>
    %add3A_60 = arith.constant 48 : i32
    %add3A_61 = vector.broadcast %add3A_60 : i32 to vector<16xi32>
    %add3A_62 = arith.addi %iota3A, %add3A_61 : vector<16xi32>
    %add3A_63 = arith.constant 64 : i32
    %add3A_64 = vector.broadcast %add3A_63 : i32 to vector<16xi32>
    %add3A_65 = arith.addi %iota3A, %add3A_64 : vector<16xi32>
    %add3A_66 = arith.constant 80 : i32
    %add3A_67 = vector.broadcast %add3A_66 : i32 to vector<16xi32>
    %add3A_68 = arith.addi %iota3A, %add3A_67 : vector<16xi32>
    %add3A_69 = arith.constant 96 : i32
    %add3A_70 = vector.broadcast %add3A_69 : i32 to vector<16xi32>
    %add3A_71 = arith.addi %iota3A, %add3A_70 : vector<16xi32>
    %add3A_72 = arith.constant 112 : i32
    %add3A_73 = vector.broadcast %add3A_72 : i32 to vector<16xi32>
    %add3A_74 = arith.addi %iota3A, %add3A_73 : vector<16xi32>
    %add3A_75 = arith.constant 0 : i32
    %add3A_76 = vector.broadcast %add3A_75 : i32 to vector<16xi32>
    %add3A_77 = arith.addi %iota3A, %add3A_76 : vector<16xi32>
    %add3A_78 = arith.constant 128 : i32
    %add3A_79 = vector.broadcast %add3A_78 : i32 to vector<16xi32>
    %add3A_80 = arith.addi %add3A_77, %add3A_79 : vector<16xi32>
    %add3A_81 = arith.constant 16 : i32
    %add3A_82 = vector.broadcast %add3A_81 : i32 to vector<16xi32>
    %add3A_83 = arith.addi %iota3A, %add3A_82 : vector<16xi32>
    %add3A_84 = arith.constant 128 : i32
    %add3A_85 = vector.broadcast %add3A_84 : i32 to vector<16xi32>
    %add3A_86 = arith.addi %add3A_83, %add3A_85 : vector<16xi32>
    %add3A_87 = arith.constant 32 : i32
    %add3A_88 = vector.broadcast %add3A_87 : i32 to vector<16xi32>
    %add3A_89 = arith.addi %iota3A, %add3A_88 : vector<16xi32>
    %add3A_90 = arith.constant 128 : i32
    %add3A_91 = vector.broadcast %add3A_90 : i32 to vector<16xi32>
    %add3A_92 = arith.addi %add3A_89, %add3A_91 : vector<16xi32>
    %add3A_93 = arith.constant 48 : i32
    %add3A_94 = vector.broadcast %add3A_93 : i32 to vector<16xi32>
    %add3A_95 = arith.addi %iota3A, %add3A_94 : vector<16xi32>
    %add3A_96 = arith.constant 128 : i32
    %add3A_97 = vector.broadcast %add3A_96 : i32 to vector<16xi32>
    %add3A_98 = arith.addi %add3A_95, %add3A_97 : vector<16xi32>
    %add3A_99 = arith.constant 64 : i32
    %add3A_100 = vector.broadcast %add3A_99 : i32 to vector<16xi32>
    %add3A_101 = arith.addi %iota3A, %add3A_100 : vector<16xi32>
    %add3A_102 = arith.constant 128 : i32
    %add3A_103 = vector.broadcast %add3A_102 : i32 to vector<16xi32>
    %add3A_104 = arith.addi %add3A_101, %add3A_103 : vector<16xi32>
    %add3A_105 = arith.constant 80 : i32
    %add3A_106 = vector.broadcast %add3A_105 : i32 to vector<16xi32>
    %add3A_107 = arith.addi %iota3A, %add3A_106 : vector<16xi32>
    %add3A_108 = arith.constant 128 : i32
    %add3A_109 = vector.broadcast %add3A_108 : i32 to vector<16xi32>
    %add3A_110 = arith.addi %add3A_107, %add3A_109 : vector<16xi32>
    %add3A_111 = arith.constant 96 : i32
    %add3A_112 = vector.broadcast %add3A_111 : i32 to vector<16xi32>
    %add3A_113 = arith.addi %iota3A, %add3A_112 : vector<16xi32>
    %add3A_114 = arith.constant 128 : i32
    %add3A_115 = vector.broadcast %add3A_114 : i32 to vector<16xi32>
    %add3A_116 = arith.addi %add3A_113, %add3A_115 : vector<16xi32>
    %add3A_117 = arith.constant 112 : i32
    %add3A_118 = vector.broadcast %add3A_117 : i32 to vector<16xi32>
    %add3A_119 = arith.addi %iota3A, %add3A_118 : vector<16xi32>
    %add3A_120 = arith.constant 128 : i32
    %add3A_121 = vector.broadcast %add3A_120 : i32 to vector<16xi32>
    %add3A_122 = arith.addi %add3A_119, %add3A_121 : vector<16xi32>
    %rem3A = arith.constant 0 : i32
    %rem3A_123 = arith.constant 25 : i32
    %rem3A_124 = arith.remsi %rem3A, %rem3A_123 : i32
    %mul3A_125 = arith.constant 2 : i32
    %mul3A_126 = arith.muli %mul3A_125, %rem3A_124 : i32
    %div3A = arith.constant 0 : i32
    %div3A_127 = arith.constant 25 : i32
    %div3A_128 = arith.divsi %div3A, %div3A_127 : i32
    %mul3A_129 = arith.constant 6400 : i32
    %mul3A_130 = arith.muli %div3A_128, %mul3A_129 : i32
    %add3A_131 = arith.addi %mul3A_130, %mul3A_126 : i32
    %add3A_132 = vector.broadcast %add3A_131 : i32 to vector<16xi32>
    %add3A_133 = arith.addi %mul3A_8, %add3A_132 : vector<16xi32>
    %gather3A = tpu.vector_load_idx %arg5[%add3A_133] : memref<25600xi32, #tpu.memory_space<vmem>>[vector<16xi32>], vector<16xi32>,
    %add3A_134 = vector.broadcast %add3A_131 : i32 to vector<16xi32>
    %add3A_135 = arith.addi %mul3A_14, %add3A_134 : vector<16xi32>
    %gather3A_136 = tpu.vector_load_idx %arg5[%add3A_135] : memref<25600xi32, #tpu.memory_space<vmem>>[vector<16xi32>], vector<16xi32>,
    %add3A_137 = vector.broadcast %add3A_131 : i32 to vector<16xi32>
    %add3A_138 = arith.addi %mul3A_20, %add3A_137 : vector<16xi32>
    %gather3A_139 = tpu.vector_load_idx %arg5[%add3A_138] : memref<25600xi32, #tpu.memory_space<vmem>>[vector<16xi32>], vector<16xi32>,
    %add3A_140 = vector.broadcast %add3A_131 : i32 to vector<16xi32>
    %add3A_141 = arith.addi %mul3A_26, %add3A_140 : vector<16xi32>
    %gather3A_142 = tpu.vector_load_idx %arg5[%add3A_141] : memref<25600xi32, #tpu.memory_space<vmem>>[vector<16xi32>], vector<16xi32>,
    %add3A_143 = vector.broadcast %add3A_131 : i32 to vector<16xi32>
    %add3A_144 = arith.addi %mul3A_32, %add3A_143 : vector<16xi32>
    %gather3A_145 = tpu.vector_load_idx %arg5[%add3A_144] : memref<25600xi32, #tpu.memory_space<vmem>>[vector<16xi32>], vector<16xi32>,
    %add3A_146 = vector.broadcast %add3A_131 : i32 to vector<16xi32>
    %add3A_147 = arith.addi %mul3A_38, %add3A_146 : vector<16xi32>
    %gather3A_148 = tpu.vector_load_idx %arg5[%add3A_147] : memref<25600xi32, #tpu.memory_space<vmem>>[vector<16xi32>], vector<16xi32>,
    %add3A_149 = vector.broadcast %add3A_131 : i32 to vector<16xi32>
    %add3A_150 = arith.addi %mul3A_44, %add3A_149 : vector<16xi32>
    %gather3A_151 = tpu.vector_load_idx %arg5[%add3A_150] : memref<25600xi32, #tpu.memory_space<vmem>>[vector<16xi32>], vector<16xi32>,
    %add3A_152 = vector.broadcast %add3A_131 : i32 to vector<16xi32>
    %add3A_153 = arith.addi %mul3A_50, %add3A_152 : vector<16xi32>
    %gather3A_154 = tpu.vector_load_idx %arg5[%add3A_153] : memref<25600xi32, #tpu.memory_space<vmem>>[vector<16xi32>], vector<16xi32>,
    %add3A_155 = vector.broadcast %add3A_131 : i32 to vector<16xi32>
    %add3A_156 = arith.addi %mul3A_8, %add3A_155 : vector<16xi32>
    %add3A_157 = arith.constant 1 : i32
    %add3A_158 = vector.broadcast %add3A_157 : i32 to vector<16xi32>
    %add3A_159 = arith.addi %add3A_156, %add3A_158 : vector<16xi32>
    %gather3A_160 = tpu.vector_load_idx %arg5[%add3A_159] : memref<25600xi32, #tpu.memory_space<vmem>>[vector<16xi32>], vector<16xi32>,
    %add3A_161 = vector.broadcast %add3A_131 : i32 to vector<16xi32>
    %add3A_162 = arith.addi %mul3A_14, %add3A_161 : vector<16xi32>
    %add3A_163 = arith.constant 1 : i32
    %add3A_164 = vector.broadcast %add3A_163 : i32 to vector<16xi32>
    %add3A_165 = arith.addi %add3A_162, %add3A_164 : vector<16xi32>
    %gather3A_166 = tpu.vector_load_idx %arg5[%add3A_165] : memref<25600xi32, #tpu.memory_space<vmem>>[vector<16xi32>], vector<16xi32>,
    %add3A_167 = vector.broadcast %add3A_131 : i32 to vector<16xi32>
    %add3A_168 = arith.addi %mul3A_20, %add3A_167 : vector<16xi32>
    %add3A_169 = arith.constant 1 : i32
    %add3A_170 = vector.broadcast %add3A_169 : i32 to vector<16xi32>
    %add3A_171 = arith.addi %add3A_168, %add3A_170 : vector<16xi32>
    %gather3A_172 = tpu.vector_load_idx %arg5[%add3A_171] : memref<25600xi32, #tpu.memory_space<vmem>>[vector<16xi32>], vector<16xi32>,
    %add3A_173 = vector.broadcast %add3A_131 : i32 to vector<16xi32>
    %add3A_174 = arith.addi %mul3A_26, %add3A_173 : vector<16xi32>
    %add3A_175 = arith.constant 1 : i32
    %add3A_176 = vector.broadcast %add3A_175 : i32 to vector<16xi32>
    %add3A_177 = arith.addi %add3A_174, %add3A_176 : vector<16xi32>
    %gather3A_178 = tpu.vector_load_idx %arg5[%add3A_177] : memref<25600xi32, #tpu.memory_space<vmem>>[vector<16xi32>], vector<16xi32>,
    %add3A_179 = vector.broadcast %add3A_131 : i32 to vector<16xi32>
    %add3A_180 = arith.addi %mul3A_32, %add3A_179 : vector<16xi32>
    %add3A_181 = arith.constant 1 : i32
    %add3A_182 = vector.broadcast %add3A_181 : i32 to vector<16xi32>
    %add3A_183 = arith.addi %add3A_180, %add3A_182 : vector<16xi32>
    %gather3A_184 = tpu.vector_load_idx %arg5[%add3A_183] : memref<25600xi32, #tpu.memory_space<vmem>>[vector<16xi32>], vector<16xi32>,
    %add3A_185 = vector.broadcast %add3A_131 : i32 to vector<16xi32>
    %add3A_186 = arith.addi %mul3A_38, %add3A_185 : vector<16xi32>
    %add3A_187 = arith.constant 1 : i32
    %add3A_188 = vector.broadcast %add3A_187 : i32 to vector<16xi32>
    %add3A_189 = arith.addi %add3A_186, %add3A_188 : vector<16xi32>
    %gather3A_190 = tpu.vector_load_idx %arg5[%add3A_189] : memref<25600xi32, #tpu.memory_space<vmem>>[vector<16xi32>], vector<16xi32>,
    %add3A_191 = vector.broadcast %add3A_131 : i32 to vector<16xi32>
    %add3A_192 = arith.addi %mul3A_44, %add3A_191 : vector<16xi32>
    %add3A_193 = arith.constant 1 : i32
    %add3A_194 = vector.broadcast %add3A_193 : i32 to vector<16xi32>
    %add3A_195 = arith.addi %add3A_192, %add3A_194 : vector<16xi32>
    %gather3A_196 = tpu.vector_load_idx %arg5[%add3A_195] : memref<25600xi32, #tpu.memory_space<vmem>>[vector<16xi32>], vector<16xi32>,
    %add3A_197 = vector.broadcast %add3A_131 : i32 to vector<16xi32>
    %add3A_198 = arith.addi %mul3A_50, %add3A_197 : vector<16xi32>
    %add3A_199 = arith.constant 1 : i32
    %add3A_200 = vector.broadcast %add3A_199 : i32 to vector<16xi32>
    %add3A_201 = arith.addi %add3A_198, %add3A_200 : vector<16xi32>
    %gather3A_202 = tpu.vector_load_idx %arg5[%add3A_201] : memref<25600xi32, #tpu.memory_space<vmem>>[vector<16xi32>], vector<16xi32>,
    %shift_right_logical3A = arith.constant 1 : i32
    %shift_right_logical3A_203 = vector.broadcast %shift_right_logical3A : i32 to vector<16xi32>
    %shift_right_logical3A_204 = arith.shrui %gather3A, %shift_right_logical3A_203 : vector<16xi32>
    %swap3A = arith.constant 0 : index
    %swap3A_205 = tpu.vector_load %arg6[%swap3A] {strides = array<i32>} : memref<256xi32, #tpu.memory_space<vmem>>, vector<16xi32>,
    tpu.vector_store %arg6[%swap3A], %shift_right_logical3A_204 {strides = array<i32>} : memref<256xi32, #tpu.memory_space<vmem>>, vector<16xi32>,
    %shift_right_logical3A_206 = arith.constant 1 : i32
    %shift_right_logical3A_207 = vector.broadcast %shift_right_logical3A_206 : i32 to vector<16xi32>
    %shift_right_logical3A_208 = arith.shrui %gather3A_160, %shift_right_logical3A_207 : vector<16xi32>
    %swap3A_209 = arith.constant 128 : index
    %swap3A_210 = tpu.vector_load %arg6[%swap3A_209] {strides = array<i32>} : memref<256xi32, #tpu.memory_space<vmem>>, vector<16xi32>,
    tpu.vector_store %arg6[%swap3A_209], %shift_right_logical3A_208 {strides = array<i32>} : memref<256xi32, #tpu.memory_space<vmem>>, vector<16xi32>,
    %shift_right_logical3A_211 = arith.constant 1 : i32
    %shift_right_logical3A_212 = vector.broadcast %shift_right_logical3A_211 : i32 to vector<16xi32>
    %shift_right_logical3A_213 = arith.shrui %gather3A_136, %shift_right_logical3A_212 : vector<16xi32>
    %swap3A_214 = arith.constant 16 : index
    %swap3A_215 = tpu.vector_load %arg6[%swap3A_214] {strides = array<i32>} : memref<256xi32, #tpu.memory_space<vmem>>, vector<16xi32>,
    tpu.vector_store %arg6[%swap3A_214], %shift_right_logical3A_213 {strides = array<i32>} : memref<256xi32, #tpu.memory_space<vmem>>, vector<16xi32>,
    %shift_right_logical3A_216 = arith.constant 1 : i32
    %shift_right_logical3A_217 = vector.broadcast %shift_right_logical3A_216 : i32 to vector<16xi32>
    %shift_right_logical3A_218 = arith.shrui %gather3A_166, %shift_right_logical3A_217 : vector<16xi32>
    %swap3A_219 = arith.constant 144 : index
    %swap3A_220 = tpu.vector_load %arg6[%swap3A_219] {strides = array<i32>} : memref<256xi32, #tpu.memory_space<vmem>>, vector<16xi32>,
    tpu.vector_store %arg6[%swap3A_219], %shift_right_logical3A_218 {strides = array<i32>} : memref<256xi32, #tpu.memory_space<vmem>>, vector<16xi32>,
    %shift_right_logical3A_221 = arith.constant 1 : i32
    %shift_right_logical3A_222 = vector.broadcast %shift_right_logical3A_221 : i32 to vector<16xi32>
    %shift_right_logical3A_223 = arith.shrui %gather3A_139, %shift_right_logical3A_222 : vector<16xi32>
    %swap3A_224 = arith.constant 32 : index
    %swap3A_225 = tpu.vector_load %arg6[%swap3A_224] {strides = array<i32>} : memref<256xi32, #tpu.memory_space<vmem>>, vector<16xi32>,
    tpu.vector_store %arg6[%swap3A_224], %shift_right_logical3A_223 {strides = array<i32>} : memref<256xi32, #tpu.memory_space<vmem>>, vector<16xi32>,
    %shift_right_logical3A_226 = arith.constant 1 : i32
    %shift_right_logical3A_227 = vector.broadcast %shift_right_logical3A_226 : i32 to vector<16xi32>
    %shift_right_logical3A_228 = arith.shrui %gather3A_172, %shift_right_logical3A_227 : vector<16xi32>
    %swap3A_229 = arith.constant 160 : index
    %swap3A_230 = tpu.vector_load %arg6[%swap3A_229] {strides = array<i32>} : memref<256xi32, #tpu.memory_space<vmem>>, vector<16xi32>,
    tpu.vector_store %arg6[%swap3A_229], %shift_right_logical3A_228 {strides = array<i32>} : memref<256xi32, #tpu.memory_space<vmem>>, vector<16xi32>,
    %shift_right_logical3A_231 = arith.constant 1 : i32
    %shift_right_logical3A_232 = vector.broadcast %shift_right_logical3A_231 : i32 to vector<16xi32>
    %shift_right_logical3A_233 = arith.shrui %gather3A_142, %shift_right_logical3A_232 : vector<16xi32>
    %swap3A_234 = arith.constant 48 : index
    %swap3A_235 = tpu.vector_load %arg6[%swap3A_234] {strides = array<i32>} : memref<256xi32, #tpu.memory_space<vmem>>, vector<16xi32>,
    tpu.vector_store %arg6[%swap3A_234], %shift_right_logical3A_233 {strides = array<i32>} : memref<256xi32, #tpu.memory_space<vmem>>, vector<16xi32>,
    %shift_right_logical3A_236 = arith.constant 1 : i32
    %shift_right_logical3A_237 = vector.broadcast %shift_right_logical3A_236 : i32 to vector<16xi32>
    %shift_right_logical3A_238 = arith.shrui %gather3A_178, %shift_right_logical3A_237 : vector<16xi32>
    %swap3A_239 = arith.constant 176 : index
    %swap3A_240 = tpu.vector_load %arg6[%swap3A_239] {strides = array<i32>} : memref<256xi32, #tpu.memory_space<vmem>>, vector<16xi32>,
    tpu.vector_store %arg6[%swap3A_239], %shift_right_logical3A_238 {strides = array<i32>} : memref<256xi32, #tpu.memory_space<vmem>>, vector<16xi32>,
    %shift_right_logical3A_241 = arith.constant 1 : i32
    %shift_right_logical3A_242 = vector.broadcast %shift_right_logical3A_241 : i32 to vector<16xi32>
    %shift_right_logical3A_243 = arith.shrui %gather3A_145, %shift_right_logical3A_242 : vector<16xi32>
    %swap3A_244 = arith.constant 64 : index
    %swap3A_245 = tpu.vector_load %arg6[%swap3A_244] {strides = array<i32>} : memref<256xi32, #tpu.memory_space<vmem>>, vector<16xi32>,
    tpu.vector_store %arg6[%swap3A_244], %shift_right_logical3A_243 {strides = array<i32>} : memref<256xi32, #tpu.memory_space<vmem>>, vector<16xi32>,
    %shift_right_logical3A_246 = arith.constant 1 : i32
    %shift_right_logical3A_247 = vector.broadcast %shift_right_logical3A_246 : i32 to vector<16xi32>
    %shift_right_logical3A_248 = arith.shrui %gather3A_184, %shift_right_logical3A_247 : vector<16xi32>
    %swap3A_249 = arith.constant 192 : index
    %swap3A_250 = tpu.vector_load %arg6[%swap3A_249] {strides = array<i32>} : memref<256xi32, #tpu.memory_space<vmem>>, vector<16xi32>,
    tpu.vector_store %arg6[%swap3A_249], %shift_right_logical3A_248 {strides = array<i32>} : memref<256xi32, #tpu.memory_space<vmem>>, vector<16xi32>,
    %shift_right_logical3A_251 = arith.constant 1 : i32
    %shift_right_logical3A_252 = vector.broadcast %shift_right_logical3A_251 : i32 to vector<16xi32>
    %shift_right_logical3A_253 = arith.shrui %gather3A_148, %shift_right_logical3A_252 : vector<16xi32>
    %swap3A_254 = arith.constant 80 : index
    %swap3A_255 = tpu.vector_load %arg6[%swap3A_254] {strides = array<i32>} : memref<256xi32, #tpu.memory_space<vmem>>, vector<16xi32>,
    tpu.vector_store %arg6[%swap3A_254], %shift_right_logical3A_253 {strides = array<i32>} : memref<256xi32, #tpu.memory_space<vmem>>, vector<16xi32>,
    %shift_right_logical3A_256 = arith.constant 1 : i32
    %shift_right_logical3A_257 = vector.broadcast %shift_right_logical3A_256 : i32 to vector<16xi32>
    %shift_right_logical3A_258 = arith.shrui %gather3A_190, %shift_right_logical3A_257 : vector<16xi32>
    %swap3A_259 = arith.constant 208 : index
    %swap3A_260 = tpu.vector_load %arg6[%swap3A_259] {strides = array<i32>} : memref<256xi32, #tpu.memory_space<vmem>>, vector<16xi32>,
    tpu.vector_store %arg6[%swap3A_259], %shift_right_logical3A_258 {strides = array<i32>} : memref<256xi32, #tpu.memory_space<vmem>>, vector<16xi32>,
    %shift_right_logical3A_261 = arith.constant 1 : i32
    %shift_right_logical3A_262 = vector.broadcast %shift_right_logical3A_261 : i32 to vector<16xi32>
    %shift_right_logical3A_263 = arith.shrui %gather3A_151, %shift_right_logical3A_262 : vector<16xi32>
    %swap3A_264 = arith.constant 96 : index
    %swap3A_265 = tpu.vector_load %arg6[%swap3A_264] {strides = array<i32>} : memref<256xi32, #tpu.memory_space<vmem>>, vector<16xi32>,
    tpu.vector_store %arg6[%swap3A_264], %shift_right_logical3A_263 {strides = array<i32>} : memref<256xi32, #tpu.memory_space<vmem>>, vector<16xi32>,
    %shift_right_logical3A_266 = arith.constant 1 : i32
    %shift_right_logical3A_267 = vector.broadcast %shift_right_logical3A_266 : i32 to vector<16xi32>
    %shift_right_logical3A_268 = arith.shrui %gather3A_196, %shift_right_logical3A_267 : vector<16xi32>
    %swap3A_269 = arith.constant 224 : index
    %swap3A_270 = tpu.vector_load %arg6[%swap3A_269] {strides = array<i32>} : memref<256xi32, #tpu.memory_space<vmem>>, vector<16xi32>,
    tpu.vector_store %arg6[%swap3A_269], %shift_right_logical3A_268 {strides = array<i32>} : memref<256xi32, #tpu.memory_space<vmem>>, vector<16xi32>,
    %shift_right_logical3A_271 = arith.constant 1 : i32
    %shift_right_logical3A_272 = vector.broadcast %shift_right_logical3A_271 : i32 to vector<16xi32>
    %shift_right_logical3A_273 = arith.shrui %gather3A_154, %shift_right_logical3A_272 : vector<16xi32>
    %swap3A_274 = arith.constant 112 : index
    %swap3A_275 = tpu.vector_load %arg6[%swap3A_274] {strides = array<i32>} : memref<256xi32, #tpu.memory_space<vmem>>, vector<16xi32>,
    tpu.vector_store %arg6[%swap3A_274], %shift_right_logical3A_273 {strides = array<i32>} : memref<256xi32, #tpu.memory_space<vmem>>, vector<16xi32>,
    %shift_right_logical3A_276 = arith.constant 1 : i32
    %shift_right_logical3A_277 = vector.broadcast %shift_right_logical3A_276 : i32 to vector<16xi32>
    %shift_right_logical3A_278 = arith.shrui %gather3A_202, %shift_right_logical3A_277 : vector<16xi32>
    %swap3A_279 = arith.constant 240 : index
    %swap3A_280 = tpu.vector_load %arg6[%swap3A_279] {strides = array<i32>} : memref<256xi32, #tpu.memory_space<vmem>>, vector<16xi32>,
    tpu.vector_store %arg6[%swap3A_279], %shift_right_logical3A_278 {strides = array<i32>} : memref<256xi32, #tpu.memory_space<vmem>>, vector<16xi32>,
    %dma_start3A = arith.constant 0 : i32
    %dma_start3A_281 = arith.constant 0 : i32
    %dma_start3A_282 = tpu.memref_slice %arg3[%dma_start3A, %dma_start3A_281] : memref<500000x128xf32, #tpu.memory_space<hbm>> -> memref<500000x128xf32, #tpu.memory_space<hbm>>
    tpu.enqueue_indirect_dma source(%dma_start3A_282 : memref<500000x128xf32, #tpu.memory_space<hbm>>) target(%arg8 : memref<256x128xf32, #tpu.memory_space<vmem>>) offsets(%arg6 : memref<256xi32, #tpu.memory_space<vmem>>) semaphore(%arg12 : memref<!tpu.dma_semaphore, #tpu.memory_space<semaphore_mem>>)
    %rem3A_283 = arith.constant 1 : i32
    %rem3A_284 = arith.constant 25 : i32
    %rem3A_285 = arith.remsi %rem3A_283, %rem3A_284 : i32
    %mul3A_286 = arith.constant 2 : i32
    %mul3A_287 = arith.muli %mul3A_286, %rem3A_285 : i32
    %div3A_288 = arith.constant 1 : i32
    %div3A_289 = arith.constant 25 : i32
    %div3A_290 = arith.divsi %div3A_288, %div3A_289 : i32
    %mul3A_291 = arith.constant 6400 : i32
    %mul3A_292 = arith.muli %div3A_290, %mul3A_291 : i32
    %add3A_293 = arith.addi %mul3A_292, %mul3A_287 : i32
    %add3A_294 = vector.broadcast %add3A_293 : i32 to vector<16xi32>
    %add3A_295 = arith.addi %mul3A_8, %add3A_294 : vector<16xi32>
    %gather3A_296 = tpu.vector_load_idx %arg5[%add3A_295] : memref<25600xi32, #tpu.memory_space<vmem>>[vector<16xi32>], vector<16xi32>,
    %add3A_297 = vector.broadcast %add3A_293 : i32 to vector<16xi32>
    %add3A_298 = arith.addi %mul3A_14, %add3A_297 : vector<16xi32>
    %gather3A_299 = tpu.vector_load_idx %arg5[%add3A_298] : memref<25600xi32, #tpu.memory_space<vmem>>[vector<16xi32>], vector<16xi32>,
    %add3A_300 = vector.broadcast %add3A_293 : i32 to vector<16xi32>
    %add3A_301 = arith.addi %mul3A_20, %add3A_300 : vector<16xi32>
    %gather3A_302 = tpu.vector_load_idx %arg5[%add3A_301] : memref<25600xi32, #tpu.memory_space<vmem>>[vector<16xi32>], vector<16xi32>,
    %add3A_303 = vector.broadcast %add3A_293 : i32 to vector<16xi32>
    %add3A_304 = arith.addi %mul3A_26, %add3A_303 : vector<16xi32>
    %gather3A_305 = tpu.vector_load_idx %arg5[%add3A_304] : memref<25600xi32, #tpu.memory_space<vmem>>[vector<16xi32>], vector<16xi32>,
    %add3A_306 = vector.broadcast %add3A_293 : i32 to vector<16xi32>
    %add3A_307 = arith.addi %mul3A_32, %add3A_306 : vector<16xi32>
    %gather3A_308 = tpu.vector_load_idx %arg5[%add3A_307] : memref<25600xi32, #tpu.memory_space<vmem>>[vector<16xi32>], vector<16xi32>,
    %add3A_309 = vector.broadcast %add3A_293 : i32 to vector<16xi32>
    %add3A_310 = arith.addi %mul3A_38, %add3A_309 : vector<16xi32>
    %gather3A_311 = tpu.vector_load_idx %arg5[%add3A_310] : memref<25600xi32, #tpu.memory_space<vmem>>[vector<16xi32>], vector<16xi32>,
    %add3A_312 = vector.broadcast %add3A_293 : i32 to vector<16xi32>
    %add3A_313 = arith.addi %mul3A_44, %add3A_312 : vector<16xi32>
    %gather3A_314 = tpu.vector_load_idx %arg5[%add3A_313] : memref<25600xi32, #tpu.memory_space<vmem>>[vector<16xi32>], vector<16xi32>,
    %add3A_315 = vector.broadcast %add3A_293 : i32 to vector<16xi32>
    %add3A_316 = arith.addi %mul3A_50, %add3A_315 : vector<16xi32>
    %gather3A_317 = tpu.vector_load_idx %arg5[%add3A_316] : memref<25600xi32, #tpu.memory_space<vmem>>[vector<16xi32>], vector<16xi32>,
    %add3A_318 = vector.broadcast %add3A_293 : i32 to vector<16xi32>
    %add3A_319 = arith.addi %mul3A_8, %add3A_318 : vector<16xi32>
    %add3A_320 = arith.constant 1 : i32
    %add3A_321 = vector.broadcast %add3A_320 : i32 to vector<16xi32>
    %add3A_322 = arith.addi %add3A_319, %add3A_321 : vector<16xi32>
    %gather3A_323 = tpu.vector_load_idx %arg5[%add3A_322] : memref<25600xi32, #tpu.memory_space<vmem>>[vector<16xi32>], vector<16xi32>,
    %add3A_324 = vector.broadcast %add3A_293 : i32 to vector<16xi32>
    %add3A_325 = arith.addi %mul3A_14, %add3A_324 : vector<16xi32>
    %add3A_326 = arith.constant 1 : i32
    %add3A_327 = vector.broadcast %add3A_326 : i32 to vector<16xi32>
    %add3A_328 = arith.addi %add3A_325, %add3A_327 : vector<16xi32>
    %gather3A_329 = tpu.vector_load_idx %arg5[%add3A_328] : memref<25600xi32, #tpu.memory_space<vmem>>[vector<16xi32>], vector<16xi32>,
    %add3A_330 = vector.broadcast %add3A_293 : i32 to vector<16xi32>
    %add3A_331 = arith.addi %mul3A_20, %add3A_330 : vector<16xi32>
    %add3A_332 = arith.constant 1 : i32
    %add3A_333 = vector.broadcast %add3A_332 : i32 to vector<16xi32>
    %add3A_334 = arith.addi %add3A_331, %add3A_333 : vector<16xi32>
    %gather3A_335 = tpu.vector_load_idx %arg5[%add3A_334] : memref<25600xi32, #tpu.memory_space<vmem>>[vector<16xi32>], vector<16xi32>,
    %add3A_336 = vector.broadcast %add3A_293 : i32 to vector<16xi32>
    %add3A_337 = arith.addi %mul3A_26, %add3A_336 : vector<16xi32>
    %add3A_338 = arith.constant 1 : i32
    %add3A_339 = vector.broadcast %add3A_338 : i32 to vector<16xi32>
    %add3A_340 = arith.addi %add3A_337, %add3A_339 : vector<16xi32>
    %gather3A_341 = tpu.vector_load_idx %arg5[%add3A_340] : memref<25600xi32, #tpu.memory_space<vmem>>[vector<16xi32>], vector<16xi32>,
    %add3A_342 = vector.broadcast %add3A_293 : i32 to vector<16xi32>
    %add3A_343 = arith.addi %mul3A_32, %add3A_342 : vector<16xi32>
    %add3A_344 = arith.constant 1 : i32
    %add3A_345 = vector.broadcast %add3A_344 : i32 to vector<16xi32>
    %add3A_346 = arith.addi %add3A_343, %add3A_345 : vector<16xi32>
    %gather3A_347 = tpu.vector_load_idx %arg5[%add3A_346] : memref<25600xi32, #tpu.memory_space<vmem>>[vector<16xi32>], vector<16xi32>,
    %add3A_348 = vector.broadcast %add3A_293 : i32 to vector<16xi32>
    %add3A_349 = arith.addi %mul3A_38, %add3A_348 : vector<16xi32>
    %add3A_350 = arith.constant 1 : i32
    %add3A_351 = vector.broadcast %add3A_350 : i32 to vector<16xi32>
    %add3A_352 = arith.addi %add3A_349, %add3A_351 : vector<16xi32>
    %gather3A_353 = tpu.vector_load_idx %arg5[%add3A_352] : memref<25600xi32, #tpu.memory_space<vmem>>[vector<16xi32>], vector<16xi32>,
    %add3A_354 = vector.broadcast %add3A_293 : i32 to vector<16xi32>
    %add3A_355 = arith.addi %mul3A_44, %add3A_354 : vector<16xi32>
    %add3A_356 = arith.constant 1 : i32
    %add3A_357 = vector.broadcast %add3A_356 : i32 to vector<16xi32>
    %add3A_358 = arith.addi %add3A_355, %add3A_357 : vector<16xi32>
    %gather3A_359 = tpu.vector_load_idx %arg5[%add3A_358] : memref<25600xi32, #tpu.memory_space<vmem>>[vector<16xi32>], vector<16xi32>,
    %add3A_360 = vector.broadcast %add3A_293 : i32 to vector<16xi32>
    %add3A_361 = arith.addi %mul3A_50, %add3A_360 : vector<16xi32>
    %add3A_362 = arith.constant 1 : i32
    %add3A_363 = vector.broadcast %add3A_362 : i32 to vector<16xi32>
    %add3A_364 = arith.addi %add3A_361, %add3A_363 : vector<16xi32>
    %gather3A_365 = tpu.vector_load_idx %arg5[%add3A_364] : memref<25600xi32, #tpu.memory_space<vmem>>[vector<16xi32>], vector<16xi32>,
    %shift_right_logical3A_366 = arith.constant 1 : i32
    %shift_right_logical3A_367 = vector.broadcast %shift_right_logical3A_366 : i32 to vector<16xi32>
    %shift_right_logical3A_368 = arith.shrui %gather3A_296, %shift_right_logical3A_367 : vector<16xi32>
    %swap3A_369 = arith.constant 0 : index
    %swap3A_370 = tpu.vector_load %arg7[%swap3A_369] {strides = array<i32>} : memref<256xi32, #tpu.memory_space<vmem>>, vector<16xi32>,
    tpu.vector_store %arg7[%swap3A_369], %shift_right_logical3A_368 {strides = array<i32>} : memref<256xi32, #tpu.memory_space<vmem>>, vector<16xi32>,
    %shift_right_logical3A_371 = arith.constant 1 : i32
    %shift_right_logical3A_372 = vector.broadcast %shift_right_logical3A_371 : i32 to vector<16xi32>
    %shift_right_logical3A_373 = arith.shrui %gather3A_323, %shift_right_logical3A_372 : vector<16xi32>
    %swap3A_374 = arith.constant 128 : index
    %swap3A_375 = tpu.vector_load %arg7[%swap3A_374] {strides = array<i32>} : memref<256xi32, #tpu.memory_space<vmem>>, vector<16xi32>,
    tpu.vector_store %arg7[%swap3A_374], %shift_right_logical3A_373 {strides = array<i32>} : memref<256xi32, #tpu.memory_space<vmem>>, vector<16xi32>,
    %shift_right_logical3A_376 = arith.constant 1 : i32
    %shift_right_logical3A_377 = vector.broadcast %shift_right_logical3A_376 : i32 to vector<16xi32>
    %shift_right_logical3A_378 = arith.shrui %gather3A_299, %shift_right_logical3A_377 : vector<16xi32>
    %swap3A_379 = arith.constant 16 : index
    %swap3A_380 = tpu.vector_load %arg7[%swap3A_379] {strides = array<i32>} : memref<256xi32, #tpu.memory_space<vmem>>, vector<16xi32>,
    tpu.vector_store %arg7[%swap3A_379], %shift_right_logical3A_378 {strides = array<i32>} : memref<256xi32, #tpu.memory_space<vmem>>, vector<16xi32>,
    %shift_right_logical3A_381 = arith.constant 1 : i32
    %shift_right_logical3A_382 = vector.broadcast %shift_right_logical3A_381 : i32 to vector<16xi32>
    %shift_right_logical3A_383 = arith.shrui %gather3A_329, %shift_right_logical3A_382 : vector<16xi32>
    %swap3A_384 = arith.constant 144 : index
    %swap3A_385 = tpu.vector_load %arg7[%swap3A_384] {strides = array<i32>} : memref<256xi32, #tpu.memory_space<vmem>>, vector<16xi32>,
    tpu.vector_store %arg7[%swap3A_384], %shift_right_logical3A_383 {strides = array<i32>} : memref<256xi32, #tpu.memory_space<vmem>>, vector<16xi32>,
    %shift_right_logical3A_386 = arith.constant 1 : i32
    %shift_right_logical3A_387 = vector.broadcast %shift_right_logical3A_386 : i32 to vector<16xi32>
    %shift_right_logical3A_388 = arith.shrui %gather3A_302, %shift_right_logical3A_387 : vector<16xi32>
    %swap3A_389 = arith.constant 32 : index
    %swap3A_390 = tpu.vector_load %arg7[%swap3A_389] {strides = array<i32>} : memref<256xi32, #tpu.memory_space<vmem>>, vector<16xi32>,
    tpu.vector_store %arg7[%swap3A_389], %shift_right_logical3A_388 {strides = array<i32>} : memref<256xi32, #tpu.memory_space<vmem>>, vector<16xi32>,
    %shift_right_logical3A_391 = arith.constant 1 : i32
    %shift_right_logical3A_392 = vector.broadcast %shift_right_logical3A_391 : i32 to vector<16xi32>
    %shift_right_logical3A_393 = arith.shrui %gather3A_335, %shift_right_logical3A_392 : vector<16xi32>
    %swap3A_394 = arith.constant 160 : index
    %swap3A_395 = tpu.vector_load %arg7[%swap3A_394] {strides = array<i32>} : memref<256xi32, #tpu.memory_space<vmem>>, vector<16xi32>,
    tpu.vector_store %arg7[%swap3A_394], %shift_right_logical3A_393 {strides = array<i32>} : memref<256xi32, #tpu.memory_space<vmem>>, vector<16xi32>,
    %shift_right_logical3A_396 = arith.constant 1 : i32
    %shift_right_logical3A_397 = vector.broadcast %shift_right_logical3A_396 : i32 to vector<16xi32>
    %shift_right_logical3A_398 = arith.shrui %gather3A_305, %shift_right_logical3A_397 : vector<16xi32>
    %swap3A_399 = arith.constant 48 : index
    %swap3A_400 = tpu.vector_load %arg7[%swap3A_399] {strides = array<i32>} : memref<256xi32, #tpu.memory_space<vmem>>, vector<16xi32>,
    tpu.vector_store %arg7[%swap3A_399], %shift_right_logical3A_398 {strides = array<i32>} : memref<256xi32, #tpu.memory_space<vmem>>, vector<16xi32>,
    %shift_right_logical3A_401 = arith.constant 1 : i32
    %shift_right_logical3A_402 = vector.broadcast %shift_right_logical3A_401 : i32 to vector<16xi32>
    %shift_right_logical3A_403 = arith.shrui %gather3A_341, %shift_right_logical3A_402 : vector<16xi32>
    %swap3A_404 = arith.constant 176 : index
    %swap3A_405 = tpu.vector_load %arg7[%swap3A_404] {strides = array<i32>} : memref<256xi32, #tpu.memory_space<vmem>>, vector<16xi32>,
    tpu.vector_store %arg7[%swap3A_404], %shift_right_logical3A_403 {strides = array<i32>} : memref<256xi32, #tpu.memory_space<vmem>>, vector<16xi32>,
    %shift_right_logical3A_406 = arith.constant 1 : i32
    %shift_right_logical3A_407 = vector.broadcast %shift_right_logical3A_406 : i32 to vector<16xi32>
    %shift_right_logical3A_408 = arith.shrui %gather3A_308, %shift_right_logical3A_407 : vector<16xi32>
    %swap3A_409 = arith.constant 64 : index
    %swap3A_410 = tpu.vector_load %arg7[%swap3A_409] {strides = array<i32>} : memref<256xi32, #tpu.memory_space<vmem>>, vector<16xi32>,
    tpu.vector_store %arg7[%swap3A_409], %shift_right_logical3A_408 {strides = array<i32>} : memref<256xi32, #tpu.memory_space<vmem>>, vector<16xi32>,
    %shift_right_logical3A_411 = arith.constant 1 : i32
    %shift_right_logical3A_412 = vector.broadcast %shift_right_logical3A_411 : i32 to vector<16xi32>
    %shift_right_logical3A_413 = arith.shrui %gather3A_347, %shift_right_logical3A_412 : vector<16xi32>
    %swap3A_414 = arith.constant 192 : index
    %swap3A_415 = tpu.vector_load %arg7[%swap3A_414] {strides = array<i32>} : memref<256xi32, #tpu.memory_space<vmem>>, vector<16xi32>,
    tpu.vector_store %arg7[%swap3A_414], %shift_right_logical3A_413 {strides = array<i32>} : memref<256xi32, #tpu.memory_space<vmem>>, vector<16xi32>,
    %shift_right_logical3A_416 = arith.constant 1 : i32
    %shift_right_logical3A_417 = vector.broadcast %shift_right_logical3A_416 : i32 to vector<16xi32>
    %shift_right_logical3A_418 = arith.shrui %gather3A_311, %shift_right_logical3A_417 : vector<16xi32>
    %swap3A_419 = arith.constant 80 : index
    %swap3A_420 = tpu.vector_load %arg7[%swap3A_419] {strides = array<i32>} : memref<256xi32, #tpu.memory_space<vmem>>, vector<16xi32>,
    tpu.vector_store %arg7[%swap3A_419], %shift_right_logical3A_418 {strides = array<i32>} : memref<256xi32, #tpu.memory_space<vmem>>, vector<16xi32>,
    %shift_right_logical3A_421 = arith.constant 1 : i32
    %shift_right_logical3A_422 = vector.broadcast %shift_right_logical3A_421 : i32 to vector<16xi32>
    %shift_right_logical3A_423 = arith.shrui %gather3A_353, %shift_right_logical3A_422 : vector<16xi32>
    %swap3A_424 = arith.constant 208 : index
    %swap3A_425 = tpu.vector_load %arg7[%swap3A_424] {strides = array<i32>} : memref<256xi32, #tpu.memory_space<vmem>>, vector<16xi32>,
    tpu.vector_store %arg7[%swap3A_424], %shift_right_logical3A_423 {strides = array<i32>} : memref<256xi32, #tpu.memory_space<vmem>>, vector<16xi32>,
    %shift_right_logical3A_426 = arith.constant 1 : i32
    %shift_right_logical3A_427 = vector.broadcast %shift_right_logical3A_426 : i32 to vector<16xi32>
    %shift_right_logical3A_428 = arith.shrui %gather3A_314, %shift_right_logical3A_427 : vector<16xi32>
    %swap3A_429 = arith.constant 96 : index
    %swap3A_430 = tpu.vector_load %arg7[%swap3A_429] {strides = array<i32>} : memref<256xi32, #tpu.memory_space<vmem>>, vector<16xi32>,
    tpu.vector_store %arg7[%swap3A_429], %shift_right_logical3A_428 {strides = array<i32>} : memref<256xi32, #tpu.memory_space<vmem>>, vector<16xi32>,
    %shift_right_logical3A_431 = arith.constant 1 : i32
    %shift_right_logical3A_432 = vector.broadcast %shift_right_logical3A_431 : i32 to vector<16xi32>
    %shift_right_logical3A_433 = arith.shrui %gather3A_359, %shift_right_logical3A_432 : vector<16xi32>
    %swap3A_434 = arith.constant 224 : index
    %swap3A_435 = tpu.vector_load %arg7[%swap3A_434] {strides = array<i32>} : memref<256xi32, #tpu.memory_space<vmem>>, vector<16xi32>,
    tpu.vector_store %arg7[%swap3A_434], %shift_right_logical3A_433 {strides = array<i32>} : memref<256xi32, #tpu.memory_space<vmem>>, vector<16xi32>,
    %shift_right_logical3A_436 = arith.constant 1 : i32
    %shift_right_logical3A_437 = vector.broadcast %shift_right_logical3A_436 : i32 to vector<16xi32>
    %shift_right_logical3A_438 = arith.shrui %gather3A_317, %shift_right_logical3A_437 : vector<16xi32>
    %swap3A_439 = arith.constant 112 : index
    %swap3A_440 = tpu.vector_load %arg7[%swap3A_439] {strides = array<i32>} : memref<256xi32, #tpu.memory_space<vmem>>, vector<16xi32>,
    tpu.vector_store %arg7[%swap3A_439], %shift_right_logical3A_438 {strides = array<i32>} : memref<256xi32, #tpu.memory_space<vmem>>, vector<16xi32>,
    %shift_right_logical3A_441 = arith.constant 1 : i32
    %shift_right_logical3A_442 = vector.broadcast %shift_right_logical3A_441 : i32 to vector<16xi32>
    %shift_right_logical3A_443 = arith.shrui %gather3A_365, %shift_right_logical3A_442 : vector<16xi32>
    %swap3A_444 = arith.constant 240 : index
    %swap3A_445 = tpu.vector_load %arg7[%swap3A_444] {strides = array<i32>} : memref<256xi32, #tpu.memory_space<vmem>>, vector<16xi32>,
    tpu.vector_store %arg7[%swap3A_444], %shift_right_logical3A_443 {strides = array<i32>} : memref<256xi32, #tpu.memory_space<vmem>>, vector<16xi32>,
    %dma_start3A_446 = arith.constant 0 : i32
    %dma_start3A_447 = arith.constant 0 : i32
    %dma_start3A_448 = tpu.memref_slice %arg3[%dma_start3A_446, %dma_start3A_447] : memref<500000x128xf32, #tpu.memory_space<hbm>> -> memref<500000x128xf32, #tpu.memory_space<hbm>>
    tpu.enqueue_indirect_dma source(%dma_start3A_448 : memref<500000x128xf32, #tpu.memory_space<hbm>>) target(%arg9 : memref<256x128xf32, #tpu.memory_space<vmem>>) offsets(%arg7 : memref<256xi32, #tpu.memory_space<vmem>>) semaphore(%arg13 : memref<!tpu.dma_semaphore, #tpu.memory_space<semaphore_mem>>)
    %dma_wait3A = arith.constant 0 : i32
    %dma_wait3A_449 = arith.constant 0 : i32
    %dma_wait3A_450 = tpu.memref_slice %arg3[%dma_wait3A, %dma_wait3A_449] : memref<500000x128xf32, #tpu.memory_space<hbm>> -> memref<500000x128xf32, #tpu.memory_space<hbm>>
    tpu.wait_indirect_dma semaphore(%arg12 : memref<!tpu.dma_semaphore, #tpu.memory_space<semaphore_mem>>) src(%dma_wait3A_450 : memref<500000x128xf32, #tpu.memory_space<hbm>>) dst(%arg8 : memref<256x128xf32, #tpu.memory_space<vmem>>)
    %rem3A_451 = arith.constant 0 : i32
    %rem3A_452 = arith.constant 25 : i32
    %rem3A_453 = arith.remsi %rem3A_451, %rem3A_452 : i32
    %mul3A_454 = arith.constant 2 : i32
    %mul3A_455 = arith.muli %mul3A_454, %rem3A_453 : i32
    %div3A_456 = arith.constant 0 : i32
    %div3A_457 = arith.constant 25 : i32
    %div3A_458 = arith.divsi %div3A_456, %div3A_457 : i32
    %mul3A_459 = arith.constant 6400 : i32
    %mul3A_460 = arith.muli %div3A_458, %mul3A_459 : i32
    %add3A_461 = arith.addi %mul3A_460, %mul3A_455 : i32
    %add3A_462 = vector.broadcast %add3A_461 : i32 to vector<16xi32>
    %add3A_463 = arith.addi %mul3A_8, %add3A_462 : vector<16xi32>
    %gather3A_464 = tpu.vector_load_idx %arg5[%add3A_463] : memref<25600xi32, #tpu.memory_space<vmem>>[vector<16xi32>], vector<16xi32>,
    %add3A_465 = vector.broadcast %add3A_461 : i32 to vector<16xi32>
    %add3A_466 = arith.addi %mul3A_14, %add3A_465 : vector<16xi32>
    %gather3A_467 = tpu.vector_load_idx %arg5[%add3A_466] : memref<25600xi32, #tpu.memory_space<vmem>>[vector<16xi32>], vector<16xi32>,
    %add3A_468 = vector.broadcast %add3A_461 : i32 to vector<16xi32>
    %add3A_469 = arith.addi %mul3A_20, %add3A_468 : vector<16xi32>
    %gather3A_470 = tpu.vector_load_idx %arg5[%add3A_469] : memref<25600xi32, #tpu.memory_space<vmem>>[vector<16xi32>], vector<16xi32>,
    %add3A_471 = vector.broadcast %add3A_461 : i32 to vector<16xi32>
    %add3A_472 = arith.addi %mul3A_26, %add3A_471 : vector<16xi32>
    %gather3A_473 = tpu.vector_load_idx %arg5[%add3A_472] : memref<25600xi32, #tpu.memory_space<vmem>>[vector<16xi32>], vector<16xi32>,
    %add3A_474 = vector.broadcast %add3A_461 : i32 to vector<16xi32>
    %add3A_475 = arith.addi %mul3A_32, %add3A_474 : vector<16xi32>
    %gather3A_476 = tpu.vector_load_idx %arg5[%add3A_475] : memref<25600xi32, #tpu.memory_space<vmem>>[vector<16xi32>], vector<16xi32>,
    %add3A_477 = vector.broadcast %add3A_461 : i32 to vector<16xi32>
    %add3A_478 = arith.addi %mul3A_38, %add3A_477 : vector<16xi32>
    %gather3A_479 = tpu.vector_load_idx %arg5[%add3A_478] : memref<25600xi32, #tpu.memory_space<vmem>>[vector<16xi32>], vector<16xi32>,
    %add3A_480 = vector.broadcast %add3A_461 : i32 to vector<16xi32>
    %add3A_481 = arith.addi %mul3A_44, %add3A_480 : vector<16xi32>
    %gather3A_482 = tpu.vector_load_idx %arg5[%add3A_481] : memref<25600xi32, #tpu.memory_space<vmem>>[vector<16xi32>], vector<16xi32>,
    %add3A_483 = vector.broadcast %add3A_461 : i32 to vector<16xi32>
    %add3A_484 = arith.addi %mul3A_50, %add3A_483 : vector<16xi32>
    %gather3A_485 = tpu.vector_load_idx %arg5[%add3A_484] : memref<25600xi32, #tpu.memory_space<vmem>>[vector<16xi32>], vector<16xi32>,
    %add3A_486 = vector.broadcast %add3A_461 : i32 to vector<16xi32>
    %add3A_487 = arith.addi %mul3A_8, %add3A_486 : vector<16xi32>
    %add3A_488 = arith.constant 1 : i32
    %add3A_489 = vector.broadcast %add3A_488 : i32 to vector<16xi32>
    %add3A_490 = arith.addi %add3A_487, %add3A_489 : vector<16xi32>
    %gather3A_491 = tpu.vector_load_idx %arg5[%add3A_490] : memref<25600xi32, #tpu.memory_space<vmem>>[vector<16xi32>], vector<16xi32>,
    %add3A_492 = vector.broadcast %add3A_461 : i32 to vector<16xi32>
    %add3A_493 = arith.addi %mul3A_14, %add3A_492 : vector<16xi32>
    %add3A_494 = arith.constant 1 : i32
    %add3A_495 = vector.broadcast %add3A_494 : i32 to vector<16xi32>
    %add3A_496 = arith.addi %add3A_493, %add3A_495 : vector<16xi32>
    %gather3A_497 = tpu.vector_load_idx %arg5[%add3A_496] : memref<25600xi32, #tpu.memory_space<vmem>>[vector<16xi32>], vector<16xi32>,
    %add3A_498 = vector.broadcast %add3A_461 : i32 to vector<16xi32>
    %add3A_499 = arith.addi %mul3A_20, %add3A_498 : vector<16xi32>
    %add3A_500 = arith.constant 1 : i32
    %add3A_501 = vector.broadcast %add3A_500 : i32 to vector<16xi32>
    %add3A_502 = arith.addi %add3A_499, %add3A_501 : vector<16xi32>
    %gather3A_503 = tpu.vector_load_idx %arg5[%add3A_502] : memref<25600xi32, #tpu.memory_space<vmem>>[vector<16xi32>], vector<16xi32>,
    %add3A_504 = vector.broadcast %add3A_461 : i32 to vector<16xi32>
    %add3A_505 = arith.addi %mul3A_26, %add3A_504 : vector<16xi32>
    %add3A_506 = arith.constant 1 : i32
    %add3A_507 = vector.broadcast %add3A_506 : i32 to vector<16xi32>
    %add3A_508 = arith.addi %add3A_505, %add3A_507 : vector<16xi32>
    %gather3A_509 = tpu.vector_load_idx %arg5[%add3A_508] : memref<25600xi32, #tpu.memory_space<vmem>>[vector<16xi32>], vector<16xi32>,
    %add3A_510 = vector.broadcast %add3A_461 : i32 to vector<16xi32>
    %add3A_511 = arith.addi %mul3A_32, %add3A_510 : vector<16xi32>
    %add3A_512 = arith.constant 1 : i32
    %add3A_513 = vector.broadcast %add3A_512 : i32 to vector<16xi32>
    %add3A_514 = arith.addi %add3A_511, %add3A_513 : vector<16xi32>
    %gather3A_515 = tpu.vector_load_idx %arg5[%add3A_514] : memref<25600xi32, #tpu.memory_space<vmem>>[vector<16xi32>], vector<16xi32>,
    %add3A_516 = vector.broadcast %add3A_461 : i32 to vector<16xi32>
    %add3A_517 = arith.addi %mul3A_38, %add3A_516 : vector<16xi32>
    %add3A_518 = arith.constant 1 : i32
    %add3A_519 = vector.broadcast %add3A_518 : i32 to vector<16xi32>
    %add3A_520 = arith.addi %add3A_517, %add3A_519 : vector<16xi32>
    %gather3A_521 = tpu.vector_load_idx %arg5[%add3A_520] : memref<25600xi32, #tpu.memory_space<vmem>>[vector<16xi32>], vector<16xi32>,
    %add3A_522 = vector.broadcast %add3A_461 : i32 to vector<16xi32>
    %add3A_523 = arith.addi %mul3A_44, %add3A_522 : vector<16xi32>
    %add3A_524 = arith.constant 1 : i32
    %add3A_525 = vector.broadcast %add3A_524 : i32 to vector<16xi32>
    %add3A_526 = arith.addi %add3A_523, %add3A_525 : vector<16xi32>
    %gather3A_527 = tpu.vector_load_idx %arg5[%add3A_526] : memref<25600xi32, #tpu.memory_space<vmem>>[vector<16xi32>], vector<16xi32>,
    %add3A_528 = vector.broadcast %add3A_461 : i32 to vector<16xi32>
    %add3A_529 = arith.addi %mul3A_50, %add3A_528 : vector<16xi32>
    %add3A_530 = arith.constant 1 : i32
    %add3A_531 = vector.broadcast %add3A_530 : i32 to vector<16xi32>
    %add3A_532 = arith.addi %add3A_529, %add3A_531 : vector<16xi32>
    %gather3A_533 = tpu.vector_load_idx %arg5[%add3A_532] : memref<25600xi32, #tpu.memory_space<vmem>>[vector<16xi32>], vector<16xi32>,
    %and3A = arith.constant 1 : i32
    %and3A_534 = vector.broadcast %and3A : i32 to vector<16xi32>
    %and3A_535 = arith.andi %gather3A_464, %and3A_534 : vector<16xi32>
    %mul3A_536 = arith.constant 64 : i32
    %mul3A_537 = vector.broadcast %mul3A_536 : i32 to vector<16xi32>
    %mul3A_538 = arith.muli %and3A_535, %mul3A_537 : vector<16xi32>
    %and3A_539 = arith.constant 1 : i32
    %and3A_540 = vector.broadcast %and3A_539 : i32 to vector<16xi32>
    %and3A_541 = arith.andi %gather3A_467, %and3A_540 : vector<16xi32>
    %mul3A_542 = arith.constant 64 : i32
    %mul3A_543 = vector.broadcast %mul3A_542 : i32 to vector<16xi32>
    %mul3A_544 = arith.muli %and3A_541, %mul3A_543 : vector<16xi32>
    %and3A_545 = arith.constant 1 : i32
    %and3A_546 = vector.broadcast %and3A_545 : i32 to vector<16xi32>
    %and3A_547 = arith.andi %gather3A_470, %and3A_546 : vector<16xi32>
    %mul3A_548 = arith.constant 64 : i32
    %mul3A_549 = vector.broadcast %mul3A_548 : i32 to vector<16xi32>
    %mul3A_550 = arith.muli %and3A_547, %mul3A_549 : vector<16xi32>
    %and3A_551 = arith.constant 1 : i32
    %and3A_552 = vector.broadcast %and3A_551 : i32 to vector<16xi32>
    %and3A_553 = arith.andi %gather3A_473, %and3A_552 : vector<16xi32>
    %mul3A_554 = arith.constant 64 : i32
    %mul3A_555 = vector.broadcast %mul3A_554 : i32 to vector<16xi32>
    %mul3A_556 = arith.muli %and3A_553, %mul3A_555 : vector<16xi32>
    %and3A_557 = arith.constant 1 : i32
    %and3A_558 = vector.broadcast %and3A_557 : i32 to vector<16xi32>
    %and3A_559 = arith.andi %gather3A_476, %and3A_558 : vector<16xi32>
    %mul3A_560 = arith.constant 64 : i32
    %mul3A_561 = vector.broadcast %mul3A_560 : i32 to vector<16xi32>
    %mul3A_562 = arith.muli %and3A_559, %mul3A_561 : vector<16xi32>
    %and3A_563 = arith.constant 1 : i32
    %and3A_564 = vector.broadcast %and3A_563 : i32 to vector<16xi32>
    %and3A_565 = arith.andi %gather3A_479, %and3A_564 : vector<16xi32>
    %mul3A_566 = arith.constant 64 : i32
    %mul3A_567 = vector.broadcast %mul3A_566 : i32 to vector<16xi32>
    %mul3A_568 = arith.muli %and3A_565, %mul3A_567 : vector<16xi32>
    %and3A_569 = arith.constant 1 : i32
    %and3A_570 = vector.broadcast %and3A_569 : i32 to vector<16xi32>
    %and3A_571 = arith.andi %gather3A_482, %and3A_570 : vector<16xi32>
    %mul3A_572 = arith.constant 64 : i32
    %mul3A_573 = vector.broadcast %mul3A_572 : i32 to vector<16xi32>
    %mul3A_574 = arith.muli %and3A_571, %mul3A_573 : vector<16xi32>
    %and3A_575 = arith.constant 1 : i32
    %and3A_576 = vector.broadcast %and3A_575 : i32 to vector<16xi32>
    %and3A_577 = arith.andi %gather3A_485, %and3A_576 : vector<16xi32>
    %mul3A_578 = arith.constant 64 : i32
    %mul3A_579 = vector.broadcast %mul3A_578 : i32 to vector<16xi32>
    %mul3A_580 = arith.muli %and3A_577, %mul3A_579 : vector<16xi32>
    %and3A_581 = arith.constant 1 : i32
    %and3A_582 = vector.broadcast %and3A_581 : i32 to vector<16xi32>
    %and3A_583 = arith.andi %gather3A_491, %and3A_582 : vector<16xi32>
    %mul3A_584 = arith.constant 64 : i32
    %mul3A_585 = vector.broadcast %mul3A_584 : i32 to vector<16xi32>
    %mul3A_586 = arith.muli %and3A_583, %mul3A_585 : vector<16xi32>
    %and3A_587 = arith.constant 1 : i32
    %and3A_588 = vector.broadcast %and3A_587 : i32 to vector<16xi32>
    %and3A_589 = arith.andi %gather3A_497, %and3A_588 : vector<16xi32>
    %mul3A_590 = arith.constant 64 : i32
    %mul3A_591 = vector.broadcast %mul3A_590 : i32 to vector<16xi32>
    %mul3A_592 = arith.muli %and3A_589, %mul3A_591 : vector<16xi32>
    %and3A_593 = arith.constant 1 : i32
    %and3A_594 = vector.broadcast %and3A_593 : i32 to vector<16xi32>
    %and3A_595 = arith.andi %gather3A_503, %and3A_594 : vector<16xi32>
    %mul3A_596 = arith.constant 64 : i32
    %mul3A_597 = vector.broadcast %mul3A_596 : i32 to vector<16xi32>
    %mul3A_598 = arith.muli %and3A_595, %mul3A_597 : vector<16xi32>
    %and3A_599 = arith.constant 1 : i32
    %and3A_600 = vector.broadcast %and3A_599 : i32 to vector<16xi32>
    %and3A_601 = arith.andi %gather3A_509, %and3A_600 : vector<16xi32>
    %mul3A_602 = arith.constant 64 : i32
    %mul3A_603 = vector.broadcast %mul3A_602 : i32 to vector<16xi32>
    %mul3A_604 = arith.muli %and3A_601, %mul3A_603 : vector<16xi32>
    %and3A_605 = arith.constant 1 : i32
    %and3A_606 = vector.broadcast %and3A_605 : i32 to vector<16xi32>
    %and3A_607 = arith.andi %gather3A_515, %and3A_606 : vector<16xi32>
    %mul3A_608 = arith.constant 64 : i32
    %mul3A_609 = vector.broadcast %mul3A_608 : i32 to vector<16xi32>
    %mul3A_610 = arith.muli %and3A_607, %mul3A_609 : vector<16xi32>
    %and3A_611 = arith.constant 1 : i32
    %and3A_612 = vector.broadcast %and3A_611 : i32 to vector<16xi32>
    %and3A_613 = arith.andi %gather3A_521, %and3A_612 : vector<16xi32>
    %mul3A_614 = arith.constant 64 : i32
    %mul3A_615 = vector.broadcast %mul3A_614 : i32 to vector<16xi32>
    %mul3A_616 = arith.muli %and3A_613, %mul3A_615 : vector<16xi32>
    %and3A_617 = arith.constant 1 : i32
    %and3A_618 = vector.broadcast %and3A_617 : i32 to vector<16xi32>
    %and3A_619 = arith.andi %gather3A_527, %and3A_618 : vector<16xi32>
    %mul3A_620 = arith.constant 64 : i32
    %mul3A_621 = vector.broadcast %mul3A_620 : i32 to vector<16xi32>
    %mul3A_622 = arith.muli %and3A_619, %mul3A_621 : vector<16xi32>
    %and3A_623 = arith.constant 1 : i32
    %and3A_624 = vector.broadcast %and3A_623 : i32 to vector<16xi32>
    %and3A_625 = arith.andi %gather3A_533, %and3A_624 : vector<16xi32>
    %mul3A_626 = arith.constant 64 : i32
    %mul3A_627 = vector.broadcast %mul3A_626 : i32 to vector<16xi32>
    %mul3A_628 = arith.muli %and3A_625, %mul3A_627 : vector<16xi32>
    %parallel_loop3A = arith.constant 0 : i32
    %parallel_loop3A_629 = arith.constant 64 : i32
    %parallel_loop3A_630 = arith.constant 1 : i32
    scf.for %parallel_loop3A_879 = %parallel_loop3A to %parallel_loop3A_629 step %parallel_loop3A_630  : i32 {
      %parallel_loop3A_880 = vector.broadcast %parallel_loop3A_879 : i32 to vector<16xi32>
      %parallel_loop3A_881 = arith.addi %mul3A_538, %parallel_loop3A_880 : vector<16xi32>
      %parallel_loop3A_882 = tpu.vector_load_idx %arg8[%add3A_53, %parallel_loop3A_881] : memref<256x128xf32, #tpu.memory_space<vmem>>[vector<16xi32>, vector<16xi32>], vector<16xf32>,
      %parallel_loop3A_883 = arith.constant 0 : i32
      %parallel_loop3A_884 = arith.index_cast %parallel_loop3A_883 : i32 to index
      %parallel_loop3A_885 = arith.index_cast %parallel_loop3A_879 : i32 to index
      %parallel_loop3A_886 = arith.constant 0 : index
      %parallel_loop3A_887 = tpu.vector_load %arg10[%parallel_loop3A_884, %parallel_loop3A_885, %parallel_loop3A_886] {strides = array<i32>} : memref<2x64x128xf32, #tpu.memory_space<vmem>>, vector<16xf32>,
      tpu.vector_store %arg10[%parallel_loop3A_884, %parallel_loop3A_885, %parallel_loop3A_886], %parallel_loop3A_882 {strides = array<i32>} : memref<2x64x128xf32, #tpu.memory_space<vmem>>, vector<16xf32>,
      %parallel_loop3A_888 = vector.broadcast %parallel_loop3A_879 : i32 to vector<16xi32>
      %parallel_loop3A_889 = arith.addi %mul3A_586, %parallel_loop3A_888 : vector<16xi32>
      %parallel_loop3A_890 = tpu.vector_load_idx %arg8[%add3A_80, %parallel_loop3A_889] : memref<256x128xf32, #tpu.memory_space<vmem>>[vector<16xi32>, vector<16xi32>], vector<16xf32>,
      %parallel_loop3A_891 = arith.constant 1 : i32
      %parallel_loop3A_892 = arith.index_cast %parallel_loop3A_891 : i32 to index
      %parallel_loop3A_893 = arith.index_cast %parallel_loop3A_879 : i32 to index
      %parallel_loop3A_894 = arith.constant 0 : index
      %parallel_loop3A_895 = tpu.vector_load %arg10[%parallel_loop3A_892, %parallel_loop3A_893, %parallel_loop3A_894] {strides = array<i32>} : memref<2x64x128xf32, #tpu.memory_space<vmem>>, vector<16xf32>,
      tpu.vector_store %arg10[%parallel_loop3A_892, %parallel_loop3A_893, %parallel_loop3A_894], %parallel_loop3A_890 {strides = array<i32>} : memref<2x64x128xf32, #tpu.memory_space<vmem>>, vector<16xf32>,
      %parallel_loop3A_896 = vector.broadcast %parallel_loop3A_879 : i32 to vector<16xi32>
      %parallel_loop3A_897 = arith.addi %mul3A_544, %parallel_loop3A_896 : vector<16xi32>
      %parallel_loop3A_898 = tpu.vector_load_idx %arg8[%add3A_56, %parallel_loop3A_897] : memref<256x128xf32, #tpu.memory_space<vmem>>[vector<16xi32>, vector<16xi32>], vector<16xf32>,
      %parallel_loop3A_899 = arith.constant 0 : i32
      %parallel_loop3A_900 = arith.index_cast %parallel_loop3A_899 : i32 to index
      %parallel_loop3A_901 = arith.index_cast %parallel_loop3A_879 : i32 to index
      %parallel_loop3A_902 = arith.constant 16 : index
      %parallel_loop3A_903 = tpu.vector_load %arg10[%parallel_loop3A_900, %parallel_loop3A_901, %parallel_loop3A_902] {strides = array<i32>} : memref<2x64x128xf32, #tpu.memory_space<vmem>>, vector<16xf32>,
      tpu.vector_store %arg10[%parallel_loop3A_900, %parallel_loop3A_901, %parallel_loop3A_902], %parallel_loop3A_898 {strides = array<i32>} : memref<2x64x128xf32, #tpu.memory_space<vmem>>, vector<16xf32>,
      %parallel_loop3A_904 = vector.broadcast %parallel_loop3A_879 : i32 to vector<16xi32>
      %parallel_loop3A_905 = arith.addi %mul3A_592, %parallel_loop3A_904 : vector<16xi32>
      %parallel_loop3A_906 = tpu.vector_load_idx %arg8[%add3A_86, %parallel_loop3A_905] : memref<256x128xf32, #tpu.memory_space<vmem>>[vector<16xi32>, vector<16xi32>], vector<16xf32>,
      %parallel_loop3A_907 = arith.constant 1 : i32
      %parallel_loop3A_908 = arith.index_cast %parallel_loop3A_907 : i32 to index
      %parallel_loop3A_909 = arith.index_cast %parallel_loop3A_879 : i32 to index
      %parallel_loop3A_910 = arith.constant 16 : index
      %parallel_loop3A_911 = tpu.vector_load %arg10[%parallel_loop3A_908, %parallel_loop3A_909, %parallel_loop3A_910] {strides = array<i32>} : memref<2x64x128xf32, #tpu.memory_space<vmem>>, vector<16xf32>,
      tpu.vector_store %arg10[%parallel_loop3A_908, %parallel_loop3A_909, %parallel_loop3A_910], %parallel_loop3A_906 {strides = array<i32>} : memref<2x64x128xf32, #tpu.memory_space<vmem>>, vector<16xf32>,
      %parallel_loop3A_912 = vector.broadcast %parallel_loop3A_879 : i32 to vector<16xi32>
      %parallel_loop3A_913 = arith.addi %mul3A_550, %parallel_loop3A_912 : vector<16xi32>
      %parallel_loop3A_914 = tpu.vector_load_idx %arg8[%add3A_59, %parallel_loop3A_913] : memref<256x128xf32, #tpu.memory_space<vmem>>[vector<16xi32>, vector<16xi32>], vector<16xf32>,
      %parallel_loop3A_915 = arith.constant 0 : i32
      %parallel_loop3A_916 = arith.index_cast %parallel_loop3A_915 : i32 to index
      %parallel_loop3A_917 = arith.index_cast %parallel_loop3A_879 : i32 to index
      %parallel_loop3A_918 = arith.constant 32 : index
      %parallel_loop3A_919 = tpu.vector_load %arg10[%parallel_loop3A_916, %parallel_loop3A_917, %parallel_loop3A_918] {strides = array<i32>} : memref<2x64x128xf32, #tpu.memory_space<vmem>>, vector<16xf32>,
      tpu.vector_store %arg10[%parallel_loop3A_916, %parallel_loop3A_917, %parallel_loop3A_918], %parallel_loop3A_914 {strides = array<i32>} : memref<2x64x128xf32, #tpu.memory_space<vmem>>, vector<16xf32>,
      %parallel_loop3A_920 = vector.broadcast %parallel_loop3A_879 : i32 to vector<16xi32>
      %parallel_loop3A_921 = arith.addi %mul3A_598, %parallel_loop3A_920 : vector<16xi32>
      %parallel_loop3A_922 = tpu.vector_load_idx %arg8[%add3A_92, %parallel_loop3A_921] : memref<256x128xf32, #tpu.memory_space<vmem>>[vector<16xi32>, vector<16xi32>], vector<16xf32>,
      %parallel_loop3A_923 = arith.constant 1 : i32
      %parallel_loop3A_924 = arith.index_cast %parallel_loop3A_923 : i32 to index
      %parallel_loop3A_925 = arith.index_cast %parallel_loop3A_879 : i32 to index
      %parallel_loop3A_926 = arith.constant 32 : index
      %parallel_loop3A_927 = tpu.vector_load %arg10[%parallel_loop3A_924, %parallel_loop3A_925, %parallel_loop3A_926] {strides = array<i32>} : memref<2x64x128xf32, #tpu.memory_space<vmem>>, vector<16xf32>,
      tpu.vector_store %arg10[%parallel_loop3A_924, %parallel_loop3A_925, %parallel_loop3A_926], %parallel_loop3A_922 {strides = array<i32>} : memref<2x64x128xf32, #tpu.memory_space<vmem>>, vector<16xf32>,
      %parallel_loop3A_928 = vector.broadcast %parallel_loop3A_879 : i32 to vector<16xi32>
      %parallel_loop3A_929 = arith.addi %mul3A_556, %parallel_loop3A_928 : vector<16xi32>
      %parallel_loop3A_930 = tpu.vector_load_idx %arg8[%add3A_62, %parallel_loop3A_929] : memref<256x128xf32, #tpu.memory_space<vmem>>[vector<16xi32>, vector<16xi32>], vector<16xf32>,
      %parallel_loop3A_931 = arith.constant 0 : i32
      %parallel_loop3A_932 = arith.index_cast %parallel_loop3A_931 : i32 to index
      %parallel_loop3A_933 = arith.index_cast %parallel_loop3A_879 : i32 to index
      %parallel_loop3A_934 = arith.constant 48 : index
      %parallel_loop3A_935 = tpu.vector_load %arg10[%parallel_loop3A_932, %parallel_loop3A_933, %parallel_loop3A_934] {strides = array<i32>} : memref<2x64x128xf32, #tpu.memory_space<vmem>>, vector<16xf32>,
      tpu.vector_store %arg10[%parallel_loop3A_932, %parallel_loop3A_933, %parallel_loop3A_934], %parallel_loop3A_930 {strides = array<i32>} : memref<2x64x128xf32, #tpu.memory_space<vmem>>, vector<16xf32>,
      %parallel_loop3A_936 = vector.broadcast %parallel_loop3A_879 : i32 to vector<16xi32>
      %parallel_loop3A_937 = arith.addi %mul3A_604, %parallel_loop3A_936 : vector<16xi32>
      %parallel_loop3A_938 = tpu.vector_load_idx %arg8[%add3A_98, %parallel_loop3A_937] : memref<256x128xf32, #tpu.memory_space<vmem>>[vector<16xi32>, vector<16xi32>], vector<16xf32>,
      %parallel_loop3A_939 = arith.constant 1 : i32
      %parallel_loop3A_940 = arith.index_cast %parallel_loop3A_939 : i32 to index
      %parallel_loop3A_941 = arith.index_cast %parallel_loop3A_879 : i32 to index
      %parallel_loop3A_942 = arith.constant 48 : index
      %parallel_loop3A_943 = tpu.vector_load %arg10[%parallel_loop3A_940, %parallel_loop3A_941, %parallel_loop3A_942] {strides = array<i32>} : memref<2x64x128xf32, #tpu.memory_space<vmem>>, vector<16xf32>,
      tpu.vector_store %arg10[%parallel_loop3A_940, %parallel_loop3A_941, %parallel_loop3A_942], %parallel_loop3A_938 {strides = array<i32>} : memref<2x64x128xf32, #tpu.memory_space<vmem>>, vector<16xf32>,
      %parallel_loop3A_944 = vector.broadcast %parallel_loop3A_879 : i32 to vector<16xi32>
      %parallel_loop3A_945 = arith.addi %mul3A_562, %parallel_loop3A_944 : vector<16xi32>
      %parallel_loop3A_946 = tpu.vector_load_idx %arg8[%add3A_65, %parallel_loop3A_945] : memref<256x128xf32, #tpu.memory_space<vmem>>[vector<16xi32>, vector<16xi32>], vector<16xf32>,
      %parallel_loop3A_947 = arith.constant 0 : i32
      %parallel_loop3A_948 = arith.index_cast %parallel_loop3A_947 : i32 to index
      %parallel_loop3A_949 = arith.index_cast %parallel_loop3A_879 : i32 to index
      %parallel_loop3A_950 = arith.constant 64 : index
      %parallel_loop3A_951 = tpu.vector_load %arg10[%parallel_loop3A_948, %parallel_loop3A_949, %parallel_loop3A_950] {strides = array<i32>} : memref<2x64x128xf32, #tpu.memory_space<vmem>>, vector<16xf32>,
      tpu.vector_store %arg10[%parallel_loop3A_948, %parallel_loop3A_949, %parallel_loop3A_950], %parallel_loop3A_946 {strides = array<i32>} : memref<2x64x128xf32, #tpu.memory_space<vmem>>, vector<16xf32>,
      %parallel_loop3A_952 = vector.broadcast %parallel_loop3A_879 : i32 to vector<16xi32>
      %parallel_loop3A_953 = arith.addi %mul3A_610, %parallel_loop3A_952 : vector<16xi32>
      %parallel_loop3A_954 = tpu.vector_load_idx %arg8[%add3A_104, %parallel_loop3A_953] : memref<256x128xf32, #tpu.memory_space<vmem>>[vector<16xi32>, vector<16xi32>], vector<16xf32>,
      %parallel_loop3A_955 = arith.constant 1 : i32
      %parallel_loop3A_956 = arith.index_cast %parallel_loop3A_955 : i32 to index
      %parallel_loop3A_957 = arith.index_cast %parallel_loop3A_879 : i32 to index
      %parallel_loop3A_958 = arith.constant 64 : index
      %parallel_loop3A_959 = tpu.vector_load %arg10[%parallel_loop3A_956, %parallel_loop3A_957, %parallel_loop3A_958] {strides = array<i32>} : memref<2x64x128xf32, #tpu.memory_space<vmem>>, vector<16xf32>,
      tpu.vector_store %arg10[%parallel_loop3A_956, %parallel_loop3A_957, %parallel_loop3A_958], %parallel_loop3A_954 {strides = array<i32>} : memref<2x64x128xf32, #tpu.memory_space<vmem>>, vector<16xf32>,
      %parallel_loop3A_960 = vector.broadcast %parallel_loop3A_879 : i32 to vector<16xi32>
      %parallel_loop3A_961 = arith.addi %mul3A_568, %parallel_loop3A_960 : vector<16xi32>
      %parallel_loop3A_962 = tpu.vector_load_idx %arg8[%add3A_68, %parallel_loop3A_961] : memref<256x128xf32, #tpu.memory_space<vmem>>[vector<16xi32>, vector<16xi32>], vector<16xf32>,
      %parallel_loop3A_963 = arith.constant 0 : i32
      %parallel_loop3A_964 = arith.index_cast %parallel_loop3A_963 : i32 to index
      %parallel_loop3A_965 = arith.index_cast %parallel_loop3A_879 : i32 to index
      %parallel_loop3A_966 = arith.constant 80 : index
      %parallel_loop3A_967 = tpu.vector_load %arg10[%parallel_loop3A_964, %parallel_loop3A_965, %parallel_loop3A_966] {strides = array<i32>} : memref<2x64x128xf32, #tpu.memory_space<vmem>>, vector<16xf32>,
      tpu.vector_store %arg10[%parallel_loop3A_964, %parallel_loop3A_965, %parallel_loop3A_966], %parallel_loop3A_962 {strides = array<i32>} : memref<2x64x128xf32, #tpu.memory_space<vmem>>, vector<16xf32>,
      %parallel_loop3A_968 = vector.broadcast %parallel_loop3A_879 : i32 to vector<16xi32>
      %parallel_loop3A_969 = arith.addi %mul3A_616, %parallel_loop3A_968 : vector<16xi32>
      %parallel_loop3A_970 = tpu.vector_load_idx %arg8[%add3A_110, %parallel_loop3A_969] : memref<256x128xf32, #tpu.memory_space<vmem>>[vector<16xi32>, vector<16xi32>], vector<16xf32>,
      %parallel_loop3A_971 = arith.constant 1 : i32
      %parallel_loop3A_972 = arith.index_cast %parallel_loop3A_971 : i32 to index
      %parallel_loop3A_973 = arith.index_cast %parallel_loop3A_879 : i32 to index
      %parallel_loop3A_974 = arith.constant 80 : index
      %parallel_loop3A_975 = tpu.vector_load %arg10[%parallel_loop3A_972, %parallel_loop3A_973, %parallel_loop3A_974] {strides = array<i32>} : memref<2x64x128xf32, #tpu.memory_space<vmem>>, vector<16xf32>,
      tpu.vector_store %arg10[%parallel_loop3A_972, %parallel_loop3A_973, %parallel_loop3A_974], %parallel_loop3A_970 {strides = array<i32>} : memref<2x64x128xf32, #tpu.memory_space<vmem>>, vector<16xf32>,
      %parallel_loop3A_976 = vector.broadcast %parallel_loop3A_879 : i32 to vector<16xi32>
      %parallel_loop3A_977 = arith.addi %mul3A_574, %parallel_loop3A_976 : vector<16xi32>
      %parallel_loop3A_978 = tpu.vector_load_idx %arg8[%add3A_71, %parallel_loop3A_977] : memref<256x128xf32, #tpu.memory_space<vmem>>[vector<16xi32>, vector<16xi32>], vector<16xf32>,
      %parallel_loop3A_979 = arith.constant 0 : i32
      %parallel_loop3A_980 = arith.index_cast %parallel_loop3A_979 : i32 to index
      %parallel_loop3A_981 = arith.index_cast %parallel_loop3A_879 : i32 to index
      %parallel_loop3A_982 = arith.constant 96 : index
      %parallel_loop3A_983 = tpu.vector_load %arg10[%parallel_loop3A_980, %parallel_loop3A_981, %parallel_loop3A_982] {strides = array<i32>} : memref<2x64x128xf32, #tpu.memory_space<vmem>>, vector<16xf32>,
      tpu.vector_store %arg10[%parallel_loop3A_980, %parallel_loop3A_981, %parallel_loop3A_982], %parallel_loop3A_978 {strides = array<i32>} : memref<2x64x128xf32, #tpu.memory_space<vmem>>, vector<16xf32>,
      %parallel_loop3A_984 = vector.broadcast %parallel_loop3A_879 : i32 to vector<16xi32>
      %parallel_loop3A_985 = arith.addi %mul3A_622, %parallel_loop3A_984 : vector<16xi32>
      %parallel_loop3A_986 = tpu.vector_load_idx %arg8[%add3A_116, %parallel_loop3A_985] : memref<256x128xf32, #tpu.memory_space<vmem>>[vector<16xi32>, vector<16xi32>], vector<16xf32>,
      %parallel_loop3A_987 = arith.constant 1 : i32
      %parallel_loop3A_988 = arith.index_cast %parallel_loop3A_987 : i32 to index
      %parallel_loop3A_989 = arith.index_cast %parallel_loop3A_879 : i32 to index
      %parallel_loop3A_990 = arith.constant 96 : index
      %parallel_loop3A_991 = tpu.vector_load %arg10[%parallel_loop3A_988, %parallel_loop3A_989, %parallel_loop3A_990] {strides = array<i32>} : memref<2x64x128xf32, #tpu.memory_space<vmem>>, vector<16xf32>,
      tpu.vector_store %arg10[%parallel_loop3A_988, %parallel_loop3A_989, %parallel_loop3A_990], %parallel_loop3A_986 {strides = array<i32>} : memref<2x64x128xf32, #tpu.memory_space<vmem>>, vector<16xf32>,
      %parallel_loop3A_992 = vector.broadcast %parallel_loop3A_879 : i32 to vector<16xi32>
      %parallel_loop3A_993 = arith.addi %mul3A_580, %parallel_loop3A_992 : vector<16xi32>
      %parallel_loop3A_994 = tpu.vector_load_idx %arg8[%add3A_74, %parallel_loop3A_993] : memref<256x128xf32, #tpu.memory_space<vmem>>[vector<16xi32>, vector<16xi32>], vector<16xf32>,
      %parallel_loop3A_995 = arith.constant 0 : i32
      %parallel_loop3A_996 = arith.index_cast %parallel_loop3A_995 : i32 to index
      %parallel_loop3A_997 = arith.index_cast %parallel_loop3A_879 : i32 to index
      %parallel_loop3A_998 = arith.constant 112 : index
      %parallel_loop3A_999 = tpu.vector_load %arg10[%parallel_loop3A_996, %parallel_loop3A_997, %parallel_loop3A_998] {strides = array<i32>} : memref<2x64x128xf32, #tpu.memory_space<vmem>>, vector<16xf32>,
      tpu.vector_store %arg10[%parallel_loop3A_996, %parallel_loop3A_997, %parallel_loop3A_998], %parallel_loop3A_994 {strides = array<i32>} : memref<2x64x128xf32, #tpu.memory_space<vmem>>, vector<16xf32>,
      %parallel_loop3A_1000 = vector.broadcast %parallel_loop3A_879 : i32 to vector<16xi32>
      %parallel_loop3A_1001 = arith.addi %mul3A_628, %parallel_loop3A_1000 : vector<16xi32>
      %parallel_loop3A_1002 = tpu.vector_load_idx %arg8[%add3A_122, %parallel_loop3A_1001] : memref<256x128xf32, #tpu.memory_space<vmem>>[vector<16xi32>, vector<16xi32>], vector<16xf32>,
      %parallel_loop3A_1003 = arith.constant 1 : i32
      %parallel_loop3A_1004 = arith.index_cast %parallel_loop3A_1003 : i32 to index
      %parallel_loop3A_1005 = arith.index_cast %parallel_loop3A_879 : i32 to index
      %parallel_loop3A_1006 = arith.constant 112 : index
      %parallel_loop3A_1007 = tpu.vector_load %arg10[%parallel_loop3A_1004, %parallel_loop3A_1005, %parallel_loop3A_1006] {strides = array<i32>} : memref<2x64x128xf32, #tpu.memory_space<vmem>>, vector<16xf32>,
      tpu.vector_store %arg10[%parallel_loop3A_1004, %parallel_loop3A_1005, %parallel_loop3A_1006], %parallel_loop3A_1002 {strides = array<i32>} : memref<2x64x128xf32, #tpu.memory_space<vmem>>, vector<16xf32>,
    } {sc.loop_unroll_factor = 4 : i64, sc.parallel_access}
    %rem3A_631 = arith.constant 0 : i32
    %rem3A_632 = arith.constant 25 : i32
    %rem3A_633 = arith.remsi %rem3A_631, %rem3A_632 : i32
    %mul3A_634 = arith.constant 2 : i32
    %mul3A_635 = arith.muli %mul3A_634, %rem3A_633 : i32
    %div3A_636 = arith.constant 0 : i32
    %div3A_637 = arith.constant 25 : i32
    %div3A_638 = arith.divsi %div3A_636, %div3A_637 : i32
    %mul3A_639 = arith.constant 4 : i32
    %mul3A_640 = arith.muli %add3A, %mul3A_639 : i32
    %add3A_641 = arith.addi %mul3A_640, %div3A_638 : i32
    %mul3A_642 = arith.constant 128 : i32
    %mul3A_643 = arith.muli %add3A_641, %mul3A_642 : i32
    %dma_start3A_644 = arith.constant 0 : i32
    %dma_start3A_645 = tpu.memref_slice %arg4[%mul3A_635, %dma_start3A_644, %mul3A_643] : memref<50x64x16384xf32, #tpu.memory_space<hbm>> -> memref<2x64x128xf32, #tpu.memory_space<hbm>>
    %dma_start3A_646 = arith.constant 0 : i32
    %dma_start3A_647 = tpu.memref_slice %arg4[%mul3A_635, %dma_start3A_646, %mul3A_643] : memref<50x64x16384xf32, #tpu.memory_space<hbm>> -> memref<2x64x128xf32, #tpu.memory_space<hbm>>
    tpu.enqueue_dma source(%arg10 : memref<2x64x128xf32, #tpu.memory_space<vmem>>) target(%dma_start3A_647 : memref<2x64x128xf32, #tpu.memory_space<hbm>>) target_semaphore(%arg14 : memref<!tpu.dma_semaphore, #tpu.memory_space<semaphore_mem>>)
    %scan3A = arith.constant 0 : i32
    %scan3A_648 = arith.constant 1 : i32
    %scan3A_649 = arith.constant 49 : i32
    %scan3A_650 = arith.addi %scan3A_648, %scan3A_649 : i32
    %scan3A_651 = arith.constant 1 : i32
    scf.for %scan3A_879 = %scan3A_648 to %scan3A_650 step %scan3A_651  : i32 {
      %mul3A_880 = arith.constant 2 : i32
      %mul3A_881 = arith.muli %mul3A_880, %scan3A_879 : i32
      %sub3A = arith.constant 1 : i32
      %sub3A_882 = arith.subi %mul3A_881, %sub3A : i32
      %add3A_883 = arith.constant 1 : i32
      %add3A_884 = arith.addi %sub3A_882, %add3A_883 : i32
      %rem3A_885 = arith.constant 25 : i32
      %rem3A_886 = arith.remsi %add3A_884, %rem3A_885 : i32
      %mul3A_887 = arith.constant 2 : i32
      %mul3A_888 = arith.muli %mul3A_887, %rem3A_886 : i32
      %div3A_889 = arith.constant 25 : i32
      %div3A_890 = arith.divsi %add3A_884, %div3A_889 : i32
      %mul3A_891 = arith.constant 6400 : i32
      %mul3A_892 = arith.muli %div3A_890, %mul3A_891 : i32
      %add3A_893 = arith.addi %mul3A_892, %mul3A_888 : i32
      %add3A_894 = vector.broadcast %add3A_893 : i32 to vector<16xi32>
      %add3A_895 = arith.addi %mul3A_8, %add3A_894 : vector<16xi32>
      %gather3A_896 = tpu.vector_load_idx %arg5[%add3A_895] : memref<25600xi32, #tpu.memory_space<vmem>>[vector<16xi32>], vector<16xi32>,
      %add3A_897 = vector.broadcast %add3A_893 : i32 to vector<16xi32>
      %add3A_898 = arith.addi %mul3A_14, %add3A_897 : vector<16xi32>
      %gather3A_899 = tpu.vector_load_idx %arg5[%add3A_898] : memref<25600xi32, #tpu.memory_space<vmem>>[vector<16xi32>], vector<16xi32>,
      %add3A_900 = vector.broadcast %add3A_893 : i32 to vector<16xi32>
      %add3A_901 = arith.addi %mul3A_20, %add3A_900 : vector<16xi32>
      %gather3A_902 = tpu.vector_load_idx %arg5[%add3A_901] : memref<25600xi32, #tpu.memory_space<vmem>>[vector<16xi32>], vector<16xi32>,
      %add3A_903 = vector.broadcast %add3A_893 : i32 to vector<16xi32>
      %add3A_904 = arith.addi %mul3A_26, %add3A_903 : vector<16xi32>
      %gather3A_905 = tpu.vector_load_idx %arg5[%add3A_904] : memref<25600xi32, #tpu.memory_space<vmem>>[vector<16xi32>], vector<16xi32>,
      %add3A_906 = vector.broadcast %add3A_893 : i32 to vector<16xi32>
      %add3A_907 = arith.addi %mul3A_32, %add3A_906 : vector<16xi32>
      %gather3A_908 = tpu.vector_load_idx %arg5[%add3A_907] : memref<25600xi32, #tpu.memory_space<vmem>>[vector<16xi32>], vector<16xi32>,
      %add3A_909 = vector.broadcast %add3A_893 : i32 to vector<16xi32>
      %add3A_910 = arith.addi %mul3A_38, %add3A_909 : vector<16xi32>
      %gather3A_911 = tpu.vector_load_idx %arg5[%add3A_910] : memref<25600xi32, #tpu.memory_space<vmem>>[vector<16xi32>], vector<16xi32>,
      %add3A_912 = vector.broadcast %add3A_893 : i32 to vector<16xi32>
      %add3A_913 = arith.addi %mul3A_44, %add3A_912 : vector<16xi32>
      %gather3A_914 = tpu.vector_load_idx %arg5[%add3A_913] : memref<25600xi32, #tpu.memory_space<vmem>>[vector<16xi32>], vector<16xi32>,
      %add3A_915 = vector.broadcast %add3A_893 : i32 to vector<16xi32>
      %add3A_916 = arith.addi %mul3A_50, %add3A_915 : vector<16xi32>
      %gather3A_917 = tpu.vector_load_idx %arg5[%add3A_916] : memref<25600xi32, #tpu.memory_space<vmem>>[vector<16xi32>], vector<16xi32>,
      %add3A_918 = vector.broadcast %add3A_893 : i32 to vector<16xi32>
      %add3A_919 = arith.addi %mul3A_8, %add3A_918 : vector<16xi32>
      %add3A_920 = arith.constant 1 : i32
      %add3A_921 = vector.broadcast %add3A_920 : i32 to vector<16xi32>
      %add3A_922 = arith.addi %add3A_919, %add3A_921 : vector<16xi32>
      %gather3A_923 = tpu.vector_load_idx %arg5[%add3A_922] : memref<25600xi32, #tpu.memory_space<vmem>>[vector<16xi32>], vector<16xi32>,
      %add3A_924 = vector.broadcast %add3A_893 : i32 to vector<16xi32>
      %add3A_925 = arith.addi %mul3A_14, %add3A_924 : vector<16xi32>
      %add3A_926 = arith.constant 1 : i32
      %add3A_927 = vector.broadcast %add3A_926 : i32 to vector<16xi32>
      %add3A_928 = arith.addi %add3A_925, %add3A_927 : vector<16xi32>
      %gather3A_929 = tpu.vector_load_idx %arg5[%add3A_928] : memref<25600xi32, #tpu.memory_space<vmem>>[vector<16xi32>], vector<16xi32>,
      %add3A_930 = vector.broadcast %add3A_893 : i32 to vector<16xi32>
      %add3A_931 = arith.addi %mul3A_20, %add3A_930 : vector<16xi32>
      %add3A_932 = arith.constant 1 : i32
      %add3A_933 = vector.broadcast %add3A_932 : i32 to vector<16xi32>
      %add3A_934 = arith.addi %add3A_931, %add3A_933 : vector<16xi32>
      %gather3A_935 = tpu.vector_load_idx %arg5[%add3A_934] : memref<25600xi32, #tpu.memory_space<vmem>>[vector<16xi32>], vector<16xi32>,
      %add3A_936 = vector.broadcast %add3A_893 : i32 to vector<16xi32>
      %add3A_937 = arith.addi %mul3A_26, %add3A_936 : vector<16xi32>
      %add3A_938 = arith.constant 1 : i32
      %add3A_939 = vector.broadcast %add3A_938 : i32 to vector<16xi32>
      %add3A_940 = arith.addi %add3A_937, %add3A_939 : vector<16xi32>
      %gather3A_941 = tpu.vector_load_idx %arg5[%add3A_940] : memref<25600xi32, #tpu.memory_space<vmem>>[vector<16xi32>], vector<16xi32>,
      %add3A_942 = vector.broadcast %add3A_893 : i32 to vector<16xi32>
      %add3A_943 = arith.addi %mul3A_32, %add3A_942 : vector<16xi32>
      %add3A_944 = arith.constant 1 : i32
      %add3A_945 = vector.broadcast %add3A_944 : i32 to vector<16xi32>
      %add3A_946 = arith.addi %add3A_943, %add3A_945 : vector<16xi32>
      %gather3A_947 = tpu.vector_load_idx %arg5[%add3A_946] : memref<25600xi32, #tpu.memory_space<vmem>>[vector<16xi32>], vector<16xi32>,
      %add3A_948 = vector.broadcast %add3A_893 : i32 to vector<16xi32>
      %add3A_949 = arith.addi %mul3A_38, %add3A_948 : vector<16xi32>
      %add3A_950 = arith.constant 1 : i32
      %add3A_951 = vector.broadcast %add3A_950 : i32 to vector<16xi32>
      %add3A_952 = arith.addi %add3A_949, %add3A_951 : vector<16xi32>
      %gather3A_953 = tpu.vector_load_idx %arg5[%add3A_952] : memref<25600xi32, #tpu.memory_space<vmem>>[vector<16xi32>], vector<16xi32>,
      %add3A_954 = vector.broadcast %add3A_893 : i32 to vector<16xi32>
      %add3A_955 = arith.addi %mul3A_44, %add3A_954 : vector<16xi32>
      %add3A_956 = arith.constant 1 : i32
      %add3A_957 = vector.broadcast %add3A_956 : i32 to vector<16xi32>
      %add3A_958 = arith.addi %add3A_955, %add3A_957 : vector<16xi32>
      %gather3A_959 = tpu.vector_load_idx %arg5[%add3A_958] : memref<25600xi32, #tpu.memory_space<vmem>>[vector<16xi32>], vector<16xi32>,
      %add3A_960 = vector.broadcast %add3A_893 : i32 to vector<16xi32>
      %add3A_961 = arith.addi %mul3A_50, %add3A_960 : vector<16xi32>
      %add3A_962 = arith.constant 1 : i32
      %add3A_963 = vector.broadcast %add3A_962 : i32 to vector<16xi32>
      %add3A_964 = arith.addi %add3A_961, %add3A_963 : vector<16xi32>
      %gather3A_965 = tpu.vector_load_idx %arg5[%add3A_964] : memref<25600xi32, #tpu.memory_space<vmem>>[vector<16xi32>], vector<16xi32>,
      %shift_right_logical3A_966 = arith.constant 1 : i32
      %shift_right_logical3A_967 = vector.broadcast %shift_right_logical3A_966 : i32 to vector<16xi32>
      %shift_right_logical3A_968 = arith.shrui %gather3A_896, %shift_right_logical3A_967 : vector<16xi32>
      %swap3A_969 = arith.constant 0 : index
      %swap3A_970 = tpu.vector_load %arg6[%swap3A_969] {strides = array<i32>} : memref<256xi32, #tpu.memory_space<vmem>>, vector<16xi32>,
      tpu.vector_store %arg6[%swap3A_969], %shift_right_logical3A_968 {strides = array<i32>} : memref<256xi32, #tpu.memory_space<vmem>>, vector<16xi32>,
      %shift_right_logical3A_971 = arith.constant 1 : i32
      %shift_right_logical3A_972 = vector.broadcast %shift_right_logical3A_971 : i32 to vector<16xi32>
      %shift_right_logical3A_973 = arith.shrui %gather3A_923, %shift_right_logical3A_972 : vector<16xi32>
      %swap3A_974 = arith.constant 128 : index
      %swap3A_975 = tpu.vector_load %arg6[%swap3A_974] {strides = array<i32>} : memref<256xi32, #tpu.memory_space<vmem>>, vector<16xi32>,
      tpu.vector_store %arg6[%swap3A_974], %shift_right_logical3A_973 {strides = array<i32>} : memref<256xi32, #tpu.memory_space<vmem>>, vector<16xi32>,
      %shift_right_logical3A_976 = arith.constant 1 : i32
      %shift_right_logical3A_977 = vector.broadcast %shift_right_logical3A_976 : i32 to vector<16xi32>
      %shift_right_logical3A_978 = arith.shrui %gather3A_899, %shift_right_logical3A_977 : vector<16xi32>
      %swap3A_979 = arith.constant 16 : index
      %swap3A_980 = tpu.vector_load %arg6[%swap3A_979] {strides = array<i32>} : memref<256xi32, #tpu.memory_space<vmem>>, vector<16xi32>,
      tpu.vector_store %arg6[%swap3A_979], %shift_right_logical3A_978 {strides = array<i32>} : memref<256xi32, #tpu.memory_space<vmem>>, vector<16xi32>,
      %shift_right_logical3A_981 = arith.constant 1 : i32
      %shift_right_logical3A_982 = vector.broadcast %shift_right_logical3A_981 : i32 to vector<16xi32>
      %shift_right_logical3A_983 = arith.shrui %gather3A_929, %shift_right_logical3A_982 : vector<16xi32>
      %swap3A_984 = arith.constant 144 : index
      %swap3A_985 = tpu.vector_load %arg6[%swap3A_984] {strides = array<i32>} : memref<256xi32, #tpu.memory_space<vmem>>, vector<16xi32>,
      tpu.vector_store %arg6[%swap3A_984], %shift_right_logical3A_983 {strides = array<i32>} : memref<256xi32, #tpu.memory_space<vmem>>, vector<16xi32>,
      %shift_right_logical3A_986 = arith.constant 1 : i32
      %shift_right_logical3A_987 = vector.broadcast %shift_right_logical3A_986 : i32 to vector<16xi32>
      %shift_right_logical3A_988 = arith.shrui %gather3A_902, %shift_right_logical3A_987 : vector<16xi32>
      %swap3A_989 = arith.constant 32 : index
      %swap3A_990 = tpu.vector_load %arg6[%swap3A_989] {strides = array<i32>} : memref<256xi32, #tpu.memory_space<vmem>>, vector<16xi32>,
      tpu.vector_store %arg6[%swap3A_989], %shift_right_logical3A_988 {strides = array<i32>} : memref<256xi32, #tpu.memory_space<vmem>>, vector<16xi32>,
      %shift_right_logical3A_991 = arith.constant 1 : i32
      %shift_right_logical3A_992 = vector.broadcast %shift_right_logical3A_991 : i32 to vector<16xi32>
      %shift_right_logical3A_993 = arith.shrui %gather3A_935, %shift_right_logical3A_992 : vector<16xi32>
      %swap3A_994 = arith.constant 160 : index
      %swap3A_995 = tpu.vector_load %arg6[%swap3A_994] {strides = array<i32>} : memref<256xi32, #tpu.memory_space<vmem>>, vector<16xi32>,
      tpu.vector_store %arg6[%swap3A_994], %shift_right_logical3A_993 {strides = array<i32>} : memref<256xi32, #tpu.memory_space<vmem>>, vector<16xi32>,
      %shift_right_logical3A_996 = arith.constant 1 : i32
      %shift_right_logical3A_997 = vector.broadcast %shift_right_logical3A_996 : i32 to vector<16xi32>
      %shift_right_logical3A_998 = arith.shrui %gather3A_905, %shift_right_logical3A_997 : vector<16xi32>
      %swap3A_999 = arith.constant 48 : index
      %swap3A_1000 = tpu.vector_load %arg6[%swap3A_999] {strides = array<i32>} : memref<256xi32, #tpu.memory_space<vmem>>, vector<16xi32>,
      tpu.vector_store %arg6[%swap3A_999], %shift_right_logical3A_998 {strides = array<i32>} : memref<256xi32, #tpu.memory_space<vmem>>, vector<16xi32>,
      %shift_right_logical3A_1001 = arith.constant 1 : i32
      %shift_right_logical3A_1002 = vector.broadcast %shift_right_logical3A_1001 : i32 to vector<16xi32>
      %shift_right_logical3A_1003 = arith.shrui %gather3A_941, %shift_right_logical3A_1002 : vector<16xi32>
      %swap3A_1004 = arith.constant 176 : index
      %swap3A_1005 = tpu.vector_load %arg6[%swap3A_1004] {strides = array<i32>} : memref<256xi32, #tpu.memory_space<vmem>>, vector<16xi32>,
      tpu.vector_store %arg6[%swap3A_1004], %shift_right_logical3A_1003 {strides = array<i32>} : memref<256xi32, #tpu.memory_space<vmem>>, vector<16xi32>,
      %shift_right_logical3A_1006 = arith.constant 1 : i32
      %shift_right_logical3A_1007 = vector.broadcast %shift_right_logical3A_1006 : i32 to vector<16xi32>
      %shift_right_logical3A_1008 = arith.shrui %gather3A_908, %shift_right_logical3A_1007 : vector<16xi32>
      %swap3A_1009 = arith.constant 64 : index
      %swap3A_1010 = tpu.vector_load %arg6[%swap3A_1009] {strides = array<i32>} : memref<256xi32, #tpu.memory_space<vmem>>, vector<16xi32>,
      tpu.vector_store %arg6[%swap3A_1009], %shift_right_logical3A_1008 {strides = array<i32>} : memref<256xi32, #tpu.memory_space<vmem>>, vector<16xi32>,
      %shift_right_logical3A_1011 = arith.constant 1 : i32
      %shift_right_logical3A_1012 = vector.broadcast %shift_right_logical3A_1011 : i32 to vector<16xi32>
      %shift_right_logical3A_1013 = arith.shrui %gather3A_947, %shift_right_logical3A_1012 : vector<16xi32>
      %swap3A_1014 = arith.constant 192 : index
      %swap3A_1015 = tpu.vector_load %arg6[%swap3A_1014] {strides = array<i32>} : memref<256xi32, #tpu.memory_space<vmem>>, vector<16xi32>,
      tpu.vector_store %arg6[%swap3A_1014], %shift_right_logical3A_1013 {strides = array<i32>} : memref<256xi32, #tpu.memory_space<vmem>>, vector<16xi32>,
      %shift_right_logical3A_1016 = arith.constant 1 : i32
      %shift_right_logical3A_1017 = vector.broadcast %shift_right_logical3A_1016 : i32 to vector<16xi32>
      %shift_right_logical3A_1018 = arith.shrui %gather3A_911, %shift_right_logical3A_1017 : vector<16xi32>
      %swap3A_1019 = arith.constant 80 : index
      %swap3A_1020 = tpu.vector_load %arg6[%swap3A_1019] {strides = array<i32>} : memref<256xi32, #tpu.memory_space<vmem>>, vector<16xi32>,
      tpu.vector_store %arg6[%swap3A_1019], %shift_right_logical3A_1018 {strides = array<i32>} : memref<256xi32, #tpu.memory_space<vmem>>, vector<16xi32>,
      %shift_right_logical3A_1021 = arith.constant 1 : i32
      %shift_right_logical3A_1022 = vector.broadcast %shift_right_logical3A_1021 : i32 to vector<16xi32>
      %shift_right_logical3A_1023 = arith.shrui %gather3A_953, %shift_right_logical3A_1022 : vector<16xi32>
      %swap3A_1024 = arith.constant 208 : index
      %swap3A_1025 = tpu.vector_load %arg6[%swap3A_1024] {strides = array<i32>} : memref<256xi32, #tpu.memory_space<vmem>>, vector<16xi32>,
      tpu.vector_store %arg6[%swap3A_1024], %shift_right_logical3A_1023 {strides = array<i32>} : memref<256xi32, #tpu.memory_space<vmem>>, vector<16xi32>,
      %shift_right_logical3A_1026 = arith.constant 1 : i32
      %shift_right_logical3A_1027 = vector.broadcast %shift_right_logical3A_1026 : i32 to vector<16xi32>
      %shift_right_logical3A_1028 = arith.shrui %gather3A_914, %shift_right_logical3A_1027 : vector<16xi32>
      %swap3A_1029 = arith.constant 96 : index
      %swap3A_1030 = tpu.vector_load %arg6[%swap3A_1029] {strides = array<i32>} : memref<256xi32, #tpu.memory_space<vmem>>, vector<16xi32>,
      tpu.vector_store %arg6[%swap3A_1029], %shift_right_logical3A_1028 {strides = array<i32>} : memref<256xi32, #tpu.memory_space<vmem>>, vector<16xi32>,
      %shift_right_logical3A_1031 = arith.constant 1 : i32
      %shift_right_logical3A_1032 = vector.broadcast %shift_right_logical3A_1031 : i32 to vector<16xi32>
      %shift_right_logical3A_1033 = arith.shrui %gather3A_959, %shift_right_logical3A_1032 : vector<16xi32>
      %swap3A_1034 = arith.constant 224 : index
      %swap3A_1035 = tpu.vector_load %arg6[%swap3A_1034] {strides = array<i32>} : memref<256xi32, #tpu.memory_space<vmem>>, vector<16xi32>,
      tpu.vector_store %arg6[%swap3A_1034], %shift_right_logical3A_1033 {strides = array<i32>} : memref<256xi32, #tpu.memory_space<vmem>>, vector<16xi32>,
      %shift_right_logical3A_1036 = arith.constant 1 : i32
      %shift_right_logical3A_1037 = vector.broadcast %shift_right_logical3A_1036 : i32 to vector<16xi32>
      %shift_right_logical3A_1038 = arith.shrui %gather3A_917, %shift_right_logical3A_1037 : vector<16xi32>
      %swap3A_1039 = arith.constant 112 : index
      %swap3A_1040 = tpu.vector_load %arg6[%swap3A_1039] {strides = array<i32>} : memref<256xi32, #tpu.memory_space<vmem>>, vector<16xi32>,
      tpu.vector_store %arg6[%swap3A_1039], %shift_right_logical3A_1038 {strides = array<i32>} : memref<256xi32, #tpu.memory_space<vmem>>, vector<16xi32>,
      %shift_right_logical3A_1041 = arith.constant 1 : i32
      %shift_right_logical3A_1042 = vector.broadcast %shift_right_logical3A_1041 : i32 to vector<16xi32>
      %shift_right_logical3A_1043 = arith.shrui %gather3A_965, %shift_right_logical3A_1042 : vector<16xi32>
      %swap3A_1044 = arith.constant 240 : index
      %swap3A_1045 = tpu.vector_load %arg6[%swap3A_1044] {strides = array<i32>} : memref<256xi32, #tpu.memory_space<vmem>>, vector<16xi32>,
      tpu.vector_store %arg6[%swap3A_1044], %shift_right_logical3A_1043 {strides = array<i32>} : memref<256xi32, #tpu.memory_space<vmem>>, vector<16xi32>,
      %dma_start3A_1046 = arith.constant 0 : i32
      %dma_start3A_1047 = arith.constant 0 : i32
      %dma_start3A_1048 = tpu.memref_slice %arg3[%dma_start3A_1046, %dma_start3A_1047] : memref<500000x128xf32, #tpu.memory_space<hbm>> -> memref<500000x128xf32, #tpu.memory_space<hbm>>
      tpu.enqueue_indirect_dma source(%dma_start3A_1048 : memref<500000x128xf32, #tpu.memory_space<hbm>>) target(%arg8 : memref<256x128xf32, #tpu.memory_space<vmem>>) offsets(%arg6 : memref<256xi32, #tpu.memory_space<vmem>>) semaphore(%arg12 : memref<!tpu.dma_semaphore, #tpu.memory_space<semaphore_mem>>)
      %dma_wait3A_1049 = arith.constant 0 : i32
      %dma_wait3A_1050 = arith.constant 0 : i32
      %dma_wait3A_1051 = tpu.memref_slice %arg3[%dma_wait3A_1049, %dma_wait3A_1050] : memref<500000x128xf32, #tpu.memory_space<hbm>> -> memref<500000x128xf32, #tpu.memory_space<hbm>>
      tpu.wait_indirect_dma semaphore(%arg13 : memref<!tpu.dma_semaphore, #tpu.memory_space<semaphore_mem>>) src(%dma_wait3A_1051 : memref<500000x128xf32, #tpu.memory_space<hbm>>) dst(%arg9 : memref<256x128xf32, #tpu.memory_space<vmem>>)
      %gt3A = arith.constant 1 : i32
      %gt3A_1052 = arith.cmpi sgt, %scan3A_879, %gt3A : i32
      %convert_element_type3A = arith.extui %gt3A_1052 : i1 to i32
      %cond3A = arith.constant 0 : i32
      %cond3A_1053 = arith.cmpi ne, %convert_element_type3A, %cond3A : i32
      scf.if %cond3A_1053 {
        %dma_wait3A_1625 = arith.constant 0 : i32
        %dma_wait3A_1626 = arith.constant 0 : i32
        %dma_wait3A_1627 = arith.constant 0 : i32
        %dma_wait3A_1628 = tpu.memref_slice %arg4[%dma_wait3A_1625, %dma_wait3A_1626, %dma_wait3A_1627] : memref<50x64x16384xf32, #tpu.memory_space<hbm>> -> memref<2x64x128xf32, #tpu.memory_space<hbm>>
        %dma_wait3A_1629 = arith.constant 0 : i32
        %dma_wait3A_1630 = arith.constant 0 : i32
        %dma_wait3A_1631 = arith.constant 0 : i32
        %dma_wait3A_1632 = tpu.memref_slice %arg4[%dma_wait3A_1629, %dma_wait3A_1630, %dma_wait3A_1631] : memref<50x64x16384xf32, #tpu.memory_space<hbm>> -> memref<2x64x128xf32, #tpu.memory_space<hbm>>
        tpu.wait_dma2 semaphore(%arg15 : memref<!tpu.dma_semaphore, #tpu.memory_space<semaphore_mem>>) src(%arg11 : memref<2x64x128xf32, #tpu.memory_space<vmem>>) dst(%dma_wait3A_1632 : memref<2x64x128xf32, #tpu.memory_space<hbm>>)
      } else {
      }
      %rem3A_1054 = arith.constant 25 : i32
      %rem3A_1055 = arith.remsi %sub3A_882, %rem3A_1054 : i32
      %mul3A_1056 = arith.constant 2 : i32
      %mul3A_1057 = arith.muli %mul3A_1056, %rem3A_1055 : i32
      %div3A_1058 = arith.constant 25 : i32
      %div3A_1059 = arith.divsi %sub3A_882, %div3A_1058 : i32
      %mul3A_1060 = arith.constant 6400 : i32
      %mul3A_1061 = arith.muli %div3A_1059, %mul3A_1060 : i32
      %add3A_1062 = arith.addi %mul3A_1061, %mul3A_1057 : i32
      %add3A_1063 = vector.broadcast %add3A_1062 : i32 to vector<16xi32>
      %add3A_1064 = arith.addi %mul3A_8, %add3A_1063 : vector<16xi32>
      %gather3A_1065 = tpu.vector_load_idx %arg5[%add3A_1064] : memref<25600xi32, #tpu.memory_space<vmem>>[vector<16xi32>], vector<16xi32>,
      %add3A_1066 = vector.broadcast %add3A_1062 : i32 to vector<16xi32>
      %add3A_1067 = arith.addi %mul3A_14, %add3A_1066 : vector<16xi32>
      %gather3A_1068 = tpu.vector_load_idx %arg5[%add3A_1067] : memref<25600xi32, #tpu.memory_space<vmem>>[vector<16xi32>], vector<16xi32>,
      %add3A_1069 = vector.broadcast %add3A_1062 : i32 to vector<16xi32>
      %add3A_1070 = arith.addi %mul3A_20, %add3A_1069 : vector<16xi32>
      %gather3A_1071 = tpu.vector_load_idx %arg5[%add3A_1070] : memref<25600xi32, #tpu.memory_space<vmem>>[vector<16xi32>], vector<16xi32>,
      %add3A_1072 = vector.broadcast %add3A_1062 : i32 to vector<16xi32>
      %add3A_1073 = arith.addi %mul3A_26, %add3A_1072 : vector<16xi32>
      %gather3A_1074 = tpu.vector_load_idx %arg5[%add3A_1073] : memref<25600xi32, #tpu.memory_space<vmem>>[vector<16xi32>], vector<16xi32>,
      %add3A_1075 = vector.broadcast %add3A_1062 : i32 to vector<16xi32>
      %add3A_1076 = arith.addi %mul3A_32, %add3A_1075 : vector<16xi32>
      %gather3A_1077 = tpu.vector_load_idx %arg5[%add3A_1076] : memref<25600xi32, #tpu.memory_space<vmem>>[vector<16xi32>], vector<16xi32>,
      %add3A_1078 = vector.broadcast %add3A_1062 : i32 to vector<16xi32>
      %add3A_1079 = arith.addi %mul3A_38, %add3A_1078 : vector<16xi32>
      %gather3A_1080 = tpu.vector_load_idx %arg5[%add3A_1079] : memref<25600xi32, #tpu.memory_space<vmem>>[vector<16xi32>], vector<16xi32>,
      %add3A_1081 = vector.broadcast %add3A_1062 : i32 to vector<16xi32>
      %add3A_1082 = arith.addi %mul3A_44, %add3A_1081 : vector<16xi32>
      %gather3A_1083 = tpu.vector_load_idx %arg5[%add3A_1082] : memref<25600xi32, #tpu.memory_space<vmem>>[vector<16xi32>], vector<16xi32>,
      %add3A_1084 = vector.broadcast %add3A_1062 : i32 to vector<16xi32>
      %add3A_1085 = arith.addi %mul3A_50, %add3A_1084 : vector<16xi32>
      %gather3A_1086 = tpu.vector_load_idx %arg5[%add3A_1085] : memref<25600xi32, #tpu.memory_space<vmem>>[vector<16xi32>], vector<16xi32>,
      %add3A_1087 = vector.broadcast %add3A_1062 : i32 to vector<16xi32>
      %add3A_1088 = arith.addi %mul3A_8, %add3A_1087 : vector<16xi32>
      %add3A_1089 = arith.constant 1 : i32
      %add3A_1090 = vector.broadcast %add3A_1089 : i32 to vector<16xi32>
      %add3A_1091 = arith.addi %add3A_1088, %add3A_1090 : vector<16xi32>
      %gather3A_1092 = tpu.vector_load_idx %arg5[%add3A_1091] : memref<25600xi32, #tpu.memory_space<vmem>>[vector<16xi32>], vector<16xi32>,
      %add3A_1093 = vector.broadcast %add3A_1062 : i32 to vector<16xi32>
      %add3A_1094 = arith.addi %mul3A_14, %add3A_1093 : vector<16xi32>
      %add3A_1095 = arith.constant 1 : i32
      %add3A_1096 = vector.broadcast %add3A_1095 : i32 to vector<16xi32>
      %add3A_1097 = arith.addi %add3A_1094, %add3A_1096 : vector<16xi32>
      %gather3A_1098 = tpu.vector_load_idx %arg5[%add3A_1097] : memref<25600xi32, #tpu.memory_space<vmem>>[vector<16xi32>], vector<16xi32>,
      %add3A_1099 = vector.broadcast %add3A_1062 : i32 to vector<16xi32>
      %add3A_1100 = arith.addi %mul3A_20, %add3A_1099 : vector<16xi32>
      %add3A_1101 = arith.constant 1 : i32
      %add3A_1102 = vector.broadcast %add3A_1101 : i32 to vector<16xi32>
      %add3A_1103 = arith.addi %add3A_1100, %add3A_1102 : vector<16xi32>
      %gather3A_1104 = tpu.vector_load_idx %arg5[%add3A_1103] : memref<25600xi32, #tpu.memory_space<vmem>>[vector<16xi32>], vector<16xi32>,
      %add3A_1105 = vector.broadcast %add3A_1062 : i32 to vector<16xi32>
      %add3A_1106 = arith.addi %mul3A_26, %add3A_1105 : vector<16xi32>
      %add3A_1107 = arith.constant 1 : i32
      %add3A_1108 = vector.broadcast %add3A_1107 : i32 to vector<16xi32>
      %add3A_1109 = arith.addi %add3A_1106, %add3A_1108 : vector<16xi32>
      %gather3A_1110 = tpu.vector_load_idx %arg5[%add3A_1109] : memref<25600xi32, #tpu.memory_space<vmem>>[vector<16xi32>], vector<16xi32>,
      %add3A_1111 = vector.broadcast %add3A_1062 : i32 to vector<16xi32>
      %add3A_1112 = arith.addi %mul3A_32, %add3A_1111 : vector<16xi32>
      %add3A_1113 = arith.constant 1 : i32
      %add3A_1114 = vector.broadcast %add3A_1113 : i32 to vector<16xi32>
      %add3A_1115 = arith.addi %add3A_1112, %add3A_1114 : vector<16xi32>
      %gather3A_1116 = tpu.vector_load_idx %arg5[%add3A_1115] : memref<25600xi32, #tpu.memory_space<vmem>>[vector<16xi32>], vector<16xi32>,
      %add3A_1117 = vector.broadcast %add3A_1062 : i32 to vector<16xi32>
      %add3A_1118 = arith.addi %mul3A_38, %add3A_1117 : vector<16xi32>
      %add3A_1119 = arith.constant 1 : i32
      %add3A_1120 = vector.broadcast %add3A_1119 : i32 to vector<16xi32>
      %add3A_1121 = arith.addi %add3A_1118, %add3A_1120 : vector<16xi32>
      %gather3A_1122 = tpu.vector_load_idx %arg5[%add3A_1121] : memref<25600xi32, #tpu.memory_space<vmem>>[vector<16xi32>], vector<16xi32>,
      %add3A_1123 = vector.broadcast %add3A_1062 : i32 to vector<16xi32>
      %add3A_1124 = arith.addi %mul3A_44, %add3A_1123 : vector<16xi32>
      %add3A_1125 = arith.constant 1 : i32
      %add3A_1126 = vector.broadcast %add3A_1125 : i32 to vector<16xi32>
      %add3A_1127 = arith.addi %add3A_1124, %add3A_1126 : vector<16xi32>
      %gather3A_1128 = tpu.vector_load_idx %arg5[%add3A_1127] : memref<25600xi32, #tpu.memory_space<vmem>>[vector<16xi32>], vector<16xi32>,
      %add3A_1129 = vector.broadcast %add3A_1062 : i32 to vector<16xi32>
      %add3A_1130 = arith.addi %mul3A_50, %add3A_1129 : vector<16xi32>
      %add3A_1131 = arith.constant 1 : i32
      %add3A_1132 = vector.broadcast %add3A_1131 : i32 to vector<16xi32>
      %add3A_1133 = arith.addi %add3A_1130, %add3A_1132 : vector<16xi32>
      %gather3A_1134 = tpu.vector_load_idx %arg5[%add3A_1133] : memref<25600xi32, #tpu.memory_space<vmem>>[vector<16xi32>], vector<16xi32>,
      %and3A_1135 = arith.constant 1 : i32
      %and3A_1136 = vector.broadcast %and3A_1135 : i32 to vector<16xi32>
      %and3A_1137 = arith.andi %gather3A_1065, %and3A_1136 : vector<16xi32>
      %mul3A_1138 = arith.constant 64 : i32
      %mul3A_1139 = vector.broadcast %mul3A_1138 : i32 to vector<16xi32>
      %mul3A_1140 = arith.muli %and3A_1137, %mul3A_1139 : vector<16xi32>
      %and3A_1141 = arith.constant 1 : i32
      %and3A_1142 = vector.broadcast %and3A_1141 : i32 to vector<16xi32>
      %and3A_1143 = arith.andi %gather3A_1068, %and3A_1142 : vector<16xi32>
      %mul3A_1144 = arith.constant 64 : i32
      %mul3A_1145 = vector.broadcast %mul3A_1144 : i32 to vector<16xi32>
      %mul3A_1146 = arith.muli %and3A_1143, %mul3A_1145 : vector<16xi32>
      %and3A_1147 = arith.constant 1 : i32
      %and3A_1148 = vector.broadcast %and3A_1147 : i32 to vector<16xi32>
      %and3A_1149 = arith.andi %gather3A_1071, %and3A_1148 : vector<16xi32>
      %mul3A_1150 = arith.constant 64 : i32
      %mul3A_1151 = vector.broadcast %mul3A_1150 : i32 to vector<16xi32>
      %mul3A_1152 = arith.muli %and3A_1149, %mul3A_1151 : vector<16xi32>
      %and3A_1153 = arith.constant 1 : i32
      %and3A_1154 = vector.broadcast %and3A_1153 : i32 to vector<16xi32>
      %and3A_1155 = arith.andi %gather3A_1074, %and3A_1154 : vector<16xi32>
      %mul3A_1156 = arith.constant 64 : i32
      %mul3A_1157 = vector.broadcast %mul3A_1156 : i32 to vector<16xi32>
      %mul3A_1158 = arith.muli %and3A_1155, %mul3A_1157 : vector<16xi32>
      %and3A_1159 = arith.constant 1 : i32
      %and3A_1160 = vector.broadcast %and3A_1159 : i32 to vector<16xi32>
      %and3A_1161 = arith.andi %gather3A_1077, %and3A_1160 : vector<16xi32>
      %mul3A_1162 = arith.constant 64 : i32
      %mul3A_1163 = vector.broadcast %mul3A_1162 : i32 to vector<16xi32>
      %mul3A_1164 = arith.muli %and3A_1161, %mul3A_1163 : vector<16xi32>
      %and3A_1165 = arith.constant 1 : i32
      %and3A_1166 = vector.broadcast %and3A_1165 : i32 to vector<16xi32>
      %and3A_1167 = arith.andi %gather3A_1080, %and3A_1166 : vector<16xi32>
      %mul3A_1168 = arith.constant 64 : i32
      %mul3A_1169 = vector.broadcast %mul3A_1168 : i32 to vector<16xi32>
      %mul3A_1170 = arith.muli %and3A_1167, %mul3A_1169 : vector<16xi32>
      %and3A_1171 = arith.constant 1 : i32
      %and3A_1172 = vector.broadcast %and3A_1171 : i32 to vector<16xi32>
      %and3A_1173 = arith.andi %gather3A_1083, %and3A_1172 : vector<16xi32>
      %mul3A_1174 = arith.constant 64 : i32
      %mul3A_1175 = vector.broadcast %mul3A_1174 : i32 to vector<16xi32>
      %mul3A_1176 = arith.muli %and3A_1173, %mul3A_1175 : vector<16xi32>
      %and3A_1177 = arith.constant 1 : i32
      %and3A_1178 = vector.broadcast %and3A_1177 : i32 to vector<16xi32>
      %and3A_1179 = arith.andi %gather3A_1086, %and3A_1178 : vector<16xi32>
      %mul3A_1180 = arith.constant 64 : i32
      %mul3A_1181 = vector.broadcast %mul3A_1180 : i32 to vector<16xi32>
      %mul3A_1182 = arith.muli %and3A_1179, %mul3A_1181 : vector<16xi32>
      %and3A_1183 = arith.constant 1 : i32
      %and3A_1184 = vector.broadcast %and3A_1183 : i32 to vector<16xi32>
      %and3A_1185 = arith.andi %gather3A_1092, %and3A_1184 : vector<16xi32>
      %mul3A_1186 = arith.constant 64 : i32
      %mul3A_1187 = vector.broadcast %mul3A_1186 : i32 to vector<16xi32>
      %mul3A_1188 = arith.muli %and3A_1185, %mul3A_1187 : vector<16xi32>
      %and3A_1189 = arith.constant 1 : i32
      %and3A_1190 = vector.broadcast %and3A_1189 : i32 to vector<16xi32>
      %and3A_1191 = arith.andi %gather3A_1098, %and3A_1190 : vector<16xi32>
      %mul3A_1192 = arith.constant 64 : i32
      %mul3A_1193 = vector.broadcast %mul3A_1192 : i32 to vector<16xi32>
      %mul3A_1194 = arith.muli %and3A_1191, %mul3A_1193 : vector<16xi32>
      %and3A_1195 = arith.constant 1 : i32
      %and3A_1196 = vector.broadcast %and3A_1195 : i32 to vector<16xi32>
      %and3A_1197 = arith.andi %gather3A_1104, %and3A_1196 : vector<16xi32>
      %mul3A_1198 = arith.constant 64 : i32
      %mul3A_1199 = vector.broadcast %mul3A_1198 : i32 to vector<16xi32>
      %mul3A_1200 = arith.muli %and3A_1197, %mul3A_1199 : vector<16xi32>
      %and3A_1201 = arith.constant 1 : i32
      %and3A_1202 = vector.broadcast %and3A_1201 : i32 to vector<16xi32>
      %and3A_1203 = arith.andi %gather3A_1110, %and3A_1202 : vector<16xi32>
      %mul3A_1204 = arith.constant 64 : i32
      %mul3A_1205 = vector.broadcast %mul3A_1204 : i32 to vector<16xi32>
      %mul3A_1206 = arith.muli %and3A_1203, %mul3A_1205 : vector<16xi32>
      %and3A_1207 = arith.constant 1 : i32
      %and3A_1208 = vector.broadcast %and3A_1207 : i32 to vector<16xi32>
      %and3A_1209 = arith.andi %gather3A_1116, %and3A_1208 : vector<16xi32>
      %mul3A_1210 = arith.constant 64 : i32
      %mul3A_1211 = vector.broadcast %mul3A_1210 : i32 to vector<16xi32>
      %mul3A_1212 = arith.muli %and3A_1209, %mul3A_1211 : vector<16xi32>
      %and3A_1213 = arith.constant 1 : i32
      %and3A_1214 = vector.broadcast %and3A_1213 : i32 to vector<16xi32>
      %and3A_1215 = arith.andi %gather3A_1122, %and3A_1214 : vector<16xi32>
      %mul3A_1216 = arith.constant 64 : i32
      %mul3A_1217 = vector.broadcast %mul3A_1216 : i32 to vector<16xi32>
      %mul3A_1218 = arith.muli %and3A_1215, %mul3A_1217 : vector<16xi32>
      %and3A_1219 = arith.constant 1 : i32
      %and3A_1220 = vector.broadcast %and3A_1219 : i32 to vector<16xi32>
      %and3A_1221 = arith.andi %gather3A_1128, %and3A_1220 : vector<16xi32>
      %mul3A_1222 = arith.constant 64 : i32
      %mul3A_1223 = vector.broadcast %mul3A_1222 : i32 to vector<16xi32>
      %mul3A_1224 = arith.muli %and3A_1221, %mul3A_1223 : vector<16xi32>
      %and3A_1225 = arith.constant 1 : i32
      %and3A_1226 = vector.broadcast %and3A_1225 : i32 to vector<16xi32>
      %and3A_1227 = arith.andi %gather3A_1134, %and3A_1226 : vector<16xi32>
      %mul3A_1228 = arith.constant 64 : i32
      %mul3A_1229 = vector.broadcast %mul3A_1228 : i32 to vector<16xi32>
      %mul3A_1230 = arith.muli %and3A_1227, %mul3A_1229 : vector<16xi32>
      %parallel_loop3A_1231 = arith.constant 0 : i32
      %parallel_loop3A_1232 = arith.constant 64 : i32
      %parallel_loop3A_1233 = arith.constant 1 : i32
      scf.for %parallel_loop3A_1625 = %parallel_loop3A_1231 to %parallel_loop3A_1232 step %parallel_loop3A_1233  : i32 {
        %parallel_loop3A_1626 = vector.broadcast %parallel_loop3A_1625 : i32 to vector<16xi32>
        %parallel_loop3A_1627 = arith.addi %mul3A_1140, %parallel_loop3A_1626 : vector<16xi32>
        %parallel_loop3A_1628 = tpu.vector_load_idx %arg9[%add3A_53, %parallel_loop3A_1627] : memref<256x128xf32, #tpu.memory_space<vmem>>[vector<16xi32>, vector<16xi32>], vector<16xf32>,
        %parallel_loop3A_1629 = arith.constant 0 : i32
        %parallel_loop3A_1630 = arith.index_cast %parallel_loop3A_1629 : i32 to index
        %parallel_loop3A_1631 = arith.index_cast %parallel_loop3A_1625 : i32 to index
        %parallel_loop3A_1632 = arith.constant 0 : index
        %parallel_loop3A_1633 = tpu.vector_load %arg11[%parallel_loop3A_1630, %parallel_loop3A_1631, %parallel_loop3A_1632] {strides = array<i32>} : memref<2x64x128xf32, #tpu.memory_space<vmem>>, vector<16xf32>,
        tpu.vector_store %arg11[%parallel_loop3A_1630, %parallel_loop3A_1631, %parallel_loop3A_1632], %parallel_loop3A_1628 {strides = array<i32>} : memref<2x64x128xf32, #tpu.memory_space<vmem>>, vector<16xf32>,
        %parallel_loop3A_1634 = vector.broadcast %parallel_loop3A_1625 : i32 to vector<16xi32>
        %parallel_loop3A_1635 = arith.addi %mul3A_1188, %parallel_loop3A_1634 : vector<16xi32>
        %parallel_loop3A_1636 = tpu.vector_load_idx %arg9[%add3A_80, %parallel_loop3A_1635] : memref<256x128xf32, #tpu.memory_space<vmem>>[vector<16xi32>, vector<16xi32>], vector<16xf32>,
        %parallel_loop3A_1637 = arith.constant 1 : i32
        %parallel_loop3A_1638 = arith.index_cast %parallel_loop3A_1637 : i32 to index
        %parallel_loop3A_1639 = arith.index_cast %parallel_loop3A_1625 : i32 to index
        %parallel_loop3A_1640 = arith.constant 0 : index
        %parallel_loop3A_1641 = tpu.vector_load %arg11[%parallel_loop3A_1638, %parallel_loop3A_1639, %parallel_loop3A_1640] {strides = array<i32>} : memref<2x64x128xf32, #tpu.memory_space<vmem>>, vector<16xf32>,
        tpu.vector_store %arg11[%parallel_loop3A_1638, %parallel_loop3A_1639, %parallel_loop3A_1640], %parallel_loop3A_1636 {strides = array<i32>} : memref<2x64x128xf32, #tpu.memory_space<vmem>>, vector<16xf32>,
        %parallel_loop3A_1642 = vector.broadcast %parallel_loop3A_1625 : i32 to vector<16xi32>
        %parallel_loop3A_1643 = arith.addi %mul3A_1146, %parallel_loop3A_1642 : vector<16xi32>
        %parallel_loop3A_1644 = tpu.vector_load_idx %arg9[%add3A_56, %parallel_loop3A_1643] : memref<256x128xf32, #tpu.memory_space<vmem>>[vector<16xi32>, vector<16xi32>], vector<16xf32>,
        %parallel_loop3A_1645 = arith.constant 0 : i32
        %parallel_loop3A_1646 = arith.index_cast %parallel_loop3A_1645 : i32 to index
        %parallel_loop3A_1647 = arith.index_cast %parallel_loop3A_1625 : i32 to index
        %parallel_loop3A_1648 = arith.constant 16 : index
        %parallel_loop3A_1649 = tpu.vector_load %arg11[%parallel_loop3A_1646, %parallel_loop3A_1647, %parallel_loop3A_1648] {strides = array<i32>} : memref<2x64x128xf32, #tpu.memory_space<vmem>>, vector<16xf32>,
        tpu.vector_store %arg11[%parallel_loop3A_1646, %parallel_loop3A_1647, %parallel_loop3A_1648], %parallel_loop3A_1644 {strides = array<i32>} : memref<2x64x128xf32, #tpu.memory_space<vmem>>, vector<16xf32>,
        %parallel_loop3A_1650 = vector.broadcast %parallel_loop3A_1625 : i32 to vector<16xi32>
        %parallel_loop3A_1651 = arith.addi %mul3A_1194, %parallel_loop3A_1650 : vector<16xi32>
        %parallel_loop3A_1652 = tpu.vector_load_idx %arg9[%add3A_86, %parallel_loop3A_1651] : memref<256x128xf32, #tpu.memory_space<vmem>>[vector<16xi32>, vector<16xi32>], vector<16xf32>,
        %parallel_loop3A_1653 = arith.constant 1 : i32
        %parallel_loop3A_1654 = arith.index_cast %parallel_loop3A_1653 : i32 to index
        %parallel_loop3A_1655 = arith.index_cast %parallel_loop3A_1625 : i32 to index
        %parallel_loop3A_1656 = arith.constant 16 : index
        %parallel_loop3A_1657 = tpu.vector_load %arg11[%parallel_loop3A_1654, %parallel_loop3A_1655, %parallel_loop3A_1656] {strides = array<i32>} : memref<2x64x128xf32, #tpu.memory_space<vmem>>, vector<16xf32>,
        tpu.vector_store %arg11[%parallel_loop3A_1654, %parallel_loop3A_1655, %parallel_loop3A_1656], %parallel_loop3A_1652 {strides = array<i32>} : memref<2x64x128xf32, #tpu.memory_space<vmem>>, vector<16xf32>,
        %parallel_loop3A_1658 = vector.broadcast %parallel_loop3A_1625 : i32 to vector<16xi32>
        %parallel_loop3A_1659 = arith.addi %mul3A_1152, %parallel_loop3A_1658 : vector<16xi32>
        %parallel_loop3A_1660 = tpu.vector_load_idx %arg9[%add3A_59, %parallel_loop3A_1659] : memref<256x128xf32, #tpu.memory_space<vmem>>[vector<16xi32>, vector<16xi32>], vector<16xf32>,
        %parallel_loop3A_1661 = arith.constant 0 : i32
        %parallel_loop3A_1662 = arith.index_cast %parallel_loop3A_1661 : i32 to index
        %parallel_loop3A_1663 = arith.index_cast %parallel_loop3A_1625 : i32 to index
        %parallel_loop3A_1664 = arith.constant 32 : index
        %parallel_loop3A_1665 = tpu.vector_load %arg11[%parallel_loop3A_1662, %parallel_loop3A_1663, %parallel_loop3A_1664] {strides = array<i32>} : memref<2x64x128xf32, #tpu.memory_space<vmem>>, vector<16xf32>,
        tpu.vector_store %arg11[%parallel_loop3A_1662, %parallel_loop3A_1663, %parallel_loop3A_1664], %parallel_loop3A_1660 {strides = array<i32>} : memref<2x64x128xf32, #tpu.memory_space<vmem>>, vector<16xf32>,
        %parallel_loop3A_1666 = vector.broadcast %parallel_loop3A_1625 : i32 to vector<16xi32>
        %parallel_loop3A_1667 = arith.addi %mul3A_1200, %parallel_loop3A_1666 : vector<16xi32>
        %parallel_loop3A_1668 = tpu.vector_load_idx %arg9[%add3A_92, %parallel_loop3A_1667] : memref<256x128xf32, #tpu.memory_space<vmem>>[vector<16xi32>, vector<16xi32>], vector<16xf32>,
        %parallel_loop3A_1669 = arith.constant 1 : i32
        %parallel_loop3A_1670 = arith.index_cast %parallel_loop3A_1669 : i32 to index
        %parallel_loop3A_1671 = arith.index_cast %parallel_loop3A_1625 : i32 to index
        %parallel_loop3A_1672 = arith.constant 32 : index
        %parallel_loop3A_1673 = tpu.vector_load %arg11[%parallel_loop3A_1670, %parallel_loop3A_1671, %parallel_loop3A_1672] {strides = array<i32>} : memref<2x64x128xf32, #tpu.memory_space<vmem>>, vector<16xf32>,
        tpu.vector_store %arg11[%parallel_loop3A_1670, %parallel_loop3A_1671, %parallel_loop3A_1672], %parallel_loop3A_1668 {strides = array<i32>} : memref<2x64x128xf32, #tpu.memory_space<vmem>>, vector<16xf32>,
        %parallel_loop3A_1674 = vector.broadcast %parallel_loop3A_1625 : i32 to vector<16xi32>
        %parallel_loop3A_1675 = arith.addi %mul3A_1158, %parallel_loop3A_1674 : vector<16xi32>
        %parallel_loop3A_1676 = tpu.vector_load_idx %arg9[%add3A_62, %parallel_loop3A_1675] : memref<256x128xf32, #tpu.memory_space<vmem>>[vector<16xi32>, vector<16xi32>], vector<16xf32>,
        %parallel_loop3A_1677 = arith.constant 0 : i32
        %parallel_loop3A_1678 = arith.index_cast %parallel_loop3A_1677 : i32 to index
        %parallel_loop3A_1679 = arith.index_cast %parallel_loop3A_1625 : i32 to index
        %parallel_loop3A_1680 = arith.constant 48 : index
        %parallel_loop3A_1681 = tpu.vector_load %arg11[%parallel_loop3A_1678, %parallel_loop3A_1679, %parallel_loop3A_1680] {strides = array<i32>} : memref<2x64x128xf32, #tpu.memory_space<vmem>>, vector<16xf32>,
        tpu.vector_store %arg11[%parallel_loop3A_1678, %parallel_loop3A_1679, %parallel_loop3A_1680], %parallel_loop3A_1676 {strides = array<i32>} : memref<2x64x128xf32, #tpu.memory_space<vmem>>, vector<16xf32>,
        %parallel_loop3A_1682 = vector.broadcast %parallel_loop3A_1625 : i32 to vector<16xi32>
        %parallel_loop3A_1683 = arith.addi %mul3A_1206, %parallel_loop3A_1682 : vector<16xi32>
        %parallel_loop3A_1684 = tpu.vector_load_idx %arg9[%add3A_98, %parallel_loop3A_1683] : memref<256x128xf32, #tpu.memory_space<vmem>>[vector<16xi32>, vector<16xi32>], vector<16xf32>,
        %parallel_loop3A_1685 = arith.constant 1 : i32
        %parallel_loop3A_1686 = arith.index_cast %parallel_loop3A_1685 : i32 to index
        %parallel_loop3A_1687 = arith.index_cast %parallel_loop3A_1625 : i32 to index
        %parallel_loop3A_1688 = arith.constant 48 : index
        %parallel_loop3A_1689 = tpu.vector_load %arg11[%parallel_loop3A_1686, %parallel_loop3A_1687, %parallel_loop3A_1688] {strides = array<i32>} : memref<2x64x128xf32, #tpu.memory_space<vmem>>, vector<16xf32>,
        tpu.vector_store %arg11[%parallel_loop3A_1686, %parallel_loop3A_1687, %parallel_loop3A_1688], %parallel_loop3A_1684 {strides = array<i32>} : memref<2x64x128xf32, #tpu.memory_space<vmem>>, vector<16xf32>,
        %parallel_loop3A_1690 = vector.broadcast %parallel_loop3A_1625 : i32 to vector<16xi32>
        %parallel_loop3A_1691 = arith.addi %mul3A_1164, %parallel_loop3A_1690 : vector<16xi32>
        %parallel_loop3A_1692 = tpu.vector_load_idx %arg9[%add3A_65, %parallel_loop3A_1691] : memref<256x128xf32, #tpu.memory_space<vmem>>[vector<16xi32>, vector<16xi32>], vector<16xf32>,
        %parallel_loop3A_1693 = arith.constant 0 : i32
        %parallel_loop3A_1694 = arith.index_cast %parallel_loop3A_1693 : i32 to index
        %parallel_loop3A_1695 = arith.index_cast %parallel_loop3A_1625 : i32 to index
        %parallel_loop3A_1696 = arith.constant 64 : index
        %parallel_loop3A_1697 = tpu.vector_load %arg11[%parallel_loop3A_1694, %parallel_loop3A_1695, %parallel_loop3A_1696] {strides = array<i32>} : memref<2x64x128xf32, #tpu.memory_space<vmem>>, vector<16xf32>,
        tpu.vector_store %arg11[%parallel_loop3A_1694, %parallel_loop3A_1695, %parallel_loop3A_1696], %parallel_loop3A_1692 {strides = array<i32>} : memref<2x64x128xf32, #tpu.memory_space<vmem>>, vector<16xf32>,
        %parallel_loop3A_1698 = vector.broadcast %parallel_loop3A_1625 : i32 to vector<16xi32>
        %parallel_loop3A_1699 = arith.addi %mul3A_1212, %parallel_loop3A_1698 : vector<16xi32>
        %parallel_loop3A_1700 = tpu.vector_load_idx %arg9[%add3A_104, %parallel_loop3A_1699] : memref<256x128xf32, #tpu.memory_space<vmem>>[vector<16xi32>, vector<16xi32>], vector<16xf32>,
        %parallel_loop3A_1701 = arith.constant 1 : i32
        %parallel_loop3A_1702 = arith.index_cast %parallel_loop3A_1701 : i32 to index
        %parallel_loop3A_1703 = arith.index_cast %parallel_loop3A_1625 : i32 to index
        %parallel_loop3A_1704 = arith.constant 64 : index
        %parallel_loop3A_1705 = tpu.vector_load %arg11[%parallel_loop3A_1702, %parallel_loop3A_1703, %parallel_loop3A_1704] {strides = array<i32>} : memref<2x64x128xf32, #tpu.memory_space<vmem>>, vector<16xf32>,
        tpu.vector_store %arg11[%parallel_loop3A_1702, %parallel_loop3A_1703, %parallel_loop3A_1704], %parallel_loop3A_1700 {strides = array<i32>} : memref<2x64x128xf32, #tpu.memory_space<vmem>>, vector<16xf32>,
        %parallel_loop3A_1706 = vector.broadcast %parallel_loop3A_1625 : i32 to vector<16xi32>
        %parallel_loop3A_1707 = arith.addi %mul3A_1170, %parallel_loop3A_1706 : vector<16xi32>
        %parallel_loop3A_1708 = tpu.vector_load_idx %arg9[%add3A_68, %parallel_loop3A_1707] : memref<256x128xf32, #tpu.memory_space<vmem>>[vector<16xi32>, vector<16xi32>], vector<16xf32>,
        %parallel_loop3A_1709 = arith.constant 0 : i32
        %parallel_loop3A_1710 = arith.index_cast %parallel_loop3A_1709 : i32 to index
        %parallel_loop3A_1711 = arith.index_cast %parallel_loop3A_1625 : i32 to index
        %parallel_loop3A_1712 = arith.constant 80 : index
        %parallel_loop3A_1713 = tpu.vector_load %arg11[%parallel_loop3A_1710, %parallel_loop3A_1711, %parallel_loop3A_1712] {strides = array<i32>} : memref<2x64x128xf32, #tpu.memory_space<vmem>>, vector<16xf32>,
        tpu.vector_store %arg11[%parallel_loop3A_1710, %parallel_loop3A_1711, %parallel_loop3A_1712], %parallel_loop3A_1708 {strides = array<i32>} : memref<2x64x128xf32, #tpu.memory_space<vmem>>, vector<16xf32>,
        %parallel_loop3A_1714 = vector.broadcast %parallel_loop3A_1625 : i32 to vector<16xi32>
        %parallel_loop3A_1715 = arith.addi %mul3A_1218, %parallel_loop3A_1714 : vector<16xi32>
        %parallel_loop3A_1716 = tpu.vector_load_idx %arg9[%add3A_110, %parallel_loop3A_1715] : memref<256x128xf32, #tpu.memory_space<vmem>>[vector<16xi32>, vector<16xi32>], vector<16xf32>,
        %parallel_loop3A_1717 = arith.constant 1 : i32
        %parallel_loop3A_1718 = arith.index_cast %parallel_loop3A_1717 : i32 to index
        %parallel_loop3A_1719 = arith.index_cast %parallel_loop3A_1625 : i32 to index
        %parallel_loop3A_1720 = arith.constant 80 : index
        %parallel_loop3A_1721 = tpu.vector_load %arg11[%parallel_loop3A_1718, %parallel_loop3A_1719, %parallel_loop3A_1720] {strides = array<i32>} : memref<2x64x128xf32, #tpu.memory_space<vmem>>, vector<16xf32>,
        tpu.vector_store %arg11[%parallel_loop3A_1718, %parallel_loop3A_1719, %parallel_loop3A_1720], %parallel_loop3A_1716 {strides = array<i32>} : memref<2x64x128xf32, #tpu.memory_space<vmem>>, vector<16xf32>,
        %parallel_loop3A_1722 = vector.broadcast %parallel_loop3A_1625 : i32 to vector<16xi32>
        %parallel_loop3A_1723 = arith.addi %mul3A_1176, %parallel_loop3A_1722 : vector<16xi32>
        %parallel_loop3A_1724 = tpu.vector_load_idx %arg9[%add3A_71, %parallel_loop3A_1723] : memref<256x128xf32, #tpu.memory_space<vmem>>[vector<16xi32>, vector<16xi32>], vector<16xf32>,
        %parallel_loop3A_1725 = arith.constant 0 : i32
        %parallel_loop3A_1726 = arith.index_cast %parallel_loop3A_1725 : i32 to index
        %parallel_loop3A_1727 = arith.index_cast %parallel_loop3A_1625 : i32 to index
        %parallel_loop3A_1728 = arith.constant 96 : index
        %parallel_loop3A_1729 = tpu.vector_load %arg11[%parallel_loop3A_1726, %parallel_loop3A_1727, %parallel_loop3A_1728] {strides = array<i32>} : memref<2x64x128xf32, #tpu.memory_space<vmem>>, vector<16xf32>,
        tpu.vector_store %arg11[%parallel_loop3A_1726, %parallel_loop3A_1727, %parallel_loop3A_1728], %parallel_loop3A_1724 {strides = array<i32>} : memref<2x64x128xf32, #tpu.memory_space<vmem>>, vector<16xf32>,
        %parallel_loop3A_1730 = vector.broadcast %parallel_loop3A_1625 : i32 to vector<16xi32>
        %parallel_loop3A_1731 = arith.addi %mul3A_1224, %parallel_loop3A_1730 : vector<16xi32>
        %parallel_loop3A_1732 = tpu.vector_load_idx %arg9[%add3A_116, %parallel_loop3A_1731] : memref<256x128xf32, #tpu.memory_space<vmem>>[vector<16xi32>, vector<16xi32>], vector<16xf32>,
        %parallel_loop3A_1733 = arith.constant 1 : i32
        %parallel_loop3A_1734 = arith.index_cast %parallel_loop3A_1733 : i32 to index
        %parallel_loop3A_1735 = arith.index_cast %parallel_loop3A_1625 : i32 to index
        %parallel_loop3A_1736 = arith.constant 96 : index
        %parallel_loop3A_1737 = tpu.vector_load %arg11[%parallel_loop3A_1734, %parallel_loop3A_1735, %parallel_loop3A_1736] {strides = array<i32>} : memref<2x64x128xf32, #tpu.memory_space<vmem>>, vector<16xf32>,
        tpu.vector_store %arg11[%parallel_loop3A_1734, %parallel_loop3A_1735, %parallel_loop3A_1736], %parallel_loop3A_1732 {strides = array<i32>} : memref<2x64x128xf32, #tpu.memory_space<vmem>>, vector<16xf32>,
        %parallel_loop3A_1738 = vector.broadcast %parallel_loop3A_1625 : i32 to vector<16xi32>
        %parallel_loop3A_1739 = arith.addi %mul3A_1182, %parallel_loop3A_1738 : vector<16xi32>
        %parallel_loop3A_1740 = tpu.vector_load_idx %arg9[%add3A_74, %parallel_loop3A_1739] : memref<256x128xf32, #tpu.memory_space<vmem>>[vector<16xi32>, vector<16xi32>], vector<16xf32>,
        %parallel_loop3A_1741 = arith.constant 0 : i32
        %parallel_loop3A_1742 = arith.index_cast %parallel_loop3A_1741 : i32 to index
        %parallel_loop3A_1743 = arith.index_cast %parallel_loop3A_1625 : i32 to index
        %parallel_loop3A_1744 = arith.constant 112 : index
        %parallel_loop3A_1745 = tpu.vector_load %arg11[%parallel_loop3A_1742, %parallel_loop3A_1743, %parallel_loop3A_1744] {strides = array<i32>} : memref<2x64x128xf32, #tpu.memory_space<vmem>>, vector<16xf32>,
        tpu.vector_store %arg11[%parallel_loop3A_1742, %parallel_loop3A_1743, %parallel_loop3A_1744], %parallel_loop3A_1740 {strides = array<i32>} : memref<2x64x128xf32, #tpu.memory_space<vmem>>, vector<16xf32>,
        %parallel_loop3A_1746 = vector.broadcast %parallel_loop3A_1625 : i32 to vector<16xi32>
        %parallel_loop3A_1747 = arith.addi %mul3A_1230, %parallel_loop3A_1746 : vector<16xi32>
        %parallel_loop3A_1748 = tpu.vector_load_idx %arg9[%add3A_122, %parallel_loop3A_1747] : memref<256x128xf32, #tpu.memory_space<vmem>>[vector<16xi32>, vector<16xi32>], vector<16xf32>,
        %parallel_loop3A_1749 = arith.constant 1 : i32
        %parallel_loop3A_1750 = arith.index_cast %parallel_loop3A_1749 : i32 to index
        %parallel_loop3A_1751 = arith.index_cast %parallel_loop3A_1625 : i32 to index
        %parallel_loop3A_1752 = arith.constant 112 : index
        %parallel_loop3A_1753 = tpu.vector_load %arg11[%parallel_loop3A_1750, %parallel_loop3A_1751, %parallel_loop3A_1752] {strides = array<i32>} : memref<2x64x128xf32, #tpu.memory_space<vmem>>, vector<16xf32>,
        tpu.vector_store %arg11[%parallel_loop3A_1750, %parallel_loop3A_1751, %parallel_loop3A_1752], %parallel_loop3A_1748 {strides = array<i32>} : memref<2x64x128xf32, #tpu.memory_space<vmem>>, vector<16xf32>,
      } {sc.loop_unroll_factor = 4 : i64, sc.parallel_access}
      %rem3A_1234 = arith.constant 25 : i32
      %rem3A_1235 = arith.remsi %sub3A_882, %rem3A_1234 : i32
      %mul3A_1236 = arith.constant 2 : i32
      %mul3A_1237 = arith.muli %mul3A_1236, %rem3A_1235 : i32
      %div3A_1238 = arith.constant 25 : i32
      %div3A_1239 = arith.divsi %sub3A_882, %div3A_1238 : i32
      %mul3A_1240 = arith.constant 4 : i32
      %mul3A_1241 = arith.muli %add3A, %mul3A_1240 : i32
      %add3A_1242 = arith.addi %mul3A_1241, %div3A_1239 : i32
      %mul3A_1243 = arith.constant 128 : i32
      %mul3A_1244 = arith.muli %add3A_1242, %mul3A_1243 : i32
      %dma_start3A_1245 = arith.constant 0 : i32
      %dma_start3A_1246 = tpu.memref_slice %arg4[%mul3A_1237, %dma_start3A_1245, %mul3A_1244] : memref<50x64x16384xf32, #tpu.memory_space<hbm>> -> memref<2x64x128xf32, #tpu.memory_space<hbm>>
      %dma_start3A_1247 = arith.constant 0 : i32
      %dma_start3A_1248 = tpu.memref_slice %arg4[%mul3A_1237, %dma_start3A_1247, %mul3A_1244] : memref<50x64x16384xf32, #tpu.memory_space<hbm>> -> memref<2x64x128xf32, #tpu.memory_space<hbm>>
      tpu.enqueue_dma source(%arg11 : memref<2x64x128xf32, #tpu.memory_space<vmem>>) target(%dma_start3A_1248 : memref<2x64x128xf32, #tpu.memory_space<hbm>>) target_semaphore(%arg15 : memref<!tpu.dma_semaphore, #tpu.memory_space<semaphore_mem>>)
      %add3A_1249 = arith.constant 2 : i32
      %add3A_1250 = arith.addi %sub3A_882, %add3A_1249 : i32
      %rem3A_1251 = arith.constant 25 : i32
      %rem3A_1252 = arith.remsi %add3A_1250, %rem3A_1251 : i32
      %mul3A_1253 = arith.constant 2 : i32
      %mul3A_1254 = arith.muli %mul3A_1253, %rem3A_1252 : i32
      %div3A_1255 = arith.constant 25 : i32
      %div3A_1256 = arith.divsi %add3A_1250, %div3A_1255 : i32
      %mul3A_1257 = arith.constant 6400 : i32
      %mul3A_1258 = arith.muli %div3A_1256, %mul3A_1257 : i32
      %add3A_1259 = arith.addi %mul3A_1258, %mul3A_1254 : i32
      %add3A_1260 = vector.broadcast %add3A_1259 : i32 to vector<16xi32>
      %add3A_1261 = arith.addi %mul3A_8, %add3A_1260 : vector<16xi32>
      %gather3A_1262 = tpu.vector_load_idx %arg5[%add3A_1261] : memref<25600xi32, #tpu.memory_space<vmem>>[vector<16xi32>], vector<16xi32>,
      %add3A_1263 = vector.broadcast %add3A_1259 : i32 to vector<16xi32>
      %add3A_1264 = arith.addi %mul3A_14, %add3A_1263 : vector<16xi32>
      %gather3A_1265 = tpu.vector_load_idx %arg5[%add3A_1264] : memref<25600xi32, #tpu.memory_space<vmem>>[vector<16xi32>], vector<16xi32>,
      %add3A_1266 = vector.broadcast %add3A_1259 : i32 to vector<16xi32>
      %add3A_1267 = arith.addi %mul3A_20, %add3A_1266 : vector<16xi32>
      %gather3A_1268 = tpu.vector_load_idx %arg5[%add3A_1267] : memref<25600xi32, #tpu.memory_space<vmem>>[vector<16xi32>], vector<16xi32>,
      %add3A_1269 = vector.broadcast %add3A_1259 : i32 to vector<16xi32>
      %add3A_1270 = arith.addi %mul3A_26, %add3A_1269 : vector<16xi32>
      %gather3A_1271 = tpu.vector_load_idx %arg5[%add3A_1270] : memref<25600xi32, #tpu.memory_space<vmem>>[vector<16xi32>], vector<16xi32>,
      %add3A_1272 = vector.broadcast %add3A_1259 : i32 to vector<16xi32>
      %add3A_1273 = arith.addi %mul3A_32, %add3A_1272 : vector<16xi32>
      %gather3A_1274 = tpu.vector_load_idx %arg5[%add3A_1273] : memref<25600xi32, #tpu.memory_space<vmem>>[vector<16xi32>], vector<16xi32>,
      %add3A_1275 = vector.broadcast %add3A_1259 : i32 to vector<16xi32>
      %add3A_1276 = arith.addi %mul3A_38, %add3A_1275 : vector<16xi32>
      %gather3A_1277 = tpu.vector_load_idx %arg5[%add3A_1276] : memref<25600xi32, #tpu.memory_space<vmem>>[vector<16xi32>], vector<16xi32>,
      %add3A_1278 = vector.broadcast %add3A_1259 : i32 to vector<16xi32>
      %add3A_1279 = arith.addi %mul3A_44, %add3A_1278 : vector<16xi32>
      %gather3A_1280 = tpu.vector_load_idx %arg5[%add3A_1279] : memref<25600xi32, #tpu.memory_space<vmem>>[vector<16xi32>], vector<16xi32>,
      %add3A_1281 = vector.broadcast %add3A_1259 : i32 to vector<16xi32>
      %add3A_1282 = arith.addi %mul3A_50, %add3A_1281 : vector<16xi32>
      %gather3A_1283 = tpu.vector_load_idx %arg5[%add3A_1282] : memref<25600xi32, #tpu.memory_space<vmem>>[vector<16xi32>], vector<16xi32>,
      %add3A_1284 = vector.broadcast %add3A_1259 : i32 to vector<16xi32>
      %add3A_1285 = arith.addi %mul3A_8, %add3A_1284 : vector<16xi32>
      %add3A_1286 = arith.constant 1 : i32
      %add3A_1287 = vector.broadcast %add3A_1286 : i32 to vector<16xi32>
      %add3A_1288 = arith.addi %add3A_1285, %add3A_1287 : vector<16xi32>
      %gather3A_1289 = tpu.vector_load_idx %arg5[%add3A_1288] : memref<25600xi32, #tpu.memory_space<vmem>>[vector<16xi32>], vector<16xi32>,
      %add3A_1290 = vector.broadcast %add3A_1259 : i32 to vector<16xi32>
      %add3A_1291 = arith.addi %mul3A_14, %add3A_1290 : vector<16xi32>
      %add3A_1292 = arith.constant 1 : i32
      %add3A_1293 = vector.broadcast %add3A_1292 : i32 to vector<16xi32>
      %add3A_1294 = arith.addi %add3A_1291, %add3A_1293 : vector<16xi32>
      %gather3A_1295 = tpu.vector_load_idx %arg5[%add3A_1294] : memref<25600xi32, #tpu.memory_space<vmem>>[vector<16xi32>], vector<16xi32>,
      %add3A_1296 = vector.broadcast %add3A_1259 : i32 to vector<16xi32>
      %add3A_1297 = arith.addi %mul3A_20, %add3A_1296 : vector<16xi32>
      %add3A_1298 = arith.constant 1 : i32
      %add3A_1299 = vector.broadcast %add3A_1298 : i32 to vector<16xi32>
      %add3A_1300 = arith.addi %add3A_1297, %add3A_1299 : vector<16xi32>
      %gather3A_1301 = tpu.vector_load_idx %arg5[%add3A_1300] : memref<25600xi32, #tpu.memory_space<vmem>>[vector<16xi32>], vector<16xi32>,
      %add3A_1302 = vector.broadcast %add3A_1259 : i32 to vector<16xi32>
      %add3A_1303 = arith.addi %mul3A_26, %add3A_1302 : vector<16xi32>
      %add3A_1304 = arith.constant 1 : i32
      %add3A_1305 = vector.broadcast %add3A_1304 : i32 to vector<16xi32>
      %add3A_1306 = arith.addi %add3A_1303, %add3A_1305 : vector<16xi32>
      %gather3A_1307 = tpu.vector_load_idx %arg5[%add3A_1306] : memref<25600xi32, #tpu.memory_space<vmem>>[vector<16xi32>], vector<16xi32>,
      %add3A_1308 = vector.broadcast %add3A_1259 : i32 to vector<16xi32>
      %add3A_1309 = arith.addi %mul3A_32, %add3A_1308 : vector<16xi32>
      %add3A_1310 = arith.constant 1 : i32
      %add3A_1311 = vector.broadcast %add3A_1310 : i32 to vector<16xi32>
      %add3A_1312 = arith.addi %add3A_1309, %add3A_1311 : vector<16xi32>
      %gather3A_1313 = tpu.vector_load_idx %arg5[%add3A_1312] : memref<25600xi32, #tpu.memory_space<vmem>>[vector<16xi32>], vector<16xi32>,
      %add3A_1314 = vector.broadcast %add3A_1259 : i32 to vector<16xi32>
      %add3A_1315 = arith.addi %mul3A_38, %add3A_1314 : vector<16xi32>
      %add3A_1316 = arith.constant 1 : i32
      %add3A_1317 = vector.broadcast %add3A_1316 : i32 to vector<16xi32>
      %add3A_1318 = arith.addi %add3A_1315, %add3A_1317 : vector<16xi32>
      %gather3A_1319 = tpu.vector_load_idx %arg5[%add3A_1318] : memref<25600xi32, #tpu.memory_space<vmem>>[vector<16xi32>], vector<16xi32>,
      %add3A_1320 = vector.broadcast %add3A_1259 : i32 to vector<16xi32>
      %add3A_1321 = arith.addi %mul3A_44, %add3A_1320 : vector<16xi32>
      %add3A_1322 = arith.constant 1 : i32
      %add3A_1323 = vector.broadcast %add3A_1322 : i32 to vector<16xi32>
      %add3A_1324 = arith.addi %add3A_1321, %add3A_1323 : vector<16xi32>
      %gather3A_1325 = tpu.vector_load_idx %arg5[%add3A_1324] : memref<25600xi32, #tpu.memory_space<vmem>>[vector<16xi32>], vector<16xi32>,
      %add3A_1326 = vector.broadcast %add3A_1259 : i32 to vector<16xi32>
      %add3A_1327 = arith.addi %mul3A_50, %add3A_1326 : vector<16xi32>
      %add3A_1328 = arith.constant 1 : i32
      %add3A_1329 = vector.broadcast %add3A_1328 : i32 to vector<16xi32>
      %add3A_1330 = arith.addi %add3A_1327, %add3A_1329 : vector<16xi32>
      %gather3A_1331 = tpu.vector_load_idx %arg5[%add3A_1330] : memref<25600xi32, #tpu.memory_space<vmem>>[vector<16xi32>], vector<16xi32>,
      %shift_right_logical3A_1332 = arith.constant 1 : i32
      %shift_right_logical3A_1333 = vector.broadcast %shift_right_logical3A_1332 : i32 to vector<16xi32>
      %shift_right_logical3A_1334 = arith.shrui %gather3A_1262, %shift_right_logical3A_1333 : vector<16xi32>
      %swap3A_1335 = arith.constant 0 : index
      %swap3A_1336 = tpu.vector_load %arg7[%swap3A_1335] {strides = array<i32>} : memref<256xi32, #tpu.memory_space<vmem>>, vector<16xi32>,
      tpu.vector_store %arg7[%swap3A_1335], %shift_right_logical3A_1334 {strides = array<i32>} : memref<256xi32, #tpu.memory_space<vmem>>, vector<16xi32>,
      %shift_right_logical3A_1337 = arith.constant 1 : i32
      %shift_right_logical3A_1338 = vector.broadcast %shift_right_logical3A_1337 : i32 to vector<16xi32>
      %shift_right_logical3A_1339 = arith.shrui %gather3A_1289, %shift_right_logical3A_1338 : vector<16xi32>
      %swap3A_1340 = arith.constant 128 : index
      %swap3A_1341 = tpu.vector_load %arg7[%swap3A_1340] {strides = array<i32>} : memref<256xi32, #tpu.memory_space<vmem>>, vector<16xi32>,
      tpu.vector_store %arg7[%swap3A_1340], %shift_right_logical3A_1339 {strides = array<i32>} : memref<256xi32, #tpu.memory_space<vmem>>, vector<16xi32>,
      %shift_right_logical3A_1342 = arith.constant 1 : i32
      %shift_right_logical3A_1343 = vector.broadcast %shift_right_logical3A_1342 : i32 to vector<16xi32>
      %shift_right_logical3A_1344 = arith.shrui %gather3A_1265, %shift_right_logical3A_1343 : vector<16xi32>
      %swap3A_1345 = arith.constant 16 : index
      %swap3A_1346 = tpu.vector_load %arg7[%swap3A_1345] {strides = array<i32>} : memref<256xi32, #tpu.memory_space<vmem>>, vector<16xi32>,
      tpu.vector_store %arg7[%swap3A_1345], %shift_right_logical3A_1344 {strides = array<i32>} : memref<256xi32, #tpu.memory_space<vmem>>, vector<16xi32>,
      %shift_right_logical3A_1347 = arith.constant 1 : i32
      %shift_right_logical3A_1348 = vector.broadcast %shift_right_logical3A_1347 : i32 to vector<16xi32>
      %shift_right_logical3A_1349 = arith.shrui %gather3A_1295, %shift_right_logical3A_1348 : vector<16xi32>
      %swap3A_1350 = arith.constant 144 : index
      %swap3A_1351 = tpu.vector_load %arg7[%swap3A_1350] {strides = array<i32>} : memref<256xi32, #tpu.memory_space<vmem>>, vector<16xi32>,
      tpu.vector_store %arg7[%swap3A_1350], %shift_right_logical3A_1349 {strides = array<i32>} : memref<256xi32, #tpu.memory_space<vmem>>, vector<16xi32>,
      %shift_right_logical3A_1352 = arith.constant 1 : i32
      %shift_right_logical3A_1353 = vector.broadcast %shift_right_logical3A_1352 : i32 to vector<16xi32>
      %shift_right_logical3A_1354 = arith.shrui %gather3A_1268, %shift_right_logical3A_1353 : vector<16xi32>
      %swap3A_1355 = arith.constant 32 : index
      %swap3A_1356 = tpu.vector_load %arg7[%swap3A_1355] {strides = array<i32>} : memref<256xi32, #tpu.memory_space<vmem>>, vector<16xi32>,
      tpu.vector_store %arg7[%swap3A_1355], %shift_right_logical3A_1354 {strides = array<i32>} : memref<256xi32, #tpu.memory_space<vmem>>, vector<16xi32>,
      %shift_right_logical3A_1357 = arith.constant 1 : i32
      %shift_right_logical3A_1358 = vector.broadcast %shift_right_logical3A_1357 : i32 to vector<16xi32>
      %shift_right_logical3A_1359 = arith.shrui %gather3A_1301, %shift_right_logical3A_1358 : vector<16xi32>
      %swap3A_1360 = arith.constant 160 : index
      %swap3A_1361 = tpu.vector_load %arg7[%swap3A_1360] {strides = array<i32>} : memref<256xi32, #tpu.memory_space<vmem>>, vector<16xi32>,
      tpu.vector_store %arg7[%swap3A_1360], %shift_right_logical3A_1359 {strides = array<i32>} : memref<256xi32, #tpu.memory_space<vmem>>, vector<16xi32>,
      %shift_right_logical3A_1362 = arith.constant 1 : i32
      %shift_right_logical3A_1363 = vector.broadcast %shift_right_logical3A_1362 : i32 to vector<16xi32>
      %shift_right_logical3A_1364 = arith.shrui %gather3A_1271, %shift_right_logical3A_1363 : vector<16xi32>
      %swap3A_1365 = arith.constant 48 : index
      %swap3A_1366 = tpu.vector_load %arg7[%swap3A_1365] {strides = array<i32>} : memref<256xi32, #tpu.memory_space<vmem>>, vector<16xi32>,
      tpu.vector_store %arg7[%swap3A_1365], %shift_right_logical3A_1364 {strides = array<i32>} : memref<256xi32, #tpu.memory_space<vmem>>, vector<16xi32>,
      %shift_right_logical3A_1367 = arith.constant 1 : i32
      %shift_right_logical3A_1368 = vector.broadcast %shift_right_logical3A_1367 : i32 to vector<16xi32>
      %shift_right_logical3A_1369 = arith.shrui %gather3A_1307, %shift_right_logical3A_1368 : vector<16xi32>
      %swap3A_1370 = arith.constant 176 : index
      %swap3A_1371 = tpu.vector_load %arg7[%swap3A_1370] {strides = array<i32>} : memref<256xi32, #tpu.memory_space<vmem>>, vector<16xi32>,
      tpu.vector_store %arg7[%swap3A_1370], %shift_right_logical3A_1369 {strides = array<i32>} : memref<256xi32, #tpu.memory_space<vmem>>, vector<16xi32>,
      %shift_right_logical3A_1372 = arith.constant 1 : i32
      %shift_right_logical3A_1373 = vector.broadcast %shift_right_logical3A_1372 : i32 to vector<16xi32>
      %shift_right_logical3A_1374 = arith.shrui %gather3A_1274, %shift_right_logical3A_1373 : vector<16xi32>
      %swap3A_1375 = arith.constant 64 : index
      %swap3A_1376 = tpu.vector_load %arg7[%swap3A_1375] {strides = array<i32>} : memref<256xi32, #tpu.memory_space<vmem>>, vector<16xi32>,
      tpu.vector_store %arg7[%swap3A_1375], %shift_right_logical3A_1374 {strides = array<i32>} : memref<256xi32, #tpu.memory_space<vmem>>, vector<16xi32>,
      %shift_right_logical3A_1377 = arith.constant 1 : i32
      %shift_right_logical3A_1378 = vector.broadcast %shift_right_logical3A_1377 : i32 to vector<16xi32>
      %shift_right_logical3A_1379 = arith.shrui %gather3A_1313, %shift_right_logical3A_1378 : vector<16xi32>
      %swap3A_1380 = arith.constant 192 : index
      %swap3A_1381 = tpu.vector_load %arg7[%swap3A_1380] {strides = array<i32>} : memref<256xi32, #tpu.memory_space<vmem>>, vector<16xi32>,
      tpu.vector_store %arg7[%swap3A_1380], %shift_right_logical3A_1379 {strides = array<i32>} : memref<256xi32, #tpu.memory_space<vmem>>, vector<16xi32>,
      %shift_right_logical3A_1382 = arith.constant 1 : i32
      %shift_right_logical3A_1383 = vector.broadcast %shift_right_logical3A_1382 : i32 to vector<16xi32>
      %shift_right_logical3A_1384 = arith.shrui %gather3A_1277, %shift_right_logical3A_1383 : vector<16xi32>
      %swap3A_1385 = arith.constant 80 : index
      %swap3A_1386 = tpu.vector_load %arg7[%swap3A_1385] {strides = array<i32>} : memref<256xi32, #tpu.memory_space<vmem>>, vector<16xi32>,
      tpu.vector_store %arg7[%swap3A_1385], %shift_right_logical3A_1384 {strides = array<i32>} : memref<256xi32, #tpu.memory_space<vmem>>, vector<16xi32>,
      %shift_right_logical3A_1387 = arith.constant 1 : i32
      %shift_right_logical3A_1388 = vector.broadcast %shift_right_logical3A_1387 : i32 to vector<16xi32>
      %shift_right_logical3A_1389 = arith.shrui %gather3A_1319, %shift_right_logical3A_1388 : vector<16xi32>
      %swap3A_1390 = arith.constant 208 : index
      %swap3A_1391 = tpu.vector_load %arg7[%swap3A_1390] {strides = array<i32>} : memref<256xi32, #tpu.memory_space<vmem>>, vector<16xi32>,
      tpu.vector_store %arg7[%swap3A_1390], %shift_right_logical3A_1389 {strides = array<i32>} : memref<256xi32, #tpu.memory_space<vmem>>, vector<16xi32>,
      %shift_right_logical3A_1392 = arith.constant 1 : i32
      %shift_right_logical3A_1393 = vector.broadcast %shift_right_logical3A_1392 : i32 to vector<16xi32>
      %shift_right_logical3A_1394 = arith.shrui %gather3A_1280, %shift_right_logical3A_1393 : vector<16xi32>
      %swap3A_1395 = arith.constant 96 : index
      %swap3A_1396 = tpu.vector_load %arg7[%swap3A_1395] {strides = array<i32>} : memref<256xi32, #tpu.memory_space<vmem>>, vector<16xi32>,
      tpu.vector_store %arg7[%swap3A_1395], %shift_right_logical3A_1394 {strides = array<i32>} : memref<256xi32, #tpu.memory_space<vmem>>, vector<16xi32>,
      %shift_right_logical3A_1397 = arith.constant 1 : i32
      %shift_right_logical3A_1398 = vector.broadcast %shift_right_logical3A_1397 : i32 to vector<16xi32>
      %shift_right_logical3A_1399 = arith.shrui %gather3A_1325, %shift_right_logical3A_1398 : vector<16xi32>
      %swap3A_1400 = arith.constant 224 : index
      %swap3A_1401 = tpu.vector_load %arg7[%swap3A_1400] {strides = array<i32>} : memref<256xi32, #tpu.memory_space<vmem>>, vector<16xi32>,
      tpu.vector_store %arg7[%swap3A_1400], %shift_right_logical3A_1399 {strides = array<i32>} : memref<256xi32, #tpu.memory_space<vmem>>, vector<16xi32>,
      %shift_right_logical3A_1402 = arith.constant 1 : i32
      %shift_right_logical3A_1403 = vector.broadcast %shift_right_logical3A_1402 : i32 to vector<16xi32>
      %shift_right_logical3A_1404 = arith.shrui %gather3A_1283, %shift_right_logical3A_1403 : vector<16xi32>
      %swap3A_1405 = arith.constant 112 : index
      %swap3A_1406 = tpu.vector_load %arg7[%swap3A_1405] {strides = array<i32>} : memref<256xi32, #tpu.memory_space<vmem>>, vector<16xi32>,
      tpu.vector_store %arg7[%swap3A_1405], %shift_right_logical3A_1404 {strides = array<i32>} : memref<256xi32, #tpu.memory_space<vmem>>, vector<16xi32>,
      %shift_right_logical3A_1407 = arith.constant 1 : i32
      %shift_right_logical3A_1408 = vector.broadcast %shift_right_logical3A_1407 : i32 to vector<16xi32>
      %shift_right_logical3A_1409 = arith.shrui %gather3A_1331, %shift_right_logical3A_1408 : vector<16xi32>
      %swap3A_1410 = arith.constant 240 : index
      %swap3A_1411 = tpu.vector_load %arg7[%swap3A_1410] {strides = array<i32>} : memref<256xi32, #tpu.memory_space<vmem>>, vector<16xi32>,
      tpu.vector_store %arg7[%swap3A_1410], %shift_right_logical3A_1409 {strides = array<i32>} : memref<256xi32, #tpu.memory_space<vmem>>, vector<16xi32>,
      %dma_start3A_1412 = arith.constant 0 : i32
      %dma_start3A_1413 = arith.constant 0 : i32
      %dma_start3A_1414 = tpu.memref_slice %arg3[%dma_start3A_1412, %dma_start3A_1413] : memref<500000x128xf32, #tpu.memory_space<hbm>> -> memref<500000x128xf32, #tpu.memory_space<hbm>>
      tpu.enqueue_indirect_dma source(%dma_start3A_1414 : memref<500000x128xf32, #tpu.memory_space<hbm>>) target(%arg9 : memref<256x128xf32, #tpu.memory_space<vmem>>) offsets(%arg7 : memref<256xi32, #tpu.memory_space<vmem>>) semaphore(%arg13 : memref<!tpu.dma_semaphore, #tpu.memory_space<semaphore_mem>>)
      %dma_wait3A_1415 = arith.constant 0 : i32
      %dma_wait3A_1416 = arith.constant 0 : i32
      %dma_wait3A_1417 = tpu.memref_slice %arg3[%dma_wait3A_1415, %dma_wait3A_1416] : memref<500000x128xf32, #tpu.memory_space<hbm>> -> memref<500000x128xf32, #tpu.memory_space<hbm>>
      tpu.wait_indirect_dma semaphore(%arg12 : memref<!tpu.dma_semaphore, #tpu.memory_space<semaphore_mem>>) src(%dma_wait3A_1417 : memref<500000x128xf32, #tpu.memory_space<hbm>>) dst(%arg8 : memref<256x128xf32, #tpu.memory_space<vmem>>)
      %dma_wait3A_1418 = arith.constant 0 : i32
      %dma_wait3A_1419 = arith.constant 0 : i32
      %dma_wait3A_1420 = arith.constant 0 : i32
      %dma_wait3A_1421 = tpu.memref_slice %arg4[%dma_wait3A_1418, %dma_wait3A_1419, %dma_wait3A_1420] : memref<50x64x16384xf32, #tpu.memory_space<hbm>> -> memref<2x64x128xf32, #tpu.memory_space<hbm>>
      %dma_wait3A_1422 = arith.constant 0 : i32
      %dma_wait3A_1423 = arith.constant 0 : i32
      %dma_wait3A_1424 = arith.constant 0 : i32
      %dma_wait3A_1425 = tpu.memref_slice %arg4[%dma_wait3A_1422, %dma_wait3A_1423, %dma_wait3A_1424] : memref<50x64x16384xf32, #tpu.memory_space<hbm>> -> memref<2x64x128xf32, #tpu.memory_space<hbm>>
      tpu.wait_dma2 semaphore(%arg14 : memref<!tpu.dma_semaphore, #tpu.memory_space<semaphore_mem>>) src(%arg10 : memref<2x64x128xf32, #tpu.memory_space<vmem>>) dst(%dma_wait3A_1425 : memref<2x64x128xf32, #tpu.memory_space<hbm>>)
      %add3A_1426 = arith.constant 1 : i32
      %add3A_1427 = arith.addi %sub3A_882, %add3A_1426 : i32
      %rem3A_1428 = arith.constant 25 : i32
      %rem3A_1429 = arith.remsi %add3A_1427, %rem3A_1428 : i32
      %mul3A_1430 = arith.constant 2 : i32
      %mul3A_1431 = arith.muli %mul3A_1430, %rem3A_1429 : i32
      %div3A_1432 = arith.constant 25 : i32
      %div3A_1433 = arith.divsi %add3A_1427, %div3A_1432 : i32
      %mul3A_1434 = arith.constant 6400 : i32
      %mul3A_1435 = arith.muli %div3A_1433, %mul3A_1434 : i32
      %add3A_1436 = arith.addi %mul3A_1435, %mul3A_1431 : i32
      %add3A_1437 = vector.broadcast %add3A_1436 : i32 to vector<16xi32>
      %add3A_1438 = arith.addi %mul3A_8, %add3A_1437 : vector<16xi32>
      %gather3A_1439 = tpu.vector_load_idx %arg5[%add3A_1438] : memref<25600xi32, #tpu.memory_space<vmem>>[vector<16xi32>], vector<16xi32>,
      %add3A_1440 = vector.broadcast %add3A_1436 : i32 to vector<16xi32>
      %add3A_1441 = arith.addi %mul3A_14, %add3A_1440 : vector<16xi32>
      %gather3A_1442 = tpu.vector_load_idx %arg5[%add3A_1441] : memref<25600xi32, #tpu.memory_space<vmem>>[vector<16xi32>], vector<16xi32>,
      %add3A_1443 = vector.broadcast %add3A_1436 : i32 to vector<16xi32>
      %add3A_1444 = arith.addi %mul3A_20, %add3A_1443 : vector<16xi32>
      %gather3A_1445 = tpu.vector_load_idx %arg5[%add3A_1444] : memref<25600xi32, #tpu.memory_space<vmem>>[vector<16xi32>], vector<16xi32>,
      %add3A_1446 = vector.broadcast %add3A_1436 : i32 to vector<16xi32>
      %add3A_1447 = arith.addi %mul3A_26, %add3A_1446 : vector<16xi32>
      %gather3A_1448 = tpu.vector_load_idx %arg5[%add3A_1447] : memref<25600xi32, #tpu.memory_space<vmem>>[vector<16xi32>], vector<16xi32>,
      %add3A_1449 = vector.broadcast %add3A_1436 : i32 to vector<16xi32>
      %add3A_1450 = arith.addi %mul3A_32, %add3A_1449 : vector<16xi32>
      %gather3A_1451 = tpu.vector_load_idx %arg5[%add3A_1450] : memref<25600xi32, #tpu.memory_space<vmem>>[vector<16xi32>], vector<16xi32>,
      %add3A_1452 = vector.broadcast %add3A_1436 : i32 to vector<16xi32>
      %add3A_1453 = arith.addi %mul3A_38, %add3A_1452 : vector<16xi32>
      %gather3A_1454 = tpu.vector_load_idx %arg5[%add3A_1453] : memref<25600xi32, #tpu.memory_space<vmem>>[vector<16xi32>], vector<16xi32>,
      %add3A_1455 = vector.broadcast %add3A_1436 : i32 to vector<16xi32>
      %add3A_1456 = arith.addi %mul3A_44, %add3A_1455 : vector<16xi32>
      %gather3A_1457 = tpu.vector_load_idx %arg5[%add3A_1456] : memref<25600xi32, #tpu.memory_space<vmem>>[vector<16xi32>], vector<16xi32>,
      %add3A_1458 = vector.broadcast %add3A_1436 : i32 to vector<16xi32>
      %add3A_1459 = arith.addi %mul3A_50, %add3A_1458 : vector<16xi32>
      %gather3A_1460 = tpu.vector_load_idx %arg5[%add3A_1459] : memref<25600xi32, #tpu.memory_space<vmem>>[vector<16xi32>], vector<16xi32>,
      %add3A_1461 = vector.broadcast %add3A_1436 : i32 to vector<16xi32>
      %add3A_1462 = arith.addi %mul3A_8, %add3A_1461 : vector<16xi32>
      %add3A_1463 = arith.constant 1 : i32
      %add3A_1464 = vector.broadcast %add3A_1463 : i32 to vector<16xi32>
      %add3A_1465 = arith.addi %add3A_1462, %add3A_1464 : vector<16xi32>
      %gather3A_1466 = tpu.vector_load_idx %arg5[%add3A_1465] : memref<25600xi32, #tpu.memory_space<vmem>>[vector<16xi32>], vector<16xi32>,
      %add3A_1467 = vector.broadcast %add3A_1436 : i32 to vector<16xi32>
      %add3A_1468 = arith.addi %mul3A_14, %add3A_1467 : vector<16xi32>
      %add3A_1469 = arith.constant 1 : i32
      %add3A_1470 = vector.broadcast %add3A_1469 : i32 to vector<16xi32>
      %add3A_1471 = arith.addi %add3A_1468, %add3A_1470 : vector<16xi32>
      %gather3A_1472 = tpu.vector_load_idx %arg5[%add3A_1471] : memref<25600xi32, #tpu.memory_space<vmem>>[vector<16xi32>], vector<16xi32>,
      %add3A_1473 = vector.broadcast %add3A_1436 : i32 to vector<16xi32>
      %add3A_1474 = arith.addi %mul3A_20, %add3A_1473 : vector<16xi32>
      %add3A_1475 = arith.constant 1 : i32
      %add3A_1476 = vector.broadcast %add3A_1475 : i32 to vector<16xi32>
      %add3A_1477 = arith.addi %add3A_1474, %add3A_1476 : vector<16xi32>
      %gather3A_1478 = tpu.vector_load_idx %arg5[%add3A_1477] : memref<25600xi32, #tpu.memory_space<vmem>>[vector<16xi32>], vector<16xi32>,
      %add3A_1479 = vector.broadcast %add3A_1436 : i32 to vector<16xi32>
      %add3A_1480 = arith.addi %mul3A_26, %add3A_1479 : vector<16xi32>
      %add3A_1481 = arith.constant 1 : i32
      %add3A_1482 = vector.broadcast %add3A_1481 : i32 to vector<16xi32>
      %add3A_1483 = arith.addi %add3A_1480, %add3A_1482 : vector<16xi32>
      %gather3A_1484 = tpu.vector_load_idx %arg5[%add3A_1483] : memref<25600xi32, #tpu.memory_space<vmem>>[vector<16xi32>], vector<16xi32>,
      %add3A_1485 = vector.broadcast %add3A_1436 : i32 to vector<16xi32>
      %add3A_1486 = arith.addi %mul3A_32, %add3A_1485 : vector<16xi32>
      %add3A_1487 = arith.constant 1 : i32
      %add3A_1488 = vector.broadcast %add3A_1487 : i32 to vector<16xi32>
      %add3A_1489 = arith.addi %add3A_1486, %add3A_1488 : vector<16xi32>
      %gather3A_1490 = tpu.vector_load_idx %arg5[%add3A_1489] : memref<25600xi32, #tpu.memory_space<vmem>>[vector<16xi32>], vector<16xi32>,
      %add3A_1491 = vector.broadcast %add3A_1436 : i32 to vector<16xi32>
      %add3A_1492 = arith.addi %mul3A_38, %add3A_1491 : vector<16xi32>
      %add3A_1493 = arith.constant 1 : i32
      %add3A_1494 = vector.broadcast %add3A_1493 : i32 to vector<16xi32>
      %add3A_1495 = arith.addi %add3A_1492, %add3A_1494 : vector<16xi32>
      %gather3A_1496 = tpu.vector_load_idx %arg5[%add3A_1495] : memref<25600xi32, #tpu.memory_space<vmem>>[vector<16xi32>], vector<16xi32>,
      %add3A_1497 = vector.broadcast %add3A_1436 : i32 to vector<16xi32>
      %add3A_1498 = arith.addi %mul3A_44, %add3A_1497 : vector<16xi32>
      %add3A_1499 = arith.constant 1 : i32
      %add3A_1500 = vector.broadcast %add3A_1499 : i32 to vector<16xi32>
      %add3A_1501 = arith.addi %add3A_1498, %add3A_1500 : vector<16xi32>
      %gather3A_1502 = tpu.vector_load_idx %arg5[%add3A_1501] : memref<25600xi32, #tpu.memory_space<vmem>>[vector<16xi32>], vector<16xi32>,
      %add3A_1503 = vector.broadcast %add3A_1436 : i32 to vector<16xi32>
      %add3A_1504 = arith.addi %mul3A_50, %add3A_1503 : vector<16xi32>
      %add3A_1505 = arith.constant 1 : i32
      %add3A_1506 = vector.broadcast %add3A_1505 : i32 to vector<16xi32>
      %add3A_1507 = arith.addi %add3A_1504, %add3A_1506 : vector<16xi32>
      %gather3A_1508 = tpu.vector_load_idx %arg5[%add3A_1507] : memref<25600xi32, #tpu.memory_space<vmem>>[vector<16xi32>], vector<16xi32>,
      %and3A_1509 = arith.constant 1 : i32
      %and3A_1510 = vector.broadcast %and3A_1509 : i32 to vector<16xi32>
      %and3A_1511 = arith.andi %gather3A_1439, %and3A_1510 : vector<16xi32>
      %mul3A_1512 = arith.constant 64 : i32
      %mul3A_1513 = vector.broadcast %mul3A_1512 : i32 to vector<16xi32>
      %mul3A_1514 = arith.muli %and3A_1511, %mul3A_1513 : vector<16xi32>
      %and3A_1515 = arith.constant 1 : i32
      %and3A_1516 = vector.broadcast %and3A_1515 : i32 to vector<16xi32>
      %and3A_1517 = arith.andi %gather3A_1442, %and3A_1516 : vector<16xi32>
      %mul3A_1518 = arith.constant 64 : i32
      %mul3A_1519 = vector.broadcast %mul3A_1518 : i32 to vector<16xi32>
      %mul3A_1520 = arith.muli %and3A_1517, %mul3A_1519 : vector<16xi32>
      %and3A_1521 = arith.constant 1 : i32
      %and3A_1522 = vector.broadcast %and3A_1521 : i32 to vector<16xi32>
      %and3A_1523 = arith.andi %gather3A_1445, %and3A_1522 : vector<16xi32>
      %mul3A_1524 = arith.constant 64 : i32
      %mul3A_1525 = vector.broadcast %mul3A_1524 : i32 to vector<16xi32>
      %mul3A_1526 = arith.muli %and3A_1523, %mul3A_1525 : vector<16xi32>
      %and3A_1527 = arith.constant 1 : i32
      %and3A_1528 = vector.broadcast %and3A_1527 : i32 to vector<16xi32>
      %and3A_1529 = arith.andi %gather3A_1448, %and3A_1528 : vector<16xi32>
      %mul3A_1530 = arith.constant 64 : i32
      %mul3A_1531 = vector.broadcast %mul3A_1530 : i32 to vector<16xi32>
      %mul3A_1532 = arith.muli %and3A_1529, %mul3A_1531 : vector<16xi32>
      %and3A_1533 = arith.constant 1 : i32
      %and3A_1534 = vector.broadcast %and3A_1533 : i32 to vector<16xi32>
      %and3A_1535 = arith.andi %gather3A_1451, %and3A_1534 : vector<16xi32>
      %mul3A_1536 = arith.constant 64 : i32
      %mul3A_1537 = vector.broadcast %mul3A_1536 : i32 to vector<16xi32>
      %mul3A_1538 = arith.muli %and3A_1535, %mul3A_1537 : vector<16xi32>
      %and3A_1539 = arith.constant 1 : i32
      %and3A_1540 = vector.broadcast %and3A_1539 : i32 to vector<16xi32>
      %and3A_1541 = arith.andi %gather3A_1454, %and3A_1540 : vector<16xi32>
      %mul3A_1542 = arith.constant 64 : i32
      %mul3A_1543 = vector.broadcast %mul3A_1542 : i32 to vector<16xi32>
      %mul3A_1544 = arith.muli %and3A_1541, %mul3A_1543 : vector<16xi32>
      %and3A_1545 = arith.constant 1 : i32
      %and3A_1546 = vector.broadcast %and3A_1545 : i32 to vector<16xi32>
      %and3A_1547 = arith.andi %gather3A_1457, %and3A_1546 : vector<16xi32>
      %mul3A_1548 = arith.constant 64 : i32
      %mul3A_1549 = vector.broadcast %mul3A_1548 : i32 to vector<16xi32>
      %mul3A_1550 = arith.muli %and3A_1547, %mul3A_1549 : vector<16xi32>
      %and3A_1551 = arith.constant 1 : i32
      %and3A_1552 = vector.broadcast %and3A_1551 : i32 to vector<16xi32>
      %and3A_1553 = arith.andi %gather3A_1460, %and3A_1552 : vector<16xi32>
      %mul3A_1554 = arith.constant 64 : i32
      %mul3A_1555 = vector.broadcast %mul3A_1554 : i32 to vector<16xi32>
      %mul3A_1556 = arith.muli %and3A_1553, %mul3A_1555 : vector<16xi32>
      %and3A_1557 = arith.constant 1 : i32
      %and3A_1558 = vector.broadcast %and3A_1557 : i32 to vector<16xi32>
      %and3A_1559 = arith.andi %gather3A_1466, %and3A_1558 : vector<16xi32>
      %mul3A_1560 = arith.constant 64 : i32
      %mul3A_1561 = vector.broadcast %mul3A_1560 : i32 to vector<16xi32>
      %mul3A_1562 = arith.muli %and3A_1559, %mul3A_1561 : vector<16xi32>
      %and3A_1563 = arith.constant 1 : i32
      %and3A_1564 = vector.broadcast %and3A_1563 : i32 to vector<16xi32>
      %and3A_1565 = arith.andi %gather3A_1472, %and3A_1564 : vector<16xi32>
      %mul3A_1566 = arith.constant 64 : i32
      %mul3A_1567 = vector.broadcast %mul3A_1566 : i32 to vector<16xi32>
      %mul3A_1568 = arith.muli %and3A_1565, %mul3A_1567 : vector<16xi32>
      %and3A_1569 = arith.constant 1 : i32
      %and3A_1570 = vector.broadcast %and3A_1569 : i32 to vector<16xi32>
      %and3A_1571 = arith.andi %gather3A_1478, %and3A_1570 : vector<16xi32>
      %mul3A_1572 = arith.constant 64 : i32
      %mul3A_1573 = vector.broadcast %mul3A_1572 : i32 to vector<16xi32>
      %mul3A_1574 = arith.muli %and3A_1571, %mul3A_1573 : vector<16xi32>
      %and3A_1575 = arith.constant 1 : i32
      %and3A_1576 = vector.broadcast %and3A_1575 : i32 to vector<16xi32>
      %and3A_1577 = arith.andi %gather3A_1484, %and3A_1576 : vector<16xi32>
      %mul3A_1578 = arith.constant 64 : i32
      %mul3A_1579 = vector.broadcast %mul3A_1578 : i32 to vector<16xi32>
      %mul3A_1580 = arith.muli %and3A_1577, %mul3A_1579 : vector<16xi32>
      %and3A_1581 = arith.constant 1 : i32
      %and3A_1582 = vector.broadcast %and3A_1581 : i32 to vector<16xi32>
      %and3A_1583 = arith.andi %gather3A_1490, %and3A_1582 : vector<16xi32>
      %mul3A_1584 = arith.constant 64 : i32
      %mul3A_1585 = vector.broadcast %mul3A_1584 : i32 to vector<16xi32>
      %mul3A_1586 = arith.muli %and3A_1583, %mul3A_1585 : vector<16xi32>
      %and3A_1587 = arith.constant 1 : i32
      %and3A_1588 = vector.broadcast %and3A_1587 : i32 to vector<16xi32>
      %and3A_1589 = arith.andi %gather3A_1496, %and3A_1588 : vector<16xi32>
      %mul3A_1590 = arith.constant 64 : i32
      %mul3A_1591 = vector.broadcast %mul3A_1590 : i32 to vector<16xi32>
      %mul3A_1592 = arith.muli %and3A_1589, %mul3A_1591 : vector<16xi32>
      %and3A_1593 = arith.constant 1 : i32
      %and3A_1594 = vector.broadcast %and3A_1593 : i32 to vector<16xi32>
      %and3A_1595 = arith.andi %gather3A_1502, %and3A_1594 : vector<16xi32>
      %mul3A_1596 = arith.constant 64 : i32
      %mul3A_1597 = vector.broadcast %mul3A_1596 : i32 to vector<16xi32>
      %mul3A_1598 = arith.muli %and3A_1595, %mul3A_1597 : vector<16xi32>
      %and3A_1599 = arith.constant 1 : i32
      %and3A_1600 = vector.broadcast %and3A_1599 : i32 to vector<16xi32>
      %and3A_1601 = arith.andi %gather3A_1508, %and3A_1600 : vector<16xi32>
      %mul3A_1602 = arith.constant 64 : i32
      %mul3A_1603 = vector.broadcast %mul3A_1602 : i32 to vector<16xi32>
      %mul3A_1604 = arith.muli %and3A_1601, %mul3A_1603 : vector<16xi32>
      %parallel_loop3A_1605 = arith.constant 0 : i32
      %parallel_loop3A_1606 = arith.constant 64 : i32
      %parallel_loop3A_1607 = arith.constant 1 : i32
      scf.for %parallel_loop3A_1625 = %parallel_loop3A_1605 to %parallel_loop3A_1606 step %parallel_loop3A_1607  : i32 {
        %parallel_loop3A_1626 = vector.broadcast %parallel_loop3A_1625 : i32 to vector<16xi32>
        %parallel_loop3A_1627 = arith.addi %mul3A_1514, %parallel_loop3A_1626 : vector<16xi32>
        %parallel_loop3A_1628 = tpu.vector_load_idx %arg8[%add3A_53, %parallel_loop3A_1627] : memref<256x128xf32, #tpu.memory_space<vmem>>[vector<16xi32>, vector<16xi32>], vector<16xf32>,
        %parallel_loop3A_1629 = arith.constant 0 : i32
        %parallel_loop3A_1630 = arith.index_cast %parallel_loop3A_1629 : i32 to index
        %parallel_loop3A_1631 = arith.index_cast %parallel_loop3A_1625 : i32 to index
        %parallel_loop3A_1632 = arith.constant 0 : index
        %parallel_loop3A_1633 = tpu.vector_load %arg10[%parallel_loop3A_1630, %parallel_loop3A_1631, %parallel_loop3A_1632] {strides = array<i32>} : memref<2x64x128xf32, #tpu.memory_space<vmem>>, vector<16xf32>,
        tpu.vector_store %arg10[%parallel_loop3A_1630, %parallel_loop3A_1631, %parallel_loop3A_1632], %parallel_loop3A_1628 {strides = array<i32>} : memref<2x64x128xf32, #tpu.memory_space<vmem>>, vector<16xf32>,
        %parallel_loop3A_1634 = vector.broadcast %parallel_loop3A_1625 : i32 to vector<16xi32>
        %parallel_loop3A_1635 = arith.addi %mul3A_1562, %parallel_loop3A_1634 : vector<16xi32>
        %parallel_loop3A_1636 = tpu.vector_load_idx %arg8[%add3A_80, %parallel_loop3A_1635] : memref<256x128xf32, #tpu.memory_space<vmem>>[vector<16xi32>, vector<16xi32>], vector<16xf32>,
        %parallel_loop3A_1637 = arith.constant 1 : i32
        %parallel_loop3A_1638 = arith.index_cast %parallel_loop3A_1637 : i32 to index
        %parallel_loop3A_1639 = arith.index_cast %parallel_loop3A_1625 : i32 to index
        %parallel_loop3A_1640 = arith.constant 0 : index
        %parallel_loop3A_1641 = tpu.vector_load %arg10[%parallel_loop3A_1638, %parallel_loop3A_1639, %parallel_loop3A_1640] {strides = array<i32>} : memref<2x64x128xf32, #tpu.memory_space<vmem>>, vector<16xf32>,
        tpu.vector_store %arg10[%parallel_loop3A_1638, %parallel_loop3A_1639, %parallel_loop3A_1640], %parallel_loop3A_1636 {strides = array<i32>} : memref<2x64x128xf32, #tpu.memory_space<vmem>>, vector<16xf32>,
        %parallel_loop3A_1642 = vector.broadcast %parallel_loop3A_1625 : i32 to vector<16xi32>
        %parallel_loop3A_1643 = arith.addi %mul3A_1520, %parallel_loop3A_1642 : vector<16xi32>
        %parallel_loop3A_1644 = tpu.vector_load_idx %arg8[%add3A_56, %parallel_loop3A_1643] : memref<256x128xf32, #tpu.memory_space<vmem>>[vector<16xi32>, vector<16xi32>], vector<16xf32>,
        %parallel_loop3A_1645 = arith.constant 0 : i32
        %parallel_loop3A_1646 = arith.index_cast %parallel_loop3A_1645 : i32 to index
        %parallel_loop3A_1647 = arith.index_cast %parallel_loop3A_1625 : i32 to index
        %parallel_loop3A_1648 = arith.constant 16 : index
        %parallel_loop3A_1649 = tpu.vector_load %arg10[%parallel_loop3A_1646, %parallel_loop3A_1647, %parallel_loop3A_1648] {strides = array<i32>} : memref<2x64x128xf32, #tpu.memory_space<vmem>>, vector<16xf32>,
        tpu.vector_store %arg10[%parallel_loop3A_1646, %parallel_loop3A_1647, %parallel_loop3A_1648], %parallel_loop3A_1644 {strides = array<i32>} : memref<2x64x128xf32, #tpu.memory_space<vmem>>, vector<16xf32>,
        %parallel_loop3A_1650 = vector.broadcast %parallel_loop3A_1625 : i32 to vector<16xi32>
        %parallel_loop3A_1651 = arith.addi %mul3A_1568, %parallel_loop3A_1650 : vector<16xi32>
        %parallel_loop3A_1652 = tpu.vector_load_idx %arg8[%add3A_86, %parallel_loop3A_1651] : memref<256x128xf32, #tpu.memory_space<vmem>>[vector<16xi32>, vector<16xi32>], vector<16xf32>,
        %parallel_loop3A_1653 = arith.constant 1 : i32
        %parallel_loop3A_1654 = arith.index_cast %parallel_loop3A_1653 : i32 to index
        %parallel_loop3A_1655 = arith.index_cast %parallel_loop3A_1625 : i32 to index
        %parallel_loop3A_1656 = arith.constant 16 : index
        %parallel_loop3A_1657 = tpu.vector_load %arg10[%parallel_loop3A_1654, %parallel_loop3A_1655, %parallel_loop3A_1656] {strides = array<i32>} : memref<2x64x128xf32, #tpu.memory_space<vmem>>, vector<16xf32>,
        tpu.vector_store %arg10[%parallel_loop3A_1654, %parallel_loop3A_1655, %parallel_loop3A_1656], %parallel_loop3A_1652 {strides = array<i32>} : memref<2x64x128xf32, #tpu.memory_space<vmem>>, vector<16xf32>,
        %parallel_loop3A_1658 = vector.broadcast %parallel_loop3A_1625 : i32 to vector<16xi32>
        %parallel_loop3A_1659 = arith.addi %mul3A_1526, %parallel_loop3A_1658 : vector<16xi32>
        %parallel_loop3A_1660 = tpu.vector_load_idx %arg8[%add3A_59, %parallel_loop3A_1659] : memref<256x128xf32, #tpu.memory_space<vmem>>[vector<16xi32>, vector<16xi32>], vector<16xf32>,
        %parallel_loop3A_1661 = arith.constant 0 : i32
        %parallel_loop3A_1662 = arith.index_cast %parallel_loop3A_1661 : i32 to index
        %parallel_loop3A_1663 = arith.index_cast %parallel_loop3A_1625 : i32 to index
        %parallel_loop3A_1664 = arith.constant 32 : index
        %parallel_loop3A_1665 = tpu.vector_load %arg10[%parallel_loop3A_1662, %parallel_loop3A_1663, %parallel_loop3A_1664] {strides = array<i32>} : memref<2x64x128xf32, #tpu.memory_space<vmem>>, vector<16xf32>,
        tpu.vector_store %arg10[%parallel_loop3A_1662, %parallel_loop3A_1663, %parallel_loop3A_1664], %parallel_loop3A_1660 {strides = array<i32>} : memref<2x64x128xf32, #tpu.memory_space<vmem>>, vector<16xf32>,
        %parallel_loop3A_1666 = vector.broadcast %parallel_loop3A_1625 : i32 to vector<16xi32>
        %parallel_loop3A_1667 = arith.addi %mul3A_1574, %parallel_loop3A_1666 : vector<16xi32>
        %parallel_loop3A_1668 = tpu.vector_load_idx %arg8[%add3A_92, %parallel_loop3A_1667] : memref<256x128xf32, #tpu.memory_space<vmem>>[vector<16xi32>, vector<16xi32>], vector<16xf32>,
        %parallel_loop3A_1669 = arith.constant 1 : i32
        %parallel_loop3A_1670 = arith.index_cast %parallel_loop3A_1669 : i32 to index
        %parallel_loop3A_1671 = arith.index_cast %parallel_loop3A_1625 : i32 to index
        %parallel_loop3A_1672 = arith.constant 32 : index
        %parallel_loop3A_1673 = tpu.vector_load %arg10[%parallel_loop3A_1670, %parallel_loop3A_1671, %parallel_loop3A_1672] {strides = array<i32>} : memref<2x64x128xf32, #tpu.memory_space<vmem>>, vector<16xf32>,
        tpu.vector_store %arg10[%parallel_loop3A_1670, %parallel_loop3A_1671, %parallel_loop3A_1672], %parallel_loop3A_1668 {strides = array<i32>} : memref<2x64x128xf32, #tpu.memory_space<vmem>>, vector<16xf32>,
        %parallel_loop3A_1674 = vector.broadcast %parallel_loop3A_1625 : i32 to vector<16xi32>
        %parallel_loop3A_1675 = arith.addi %mul3A_1532, %parallel_loop3A_1674 : vector<16xi32>
        %parallel_loop3A_1676 = tpu.vector_load_idx %arg8[%add3A_62, %parallel_loop3A_1675] : memref<256x128xf32, #tpu.memory_space<vmem>>[vector<16xi32>, vector<16xi32>], vector<16xf32>,
        %parallel_loop3A_1677 = arith.constant 0 : i32
        %parallel_loop3A_1678 = arith.index_cast %parallel_loop3A_1677 : i32 to index
        %parallel_loop3A_1679 = arith.index_cast %parallel_loop3A_1625 : i32 to index
        %parallel_loop3A_1680 = arith.constant 48 : index
        %parallel_loop3A_1681 = tpu.vector_load %arg10[%parallel_loop3A_1678, %parallel_loop3A_1679, %parallel_loop3A_1680] {strides = array<i32>} : memref<2x64x128xf32, #tpu.memory_space<vmem>>, vector<16xf32>,
        tpu.vector_store %arg10[%parallel_loop3A_1678, %parallel_loop3A_1679, %parallel_loop3A_1680], %parallel_loop3A_1676 {strides = array<i32>} : memref<2x64x128xf32, #tpu.memory_space<vmem>>, vector<16xf32>,
        %parallel_loop3A_1682 = vector.broadcast %parallel_loop3A_1625 : i32 to vector<16xi32>
        %parallel_loop3A_1683 = arith.addi %mul3A_1580, %parallel_loop3A_1682 : vector<16xi32>
        %parallel_loop3A_1684 = tpu.vector_load_idx %arg8[%add3A_98, %parallel_loop3A_1683] : memref<256x128xf32, #tpu.memory_space<vmem>>[vector<16xi32>, vector<16xi32>], vector<16xf32>,
        %parallel_loop3A_1685 = arith.constant 1 : i32
        %parallel_loop3A_1686 = arith.index_cast %parallel_loop3A_1685 : i32 to index
        %parallel_loop3A_1687 = arith.index_cast %parallel_loop3A_1625 : i32 to index
        %parallel_loop3A_1688 = arith.constant 48 : index
        %parallel_loop3A_1689 = tpu.vector_load %arg10[%parallel_loop3A_1686, %parallel_loop3A_1687, %parallel_loop3A_1688] {strides = array<i32>} : memref<2x64x128xf32, #tpu.memory_space<vmem>>, vector<16xf32>,
        tpu.vector_store %arg10[%parallel_loop3A_1686, %parallel_loop3A_1687, %parallel_loop3A_1688], %parallel_loop3A_1684 {strides = array<i32>} : memref<2x64x128xf32, #tpu.memory_space<vmem>>, vector<16xf32>,
        %parallel_loop3A_1690 = vector.broadcast %parallel_loop3A_1625 : i32 to vector<16xi32>
        %parallel_loop3A_1691 = arith.addi %mul3A_1538, %parallel_loop3A_1690 : vector<16xi32>
        %parallel_loop3A_1692 = tpu.vector_load_idx %arg8[%add3A_65, %parallel_loop3A_1691] : memref<256x128xf32, #tpu.memory_space<vmem>>[vector<16xi32>, vector<16xi32>], vector<16xf32>,
        %parallel_loop3A_1693 = arith.constant 0 : i32
        %parallel_loop3A_1694 = arith.index_cast %parallel_loop3A_1693 : i32 to index
        %parallel_loop3A_1695 = arith.index_cast %parallel_loop3A_1625 : i32 to index
        %parallel_loop3A_1696 = arith.constant 64 : index
        %parallel_loop3A_1697 = tpu.vector_load %arg10[%parallel_loop3A_1694, %parallel_loop3A_1695, %parallel_loop3A_1696] {strides = array<i32>} : memref<2x64x128xf32, #tpu.memory_space<vmem>>, vector<16xf32>,
        tpu.vector_store %arg10[%parallel_loop3A_1694, %parallel_loop3A_1695, %parallel_loop3A_1696], %parallel_loop3A_1692 {strides = array<i32>} : memref<2x64x128xf32, #tpu.memory_space<vmem>>, vector<16xf32>,
        %parallel_loop3A_1698 = vector.broadcast %parallel_loop3A_1625 : i32 to vector<16xi32>
        %parallel_loop3A_1699 = arith.addi %mul3A_1586, %parallel_loop3A_1698 : vector<16xi32>
        %parallel_loop3A_1700 = tpu.vector_load_idx %arg8[%add3A_104, %parallel_loop3A_1699] : memref<256x128xf32, #tpu.memory_space<vmem>>[vector<16xi32>, vector<16xi32>], vector<16xf32>,
        %parallel_loop3A_1701 = arith.constant 1 : i32
        %parallel_loop3A_1702 = arith.index_cast %parallel_loop3A_1701 : i32 to index
        %parallel_loop3A_1703 = arith.index_cast %parallel_loop3A_1625 : i32 to index
        %parallel_loop3A_1704 = arith.constant 64 : index
        %parallel_loop3A_1705 = tpu.vector_load %arg10[%parallel_loop3A_1702, %parallel_loop3A_1703, %parallel_loop3A_1704] {strides = array<i32>} : memref<2x64x128xf32, #tpu.memory_space<vmem>>, vector<16xf32>,
        tpu.vector_store %arg10[%parallel_loop3A_1702, %parallel_loop3A_1703, %parallel_loop3A_1704], %parallel_loop3A_1700 {strides = array<i32>} : memref<2x64x128xf32, #tpu.memory_space<vmem>>, vector<16xf32>,
        %parallel_loop3A_1706 = vector.broadcast %parallel_loop3A_1625 : i32 to vector<16xi32>
        %parallel_loop3A_1707 = arith.addi %mul3A_1544, %parallel_loop3A_1706 : vector<16xi32>
        %parallel_loop3A_1708 = tpu.vector_load_idx %arg8[%add3A_68, %parallel_loop3A_1707] : memref<256x128xf32, #tpu.memory_space<vmem>>[vector<16xi32>, vector<16xi32>], vector<16xf32>,
        %parallel_loop3A_1709 = arith.constant 0 : i32
        %parallel_loop3A_1710 = arith.index_cast %parallel_loop3A_1709 : i32 to index
        %parallel_loop3A_1711 = arith.index_cast %parallel_loop3A_1625 : i32 to index
        %parallel_loop3A_1712 = arith.constant 80 : index
        %parallel_loop3A_1713 = tpu.vector_load %arg10[%parallel_loop3A_1710, %parallel_loop3A_1711, %parallel_loop3A_1712] {strides = array<i32>} : memref<2x64x128xf32, #tpu.memory_space<vmem>>, vector<16xf32>,
        tpu.vector_store %arg10[%parallel_loop3A_1710, %parallel_loop3A_1711, %parallel_loop3A_1712], %parallel_loop3A_1708 {strides = array<i32>} : memref<2x64x128xf32, #tpu.memory_space<vmem>>, vector<16xf32>,
        %parallel_loop3A_1714 = vector.broadcast %parallel_loop3A_1625 : i32 to vector<16xi32>
        %parallel_loop3A_1715 = arith.addi %mul3A_1592, %parallel_loop3A_1714 : vector<16xi32>
        %parallel_loop3A_1716 = tpu.vector_load_idx %arg8[%add3A_110, %parallel_loop3A_1715] : memref<256x128xf32, #tpu.memory_space<vmem>>[vector<16xi32>, vector<16xi32>], vector<16xf32>,
        %parallel_loop3A_1717 = arith.constant 1 : i32
        %parallel_loop3A_1718 = arith.index_cast %parallel_loop3A_1717 : i32 to index
        %parallel_loop3A_1719 = arith.index_cast %parallel_loop3A_1625 : i32 to index
        %parallel_loop3A_1720 = arith.constant 80 : index
        %parallel_loop3A_1721 = tpu.vector_load %arg10[%parallel_loop3A_1718, %parallel_loop3A_1719, %parallel_loop3A_1720] {strides = array<i32>} : memref<2x64x128xf32, #tpu.memory_space<vmem>>, vector<16xf32>,
        tpu.vector_store %arg10[%parallel_loop3A_1718, %parallel_loop3A_1719, %parallel_loop3A_1720], %parallel_loop3A_1716 {strides = array<i32>} : memref<2x64x128xf32, #tpu.memory_space<vmem>>, vector<16xf32>,
        %parallel_loop3A_1722 = vector.broadcast %parallel_loop3A_1625 : i32 to vector<16xi32>
        %parallel_loop3A_1723 = arith.addi %mul3A_1550, %parallel_loop3A_1722 : vector<16xi32>
        %parallel_loop3A_1724 = tpu.vector_load_idx %arg8[%add3A_71, %parallel_loop3A_1723] : memref<256x128xf32, #tpu.memory_space<vmem>>[vector<16xi32>, vector<16xi32>], vector<16xf32>,
        %parallel_loop3A_1725 = arith.constant 0 : i32
        %parallel_loop3A_1726 = arith.index_cast %parallel_loop3A_1725 : i32 to index
        %parallel_loop3A_1727 = arith.index_cast %parallel_loop3A_1625 : i32 to index
        %parallel_loop3A_1728 = arith.constant 96 : index
        %parallel_loop3A_1729 = tpu.vector_load %arg10[%parallel_loop3A_1726, %parallel_loop3A_1727, %parallel_loop3A_1728] {strides = array<i32>} : memref<2x64x128xf32, #tpu.memory_space<vmem>>, vector<16xf32>,
        tpu.vector_store %arg10[%parallel_loop3A_1726, %parallel_loop3A_1727, %parallel_loop3A_1728], %parallel_loop3A_1724 {strides = array<i32>} : memref<2x64x128xf32, #tpu.memory_space<vmem>>, vector<16xf32>,
        %parallel_loop3A_1730 = vector.broadcast %parallel_loop3A_1625 : i32 to vector<16xi32>
        %parallel_loop3A_1731 = arith.addi %mul3A_1598, %parallel_loop3A_1730 : vector<16xi32>
        %parallel_loop3A_1732 = tpu.vector_load_idx %arg8[%add3A_116, %parallel_loop3A_1731] : memref<256x128xf32, #tpu.memory_space<vmem>>[vector<16xi32>, vector<16xi32>], vector<16xf32>,
        %parallel_loop3A_1733 = arith.constant 1 : i32
        %parallel_loop3A_1734 = arith.index_cast %parallel_loop3A_1733 : i32 to index
        %parallel_loop3A_1735 = arith.index_cast %parallel_loop3A_1625 : i32 to index
        %parallel_loop3A_1736 = arith.constant 96 : index
        %parallel_loop3A_1737 = tpu.vector_load %arg10[%parallel_loop3A_1734, %parallel_loop3A_1735, %parallel_loop3A_1736] {strides = array<i32>} : memref<2x64x128xf32, #tpu.memory_space<vmem>>, vector<16xf32>,
        tpu.vector_store %arg10[%parallel_loop3A_1734, %parallel_loop3A_1735, %parallel_loop3A_1736], %parallel_loop3A_1732 {strides = array<i32>} : memref<2x64x128xf32, #tpu.memory_space<vmem>>, vector<16xf32>,
        %parallel_loop3A_1738 = vector.broadcast %parallel_loop3A_1625 : i32 to vector<16xi32>
        %parallel_loop3A_1739 = arith.addi %mul3A_1556, %parallel_loop3A_1738 : vector<16xi32>
        %parallel_loop3A_1740 = tpu.vector_load_idx %arg8[%add3A_74, %parallel_loop3A_1739] : memref<256x128xf32, #tpu.memory_space<vmem>>[vector<16xi32>, vector<16xi32>], vector<16xf32>,
        %parallel_loop3A_1741 = arith.constant 0 : i32
        %parallel_loop3A_1742 = arith.index_cast %parallel_loop3A_1741 : i32 to index
        %parallel_loop3A_1743 = arith.index_cast %parallel_loop3A_1625 : i32 to index
        %parallel_loop3A_1744 = arith.constant 112 : index
        %parallel_loop3A_1745 = tpu.vector_load %arg10[%parallel_loop3A_1742, %parallel_loop3A_1743, %parallel_loop3A_1744] {strides = array<i32>} : memref<2x64x128xf32, #tpu.memory_space<vmem>>, vector<16xf32>,
        tpu.vector_store %arg10[%parallel_loop3A_1742, %parallel_loop3A_1743, %parallel_loop3A_1744], %parallel_loop3A_1740 {strides = array<i32>} : memref<2x64x128xf32, #tpu.memory_space<vmem>>, vector<16xf32>,
        %parallel_loop3A_1746 = vector.broadcast %parallel_loop3A_1625 : i32 to vector<16xi32>
        %parallel_loop3A_1747 = arith.addi %mul3A_1604, %parallel_loop3A_1746 : vector<16xi32>
        %parallel_loop3A_1748 = tpu.vector_load_idx %arg8[%add3A_122, %parallel_loop3A_1747] : memref<256x128xf32, #tpu.memory_space<vmem>>[vector<16xi32>, vector<16xi32>], vector<16xf32>,
        %parallel_loop3A_1749 = arith.constant 1 : i32
        %parallel_loop3A_1750 = arith.index_cast %parallel_loop3A_1749 : i32 to index
        %parallel_loop3A_1751 = arith.index_cast %parallel_loop3A_1625 : i32 to index
        %parallel_loop3A_1752 = arith.constant 112 : index
        %parallel_loop3A_1753 = tpu.vector_load %arg10[%parallel_loop3A_1750, %parallel_loop3A_1751, %parallel_loop3A_1752] {strides = array<i32>} : memref<2x64x128xf32, #tpu.memory_space<vmem>>, vector<16xf32>,
        tpu.vector_store %arg10[%parallel_loop3A_1750, %parallel_loop3A_1751, %parallel_loop3A_1752], %parallel_loop3A_1748 {strides = array<i32>} : memref<2x64x128xf32, #tpu.memory_space<vmem>>, vector<16xf32>,
      } {sc.loop_unroll_factor = 4 : i64, sc.parallel_access}
      %add3A_1608 = arith.constant 1 : i32
      %add3A_1609 = arith.addi %sub3A_882, %add3A_1608 : i32
      %rem3A_1610 = arith.constant 25 : i32
      %rem3A_1611 = arith.remsi %add3A_1609, %rem3A_1610 : i32
      %mul3A_1612 = arith.constant 2 : i32
      %mul3A_1613 = arith.muli %mul3A_1612, %rem3A_1611 : i32
      %div3A_1614 = arith.constant 25 : i32
      %div3A_1615 = arith.divsi %add3A_1609, %div3A_1614 : i32
      %mul3A_1616 = arith.constant 4 : i32
      %mul3A_1617 = arith.muli %add3A, %mul3A_1616 : i32
      %add3A_1618 = arith.addi %mul3A_1617, %div3A_1615 : i32
      %mul3A_1619 = arith.constant 128 : i32
      %mul3A_1620 = arith.muli %add3A_1618, %mul3A_1619 : i32
      %dma_start3A_1621 = arith.constant 0 : i32
      %dma_start3A_1622 = tpu.memref_slice %arg4[%mul3A_1613, %dma_start3A_1621, %mul3A_1620] : memref<50x64x16384xf32, #tpu.memory_space<hbm>> -> memref<2x64x128xf32, #tpu.memory_space<hbm>>
      %dma_start3A_1623 = arith.constant 0 : i32
      %dma_start3A_1624 = tpu.memref_slice %arg4[%mul3A_1613, %dma_start3A_1623, %mul3A_1620] : memref<50x64x16384xf32, #tpu.memory_space<hbm>> -> memref<2x64x128xf32, #tpu.memory_space<hbm>>
      tpu.enqueue_dma source(%arg10 : memref<2x64x128xf32, #tpu.memory_space<vmem>>) target(%dma_start3A_1624 : memref<2x64x128xf32, #tpu.memory_space<hbm>>) target_semaphore(%arg14 : memref<!tpu.dma_semaphore, #tpu.memory_space<semaphore_mem>>)
    }
    %scan3A_652 = arith.constant 49 : i32
    %dma_wait3A_653 = arith.constant 0 : i32
    %dma_wait3A_654 = arith.constant 0 : i32
    %dma_wait3A_655 = tpu.memref_slice %arg3[%dma_wait3A_653, %dma_wait3A_654] : memref<500000x128xf32, #tpu.memory_space<hbm>> -> memref<500000x128xf32, #tpu.memory_space<hbm>>
    tpu.wait_indirect_dma semaphore(%arg13 : memref<!tpu.dma_semaphore, #tpu.memory_space<semaphore_mem>>) src(%dma_wait3A_655 : memref<500000x128xf32, #tpu.memory_space<hbm>>) dst(%arg9 : memref<256x128xf32, #tpu.memory_space<vmem>>)
    %dma_wait3A_656 = arith.constant 0 : i32
    %dma_wait3A_657 = arith.constant 0 : i32
    %dma_wait3A_658 = arith.constant 0 : i32
    %dma_wait3A_659 = tpu.memref_slice %arg4[%dma_wait3A_656, %dma_wait3A_657, %dma_wait3A_658] : memref<50x64x16384xf32, #tpu.memory_space<hbm>> -> memref<2x64x128xf32, #tpu.memory_space<hbm>>
    %dma_wait3A_660 = arith.constant 0 : i32
    %dma_wait3A_661 = arith.constant 0 : i32
    %dma_wait3A_662 = arith.constant 0 : i32
    %dma_wait3A_663 = tpu.memref_slice %arg4[%dma_wait3A_660, %dma_wait3A_661, %dma_wait3A_662] : memref<50x64x16384xf32, #tpu.memory_space<hbm>> -> memref<2x64x128xf32, #tpu.memory_space<hbm>>
    tpu.wait_dma2 semaphore(%arg15 : memref<!tpu.dma_semaphore, #tpu.memory_space<semaphore_mem>>) src(%arg11 : memref<2x64x128xf32, #tpu.memory_space<vmem>>) dst(%dma_wait3A_663 : memref<2x64x128xf32, #tpu.memory_space<hbm>>)
    %rem3A_664 = arith.constant 99 : i32
    %rem3A_665 = arith.constant 25 : i32
    %rem3A_666 = arith.remsi %rem3A_664, %rem3A_665 : i32
    %mul3A_667 = arith.constant 2 : i32
    %mul3A_668 = arith.muli %mul3A_667, %rem3A_666 : i32
    %div3A_669 = arith.constant 99 : i32
    %div3A_670 = arith.constant 25 : i32
    %div3A_671 = arith.divsi %div3A_669, %div3A_670 : i32
    %mul3A_672 = arith.constant 6400 : i32
    %mul3A_673 = arith.muli %div3A_671, %mul3A_672 : i32
    %add3A_674 = arith.addi %mul3A_673, %mul3A_668 : i32
    %add3A_675 = vector.broadcast %add3A_674 : i32 to vector<16xi32>
    %add3A_676 = arith.addi %mul3A_8, %add3A_675 : vector<16xi32>
    %gather3A_677 = tpu.vector_load_idx %arg5[%add3A_676] : memref<25600xi32, #tpu.memory_space<vmem>>[vector<16xi32>], vector<16xi32>,
    %add3A_678 = vector.broadcast %add3A_674 : i32 to vector<16xi32>
    %add3A_679 = arith.addi %mul3A_14, %add3A_678 : vector<16xi32>
    %gather3A_680 = tpu.vector_load_idx %arg5[%add3A_679] : memref<25600xi32, #tpu.memory_space<vmem>>[vector<16xi32>], vector<16xi32>,
    %add3A_681 = vector.broadcast %add3A_674 : i32 to vector<16xi32>
    %add3A_682 = arith.addi %mul3A_20, %add3A_681 : vector<16xi32>
    %gather3A_683 = tpu.vector_load_idx %arg5[%add3A_682] : memref<25600xi32, #tpu.memory_space<vmem>>[vector<16xi32>], vector<16xi32>,
    %add3A_684 = vector.broadcast %add3A_674 : i32 to vector<16xi32>
    %add3A_685 = arith.addi %mul3A_26, %add3A_684 : vector<16xi32>
    %gather3A_686 = tpu.vector_load_idx %arg5[%add3A_685] : memref<25600xi32, #tpu.memory_space<vmem>>[vector<16xi32>], vector<16xi32>,
    %add3A_687 = vector.broadcast %add3A_674 : i32 to vector<16xi32>
    %add3A_688 = arith.addi %mul3A_32, %add3A_687 : vector<16xi32>
    %gather3A_689 = tpu.vector_load_idx %arg5[%add3A_688] : memref<25600xi32, #tpu.memory_space<vmem>>[vector<16xi32>], vector<16xi32>,
    %add3A_690 = vector.broadcast %add3A_674 : i32 to vector<16xi32>
    %add3A_691 = arith.addi %mul3A_38, %add3A_690 : vector<16xi32>
    %gather3A_692 = tpu.vector_load_idx %arg5[%add3A_691] : memref<25600xi32, #tpu.memory_space<vmem>>[vector<16xi32>], vector<16xi32>,
    %add3A_693 = vector.broadcast %add3A_674 : i32 to vector<16xi32>
    %add3A_694 = arith.addi %mul3A_44, %add3A_693 : vector<16xi32>
    %gather3A_695 = tpu.vector_load_idx %arg5[%add3A_694] : memref<25600xi32, #tpu.memory_space<vmem>>[vector<16xi32>], vector<16xi32>,
    %add3A_696 = vector.broadcast %add3A_674 : i32 to vector<16xi32>
    %add3A_697 = arith.addi %mul3A_50, %add3A_696 : vector<16xi32>
    %gather3A_698 = tpu.vector_load_idx %arg5[%add3A_697] : memref<25600xi32, #tpu.memory_space<vmem>>[vector<16xi32>], vector<16xi32>,
    %add3A_699 = vector.broadcast %add3A_674 : i32 to vector<16xi32>
    %add3A_700 = arith.addi %mul3A_8, %add3A_699 : vector<16xi32>
    %add3A_701 = arith.constant 1 : i32
    %add3A_702 = vector.broadcast %add3A_701 : i32 to vector<16xi32>
    %add3A_703 = arith.addi %add3A_700, %add3A_702 : vector<16xi32>
    %gather3A_704 = tpu.vector_load_idx %arg5[%add3A_703] : memref<25600xi32, #tpu.memory_space<vmem>>[vector<16xi32>], vector<16xi32>,
    %add3A_705 = vector.broadcast %add3A_674 : i32 to vector<16xi32>
    %add3A_706 = arith.addi %mul3A_14, %add3A_705 : vector<16xi32>
    %add3A_707 = arith.constant 1 : i32
    %add3A_708 = vector.broadcast %add3A_707 : i32 to vector<16xi32>
    %add3A_709 = arith.addi %add3A_706, %add3A_708 : vector<16xi32>
    %gather3A_710 = tpu.vector_load_idx %arg5[%add3A_709] : memref<25600xi32, #tpu.memory_space<vmem>>[vector<16xi32>], vector<16xi32>,
    %add3A_711 = vector.broadcast %add3A_674 : i32 to vector<16xi32>
    %add3A_712 = arith.addi %mul3A_20, %add3A_711 : vector<16xi32>
    %add3A_713 = arith.constant 1 : i32
    %add3A_714 = vector.broadcast %add3A_713 : i32 to vector<16xi32>
    %add3A_715 = arith.addi %add3A_712, %add3A_714 : vector<16xi32>
    %gather3A_716 = tpu.vector_load_idx %arg5[%add3A_715] : memref<25600xi32, #tpu.memory_space<vmem>>[vector<16xi32>], vector<16xi32>,
    %add3A_717 = vector.broadcast %add3A_674 : i32 to vector<16xi32>
    %add3A_718 = arith.addi %mul3A_26, %add3A_717 : vector<16xi32>
    %add3A_719 = arith.constant 1 : i32
    %add3A_720 = vector.broadcast %add3A_719 : i32 to vector<16xi32>
    %add3A_721 = arith.addi %add3A_718, %add3A_720 : vector<16xi32>
    %gather3A_722 = tpu.vector_load_idx %arg5[%add3A_721] : memref<25600xi32, #tpu.memory_space<vmem>>[vector<16xi32>], vector<16xi32>,
    %add3A_723 = vector.broadcast %add3A_674 : i32 to vector<16xi32>
    %add3A_724 = arith.addi %mul3A_32, %add3A_723 : vector<16xi32>
    %add3A_725 = arith.constant 1 : i32
    %add3A_726 = vector.broadcast %add3A_725 : i32 to vector<16xi32>
    %add3A_727 = arith.addi %add3A_724, %add3A_726 : vector<16xi32>
    %gather3A_728 = tpu.vector_load_idx %arg5[%add3A_727] : memref<25600xi32, #tpu.memory_space<vmem>>[vector<16xi32>], vector<16xi32>,
    %add3A_729 = vector.broadcast %add3A_674 : i32 to vector<16xi32>
    %add3A_730 = arith.addi %mul3A_38, %add3A_729 : vector<16xi32>
    %add3A_731 = arith.constant 1 : i32
    %add3A_732 = vector.broadcast %add3A_731 : i32 to vector<16xi32>
    %add3A_733 = arith.addi %add3A_730, %add3A_732 : vector<16xi32>
    %gather3A_734 = tpu.vector_load_idx %arg5[%add3A_733] : memref<25600xi32, #tpu.memory_space<vmem>>[vector<16xi32>], vector<16xi32>,
    %add3A_735 = vector.broadcast %add3A_674 : i32 to vector<16xi32>
    %add3A_736 = arith.addi %mul3A_44, %add3A_735 : vector<16xi32>
    %add3A_737 = arith.constant 1 : i32
    %add3A_738 = vector.broadcast %add3A_737 : i32 to vector<16xi32>
    %add3A_739 = arith.addi %add3A_736, %add3A_738 : vector<16xi32>
    %gather3A_740 = tpu.vector_load_idx %arg5[%add3A_739] : memref<25600xi32, #tpu.memory_space<vmem>>[vector<16xi32>], vector<16xi32>,
    %add3A_741 = vector.broadcast %add3A_674 : i32 to vector<16xi32>
    %add3A_742 = arith.addi %mul3A_50, %add3A_741 : vector<16xi32>
    %add3A_743 = arith.constant 1 : i32
    %add3A_744 = vector.broadcast %add3A_743 : i32 to vector<16xi32>
    %add3A_745 = arith.addi %add3A_742, %add3A_744 : vector<16xi32>
    %gather3A_746 = tpu.vector_load_idx %arg5[%add3A_745] : memref<25600xi32, #tpu.memory_space<vmem>>[vector<16xi32>], vector<16xi32>,
    %and3A_747 = arith.constant 1 : i32
    %and3A_748 = vector.broadcast %and3A_747 : i32 to vector<16xi32>
    %and3A_749 = arith.andi %gather3A_677, %and3A_748 : vector<16xi32>
    %mul3A_750 = arith.constant 64 : i32
    %mul3A_751 = vector.broadcast %mul3A_750 : i32 to vector<16xi32>
    %mul3A_752 = arith.muli %and3A_749, %mul3A_751 : vector<16xi32>
    %and3A_753 = arith.constant 1 : i32
    %and3A_754 = vector.broadcast %and3A_753 : i32 to vector<16xi32>
    %and3A_755 = arith.andi %gather3A_680, %and3A_754 : vector<16xi32>
    %mul3A_756 = arith.constant 64 : i32
    %mul3A_757 = vector.broadcast %mul3A_756 : i32 to vector<16xi32>
    %mul3A_758 = arith.muli %and3A_755, %mul3A_757 : vector<16xi32>
    %and3A_759 = arith.constant 1 : i32
    %and3A_760 = vector.broadcast %and3A_759 : i32 to vector<16xi32>
    %and3A_761 = arith.andi %gather3A_683, %and3A_760 : vector<16xi32>
    %mul3A_762 = arith.constant 64 : i32
    %mul3A_763 = vector.broadcast %mul3A_762 : i32 to vector<16xi32>
    %mul3A_764 = arith.muli %and3A_761, %mul3A_763 : vector<16xi32>
    %and3A_765 = arith.constant 1 : i32
    %and3A_766 = vector.broadcast %and3A_765 : i32 to vector<16xi32>
    %and3A_767 = arith.andi %gather3A_686, %and3A_766 : vector<16xi32>
    %mul3A_768 = arith.constant 64 : i32
    %mul3A_769 = vector.broadcast %mul3A_768 : i32 to vector<16xi32>
    %mul3A_770 = arith.muli %and3A_767, %mul3A_769 : vector<16xi32>
    %and3A_771 = arith.constant 1 : i32
    %and3A_772 = vector.broadcast %and3A_771 : i32 to vector<16xi32>
    %and3A_773 = arith.andi %gather3A_689, %and3A_772 : vector<16xi32>
    %mul3A_774 = arith.constant 64 : i32
    %mul3A_775 = vector.broadcast %mul3A_774 : i32 to vector<16xi32>
    %mul3A_776 = arith.muli %and3A_773, %mul3A_775 : vector<16xi32>
    %and3A_777 = arith.constant 1 : i32
    %and3A_778 = vector.broadcast %and3A_777 : i32 to vector<16xi32>
    %and3A_779 = arith.andi %gather3A_692, %and3A_778 : vector<16xi32>
    %mul3A_780 = arith.constant 64 : i32
    %mul3A_781 = vector.broadcast %mul3A_780 : i32 to vector<16xi32>
    %mul3A_782 = arith.muli %and3A_779, %mul3A_781 : vector<16xi32>
    %and3A_783 = arith.constant 1 : i32
    %and3A_784 = vector.broadcast %and3A_783 : i32 to vector<16xi32>
    %and3A_785 = arith.andi %gather3A_695, %and3A_784 : vector<16xi32>
    %mul3A_786 = arith.constant 64 : i32
    %mul3A_787 = vector.broadcast %mul3A_786 : i32 to vector<16xi32>
    %mul3A_788 = arith.muli %and3A_785, %mul3A_787 : vector<16xi32>
    %and3A_789 = arith.constant 1 : i32
    %and3A_790 = vector.broadcast %and3A_789 : i32 to vector<16xi32>
    %and3A_791 = arith.andi %gather3A_698, %and3A_790 : vector<16xi32>
    %mul3A_792 = arith.constant 64 : i32
    %mul3A_793 = vector.broadcast %mul3A_792 : i32 to vector<16xi32>
    %mul3A_794 = arith.muli %and3A_791, %mul3A_793 : vector<16xi32>
    %and3A_795 = arith.constant 1 : i32
    %and3A_796 = vector.broadcast %and3A_795 : i32 to vector<16xi32>
    %and3A_797 = arith.andi %gather3A_704, %and3A_796 : vector<16xi32>
    %mul3A_798 = arith.constant 64 : i32
    %mul3A_799 = vector.broadcast %mul3A_798 : i32 to vector<16xi32>
    %mul3A_800 = arith.muli %and3A_797, %mul3A_799 : vector<16xi32>
    %and3A_801 = arith.constant 1 : i32
    %and3A_802 = vector.broadcast %and3A_801 : i32 to vector<16xi32>
    %and3A_803 = arith.andi %gather3A_710, %and3A_802 : vector<16xi32>
    %mul3A_804 = arith.constant 64 : i32
    %mul3A_805 = vector.broadcast %mul3A_804 : i32 to vector<16xi32>
    %mul3A_806 = arith.muli %and3A_803, %mul3A_805 : vector<16xi32>
    %and3A_807 = arith.constant 1 : i32
    %and3A_808 = vector.broadcast %and3A_807 : i32 to vector<16xi32>
    %and3A_809 = arith.andi %gather3A_716, %and3A_808 : vector<16xi32>
    %mul3A_810 = arith.constant 64 : i32
    %mul3A_811 = vector.broadcast %mul3A_810 : i32 to vector<16xi32>
    %mul3A_812 = arith.muli %and3A_809, %mul3A_811 : vector<16xi32>
    %and3A_813 = arith.constant 1 : i32
    %and3A_814 = vector.broadcast %and3A_813 : i32 to vector<16xi32>
    %and3A_815 = arith.andi %gather3A_722, %and3A_814 : vector<16xi32>
    %mul3A_816 = arith.constant 64 : i32
    %mul3A_817 = vector.broadcast %mul3A_816 : i32 to vector<16xi32>
    %mul3A_818 = arith.muli %and3A_815, %mul3A_817 : vector<16xi32>
    %and3A_819 = arith.constant 1 : i32
    %and3A_820 = vector.broadcast %and3A_819 : i32 to vector<16xi32>
    %and3A_821 = arith.andi %gather3A_728, %and3A_820 : vector<16xi32>
    %mul3A_822 = arith.constant 64 : i32
    %mul3A_823 = vector.broadcast %mul3A_822 : i32 to vector<16xi32>
    %mul3A_824 = arith.muli %and3A_821, %mul3A_823 : vector<16xi32>
    %and3A_825 = arith.constant 1 : i32
    %and3A_826 = vector.broadcast %and3A_825 : i32 to vector<16xi32>
    %and3A_827 = arith.andi %gather3A_734, %and3A_826 : vector<16xi32>
    %mul3A_828 = arith.constant 64 : i32
    %mul3A_829 = vector.broadcast %mul3A_828 : i32 to vector<16xi32>
    %mul3A_830 = arith.muli %and3A_827, %mul3A_829 : vector<16xi32>
    %and3A_831 = arith.constant 1 : i32
    %and3A_832 = vector.broadcast %and3A_831 : i32 to vector<16xi32>
    %and3A_833 = arith.andi %gather3A_740, %and3A_832 : vector<16xi32>
    %mul3A_834 = arith.constant 64 : i32
    %mul3A_835 = vector.broadcast %mul3A_834 : i32 to vector<16xi32>
    %mul3A_836 = arith.muli %and3A_833, %mul3A_835 : vector<16xi32>
    %and3A_837 = arith.constant 1 : i32
    %and3A_838 = vector.broadcast %and3A_837 : i32 to vector<16xi32>
    %and3A_839 = arith.andi %gather3A_746, %and3A_838 : vector<16xi32>
    %mul3A_840 = arith.constant 64 : i32
    %mul3A_841 = vector.broadcast %mul3A_840 : i32 to vector<16xi32>
    %mul3A_842 = arith.muli %and3A_839, %mul3A_841 : vector<16xi32>
    %parallel_loop3A_843 = arith.constant 0 : i32
    %parallel_loop3A_844 = arith.constant 64 : i32
    %parallel_loop3A_845 = arith.constant 1 : i32
    scf.for %parallel_loop3A_879 = %parallel_loop3A_843 to %parallel_loop3A_844 step %parallel_loop3A_845  : i32 {
      %parallel_loop3A_880 = vector.broadcast %parallel_loop3A_879 : i32 to vector<16xi32>
      %parallel_loop3A_881 = arith.addi %mul3A_752, %parallel_loop3A_880 : vector<16xi32>
      %parallel_loop3A_882 = tpu.vector_load_idx %arg9[%add3A_53, %parallel_loop3A_881] : memref<256x128xf32, #tpu.memory_space<vmem>>[vector<16xi32>, vector<16xi32>], vector<16xf32>,
      %parallel_loop3A_883 = arith.constant 0 : i32
      %parallel_loop3A_884 = arith.index_cast %parallel_loop3A_883 : i32 to index
      %parallel_loop3A_885 = arith.index_cast %parallel_loop3A_879 : i32 to index
      %parallel_loop3A_886 = arith.constant 0 : index
      %parallel_loop3A_887 = tpu.vector_load %arg11[%parallel_loop3A_884, %parallel_loop3A_885, %parallel_loop3A_886] {strides = array<i32>} : memref<2x64x128xf32, #tpu.memory_space<vmem>>, vector<16xf32>,
      tpu.vector_store %arg11[%parallel_loop3A_884, %parallel_loop3A_885, %parallel_loop3A_886], %parallel_loop3A_882 {strides = array<i32>} : memref<2x64x128xf32, #tpu.memory_space<vmem>>, vector<16xf32>,
      %parallel_loop3A_888 = vector.broadcast %parallel_loop3A_879 : i32 to vector<16xi32>
      %parallel_loop3A_889 = arith.addi %mul3A_800, %parallel_loop3A_888 : vector<16xi32>
      %parallel_loop3A_890 = tpu.vector_load_idx %arg9[%add3A_80, %parallel_loop3A_889] : memref<256x128xf32, #tpu.memory_space<vmem>>[vector<16xi32>, vector<16xi32>], vector<16xf32>,
      %parallel_loop3A_891 = arith.constant 1 : i32
      %parallel_loop3A_892 = arith.index_cast %parallel_loop3A_891 : i32 to index
      %parallel_loop3A_893 = arith.index_cast %parallel_loop3A_879 : i32 to index
      %parallel_loop3A_894 = arith.constant 0 : index
      %parallel_loop3A_895 = tpu.vector_load %arg11[%parallel_loop3A_892, %parallel_loop3A_893, %parallel_loop3A_894] {strides = array<i32>} : memref<2x64x128xf32, #tpu.memory_space<vmem>>, vector<16xf32>,
      tpu.vector_store %arg11[%parallel_loop3A_892, %parallel_loop3A_893, %parallel_loop3A_894], %parallel_loop3A_890 {strides = array<i32>} : memref<2x64x128xf32, #tpu.memory_space<vmem>>, vector<16xf32>,
      %parallel_loop3A_896 = vector.broadcast %parallel_loop3A_879 : i32 to vector<16xi32>
      %parallel_loop3A_897 = arith.addi %mul3A_758, %parallel_loop3A_896 : vector<16xi32>
      %parallel_loop3A_898 = tpu.vector_load_idx %arg9[%add3A_56, %parallel_loop3A_897] : memref<256x128xf32, #tpu.memory_space<vmem>>[vector<16xi32>, vector<16xi32>], vector<16xf32>,
      %parallel_loop3A_899 = arith.constant 0 : i32
      %parallel_loop3A_900 = arith.index_cast %parallel_loop3A_899 : i32 to index
      %parallel_loop3A_901 = arith.index_cast %parallel_loop3A_879 : i32 to index
      %parallel_loop3A_902 = arith.constant 16 : index
      %parallel_loop3A_903 = tpu.vector_load %arg11[%parallel_loop3A_900, %parallel_loop3A_901, %parallel_loop3A_902] {strides = array<i32>} : memref<2x64x128xf32, #tpu.memory_space<vmem>>, vector<16xf32>,
      tpu.vector_store %arg11[%parallel_loop3A_900, %parallel_loop3A_901, %parallel_loop3A_902], %parallel_loop3A_898 {strides = array<i32>} : memref<2x64x128xf32, #tpu.memory_space<vmem>>, vector<16xf32>,
      %parallel_loop3A_904 = vector.broadcast %parallel_loop3A_879 : i32 to vector<16xi32>
      %parallel_loop3A_905 = arith.addi %mul3A_806, %parallel_loop3A_904 : vector<16xi32>
      %parallel_loop3A_906 = tpu.vector_load_idx %arg9[%add3A_86, %parallel_loop3A_905] : memref<256x128xf32, #tpu.memory_space<vmem>>[vector<16xi32>, vector<16xi32>], vector<16xf32>,
      %parallel_loop3A_907 = arith.constant 1 : i32
      %parallel_loop3A_908 = arith.index_cast %parallel_loop3A_907 : i32 to index
      %parallel_loop3A_909 = arith.index_cast %parallel_loop3A_879 : i32 to index
      %parallel_loop3A_910 = arith.constant 16 : index
      %parallel_loop3A_911 = tpu.vector_load %arg11[%parallel_loop3A_908, %parallel_loop3A_909, %parallel_loop3A_910] {strides = array<i32>} : memref<2x64x128xf32, #tpu.memory_space<vmem>>, vector<16xf32>,
      tpu.vector_store %arg11[%parallel_loop3A_908, %parallel_loop3A_909, %parallel_loop3A_910], %parallel_loop3A_906 {strides = array<i32>} : memref<2x64x128xf32, #tpu.memory_space<vmem>>, vector<16xf32>,
      %parallel_loop3A_912 = vector.broadcast %parallel_loop3A_879 : i32 to vector<16xi32>
      %parallel_loop3A_913 = arith.addi %mul3A_764, %parallel_loop3A_912 : vector<16xi32>
      %parallel_loop3A_914 = tpu.vector_load_idx %arg9[%add3A_59, %parallel_loop3A_913] : memref<256x128xf32, #tpu.memory_space<vmem>>[vector<16xi32>, vector<16xi32>], vector<16xf32>,
      %parallel_loop3A_915 = arith.constant 0 : i32
      %parallel_loop3A_916 = arith.index_cast %parallel_loop3A_915 : i32 to index
      %parallel_loop3A_917 = arith.index_cast %parallel_loop3A_879 : i32 to index
      %parallel_loop3A_918 = arith.constant 32 : index
      %parallel_loop3A_919 = tpu.vector_load %arg11[%parallel_loop3A_916, %parallel_loop3A_917, %parallel_loop3A_918] {strides = array<i32>} : memref<2x64x128xf32, #tpu.memory_space<vmem>>, vector<16xf32>,
      tpu.vector_store %arg11[%parallel_loop3A_916, %parallel_loop3A_917, %parallel_loop3A_918], %parallel_loop3A_914 {strides = array<i32>} : memref<2x64x128xf32, #tpu.memory_space<vmem>>, vector<16xf32>,
      %parallel_loop3A_920 = vector.broadcast %parallel_loop3A_879 : i32 to vector<16xi32>
      %parallel_loop3A_921 = arith.addi %mul3A_812, %parallel_loop3A_920 : vector<16xi32>
      %parallel_loop3A_922 = tpu.vector_load_idx %arg9[%add3A_92, %parallel_loop3A_921] : memref<256x128xf32, #tpu.memory_space<vmem>>[vector<16xi32>, vector<16xi32>], vector<16xf32>,
      %parallel_loop3A_923 = arith.constant 1 : i32
      %parallel_loop3A_924 = arith.index_cast %parallel_loop3A_923 : i32 to index
      %parallel_loop3A_925 = arith.index_cast %parallel_loop3A_879 : i32 to index
      %parallel_loop3A_926 = arith.constant 32 : index
      %parallel_loop3A_927 = tpu.vector_load %arg11[%parallel_loop3A_924, %parallel_loop3A_925, %parallel_loop3A_926] {strides = array<i32>} : memref<2x64x128xf32, #tpu.memory_space<vmem>>, vector<16xf32>,
      tpu.vector_store %arg11[%parallel_loop3A_924, %parallel_loop3A_925, %parallel_loop3A_926], %parallel_loop3A_922 {strides = array<i32>} : memref<2x64x128xf32, #tpu.memory_space<vmem>>, vector<16xf32>,
      %parallel_loop3A_928 = vector.broadcast %parallel_loop3A_879 : i32 to vector<16xi32>
      %parallel_loop3A_929 = arith.addi %mul3A_770, %parallel_loop3A_928 : vector<16xi32>
      %parallel_loop3A_930 = tpu.vector_load_idx %arg9[%add3A_62, %parallel_loop3A_929] : memref<256x128xf32, #tpu.memory_space<vmem>>[vector<16xi32>, vector<16xi32>], vector<16xf32>,
      %parallel_loop3A_931 = arith.constant 0 : i32
      %parallel_loop3A_932 = arith.index_cast %parallel_loop3A_931 : i32 to index
      %parallel_loop3A_933 = arith.index_cast %parallel_loop3A_879 : i32 to index
      %parallel_loop3A_934 = arith.constant 48 : index
      %parallel_loop3A_935 = tpu.vector_load %arg11[%parallel_loop3A_932, %parallel_loop3A_933, %parallel_loop3A_934] {strides = array<i32>} : memref<2x64x128xf32, #tpu.memory_space<vmem>>, vector<16xf32>,
      tpu.vector_store %arg11[%parallel_loop3A_932, %parallel_loop3A_933, %parallel_loop3A_934], %parallel_loop3A_930 {strides = array<i32>} : memref<2x64x128xf32, #tpu.memory_space<vmem>>, vector<16xf32>,
      %parallel_loop3A_936 = vector.broadcast %parallel_loop3A_879 : i32 to vector<16xi32>
      %parallel_loop3A_937 = arith.addi %mul3A_818, %parallel_loop3A_936 : vector<16xi32>
      %parallel_loop3A_938 = tpu.vector_load_idx %arg9[%add3A_98, %parallel_loop3A_937] : memref<256x128xf32, #tpu.memory_space<vmem>>[vector<16xi32>, vector<16xi32>], vector<16xf32>,
      %parallel_loop3A_939 = arith.constant 1 : i32
      %parallel_loop3A_940 = arith.index_cast %parallel_loop3A_939 : i32 to index
      %parallel_loop3A_941 = arith.index_cast %parallel_loop3A_879 : i32 to index
      %parallel_loop3A_942 = arith.constant 48 : index
      %parallel_loop3A_943 = tpu.vector_load %arg11[%parallel_loop3A_940, %parallel_loop3A_941, %parallel_loop3A_942] {strides = array<i32>} : memref<2x64x128xf32, #tpu.memory_space<vmem>>, vector<16xf32>,
      tpu.vector_store %arg11[%parallel_loop3A_940, %parallel_loop3A_941, %parallel_loop3A_942], %parallel_loop3A_938 {strides = array<i32>} : memref<2x64x128xf32, #tpu.memory_space<vmem>>, vector<16xf32>,
      %parallel_loop3A_944 = vector.broadcast %parallel_loop3A_879 : i32 to vector<16xi32>
      %parallel_loop3A_945 = arith.addi %mul3A_776, %parallel_loop3A_944 : vector<16xi32>
      %parallel_loop3A_946 = tpu.vector_load_idx %arg9[%add3A_65, %parallel_loop3A_945] : memref<256x128xf32, #tpu.memory_space<vmem>>[vector<16xi32>, vector<16xi32>], vector<16xf32>,
      %parallel_loop3A_947 = arith.constant 0 : i32
      %parallel_loop3A_948 = arith.index_cast %parallel_loop3A_947 : i32 to index
      %parallel_loop3A_949 = arith.index_cast %parallel_loop3A_879 : i32 to index
      %parallel_loop3A_950 = arith.constant 64 : index
      %parallel_loop3A_951 = tpu.vector_load %arg11[%parallel_loop3A_948, %parallel_loop3A_949, %parallel_loop3A_950] {strides = array<i32>} : memref<2x64x128xf32, #tpu.memory_space<vmem>>, vector<16xf32>,
      tpu.vector_store %arg11[%parallel_loop3A_948, %parallel_loop3A_949, %parallel_loop3A_950], %parallel_loop3A_946 {strides = array<i32>} : memref<2x64x128xf32, #tpu.memory_space<vmem>>, vector<16xf32>,
      %parallel_loop3A_952 = vector.broadcast %parallel_loop3A_879 : i32 to vector<16xi32>
      %parallel_loop3A_953 = arith.addi %mul3A_824, %parallel_loop3A_952 : vector<16xi32>
      %parallel_loop3A_954 = tpu.vector_load_idx %arg9[%add3A_104, %parallel_loop3A_953] : memref<256x128xf32, #tpu.memory_space<vmem>>[vector<16xi32>, vector<16xi32>], vector<16xf32>,
      %parallel_loop3A_955 = arith.constant 1 : i32
      %parallel_loop3A_956 = arith.index_cast %parallel_loop3A_955 : i32 to index
      %parallel_loop3A_957 = arith.index_cast %parallel_loop3A_879 : i32 to index
      %parallel_loop3A_958 = arith.constant 64 : index
      %parallel_loop3A_959 = tpu.vector_load %arg11[%parallel_loop3A_956, %parallel_loop3A_957, %parallel_loop3A_958] {strides = array<i32>} : memref<2x64x128xf32, #tpu.memory_space<vmem>>, vector<16xf32>,
      tpu.vector_store %arg11[%parallel_loop3A_956, %parallel_loop3A_957, %parallel_loop3A_958], %parallel_loop3A_954 {strides = array<i32>} : memref<2x64x128xf32, #tpu.memory_space<vmem>>, vector<16xf32>,
      %parallel_loop3A_960 = vector.broadcast %parallel_loop3A_879 : i32 to vector<16xi32>
      %parallel_loop3A_961 = arith.addi %mul3A_782, %parallel_loop3A_960 : vector<16xi32>
      %parallel_loop3A_962 = tpu.vector_load_idx %arg9[%add3A_68, %parallel_loop3A_961] : memref<256x128xf32, #tpu.memory_space<vmem>>[vector<16xi32>, vector<16xi32>], vector<16xf32>,
      %parallel_loop3A_963 = arith.constant 0 : i32
      %parallel_loop3A_964 = arith.index_cast %parallel_loop3A_963 : i32 to index
      %parallel_loop3A_965 = arith.index_cast %parallel_loop3A_879 : i32 to index
      %parallel_loop3A_966 = arith.constant 80 : index
      %parallel_loop3A_967 = tpu.vector_load %arg11[%parallel_loop3A_964, %parallel_loop3A_965, %parallel_loop3A_966] {strides = array<i32>} : memref<2x64x128xf32, #tpu.memory_space<vmem>>, vector<16xf32>,
      tpu.vector_store %arg11[%parallel_loop3A_964, %parallel_loop3A_965, %parallel_loop3A_966], %parallel_loop3A_962 {strides = array<i32>} : memref<2x64x128xf32, #tpu.memory_space<vmem>>, vector<16xf32>,
      %parallel_loop3A_968 = vector.broadcast %parallel_loop3A_879 : i32 to vector<16xi32>
      %parallel_loop3A_969 = arith.addi %mul3A_830, %parallel_loop3A_968 : vector<16xi32>
      %parallel_loop3A_970 = tpu.vector_load_idx %arg9[%add3A_110, %parallel_loop3A_969] : memref<256x128xf32, #tpu.memory_space<vmem>>[vector<16xi32>, vector<16xi32>], vector<16xf32>,
      %parallel_loop3A_971 = arith.constant 1 : i32
      %parallel_loop3A_972 = arith.index_cast %parallel_loop3A_971 : i32 to index
      %parallel_loop3A_973 = arith.index_cast %parallel_loop3A_879 : i32 to index
      %parallel_loop3A_974 = arith.constant 80 : index
      %parallel_loop3A_975 = tpu.vector_load %arg11[%parallel_loop3A_972, %parallel_loop3A_973, %parallel_loop3A_974] {strides = array<i32>} : memref<2x64x128xf32, #tpu.memory_space<vmem>>, vector<16xf32>,
      tpu.vector_store %arg11[%parallel_loop3A_972, %parallel_loop3A_973, %parallel_loop3A_974], %parallel_loop3A_970 {strides = array<i32>} : memref<2x64x128xf32, #tpu.memory_space<vmem>>, vector<16xf32>,
      %parallel_loop3A_976 = vector.broadcast %parallel_loop3A_879 : i32 to vector<16xi32>
      %parallel_loop3A_977 = arith.addi %mul3A_788, %parallel_loop3A_976 : vector<16xi32>
      %parallel_loop3A_978 = tpu.vector_load_idx %arg9[%add3A_71, %parallel_loop3A_977] : memref<256x128xf32, #tpu.memory_space<vmem>>[vector<16xi32>, vector<16xi32>], vector<16xf32>,
      %parallel_loop3A_979 = arith.constant 0 : i32
      %parallel_loop3A_980 = arith.index_cast %parallel_loop3A_979 : i32 to index
      %parallel_loop3A_981 = arith.index_cast %parallel_loop3A_879 : i32 to index
      %parallel_loop3A_982 = arith.constant 96 : index
      %parallel_loop3A_983 = tpu.vector_load %arg11[%parallel_loop3A_980, %parallel_loop3A_981, %parallel_loop3A_982] {strides = array<i32>} : memref<2x64x128xf32, #tpu.memory_space<vmem>>, vector<16xf32>,
      tpu.vector_store %arg11[%parallel_loop3A_980, %parallel_loop3A_981, %parallel_loop3A_982], %parallel_loop3A_978 {strides = array<i32>} : memref<2x64x128xf32, #tpu.memory_space<vmem>>, vector<16xf32>,
      %parallel_loop3A_984 = vector.broadcast %parallel_loop3A_879 : i32 to vector<16xi32>
      %parallel_loop3A_985 = arith.addi %mul3A_836, %parallel_loop3A_984 : vector<16xi32>
      %parallel_loop3A_986 = tpu.vector_load_idx %arg9[%add3A_116, %parallel_loop3A_985] : memref<256x128xf32, #tpu.memory_space<vmem>>[vector<16xi32>, vector<16xi32>], vector<16xf32>,
      %parallel_loop3A_987 = arith.constant 1 : i32
      %parallel_loop3A_988 = arith.index_cast %parallel_loop3A_987 : i32 to index
      %parallel_loop3A_989 = arith.index_cast %parallel_loop3A_879 : i32 to index
      %parallel_loop3A_990 = arith.constant 96 : index
      %parallel_loop3A_991 = tpu.vector_load %arg11[%parallel_loop3A_988, %parallel_loop3A_989, %parallel_loop3A_990] {strides = array<i32>} : memref<2x64x128xf32, #tpu.memory_space<vmem>>, vector<16xf32>,
      tpu.vector_store %arg11[%parallel_loop3A_988, %parallel_loop3A_989, %parallel_loop3A_990], %parallel_loop3A_986 {strides = array<i32>} : memref<2x64x128xf32, #tpu.memory_space<vmem>>, vector<16xf32>,
      %parallel_loop3A_992 = vector.broadcast %parallel_loop3A_879 : i32 to vector<16xi32>
      %parallel_loop3A_993 = arith.addi %mul3A_794, %parallel_loop3A_992 : vector<16xi32>
      %parallel_loop3A_994 = tpu.vector_load_idx %arg9[%add3A_74, %parallel_loop3A_993] : memref<256x128xf32, #tpu.memory_space<vmem>>[vector<16xi32>, vector<16xi32>], vector<16xf32>,
      %parallel_loop3A_995 = arith.constant 0 : i32
      %parallel_loop3A_996 = arith.index_cast %parallel_loop3A_995 : i32 to index
      %parallel_loop3A_997 = arith.index_cast %parallel_loop3A_879 : i32 to index
      %parallel_loop3A_998 = arith.constant 112 : index
      %parallel_loop3A_999 = tpu.vector_load %arg11[%parallel_loop3A_996, %parallel_loop3A_997, %parallel_loop3A_998] {strides = array<i32>} : memref<2x64x128xf32, #tpu.memory_space<vmem>>, vector<16xf32>,
      tpu.vector_store %arg11[%parallel_loop3A_996, %parallel_loop3A_997, %parallel_loop3A_998], %parallel_loop3A_994 {strides = array<i32>} : memref<2x64x128xf32, #tpu.memory_space<vmem>>, vector<16xf32>,
      %parallel_loop3A_1000 = vector.broadcast %parallel_loop3A_879 : i32 to vector<16xi32>
      %parallel_loop3A_1001 = arith.addi %mul3A_842, %parallel_loop3A_1000 : vector<16xi32>
      %parallel_loop3A_1002 = tpu.vector_load_idx %arg9[%add3A_122, %parallel_loop3A_1001] : memref<256x128xf32, #tpu.memory_space<vmem>>[vector<16xi32>, vector<16xi32>], vector<16xf32>,
      %parallel_loop3A_1003 = arith.constant 1 : i32
      %parallel_loop3A_1004 = arith.index_cast %parallel_loop3A_1003 : i32 to index
      %parallel_loop3A_1005 = arith.index_cast %parallel_loop3A_879 : i32 to index
      %parallel_loop3A_1006 = arith.constant 112 : index
      %parallel_loop3A_1007 = tpu.vector_load %arg11[%parallel_loop3A_1004, %parallel_loop3A_1005, %parallel_loop3A_1006] {strides = array<i32>} : memref<2x64x128xf32, #tpu.memory_space<vmem>>, vector<16xf32>,
      tpu.vector_store %arg11[%parallel_loop3A_1004, %parallel_loop3A_1005, %parallel_loop3A_1006], %parallel_loop3A_1002 {strides = array<i32>} : memref<2x64x128xf32, #tpu.memory_space<vmem>>, vector<16xf32>,
    } {sc.loop_unroll_factor = 4 : i64, sc.parallel_access}
    %rem3A_846 = arith.constant 99 : i32
    %rem3A_847 = arith.constant 25 : i32
    %rem3A_848 = arith.remsi %rem3A_846, %rem3A_847 : i32
    %mul3A_849 = arith.constant 2 : i32
    %mul3A_850 = arith.muli %mul3A_849, %rem3A_848 : i32
    %div3A_851 = arith.constant 99 : i32
    %div3A_852 = arith.constant 25 : i32
    %div3A_853 = arith.divsi %div3A_851, %div3A_852 : i32
    %mul3A_854 = arith.constant 4 : i32
    %mul3A_855 = arith.muli %add3A, %mul3A_854 : i32
    %add3A_856 = arith.addi %mul3A_855, %div3A_853 : i32
    %mul3A_857 = arith.constant 128 : i32
    %mul3A_858 = arith.muli %add3A_856, %mul3A_857 : i32
    %dma_start3A_859 = arith.constant 0 : i32
    %dma_start3A_860 = tpu.memref_slice %arg4[%mul3A_850, %dma_start3A_859, %mul3A_858] : memref<50x64x16384xf32, #tpu.memory_space<hbm>> -> memref<2x64x128xf32, #tpu.memory_space<hbm>>
    %dma_start3A_861 = arith.constant 0 : i32
    %dma_start3A_862 = tpu.memref_slice %arg4[%mul3A_850, %dma_start3A_861, %mul3A_858] : memref<50x64x16384xf32, #tpu.memory_space<hbm>> -> memref<2x64x128xf32, #tpu.memory_space<hbm>>
    tpu.enqueue_dma source(%arg11 : memref<2x64x128xf32, #tpu.memory_space<vmem>>) target(%dma_start3A_862 : memref<2x64x128xf32, #tpu.memory_space<hbm>>) target_semaphore(%arg15 : memref<!tpu.dma_semaphore, #tpu.memory_space<semaphore_mem>>)
    %dma_wait3A_863 = arith.constant 0 : i32
    %dma_wait3A_864 = arith.constant 0 : i32
    %dma_wait3A_865 = arith.constant 0 : i32
    %dma_wait3A_866 = tpu.memref_slice %arg4[%dma_wait3A_863, %dma_wait3A_864, %dma_wait3A_865] : memref<50x64x16384xf32, #tpu.memory_space<hbm>> -> memref<2x64x128xf32, #tpu.memory_space<hbm>>
    %dma_wait3A_867 = arith.constant 0 : i32
    %dma_wait3A_868 = arith.constant 0 : i32
    %dma_wait3A_869 = arith.constant 0 : i32
    %dma_wait3A_870 = tpu.memref_slice %arg4[%dma_wait3A_867, %dma_wait3A_868, %dma_wait3A_869] : memref<50x64x16384xf32, #tpu.memory_space<hbm>> -> memref<2x64x128xf32, #tpu.memory_space<hbm>>
    tpu.wait_dma2 semaphore(%arg14 : memref<!tpu.dma_semaphore, #tpu.memory_space<semaphore_mem>>) src(%arg10 : memref<2x64x128xf32, #tpu.memory_space<vmem>>) dst(%dma_wait3A_870 : memref<2x64x128xf32, #tpu.memory_space<hbm>>)
    %dma_wait3A_871 = arith.constant 0 : i32
    %dma_wait3A_872 = arith.constant 0 : i32
    %dma_wait3A_873 = arith.constant 0 : i32
    %dma_wait3A_874 = tpu.memref_slice %arg4[%dma_wait3A_871, %dma_wait3A_872, %dma_wait3A_873] : memref<50x64x16384xf32, #tpu.memory_space<hbm>> -> memref<2x64x128xf32, #tpu.memory_space<hbm>>
    %dma_wait3A_875 = arith.constant 0 : i32
    %dma_wait3A_876 = arith.constant 0 : i32
    %dma_wait3A_877 = arith.constant 0 : i32
    %dma_wait3A_878 = tpu.memref_slice %arg4[%dma_wait3A_875, %dma_wait3A_876, %dma_wait3A_877] : memref<50x64x16384xf32, #tpu.memory_space<hbm>> -> memref<2x64x128xf32, #tpu.memory_space<hbm>>
    tpu.wait_dma2 semaphore(%arg15 : memref<!tpu.dma_semaphore, #tpu.memory_space<semaphore_mem>>) src(%arg11 : memref<2x64x128xf32, #tpu.memory_space<vmem>>) dst(%dma_wait3A_878 : memref<2x64x128xf32, #tpu.memory_space<hbm>>)
    return
  }
}

</mosaic_0001>

<sc_bundles>
// kernel: kernel.3.cloned.1.call-start
scs
__scs_entry_jumppad:
0x0: {  	(pc) =	sbr.rel $0x88, $3  }
0x1: {  	(tag) =	ssettag $0x0;
	lr =	simm.s32 $0x1  }
0x2: {  	[smem:$0x3F9F] =	sst lr;
	_ =	strace $0xD0000000  }
0x3: {  	_ = 	snop  }
0x4: {  	_ = 	snop  }
0x5: {  	_ = 	snop  }
0x6: {  	_ = 	snop  }
0x7: {  	_ = 	snop  }
__scs_overlays_trampoline_lowered:
0x8: {  	[smem:$0x3FAE] =	sst s0  }
0x9: {  	[smem:$0x3FAF] =	sst s1  }
0xa: {  	[smem:$0x3FB0] =	sst s2  }
0xb: {  	[smem:$0x3FB1] =	sst s3  }
0xc: {  	[smem:$0x3FB2] =	sst s4  }
0xd: {  	[smem:$0x3FB3] =	sst s5  }
0xe: {  	[smem:$0x3FB4] =	sst s6  }
0xf: {  	[smem:$0x3FB5] =	sst s7  }
0x10: {  	[smem:$0x3FB6] =	sst s8  }
0x11: {  	[smem:$0x3FB7] =	sst s9;
	s0 =	simm.s32 @!p0 $0x0  }
0x12: {  	s1 =	sld [smem:$0x3F9D];
	s0 =	simm.s32 @p0 $0x1  }
0x13: {  	[smem:$0x3FB8] =	sst s0;
	s0 =	simm.s32 @!p1 $0x0  }
0x14: {  	s2 =	sld [smem:$0x3F9C];
	s0 =	simm.s32 @p1 $0x1  }
0x15: {  	[smem:$0x3FB9] =	sst s0;
	s0 =	simm.s32 @!p2 $0x0  }
0x16: {  	s3 =	sld [smem:$0x3FDB];
	s0 =	simm.s32 @p2 $0x1  }
0x17: {  	s4 =	simm.s32 $0x1BF5;
	[smem:$0x3FBB] =	sst s0  }
0x18: {  	s0 =	sld [smem:$0x3F9E];
	_ =	swait.ge [sflag:s4], $0x0  }
0x19: {  	s7 =	sld [smem:$0x3F9F]  }
0x1a: {  	s8 =	sadd.s32 $0xFFFFE003, lr  }
0x1b: {  	s9 =	sadd.s32 $0xFFFFFEF7, lr;
	s5 =	simm.s32 $0xFFFFFFFF;
	p2 =	slt.u32 s8, $0xFFFFF086  }
0x1c: {  	p1 =	slt.u32 s9, $0xF7A;
	s5 =	simm.s32 @!p2 $0x0  }
0x1d: {  	s5 =	simm.s32 @p1 $0x1;
	p0 =	seq.s32 s7, s2  }
0x1e: {  	s7 =	smul.u32 @!p0 $0xF7A, s2;
	p2 =	seq.s32 @!p0 s5, $0x0  }
0x1f: {  	s9 =	smul.u32 $0xF7A, s1;
	s8 =	simm.s32 @!p0 $0x1BF5;
	p2 =	por !p2, p0  }
0x20: {  	[sflag:s8] =	ssyncset.s32 @!p0 $0xFFFFF086;
	s6 =	sadd.s32 @!p0 s3, s7;
	s7 =	simm.s32 @!p0 $0x108  }
0x21: {  	s3 =	sadd.s32 s3, s9;
	s6 =	sadd.s32 @!p0 $0x88, s6;
	s7 =	simm.s32 @p2 $0x1082  }
0x22: {  	[simem:s7], [sflag:s8] =	dma.local @!p0 [hbm:s6], $0xF7A  }
0x23: {  	s9 =	sor.u32 $0xD0000000, s2;
	s6 =	simm.s32 $0x108;
	_ =	swait.ge @!p0 [sflag:s8], $0x0  }
0x24: {  	s3 =	sadd.s32 $0x88, s3;
	s6 =	simm.s32 @!p1 $0x1082;
	[sflag:s4] =	ssyncset.s32 $0xFFFFF086  }
0x25: {  	[simem:s6], [sflag:s4] =	dma.local [hbm:s3], $0xF7A  }
0x26: {  	[smem:$0x3F9F] =	sst s1;
	(tag) =	ssettag s2;
	_ =	strace s9  }
0x27: {  	s1 =	sld [smem:$0x3FAF]  }
0x28: {  	s2 =	sld [smem:$0x3FB0]  }
0x29: {  	s4 =	sld [smem:$0x3FB2]  }
0x2a: {  	p0 =	seq.s32 s5, $0x0;
	s5 =	sld [smem:$0x3FB3]  }
0x2b: {  	s6 =	sld [smem:$0x3FB4]  }
0x2c: {  	s7 =	sld [smem:$0x3FB5]  }
0x2d: {  	s3 =	simm.s32 $0x108;
	s8 =	sld [smem:$0x3FB6]  }
0x2e: {  	s3 =	simm.s32 @!p0 $0x1082;
	s9 =	sld [smem:$0x3FB7]  }
0x2f: {  	lr =	sadd.s32 s0, s3;
	s0 =	sld [smem:$0x3FAE]  }
0x30: {  	s3 =	sld [smem:$0x3FB1]  }
0x31: {  	[smem:$0x3FBA] =	sst s10  }
0x32: {  	s10 =	sld [smem:$0x3FB8];
	_ =	sdelay $0x3  }
0x33: {  	p0 =	seq.s32 s10, $0x1;
	s10 =	sld [smem:$0x3FBA];
	_ =	sdelay $0x3  }
0x34: {  	[smem:$0x3FBA] =	sst s10  }
0x35: {  	s10 =	sld [smem:$0x3FB9];
	_ =	sdelay $0x3  }
0x36: {  	p1 =	seq.s32 s10, $0x1;
	s10 =	sld [smem:$0x3FBA];
	_ =	sdelay $0x3  }
0x37: {  	[smem:$0x3FBA] =	sst s10  }
0x38: {  	s10 =	sld [smem:$0x3FBB]  }
0x39: {  	_ = 	snop;
	(pc) =	sbr.ind lr, $3  }
0x3a: {  	_ = 	snop  }
0x3b: {  	_ = 	snop  }
0x3c: {  	p2 =	seq.s32 s10, $0x1;
	s10 =	sld [smem:$0x3FBA]  }
0x3d: {  	_ =	shalt  }
0x3e: {  	_ =	shalt  }
0x3f: {  	_ =	shalt  }
0x40: {  	_ =	shalt  }
0x41: {  	_ =	shalt  }
0x42: {  	_ =	shalt  }
0x43: {  	_ =	shalt  }
0x44: {  	_ =	shalt  }
0x45: {  	_ =	shalt  }
0x46: {  	_ =	shalt  }
0x47: {  	_ =	shalt  }
0x48: {  	_ =	shalt  }
0x49: {  	_ =	shalt  }
0x4a: {  	_ =	shalt  }
0x4b: {  	_ =	shalt  }
0x4c: {  	_ =	shalt  }
0x4d: {  	_ =	shalt  }
0x4e: {  	_ =	shalt  }
0x4f: {  	_ =	shalt  }
0x50: {  	_ =	shalt  }
0x51: {  	_ =	shalt  }
0x52: {  	_ =	shalt  }
0x53: {  	_ =	shalt  }
0x54: {  	_ =	shalt  }
0x55: {  	_ =	shalt  }
0x56: {  	_ =	shalt  }
0x57: {  	_ =	shalt  }
0x58: {  	_ =	shalt  }
0x59: {  	_ =	shalt  }
0x5a: {  	_ =	shalt  }
0x5b: {  	_ =	shalt  }
0x5c: {  	_ =	shalt  }
0x5d: {  	_ =	shalt  }
0x5e: {  	_ =	shalt  }
0x5f: {  	_ =	shalt  }
0x60: {  	_ =	shalt  }
0x61: {  	_ =	shalt  }
0x62: {  	_ =	shalt  }
0x63: {  	_ =	shalt  }
0x64: {  	_ =	shalt  }
0x65: {  	_ =	shalt  }
0x66: {  	_ =	shalt  }
0x67: {  	_ =	shalt  }
0x68: {  	_ =	shalt  }
0x69: {  	_ =	shalt  }
0x6a: {  	_ =	shalt  }
0x6b: {  	_ =	shalt  }
0x6c: {  	_ =	shalt  }
0x6d: {  	_ =	shalt  }
0x6e: {  	_ =	shalt  }
0x6f: {  	_ =	shalt  }
0x70: {  	_ =	shalt  }
0x71: {  	_ =	shalt  }
0x72: {  	_ =	shalt  }
0x73: {  	_ =	shalt  }
0x74: {  	_ =	shalt  }
0x75: {  	_ =	shalt  }
0x76: {  	_ =	shalt  }
0x77: {  	_ =	shalt  }
0x78: {  	_ =	shalt  }
0x79: {  	_ =	shalt  }
0x7a: {  	_ =	shalt  }
0x7b: {  	_ =	shalt  }
0x7c: {  	_ =	shalt  }
0x7d: {  	_ =	shalt  }
0x7e: {  	_ =	shalt  }
0x7f: {  	_ =	shalt  }
0x80: {  	_ =	shalt  }
0x81: {  	_ =	shalt  }
0x82: {  	_ =	shalt  }
0x83: {  	_ =	shalt  }
0x84: {  	_ =	shalt  }
0x85: {  	_ =	shalt  }
0x86: {  	_ =	shalt  }
0x87: {  	_ =	shalt  }
.Lfunc_end0:
.L_simem_size_0:
called_computation_lowered:
.L_overlay_start_0:
0x88: {  	s2 =	sld [smem:$0x3FD9]  }
0x89: {  	s3 =	sld [smem:$0x3FFE];
	_ =	sdelay $0x1  }
0x8a: {  	s1 =	srdreg.scid  }
0x8b: {  	s0 =	sand.u32 $0x1, s1  }
0x8c: {  	s17 =	sshll.u32 s0, $0xA;
	s2 =	sadd.s32 s3, s2  }
0x8d: {  	s2 =	sadd.s32 s2, s17  }
0x8e: {  	[smem:$0x3FC6] =	sst s2  }
0x8f: {  	_ = 	snop  }
0x90: {  	s2 =	sld [smem:$0x3FD0];
	(tm) =	ssettm $0x1  }
0x91: {  	s18 =	sld [smem:$0x3FFB];
	_ =	sdelay $0x3  }
0x92: {  	_ =	strace s18  }
0x93: {  	s3 =	sld [smem:$0x3FFC];
	_ =	sdelay $0x3  }
0x94: {  	_ =	strace s3  }
0x95: {  	s3 =	sld [smem:$0x3FFD];
	_ =	sdelay $0x3  }
0x96: {  	_ =	strace s3  }
0x97: {  	_ =	strace $0x8FFFFFFF  }
0x98: {  	s19 =	sld [smem:$0x3FDB];
	_ =	sdelay $0x1  }
0x99: {  	s4 =	simm.s32 $_scs_section_size  }
0x9a: {  	s5 =	simm.s32 $_size__tile_overlayer_lowered;
	s6 =	simm.s32 $_tile_overlayer_lowered  }
0x9b: {  	s22 =	simm.s32 $0x1BFF;
	s21 =	sshll.u32 s6, $0x1;
	s3 =	sadd.s32 s4, s19  }
0x9c: {  	s7 =	simm.s32 $0x0;
	s20 =	sshll.u32 s5, $0x1;
	s5 =	sadd.s32 s21, s3  }
0x9d: {  	[timem:s7], [sflag:s22] =	dma.local [hbm:s5], s20  }
0x9e: {  	_ =	swait.ge [sflag:s22], s20  }
0x9f: {  	s4 =	ssub.s32 $0x0, s20;
	[sflag:s22] =	ssyncset.done $0x0  }
0xa0: {  	[sflag:s22] =	ssyncadd.s32 s4;
	_ =	sdelay $0x1  }
0xa1: {  	s23 =	simm.s32 $0x1B8B  }
0xa2: {  	_ =	swait.ge [sflag:s23], $0x1  }
0xa3: {  	[sflag:s23] =	ssyncset.done $0x0  }
0xa4: {  	s25 =	simm.s32 $0x1B8E;
	s24 =	sld [smem:$0x3FFE];
	[sflag:s23] =	ssyncadd.s32 $0xFFFFFFFF  }
0xa5: {  	s26 =	simm.s32 $execute0_lowered;
	[smem:$0x3FD2] =	sst s25  }
0xa6: {  	s5 =	sshll.u32 s26, $0x1;
	_ =	strace $0x80000046;
	[dreg:$0x1] =	wrdreg $0xFFFFFFFF  }
0xa7: {  	s28 =	simm.s32 $_size_execute0_lowered;
	s3 =	sadd.s32 s3, s5;
	[dreg:$0x0] =	wrdreg $0x0  }
0xa8: {  	s5 =	sshll.u32 s28, $0x1;
	[dreg:$0x2] =	wrdreg s3  }
0xa9: {  	[dreg:$0x3] =	wrdreg s5  }
0xaa: {  	[dreg:$0x4] =	wrdreg $0xC0  }
0xab: {  	_ =	task [dreg:s7], $0x5FFFF  }
0xac: {  	[dreg:$0x1] =	wrdreg $0xFFFFFFFF  }
0xad: {  	[dreg:$0x0] =	wrdreg $0x60  }
0xae: {  	[dreg:$0x2] =	wrdreg s24  }
0xaf: {  	[dreg:$0x3] =	wrdreg s2  }
0xb0: {  	[dreg:$0x4] =	wrdreg $0x9  }
0xb1: {  	_ =	task.clear_ibuf [dreg:s7], $0x5FFFF;
	_ =	strace $0x90000046  }
0xb2: {  	s29 =	simm.s32 $0x9;
	_ =	strace $0x80000048  }
0xb3: {  	_ =	swait.ge [sflag:s29], $0x1  }
0xb4: {  	[sflag:s29] =	ssyncadd.s32 $0xFFFFFFFF  }
0xb5: {  	_ =	strace $0x90000048  }
0xb6: {  	_ =	sfence  }
0xb7: {  	s30 =	sld [smem:$0x0];
	_ =	sdelay $0x2  }
0xb8: {  	s31 =	sshll.u32 s1, $0xD;
	s1 =	sshrl.u32 s1, $0x2  }
0xb9: {  	s3 =	sand.u32 $0x4000, s31;
	s1 =	sadd.s32 s1, s30  }
0xba: {  	s0 =	sor.u32 s3, s0;
	s1 =	sshll.u32 s1, $0x11  }
0xbb: {  	s0 =	sor.u32 s1, s0  }
0xbc: {  	s0 =	sadd.s32 $0x8F2B, s0  }
0xbd: {  	[sflag:s0] =	ssyncadd.remote.s32 $0x1  }
0xbe: {  	_ =	sfence.sel $0xFFFF  }
0xbf: {  	[dreg:$0x0] =	wrdreg $0xFFFFFFFF;
	(pc) =	sbr.abs _section_cstart, $3  }
0xc0: {  	[dreg:$0x1] =	wrdreg $0xFFFFFFFF  }
0xc1: {  	_ =	task.clear_ibuf [dreg:s7], $0x2FFFF;
	_ =	strace $0x9FFFFFFF  }
0xc2: {  	(tm) =	ssettm $0x7FFFFFFF  }
0xc3: {  	_ =	shalt  }
tec
execute0_lowered:
.L_overlay_start_1:
0x0: {  	(tag) =	ssettag $0x1  }
0x1: {  	v16 =	vlaneseq.u32  }
0x2: {  	v0 =	vmul.u32 $0x32, v16;
	_ =	sdelay $0x1  }
0x3: {  	v1 =	vadd.s32 $0x320, v0  }
0x4: {  	[tilespmem:$0x1FDE0] =	vst v1;
	v1 =	vadd.s32 $0x640, v0  }
0x5: {  	[tilespmem:$0x1FDF0] =	vst v1;
	v1 =	vadd.s32 $0x2, v0  }
0x6: {  	[tilespmem:$0x1FE00] =	vst v1;
	v1 =	vadd.s32 $0x322, v0  }
0x7: {  	s0 =	srdreg.scid;
	s2 =	stileid.u32;
	[tilespmem:$0x1FE10] =	vst v1;
	v1 =	vadd.s32 $0x642, v0  }
0x8: {  	s0 =	sand.u32 $0x1, s0;
	s3 =	sshll.u32 s2, $0x1;
	[tilespmem:$0x1FE20] =	vst v1;
	v1 =	vadd.s32 $0x962, v0  }
0x9: {  	s1 =	rddreg [dreg:$0x0];
	s5 =	sor.u32 s0, s3;
	s3 =	simm.s32 $0x0;
	[tilespmem:$0x1FE30] =	vst v1;
	v1 =	vadd.s32 $0xC82, v0  }
0xa: {  	[smem:$0x7FF] =	sst s3;
	[tilespmem:$0x1FE40] =	vst v1;
	v1 =	vadd.s32 $0xFA2, v0  }
0xb: {  	s2 =	rddreg [dreg:$0x1];
	v2 =	vadd.s32 $0xFA3, v0;
	_ =	strace $0x80000047;
	[tilespmem:$0x1FE50] =	vst v1  }
0xc: {  	v1 =	vadd.s32 $0x12C2, v0;
	[tilespmem:$0x1FED0] =	vst v2  }
0xd: {  	v2 =	vadd.s32 $0x12C3, v0;
	[tilespmem:$0x1FE60] =	vst v1  }
0xe: {  	v1 =	vadd.s32 $0x15E2, v0;
	[tilespmem:$0x1FEE0] =	vst v2  }
0xf: {  	[tilespmem:$0x1FE70] =	vst v1;
	v1 =	vadd.s32 $0x3, v0  }
0x10: {  	[tilespmem:$0x1FE80] =	vst v1;
	v1 =	vadd.s32 $0x323, v0  }
0x11: {  	[tilespmem:$0x1FE90] =	vst v1;
	v1 =	vadd.s32 $0x643, v0  }
0x12: {  	[tilespmem:$0x1FEA0] =	vst v1;
	v1 =	vadd.s32 $0x963, v0  }
0x13: {  	[tilespmem:$0x1FEB0] =	vst v1;
	v1 =	vadd.s32 $0xC83, v0  }
0x14: {  	v2 =	vadd.s32 $0x15E3, v0;
	[tilespmem:$0x1FEC0] =	vst v1;
	v1 =	vmul.u32 $0x80, v16  }
0x15: {  	[tilespmem:$0x1FEF0] =	vst v2  }
0x16: {  	v2 =	vor.u32 $0x4000, v1;
	[tilespmem:$0x1FFE0] =	vst v1  }
0x17: {  	[tilespmem:$0x1FF00] =	vst v2;
	v2 =	vor.u32 $0x800, v1  }
0x18: {  	[tilespmem:$0x1FF10] =	vst v2;
	v2 =	vor.u32 $0x4800, v1  }
0x19: {  	[tilespmem:$0x1FF20] =	vst v2;
	v2 =	vor.u32 $0x1000, v1  }
0x1a: {  	[tilespmem:$0x1FF30] =	vst v2;
	v2 =	vor.u32 $0x5000, v1  }
0x1b: {  	[tilespmem:$0x1FF40] =	vst v2;
	v2 =	vor.u32 $0x1800, v1  }
0x1c: {  	[tilespmem:$0x1FF50] =	vst v2;
	v2 =	vor.u32 $0x5800, v1  }
0x1d: {  	s11 =	simm.s32 $0x100;
	s13 =	simm.s32 $0x6600;
	[tilespmem:$0x1FF60] =	vst v2;
	v2 =	vor.u32 $0x2000, v1  }
0x1e: {  	s15 =	simm.s32 $0xE600;
	s16 =	simm.s32 $0x1;
	s4 =	smul.u32 $0xC80, s5;
	[tilespmem:$0x1FF70] =	vst v2;
	v2 =	vor.u32 $0x6000, v1  }
0x1f: {  	s17 =	simm.s32 $0x400;
	s18 =	simm.s32 $0x20000;
	s20 =	simm.s32 $0x2;
	v3 =	vadd.s32 $0x960, v0;
	[tilespmem:$0x1FF80] =	vst v2;
	v2 =	vor.u32 $0x2800, v1  }
0x20: {  	s21 =	simm.s32 $0x1A600;
	s0 =	ssub.s32 $0x2, s0;
	v4 =	vadd.s32 $0xC80, v0;
	v5 =	vadd.s32 $0xFA0, v0;
	s6 =	sadd.s32 s4, s1;
	[tilespmem:$0x1FF90] =	vst v2;
	v2 =	vor.u32 $0x6800, v1  }
0x21: {  	v6 =	vadd.s32 $0x12C0, v0;
	v7 =	vadd.s32 $0x15E0, v0;
	s29 =	sshrl.u32 s0, $0x1;
	s7 =	sshll.u32 s5, $0x9;
	s30 =	sadd.s32 $0x600, s6;
	[tilespmem:$0x1FFA0] =	vst v2;
	v2 =	vor.u32 $0x3000, v1  }
0x22: {  	v9 =	vadd.s32 $0x321, v0;
	v10 =	vadd.s32 $0x641, v0;
	s0 =	ssub.s32 s0, s29;
	s31 =	sadd.s32 s2, s7;
	[dreg:$0x3] =	wrdreg s30;
	[tilespmem:$0x1FFB0] =	vst v2;
	v2 =	vor.u32 $0x7000, v1  }
0x23: {  	v8 =	vor.u32 $0x1, v0;
	s4 =	sadd.s32 $0xF42A00, s1;
	s1 =	sadd.s32 $0x600180, s31;
	[dreg:$0x4] =	wrdreg s31;
	[tilespmem:$0x1FFC0] =	vst v2;
	v2 =	vor.u32 $0x3800, v1  }
0x24: {  	s22 =	simm.s32 $0x3;
	v11 =	vadd.s32 $0x961, v0;
	v12 =	vadd.s32 $0xC81, v0;
	s0 =	smax.u32 s0, $0x1;
	[dreg:$0x5] =	wrdreg s1;
	v1 =	vor.u32 $0x7800, v1;
	[tilespmem:$0x1FFD0] =	vst v2  }
0x25: {  	v13 =	vadd.s32 $0xFA1, v0;
	v14 =	vadd.s32 $0x12C1, v0;
	v15 =	vadd.s32 $0x15E1, v0;
	s7 =	sshll.u32 s5, $0x2;
	[dreg:$0x6] =	wrdreg s0;
	s1 =	simm.s32 $0x0;
	[tilespmem:$0x1FFF0] =	vst v1  }
.LBB2_1:
0x26: {  	[dreg:$0x7] =	wrdreg s1  }
0x27: {  	s0 =	rddreg [dreg:$0x3];
	s29 =	simm.s32 $0x5  }
0x28: {  	[tilespmem:s3], [sflag:$0x5] =	stream.linear.gather [hbm4b:s0+s3], $0x6400, $0x38;
	[tilespmem:$0x1E600] =	vst v63  }
0x29: {  	_ =	swait.ge [sflag:s29], $0x6400  }
0x2a: {  	[sflag:s29] =	ssyncset.done $0x0;
	v1 =	vld [tilespmem:$0x1FDE0]  }
0x2b: {  	v2 =	vld [tilespmem:$0x1FDF0];
	[sflag:s29] =	ssyncadd.s32 $0xFFFF9C00  }
0x2c: {  	v16 =	vld.idx.msk [tilespmem:v0+s3+$0x0], $0xffff  }
0x2d: {  	v19 =	vld.idx.msk [tilespmem:v3+s3+$0x0], $0xffff  }
0x2e: {  	v20 =	vld.idx.msk [tilespmem:v4+s3+$0x0], $0xffff  }
0x2f: {  	v21 =	vld.idx.msk [tilespmem:v5+s3+$0x0], $0xffff  }
0x30: {  	v22 =	vld.idx.msk [tilespmem:v6+s3+$0x0], $0xffff  }
0x31: {  	v23 =	vld.idx.msk [tilespmem:v7+s3+$0x0], $0xffff  }
0x32: {  	v24 =	vld.idx.msk [tilespmem:v8+s3+$0x0], $0xffff  }
0x33: {  	v25 =	vld.idx.msk [tilespmem:v9+s3+$0x0], $0xffff  }
0x34: {  	v26 =	vld.idx.msk [tilespmem:v10+s3+$0x0], $0xffff  }
0x35: {  	v27 =	vld.idx.msk [tilespmem:v11+s3+$0x0], $0xffff  }
0x36: {  	v28 =	vld.idx.msk [tilespmem:v12+s3+$0x0], $0xffff  }
0x37: {  	v17 =	vld.idx.msk [tilespmem:v1+s3+$0x0], $0xffff  }
0x38: {  	v29 =	vld.idx.msk [tilespmem:v13+s3+$0x0], $0xffff  }
0x39: {  	v18 =	vld.idx.msk [tilespmem:v2+s3+$0x0], $0xffff  }
0x3a: {  	v30 =	vld.idx.msk [tilespmem:v14+s3+$0x0], $0xffff;
	v16 =	vshrl.u32 v16, $0x1  }
0x3b: {  	v31 =	vld.idx.msk [tilespmem:v15+s3+$0x0], $0xffff;
	[tilespmem:$0x6400] =	vst v16;
	v16 =	vshrl.u32 v24, $0x1  }
0x3c: {  	v24 =	vld [tilespmem:$0x1FE80];
	[tilespmem:$0x6480] =	vst v16;
	v16 =	vshrl.u32 v17, $0x1  }
0x3d: {  	v17 =	vld [tilespmem:$0x1FE10];
	[tilespmem:$0x6410] =	vst v16;
	v16 =	vshrl.u32 v25, $0x1  }
0x3e: {  	v25 =	vld [tilespmem:$0x1FE90];
	[tilespmem:$0x6490] =	vst v16;
	v16 =	vshrl.u32 v18, $0x1  }
0x3f: {  	v18 =	vld [tilespmem:$0x1FE20];
	[tilespmem:$0x6420] =	vst v16;
	v16 =	vshrl.u32 v26, $0x1  }
0x40: {  	v26 =	vld [tilespmem:$0x1FEA0];
	[tilespmem:$0x64A0] =	vst v16;
	v16 =	vshrl.u32 v19, $0x1  }
0x41: {  	v19 =	vld [tilespmem:$0x1FE30];
	[tilespmem:$0x6430] =	vst v16;
	v16 =	vshrl.u32 v27, $0x1  }
0x42: {  	v27 =	vld [tilespmem:$0x1FEB0];
	[tilespmem:$0x64B0] =	vst v16;
	v16 =	vshrl.u32 v20, $0x1  }
0x43: {  	v20 =	vld [tilespmem:$0x1FE40];
	[tilespmem:$0x6440] =	vst v16;
	v16 =	vshrl.u32 v28, $0x1  }
0x44: {  	v28 =	vld [tilespmem:$0x1FEC0];
	[tilespmem:$0x64C0] =	vst v16;
	v16 =	vshrl.u32 v21, $0x1  }
0x45: {  	v21 =	vld [tilespmem:$0x1FE50];
	[tilespmem:$0x6450] =	vst v16;
	v16 =	vshrl.u32 v29, $0x1  }
0x46: {  	v29 =	vld [tilespmem:$0x1FED0];
	[tilespmem:$0x64D0] =	vst v16;
	v16 =	vshrl.u32 v22, $0x1  }
0x47: {  	v22 =	vld [tilespmem:$0x1FE60];
	[tilespmem:$0x6460] =	vst v16;
	v16 =	vshrl.u32 v30, $0x1  }
0x48: {  	v30 =	vld [tilespmem:$0x1FEE0];
	[tilespmem:$0x64E0] =	vst v16;
	v16 =	vshrl.u32 v23, $0x1  }
0x49: {  	v23 =	vld [tilespmem:$0x1FE70];
	[tilespmem:$0x6470] =	vst v16;
	v16 =	vshrl.u32 v31, $0x1  }
0x4a: {  	s30 =	simm.s32 $0x6400;
	v31 =	vld [tilespmem:$0x1FEF0];
	[tilespmem:$0x64F0] =	vst v16  }
0x4b: {  	v16 =	vld [tilespmem:$0x1FE00];
	[tilespmem:s13], [sflag:$0x1] =	stream.indirect.gather [hbm4b:s4+s11], $0x80, s30, s11, $0xb8  }
0x4c: {  	v17 =	vld.idx.msk [tilespmem:v17+s3+$0x0], $0xffff  }
0x4d: {  	v18 =	vld.idx.msk [tilespmem:v18+s3+$0x0], $0xffff  }
0x4e: {  	v19 =	vld.idx.msk [tilespmem:v19+s3+$0x0], $0xffff  }
0x4f: {  	v20 =	vld.idx.msk [tilespmem:v20+s3+$0x0], $0xffff  }
0x50: {  	v21 =	vld.idx.msk [tilespmem:v21+s3+$0x0], $0xffff  }
0x51: {  	v24 =	vld.idx.msk [tilespmem:v24+s3+$0x0], $0xffff  }
0x52: {  	v25 =	vld.idx.msk [tilespmem:v25+s3+$0x0], $0xffff  }
0x53: {  	v26 =	vld.idx.msk [tilespmem:v26+s3+$0x0], $0xffff  }
0x54: {  	v27 =	vld.idx.msk [tilespmem:v27+s3+$0x0], $0xffff  }
0x55: {  	v16 =	vld.idx.msk [tilespmem:v16+s3+$0x0], $0xffff  }
0x56: {  	v28 =	vld.idx.msk [tilespmem:v28+s3+$0x0], $0xffff  }
0x57: {  	v29 =	vld.idx.msk [tilespmem:v29+s3+$0x0], $0xffff  }
0x58: {  	v22 =	vld.idx.msk [tilespmem:v22+s3+$0x0], $0xffff  }
0x59: {  	v30 =	vld.idx.msk [tilespmem:v30+s3+$0x0], $0xffff  }
0x5a: {  	v23 =	vld.idx.msk [tilespmem:v23+s3+$0x0], $0xffff;
	v16 =	vshrl.u32 v16, $0x1  }
0x5b: {  	v31 =	vld.idx.msk [tilespmem:v31+s3+$0x0], $0xffff;
	[tilespmem:$0x6500] =	vst v16;
	v16 =	vshrl.u32 v24, $0x1  }
0x5c: {  	[tilespmem:$0x6580] =	vst v16;
	v16 =	vshrl.u32 v17, $0x1  }
0x5d: {  	[tilespmem:$0x6510] =	vst v16;
	v16 =	vshrl.u32 v25, $0x1  }
0x5e: {  	[tilespmem:$0x6590] =	vst v16;
	v16 =	vshrl.u32 v18, $0x1  }
0x5f: {  	[tilespmem:$0x6520] =	vst v16;
	v16 =	vshrl.u32 v26, $0x1  }
0x60: {  	[tilespmem:$0x65A0] =	vst v16;
	v16 =	vshrl.u32 v19, $0x1  }
0x61: {  	[tilespmem:$0x6530] =	vst v16;
	v16 =	vshrl.u32 v27, $0x1  }
0x62: {  	[tilespmem:$0x65B0] =	vst v16;
	v16 =	vshrl.u32 v20, $0x1  }
0x63: {  	[tilespmem:$0x6540] =	vst v16;
	v16 =	vshrl.u32 v28, $0x1  }
0x64: {  	[tilespmem:$0x65C0] =	vst v16;
	v16 =	vshrl.u32 v21, $0x1  }
0x65: {  	[tilespmem:$0x6550] =	vst v16;
	v16 =	vshrl.u32 v29, $0x1  }
0x66: {  	[tilespmem:$0x65D0] =	vst v16;
	v16 =	vshrl.u32 v22, $0x1  }
0x67: {  	[tilespmem:$0x6560] =	vst v16;
	v16 =	vshrl.u32 v30, $0x1  }
0x68: {  	[tilespmem:$0x65E0] =	vst v16;
	v16 =	vshrl.u32 v23, $0x1  }
0x69: {  	[tilespmem:$0x6570] =	vst v16;
	v16 =	vshrl.u32 v31, $0x1  }
0x6a: {  	s31 =	simm.s32 $0x6500;
	[tilespmem:$0x65F0] =	vst v16  }
0x6b: {  	[tilespmem:s15], [sflag:$0x2] =	stream.indirect.gather [hbm4b:s4+s11], $0x80, s31, s11, $0xb8;
	[tilespmem:$0x1E600] =	vst v63  }
0x6c: {  	_ =	swait.ge [sflag:s16], $0x8000  }
0x6d: {  	[sflag:s16] =	ssyncset.done $0x0  }
0x6e: {  	[sflag:s16] =	ssyncadd.s32 $0xFFFF8000  }
0x6f: {  	v16 =	vld.idx.msk [tilespmem:v0+s3+$0x0], $0xffff  }
0x70: {  	v17 =	vld.idx.msk [tilespmem:v1+s3+$0x0], $0xffff  }
0x71: {  	v1 =	vld [tilespmem:$0x1FFE0]  }
0x72: {  	v18 =	vld.idx.msk [tilespmem:v2+s3+$0x0], $0xffff  }
0x73: {  	v29 =	vld.idx.msk [tilespmem:v3+s3+$0x0], $0xffff  }
0x74: {  	v31 =	vld.idx.msk [tilespmem:v4+s3+$0x0], $0xffff;
	v16 =	vshll.u32 v16, $0x6  }
0x75: {  	v20 =	vld.idx.msk [tilespmem:v8+s3+$0x0], $0xffff;
	v16 =	vand.u32 $0x40, v16  }
0x76: {  	s19 =	simm.s32 $0x3;
	v19 =	vld.idx.msk [tilespmem:v5+s3+$0x0], $0xffff;
	v26 =	vor.u32 v1, v16  }
0x77: {  	v1 =	vld [tilespmem:$0x1FF00];
	v23 =	vor.u32 s19, v26  }
0x78: {  	v24 =	vld.idx.msk [tilespmem:v6+s3+$0x0], $0xffff  }
0x79: {  	v28 =	vld.idx.msk [tilespmem:v7+s3+$0x0], $0xffff  }
0x7a: {  	v22 =	vld.idx.msk [tilespmem:v9+s3+$0x0], $0xffff;
	v20 =	vshll.u32 v20, $0x6  }
0x7b: {  	v32 =	vld.idx.msk [tilespmem:v11+s3+$0x0], $0xffff;
	v20 =	vand.u32 $0x40, v20  }
0x7c: {  	v25 =	vor.u32 v1, v20;
	v20 =	vld.idx.msk [tilespmem:v23+s13+$0x0], $0xffff  }
0x7d: {  	v33 =	vld.idx.msk [tilespmem:v12+s3+$0x0], $0xffff  }
0x7e: {  	s12 =	simm.s32 $0x1;
	v21 =	vld.idx.msk [tilespmem:v13+s3+$0x0], $0xffff  }
0x7f: {  	s14 =	simm.s32 $0x2;
	v27 =	vld.idx.msk [tilespmem:v14+s3+$0x0], $0xffff;
	v34 =	vor.u32 s12, v26  }
0x80: {  	s10 =	simm.s32 $0x18600;
	v30 =	vld.idx.msk [tilespmem:v15+s3+$0x0], $0xffff;
	v35 =	vor.u32 s14, v26  }
0x81: {  	v16 =	vld.idx.msk [tilespmem:v10+s3+$0x0], $0xffff;
	v36 =	vor.u32 s3, v26;
	[tilespmem:s10+$0xFFFFE180] =	vst v20  }
0x82: {  	v37 =	vor.u32 s19, v25;
	v1 =	vld [tilespmem:$0x1FF10];
	_ =	sdelay $0x1  }
0x83: {  	v34 =	vld.idx.msk [tilespmem:v34+s13+$0x0], $0xffff  }
0x84: {  	v17 =	vshll.u32 v17, $0x6;
	v35 =	vld.idx.msk [tilespmem:v35+s13+$0x0], $0xffff  }
0x85: {  	v17 =	vand.u32 $0x40, v17;
	v36 =	vld.idx.msk [tilespmem:v36+s13+$0x0], $0xffff  }
0x86: {  	v23 =	vor.u32 v1, v17;
	v17 =	vld.idx.msk [tilespmem:v37+s13+$0x0], $0xffff;
	_ =	sdelay $0x1  }
0x87: {  	v38 =	vor.u32 s12, v25;
	[tilespmem:s10+$0xFFFFE080] =	vst v34  }
0x88: {  	v39 =	vor.u32 s14, v25;
	[tilespmem:s10+$0xFFFFE100] =	vst v35  }
0x89: {  	v40 =	vor.u32 s3, v25;
	[tilespmem:s10+$0xFFFFE000] =	vst v36  }
0x8a: {  	v20 =	vor.u32 s19, v23;
	[tilespmem:s10+$0x180] =	vst v17  }
0x8b: {  	v1 =	vld [tilespmem:$0x1FF20]  }
0x8c: {  	v34 =	vld.idx.msk [tilespmem:v38+s13+$0x0], $0xffff  }
0x8d: {  	v35 =	vld.idx.msk [tilespmem:v39+s13+$0x0], $0xffff;
	v56 =	vor.u32 s12, v23  }
0x8e: {  	v22 =	vshll.u32 v22, $0x6;
	v57 =	vld.idx.msk [tilespmem:v40+s13+$0x0], $0xffff;
	v58 =	vor.u32 s14, v23  }
0x8f: {  	v22 =	vand.u32 $0x40, v22;
	v59 =	vor.u32 s3, v23;
	v17 =	vld.idx.msk [tilespmem:v20+s13+$0x0], $0xffff  }
0x90: {  	v22 =	vor.u32 v1, v22  }
0x91: {  	[tilespmem:s10+$0x80] =	vst v34;
	v60 =	vor.u32 s19, v22  }
0x92: {  	[tilespmem:s10+$0x100] =	vst v35;
	v36 =	vld.idx.msk [tilespmem:v56+s13+$0x0], $0xffff  }
0x93: {  	[tilespmem:s10+$0x0] =	vst v57;
	v35 =	vld.idx.msk [tilespmem:v58+s13+$0x0], $0xffff  }
0x94: {  	v62 =	vld.idx.msk [tilespmem:v59+s13+$0x0], $0xffff;
	[tilespmem:s10+$0xFFFFE190] =	vst v17  }
0x95: {  	v1 =	vld [tilespmem:$0x1FF30]  }
0x96: {  	v17 =	vld.idx.msk [tilespmem:v60+s13+$0x0], $0xffff;
	_ =	sdelay $0x1  }
0x97: {  	[tilespmem:s10+$0xFFFFE090] =	vst v36  }
0x98: {  	v18 =	vshll.u32 v18, $0x6;
	v61 =	vor.u32 s12, v22;
	[tilespmem:s10+$0xFFFFE110] =	vst v35  }
0x99: {  	v18 =	vand.u32 $0x40, v18;
	v63 =	vor.u32 s14, v22;
	[tilespmem:s10+$0xFFFFE010] =	vst v62  }
0x9a: {  	v44 =	vor.u32 s3, v22;
	v20 =	vor.u32 v1, v18;
	[tilespmem:s10+$0x190] =	vst v17  }
0x9b: {  	v45 =	vor.u32 s19, v20;
	v1 =	vld [tilespmem:$0x1FF40];
	_ =	sdelay $0x1  }
0x9c: {  	v36 =	vld.idx.msk [tilespmem:v61+s13+$0x0], $0xffff  }
0x9d: {  	v16 =	vshll.u32 v16, $0x6;
	v35 =	vld.idx.msk [tilespmem:v63+s13+$0x0], $0xffff  }
0x9e: {  	v16 =	vand.u32 $0x40, v16;
	v38 =	vld.idx.msk [tilespmem:v44+s13+$0x0], $0xffff  }
0x9f: {  	v46 =	vor.u32 s12, v20;
	v18 =	vor.u32 v1, v16;
	v16 =	vld.idx.msk [tilespmem:v45+s13+$0x0], $0xffff;
	_ =	sdelay $0x1  }
0xa0: {  	v47 =	vor.u32 s14, v20;
	[tilespmem:s10+$0x90] =	vst v36  }
0xa1: {  	v48 =	vor.u32 s3, v20;
	[tilespmem:s10+$0x110] =	vst v35  }
0xa2: {  	[tilespmem:s10+$0x10] =	vst v38;
	v49 =	vor.u32 s19, v18  }
0xa3: {  	v36 =	vld.idx.msk [tilespmem:v46+s13+$0x0], $0xffff;
	[tilespmem:s10+$0xFFFFE1A0] =	vst v16  }
0xa4: {  	v1 =	vld [tilespmem:$0x1FF50]  }
0xa5: {  	v35 =	vld.idx.msk [tilespmem:v47+s13+$0x0], $0xffff  }
0xa6: {  	v17 =	vshll.u32 v29, $0x6;
	v29 =	vld.idx.msk [tilespmem:v48+s13+$0x0], $0xffff;
	v50 =	vor.u32 s12, v18  }
0xa7: {  	v51 =	vor.u32 s14, v18;
	v16 =	vld.idx.msk [tilespmem:v49+s13+$0x0], $0xffff  }
0xa8: {  	v17 =	vand.u32 $0x40, v17  }
0xa9: {  	v52 =	vor.u32 s3, v18;
	[tilespmem:s10+$0xFFFFE0A0] =	vst v36;
	v17 =	vor.u32 v1, v17  }
0xaa: {  	[tilespmem:s10+$0xFFFFE120] =	vst v35;
	v53 =	vor.u32 s19, v17  }
0xab: {  	[tilespmem:s10+$0xFFFFE020] =	vst v29;
	v36 =	vld.idx.msk [tilespmem:v50+s13+$0x0], $0xffff  }
0xac: {  	v29 =	vld.idx.msk [tilespmem:v51+s13+$0x0], $0xffff;
	[tilespmem:s10+$0x1A0] =	vst v16  }
0xad: {  	v1 =	vld [tilespmem:$0x1FF60]  }
0xae: {  	v55 =	vld.idx.msk [tilespmem:v52+s13+$0x0], $0xffff  }
0xaf: {  	v54 =	vor.u32 s12, v17;
	v58 =	vld.idx.msk [tilespmem:v53+s13+$0x0], $0xffff  }
0xb0: {  	v32 =	vshll.u32 v32, $0x6  }
0xb1: {  	v32 =	vand.u32 $0x40, v32;
	v56 =	vor.u32 s14, v17;
	[tilespmem:s10+$0xA0] =	vst v36  }
0xb2: {  	v57 =	vor.u32 s3, v17;
	[tilespmem:s10+$0x120] =	vst v29;
	v16 =	vor.u32 v1, v32  }
0xb3: {  	[tilespmem:s10+$0x20] =	vst v55;
	v59 =	vor.u32 s19, v16  }
0xb4: {  	v35 =	vld.idx.msk [tilespmem:v54+s13+$0x0], $0xffff;
	[tilespmem:s10+$0xFFFFE1B0] =	vst v58  }
0xb5: {  	v1 =	vld [tilespmem:$0x1FF70]  }
0xb6: {  	v29 =	vld.idx.msk [tilespmem:v56+s13+$0x0], $0xffff  }
0xb7: {  	v37 =	vld.idx.msk [tilespmem:v57+s13+$0x0], $0xffff;
	v60 =	vor.u32 s12, v16  }
0xb8: {  	v31 =	vshll.u32 v31, $0x6;
	v61 =	vor.u32 s14, v16;
	v32 =	vld.idx.msk [tilespmem:v59+s13+$0x0], $0xffff  }
0xb9: {  	v31 =	vand.u32 $0x40, v31  }
0xba: {  	v62 =	vor.u32 s3, v16;
	[tilespmem:s10+$0xFFFFE0B0] =	vst v35;
	v48 =	vor.u32 v1, v31  }
0xbb: {  	[tilespmem:s10+$0xFFFFE130] =	vst v29;
	v63 =	vor.u32 s19, v48  }
0xbc: {  	[tilespmem:s10+$0xFFFFE030] =	vst v37;
	v36 =	vld.idx.msk [tilespmem:v60+s13+$0x0], $0xffff  }
0xbd: {  	s25 =	simm.s32 $0x4;
	v29 =	vld.idx.msk [tilespmem:v61+s13+$0x0], $0xffff;
	[tilespmem:s10+$0x1B0] =	vst v32  }
0xbe: {  	v31 =	vor.u32 s25, v26;
	v1 =	vld [tilespmem:$0x1FF80]  }
0xbf: {  	v46 =	vld.idx.msk [tilespmem:v62+s13+$0x0], $0xffff;
	v45 =	vor.u32 s12, v48  }
0xc0: {  	v47 =	vor.u32 s14, v48;
	v52 =	vld.idx.msk [tilespmem:v63+s13+$0x0], $0xffff  }
0xc1: {  	s9 =	simm.s32 $0x7;
	v33 =	vshll.u32 v33, $0x6  }
0xc2: {  	v33 =	vand.u32 $0x40, v33;
	[tilespmem:s10+$0x130] =	vst v29;
	v29 =	vor.u32 s9, v26  }
0xc3: {  	[tilespmem:s10+$0xB0] =	vst v36;
	v40 =	vld.idx.msk [tilespmem:v31+s13+$0x0], $0xffff;
	v31 =	vor.u32 s3, v48;
	v49 =	vor.u32 v1, v33  }
0xc4: {  	s1 =	simm.s32 $0x6;
	[tilespmem:s10+$0x30] =	vst v46;
	v36 =	vld.idx.msk [tilespmem:v45+s13+$0x0], $0xffff;
	v54 =	vor.u32 s19, v49  }
0xc5: {  	s0 =	simm.s32 $0x5;
	v51 =	vor.u32 s1, v26;
	v55 =	vld.idx.msk [tilespmem:v47+s13+$0x0], $0xffff;
	[tilespmem:s10+$0xFFFFE1C0] =	vst v52  }
0xc6: {  	s8 =	simm.s32 $0x9;
	v44 =	vor.u32 s0, v26;
	v1 =	vld [tilespmem:$0x1FF90]  }
0xc7: {  	v60 =	vor.u32 s8, v26;
	v29 =	vld.idx.msk [tilespmem:v29+s13+$0x0], $0xffff  }
0xc8: {  	v56 =	vor.u32 s12, v49;
	v31 =	vld.idx.msk [tilespmem:v31+s13+$0x0], $0xffff  }
0xc9: {  	v19 =	vshll.u32 v19, $0x6;
	v57 =	vor.u32 s14, v49;
	v35 =	vld.idx.msk [tilespmem:v54+s13+$0x0], $0xffff  }
0xca: {  	v19 =	vand.u32 $0x40, v19;
	v41 =	vld.idx.msk [tilespmem:v51+s13+$0x0], $0xffff;
	[tilespmem:s10+$0xFFFFE0C0] =	vst v36  }
0xcb: {  	s6 =	simm.s32 $0x18800;
	v42 =	vor.u32 s9, v25;
	v53 =	vld.idx.msk [tilespmem:v44+s13+$0x0], $0xffff;
	[tilespmem:s10+$0xFFFFE140] =	vst v55;
	v19 =	vor.u32 v1, v19  }
0xcc: {  	s5 =	simm.s32 $0x8;
	v32 =	vld.idx.msk [tilespmem:v60+s13+$0x0], $0xffff;
	[tilespmem:s6+$0xFFFFE180] =	vst v29;
	v62 =	vor.u32 s19, v19  }
0xcd: {  	v59 =	vor.u32 s5, v26;
	v61 =	vld.idx.msk [tilespmem:v56+s13+$0x0], $0xffff;
	[tilespmem:s10+$0xFFFFE040] =	vst v31  }
0xce: {  	v58 =	vor.u32 s3, v49;
	v39 =	vld.idx.msk [tilespmem:v57+s13+$0x0], $0xffff;
	[tilespmem:s10+$0x1C0] =	vst v35  }
0xcf: {  	v43 =	vor.u32 s0, v25;
	v1 =	vld [tilespmem:$0x1FFA0]  }
0xd0: {  	v63 =	vor.u32 s1, v25;
	v47 =	vld.idx.msk [tilespmem:v42+s13+$0x0], $0xffff;
	[tilespmem:s6+$0xFFFFE080] =	vst v53  }
0xd1: {  	v45 =	vor.u32 s25, v25;
	[tilespmem:s6+$0xFFFFE100] =	vst v41;
	v46 =	vld.idx.msk [tilespmem:v62+s13+$0x0], $0xffff  }
0xd2: {  	v21 =	vshll.u32 v21, $0x6;
	v31 =	vld.idx.msk [tilespmem:v59+s13+$0x0], $0xffff;
	[tilespmem:s6+$0xFFFFE000] =	vst v40  }
0xd3: {  	v21 =	vand.u32 $0x40, v21;
	v44 =	vld.idx.msk [tilespmem:v58+s13+$0x0], $0xffff;
	v29 =	vor.u32 s12, v19;
	[tilespmem:s10+$0xC0] =	vst v61  }
0xd4: {  	v53 =	vor.u32 s9, v23;
	[tilespmem:s10+$0x140] =	vst v39;
	v51 =	vld.idx.msk [tilespmem:v43+s13+$0x0], $0xffff;
	v21 =	vor.u32 v1, v21  }
0xd5: {  	[tilespmem:s6+$0x180] =	vst v47;
	v33 =	vld.idx.msk [tilespmem:v63+s13+$0x0], $0xffff;
	v52 =	vor.u32 s19, v21  }
0xd6: {  	v50 =	vor.u32 s14, v19;
	v35 =	vld.idx.msk [tilespmem:v45+s13+$0x0], $0xffff;
	[tilespmem:s10+$0xFFFFE1D0] =	vst v46  }
0xd7: {  	v54 =	vor.u32 s0, v23;
	v1 =	vld [tilespmem:$0x1FFB0]  }
0xd8: {  	v55 =	vor.u32 s1, v23;
	v29 =	vld.idx.msk [tilespmem:v29+s13+$0x0], $0xffff  }
0xd9: {  	v56 =	vor.u32 s25, v23;
	v40 =	vld.idx.msk [tilespmem:v53+s13+$0x0], $0xffff;
	[tilespmem:s6+$0x80] =	vst v51  }
0xda: {  	v24 =	vshll.u32 v24, $0x6;
	v57 =	vor.u32 s3, v19;
	v41 =	vld.idx.msk [tilespmem:v52+s13+$0x0], $0xffff;
	[tilespmem:s6+$0x100] =	vst v33  }
0xdb: {  	v24 =	vand.u32 $0x40, v24;
	v38 =	vld.idx.msk [tilespmem:v50+s13+$0x0], $0xffff;
	[tilespmem:s6+$0x0] =	vst v35  }
0xdc: {  	v61 =	vor.u32 s9, v22;
	[tilespmem:s10+$0x40] =	vst v44;
	v37 =	vld.idx.msk [tilespmem:v54+s13+$0x0], $0xffff;
	v24 =	vor.u32 v1, v24  }
0xdd: {  	[tilespmem:s10+$0xFFFFE0D0] =	vst v29;
	v60 =	vld.idx.msk [tilespmem:v55+s13+$0x0], $0xffff;
	v59 =	vor.u32 s19, v24  }
0xde: {  	v58 =	vor.u32 s12, v21;
	[tilespmem:s6+$0xFFFFE190] =	vst v40;
	v36 =	vld.idx.msk [tilespmem:v56+s13+$0x0], $0xffff  }
0xdf: {  	v62 =	vor.u32 s0, v22;
	v34 =	vld.idx.msk [tilespmem:v57+s13+$0x0], $0xffff;
	[tilespmem:s10+$0x1D0] =	vst v41  }
0xe0: {  	v29 =	vor.u32 s1, v22;
	v1 =	vld [tilespmem:$0x1FFC0]  }
0xe1: {  	v63 =	vor.u32 s25, v22;
	v46 =	vld.idx.msk [tilespmem:v61+s13+$0x0], $0xffff;
	[tilespmem:s6+$0xFFFFE090] =	vst v37  }
0xe2: {  	v45 =	vor.u32 s14, v21;
	[tilespmem:s6+$0xFFFFE110] =	vst v60;
	v33 =	vld.idx.msk [tilespmem:v59+s13+$0x0], $0xffff  }
0xe3: {  	v27 =	vshll.u32 v27, $0x6;
	v42 =	vld.idx.msk [tilespmem:v58+s13+$0x0], $0xffff;
	[tilespmem:s6+$0xFFFFE010] =	vst v36  }
0xe4: {  	v27 =	vand.u32 $0x40, v27;
	v47 =	vor.u32 s3, v21;
	[tilespmem:s10+$0xFFFFE150] =	vst v38;
	v43 =	vld.idx.msk [tilespmem:v62+s13+$0x0], $0xffff  }
0xe5: {  	v51 =	vor.u32 s9, v20;
	[tilespmem:s10+$0xFFFFE050] =	vst v34;
	v29 =	vld.idx.msk [tilespmem:v29+s13+$0x0], $0xffff;
	v27 =	vor.u32 v1, v27  }
0xe6: {  	[tilespmem:s6+$0x190] =	vst v46;
	v41 =	vld.idx.msk [tilespmem:v63+s13+$0x0], $0xffff;
	v50 =	vor.u32 s19, v27  }
0xe7: {  	v52 =	vor.u32 s0, v20;
	v40 =	vld.idx.msk [tilespmem:v45+s13+$0x0], $0xffff;
	[tilespmem:s10+$0xFFFFE1E0] =	vst v33  }
0xe8: {  	v53 =	vor.u32 s1, v20;
	v1 =	vld [tilespmem:$0x1FFD0]  }
0xe9: {  	v54 =	vor.u32 s25, v20;
	v39 =	vld.idx.msk [tilespmem:v47+s13+$0x0], $0xffff  }
0xea: {  	v55 =	vor.u32 s12, v24;
	v36 =	vld.idx.msk [tilespmem:v51+s13+$0x0], $0xffff  }
0xeb: {  	v28 =	vshll.u32 v28, $0x6;
	v56 =	vor.u32 s14, v24;
	v35 =	vld.idx.msk [tilespmem:v50+s13+$0x0], $0xffff;
	[tilespmem:s6+$0x90] =	vst v43  }
0xec: {  	v28 =	vand.u32 $0x40, v28;
	v57 =	vor.u32 s9, v18;
	[tilespmem:s6+$0x110] =	vst v29;
	v38 =	vld.idx.msk [tilespmem:v52+s13+$0x0], $0xffff  }
0xed: {  	[tilespmem:s6+$0x10] =	vst v41;
	v34 =	vld.idx.msk [tilespmem:v53+s13+$0x0], $0xffff;
	v28 =	vor.u32 v1, v28  }
0xee: {  	s23 =	simm.s32 $0xA;
	[tilespmem:s10+$0xD0] =	vst v42;
	v33 =	vld.idx.msk [tilespmem:v54+s13+$0x0], $0xffff;
	v29 =	vor.u32 s19, v28  }
0xef: {  	[tilespmem:s10+$0x150] =	vst v40;
	v37 =	vld.idx.msk [tilespmem:v55+s13+$0x0], $0xffff;
	v53 =	vor.u32 s23, v26  }
0xf0: {  	v58 =	vor.u32 s0, v18;
	[tilespmem:s6+$0xFFFFE1A0] =	vst v36;
	v43 =	vld.idx.msk [tilespmem:v56+s13+$0x0], $0xffff  }
0xf1: {  	v59 =	vor.u32 s1, v18;
	v62 =	vld.idx.msk [tilespmem:v57+s13+$0x0], $0xffff;
	[tilespmem:s10+$0x1E0] =	vst v35  }
0xf2: {  	v60 =	vor.u32 s25, v18;
	v1 =	vld [tilespmem:$0x1FFF0]  }
0xf3: {  	v61 =	vor.u32 s3, v24;
	[tilespmem:s6+$0xFFFFE0A0] =	vst v38;
	v29 =	vld.idx.msk [tilespmem:v29+s13+$0x0], $0xffff  }
0xf4: {  	v63 =	vor.u32 s12, v27;
	[tilespmem:s6+$0xFFFFE020] =	vst v33;
	v33 =	vld.idx.msk [tilespmem:v53+s13+$0x0], $0xffff  }
0xf5: {  	v46 =	vor.u32 s9, v17;
	[tilespmem:s6+$0xFFFFE120] =	vst v34;
	v42 =	vld.idx.msk [tilespmem:v58+s13+$0x0], $0xffff  }
0xf6: {  	v51 =	vor.u32 s14, v27;
	[tilespmem:s10+$0x50] =	vst v39;
	v45 =	vld.idx.msk [tilespmem:v59+s13+$0x0], $0xffff  }
0xf7: {  	v47 =	vor.u32 s0, v17;
	[tilespmem:s10+$0xFFFFE0E0] =	vst v37;
	v35 =	vld.idx.msk [tilespmem:v60+s13+$0x0], $0xffff  }
0xf8: {  	v36 =	vld.idx.msk [tilespmem:v61+s13+$0x0], $0xffff;
	[tilespmem:s10+$0xFFFFE1F0] =	vst v29;
	v29 =	vor.u32 s25, v17  }
0xf9: {  	v30 =	vshll.u32 v30, $0x6;
	v50 =	vor.u32 s1, v17;
	[tilespmem:s6+$0x1A0] =	vst v62;
	v41 =	vld.idx.msk [tilespmem:v63+s13+$0x0], $0xffff  }
0xfa: {  	v30 =	vand.u32 $0x40, v30;
	v52 =	vor.u32 s3, v27;
	[tilespmem:s10+$0xFFFFE160] =	vst v43;
	v40 =	vld.idx.msk [tilespmem:v46+s13+$0x0], $0xffff  }
0xfb: {  	v55 =	vor.u32 s9, v16;
	v38 =	vld.idx.msk [tilespmem:v51+s13+$0x0], $0xffff;
	v30 =	vor.u32 v1, v30;
	[tilespmem:s6+$0xA0] =	vst v42  }
0xfc: {  	v44 =	vor.u32 s19, v30;
	[tilespmem:s6+$0x20] =	vst v35;
	v39 =	vld.idx.msk [tilespmem:v47+s13+$0x0], $0xffff  }
0xfd: {  	v59 =	vor.u32 s12, v28;
	[tilespmem:s6+$0x120] =	vst v45;
	v29 =	vld.idx.msk [tilespmem:v29+s13+$0x0], $0xffff  }
0xfe: {  	v56 =	vor.u32 s0, v16;
	[tilespmem:s10+$0xFFFFE060] =	vst v36;
	v54 =	vld.idx.msk [tilespmem:v50+s13+$0x0], $0xffff  }
0xff: {  	v57 =	vor.u32 s1, v16;
	[tilespmem:s6+$0xFFFFE1B0] =	vst v40;
	v42 =	vld.idx.msk [tilespmem:v52+s13+$0x0], $0xffff  }
0x100: {  	v58 =	vor.u32 s25, v16;
	[tilespmem:s10+$0xE0] =	vst v41;
	v60 =	vld.idx.msk [tilespmem:v55+s13+$0x0], $0xffff  }
0x101: {  	v61 =	vor.u32 s14, v28;
	v34 =	vld.idx.msk [tilespmem:v44+s13+$0x0], $0xffff;
	[tilespmem:s6+$0xFFFFE0B0] =	vst v39  }
0x102: {  	v37 =	vld.idx.msk [tilespmem:v59+s13+$0x0], $0xffff;
	[tilespmem:s6+$0xFFFFE030] =	vst v29;
	v29 =	vor.u32 s9, v48  }
0x103: {  	v62 =	vor.u32 s3, v28;
	[tilespmem:s6+$0xFFFFE130] =	vst v54;
	v43 =	vld.idx.msk [tilespmem:v56+s13+$0x0], $0xffff  }
0x104: {  	v63 =	vor.u32 s0, v48;
	[tilespmem:s10+$0x160] =	vst v38;
	v36 =	vld.idx.msk [tilespmem:v57+s13+$0x0], $0xffff  }
0x105: {  	v50 =	vor.u32 s1, v48;
	[tilespmem:s6+$0x1B0] =	vst v60;
	v45 =	vld.idx.msk [tilespmem:v58+s13+$0x0], $0xffff  }
0x106: {  	v38 =	vld.idx.msk [tilespmem:v61+s13+$0x0], $0xffff;
	[tilespmem:s10+$0x1F0] =	vst v34;
	v34 =	vor.u32 s25, v48  }
0x107: {  	[tilespmem:s10+$0x60] =	vst v42;
	v40 =	vld.idx.msk [tilespmem:v29+s13+$0x0], $0xffff;
	v29 =	vor.u32 s12, v30  }
0x108: {  	v42 =	vor.u32 s14, v30;
	v39 =	vld.idx.msk [tilespmem:v62+s13+$0x0], $0xffff;
	[tilespmem:s6+$0xB0] =	vst v43  }
0x109: {  	[tilespmem:s6+$0x130] =	vst v36;
	v43 =	vor.u32 s3, v30;
	v41 =	vld.idx.msk [tilespmem:v63+s13+$0x0], $0xffff  }
0x10a: {  	s24 =	simm.s32 $0xB;
	v36 =	vor.u32 s9, v49;
	v35 =	vld.idx.msk [tilespmem:v50+s13+$0x0], $0xffff;
	s12 =	simm.s32 $0xC;
	[tilespmem:s6+$0x30] =	vst v45  }
.LBB2_2:
0x10b: {  	p0 =	slt.u32 s12, $0x3C;
	v44 =	vor.u32 s24, v26;
	v34 =	vld.idx.msk [tilespmem:v34+s13+$0x0], $0xffff;
	[tilespmem:s10+$0xFFFFE0F0] =	vst v37  }
0x10c: {  	v37 =	vor.u32 s0, v49;
	v29 =	vld.idx.msk [tilespmem:v29+s13+$0x0], $0xffff;
	[tilespmem:s10+$0xFFFFE170] =	vst v38  }
0x10d: {  	v38 =	vor.u32 s1, v49;
	[tilespmem:s10+$0xFFFFE070] =	vst v39;
	v39 =	vld.idx.msk [tilespmem:v42+s13+$0x0], $0xffff  }
0x10e: {  	v42 =	vor.u32 s25, v49;
	[tilespmem:s6+$0xFFFFE1C0] =	vst v40;
	v40 =	vld.idx.msk [tilespmem:v43+s13+$0x0], $0xffff  }
0x10f: {  	s14 =	sadd.s32 $0x1, s12;
	v43 =	vor.u32 s12, v26;
	[tilespmem:s6+$0xFFFFE0C0] =	vst v41;
	v36 =	vld.idx.msk [tilespmem:v36+s13+$0x0], $0xffff  }
0x110: {  	v41 =	vor.u32 s14, v26;
	v44 =	vld.idx.msk [tilespmem:v44+s13+$0x0], $0xffff;
	[tilespmem:s6+$0xFFFFE140] =	vst v35  }
0x111: {  	v35 =	vor.u32 s9, v19;
	[tilespmem:s6+$0xFFFFE040] =	vst v34;
	v34 =	vld.idx.msk [tilespmem:v37+s13+$0x0], $0xffff  }
0x112: {  	v37 =	vor.u32 s24, v25;
	v38 =	vld.idx.msk [tilespmem:v38+s13+$0x0], $0xffff;
	[tilespmem:s10+$0xF0] =	vst v29  }
0x113: {  	v29 =	vor.u32 s8, v25;
	v42 =	vld.idx.msk [tilespmem:v42+s13+$0x0], $0xffff;
	[tilespmem:s10+$0x170] =	vst v39  }
0x114: {  	v39 =	vld.idx.msk [tilespmem:v43+s13+$0x0], $0xffff;
	v43 =	vor.u32 s23, v25;
	[tilespmem:s10+$0x70] =	vst v40;
	s10 =	smov.u32 s6  }
0x115: {  	s6 =	sadd.s32 $0x200, s6;
	v40 =	vld.idx.msk [tilespmem:v41+s13+$0x0], $0xffff;
	v41 =	vor.u32 s5, v25;
	[tilespmem:s10+$0x1C0] =	vst v36  }
0x116: {  	v36 =	vor.u32 s0, v19;
	[tilespmem:s6+$0xFFFFE180] =	vst v44;
	v35 =	vld.idx.msk [tilespmem:v35+s13+$0x0], $0xffff  }
0x117: {  	v44 =	vor.u32 s1, v19;
	[tilespmem:s6+$0xFFFFE080] =	vst v32;
	v37 =	vld.idx.msk [tilespmem:v37+s13+$0x0], $0xffff  }
0x118: {  	v29 =	vld.idx.msk [tilespmem:v29+s13+$0x0], $0xffff;
	[tilespmem:s6+$0xFFFFE100] =	vst v33;
	v33 =	vor.u32 s9, v21  }
0x119: {  	v45 =	vor.u32 s24, v23;
	[tilespmem:s6+$0xFFFFE000] =	vst v31;
	v43 =	vld.idx.msk [tilespmem:v43+s13+$0x0], $0xffff  }
0x11a: {  	v50 =	vor.u32 s8, v23;
	v31 =	vmov v39;
	v41 =	vld.idx.msk [tilespmem:v41+s13+$0x0], $0xffff;
	[tilespmem:s10+$0xC0] =	vst v34  }
0x11b: {  	v34 =	vor.u32 s23, v23;
	v32 =	vmov v40;
	v36 =	vld.idx.msk [tilespmem:v36+s13+$0x0], $0xffff;
	[tilespmem:s10+$0x140] =	vst v38  }
0x11c: {  	v38 =	vor.u32 s5, v23;
	v39 =	vld.idx.msk [tilespmem:v44+s13+$0x0], $0xffff;
	[tilespmem:s10+$0xFFFFE1D0] =	vst v35  }
0x11d: {  	v35 =	vor.u32 s25, v19;
	[tilespmem:s6+$0x180] =	vst v37;
	v33 =	vld.idx.msk [tilespmem:v33+s13+$0x0], $0xffff  }
0x11e: {  	v37 =	vor.u32 s0, v21;
	[tilespmem:s6+$0x80] =	vst v29;
	v29 =	vld.idx.msk [tilespmem:v45+s13+$0x0], $0xffff  }
0x11f: {  	v40 =	vld.idx.msk [tilespmem:v50+s13+$0x0], $0xffff;
	[tilespmem:s6+$0x100] =	vst v43;
	v43 =	vor.u32 s9, v24  }
0x120: {  	[tilespmem:s6+$0x0] =	vst v41;
	v34 =	vld.idx.msk [tilespmem:v34+s13+$0x0], $0xffff;
	v41 =	vor.u32 s24, v22  }
0x121: {  	v44 =	vor.u32 s8, v22;
	v38 =	vld.idx.msk [tilespmem:v38+s13+$0x0], $0xffff;
	[tilespmem:s10+$0x40] =	vst v42  }
0x122: {  	v42 =	vor.u32 s23, v22;
	v35 =	vld.idx.msk [tilespmem:v35+s13+$0x0], $0xffff;
	[tilespmem:s10+$0xFFFFE0D0] =	vst v36  }
0x123: {  	v36 =	vor.u32 s5, v22;
	v37 =	vld.idx.msk [tilespmem:v37+s13+$0x0], $0xffff;
	[tilespmem:s10+$0x1D0] =	vst v33  }
0x124: {  	[tilespmem:s6+$0xFFFFE190] =	vst v29;
	v29 =	vor.u32 s1, v21;
	v33 =	vld.idx.msk [tilespmem:v43+s13+$0x0], $0xffff  }
0x125: {  	[tilespmem:s6+$0xFFFFE090] =	vst v40;
	v40 =	vld.idx.msk [tilespmem:v41+s13+$0x0], $0xffff;
	v41 =	vor.u32 s25, v21  }
0x126: {  	v43 =	vld.idx.msk [tilespmem:v44+s13+$0x0], $0xffff;
	[tilespmem:s6+$0xFFFFE110] =	vst v34;
	v34 =	vor.u32 s9, v27  }
0x127: {  	[tilespmem:s6+$0xFFFFE010] =	vst v38;
	v38 =	vld.idx.msk [tilespmem:v42+s13+$0x0], $0xffff;
	v42 =	vor.u32 s24, v20  }
0x128: {  	v44 =	vor.u32 s8, v20;
	v36 =	vld.idx.msk [tilespmem:v36+s13+$0x0], $0xffff;
	[tilespmem:s10+$0xFFFFE150] =	vst v39  }
0x129: {  	v39 =	vor.u32 s23, v20;
	[tilespmem:s10+$0xFFFFE050] =	vst v35;
	v29 =	vld.idx.msk [tilespmem:v29+s13+$0x0], $0xffff  }
0x12a: {  	v35 =	vor.u32 s5, v20;
	v41 =	vld.idx.msk [tilespmem:v41+s13+$0x0], $0xffff;
	[tilespmem:s10+$0xFFFFE1E0] =	vst v33  }
0x12b: {  	v33 =	vor.u32 s0, v24;
	[tilespmem:s6+$0x190] =	vst v40;
	v34 =	vld.idx.msk [tilespmem:v34+s13+$0x0], $0xffff  }
0x12c: {  	[tilespmem:s6+$0x90] =	vst v43;
	v40 =	vld.idx.msk [tilespmem:v42+s13+$0x0], $0xffff;
	v42 =	vor.u32 s1, v24  }
0x12d: {  	v43 =	vld.idx.msk [tilespmem:v44+s13+$0x0], $0xffff;
	[tilespmem:s6+$0x110] =	vst v38;
	v38 =	vor.u32 s9, v28  }
0x12e: {  	[tilespmem:s6+$0x10] =	vst v36;
	v36 =	vld.idx.msk [tilespmem:v39+s13+$0x0], $0xffff;
	v39 =	vor.u32 s24, v18  }
0x12f: {  	v44 =	vor.u32 s8, v18;
	v35 =	vld.idx.msk [tilespmem:v35+s13+$0x0], $0xffff;
	[tilespmem:s10+$0xD0] =	vst v37  }
0x130: {  	v37 =	vor.u32 s23, v18;
	v33 =	vld.idx.msk [tilespmem:v33+s13+$0x0], $0xffff;
	[tilespmem:s10+$0x150] =	vst v29  }
0x131: {  	v29 =	vor.u32 s5, v18;
	v42 =	vld.idx.msk [tilespmem:v42+s13+$0x0], $0xffff;
	[tilespmem:s10+$0x1E0] =	vst v34  }
0x132: {  	v34 =	vor.u32 s25, v24;
	[tilespmem:s6+$0xFFFFE1A0] =	vst v40;
	v38 =	vld.idx.msk [tilespmem:v38+s13+$0x0], $0xffff  }
0x133: {  	v40 =	vor.u32 s0, v27;
	[tilespmem:s6+$0xFFFFE0A0] =	vst v43;
	v39 =	vld.idx.msk [tilespmem:v39+s13+$0x0], $0xffff  }
0x134: {  	v43 =	vld.idx.msk [tilespmem:v44+s13+$0x0], $0xffff;
	[tilespmem:s6+$0xFFFFE120] =	vst v36;
	v36 =	vor.u32 s9, v30;
	s9 =	smov.u32 s24  }
0x135: {  	[tilespmem:s6+$0xFFFFE020] =	vst v35;
	v35 =	vld.idx.msk [tilespmem:v37+s13+$0x0], $0xffff;
	v37 =	vor.u32 s9, v17  }
0x136: {  	v44 =	vor.u32 s8, v17;
	v29 =	vld.idx.msk [tilespmem:v29+s13+$0x0], $0xffff;
	[tilespmem:s10+$0x50] =	vst v41  }
0x137: {  	v41 =	vor.u32 s23, v17;
	v34 =	vld.idx.msk [tilespmem:v34+s13+$0x0], $0xffff;
	[tilespmem:s10+$0xFFFFE0E0] =	vst v33  }
0x138: {  	v33 =	vor.u32 s5, v17;
	v40 =	vld.idx.msk [tilespmem:v40+s13+$0x0], $0xffff;
	[tilespmem:s10+$0xFFFFE1F0] =	vst v38  }
0x139: {  	v38 =	vor.u32 s1, v27;
	[tilespmem:s6+$0x1A0] =	vst v39;
	v36 =	vld.idx.msk [tilespmem:v36+s13+$0x0], $0xffff  }
0x13a: {  	s19 =	sadd.s32 $0x2, s12;
	v39 =	vor.u32 s25, v27;
	[tilespmem:s6+$0xA0] =	vst v43;
	v37 =	vld.idx.msk [tilespmem:v37+s13+$0x0], $0xffff  }
0x13b: {  	v43 =	vor.u32 s19, v26;
	v44 =	vld.idx.msk [tilespmem:v44+s13+$0x0], $0xffff;
	[tilespmem:s6+$0x120] =	vst v35  }
0x13c: {  	v35 =	vor.u32 s9, v16;
	[tilespmem:s6+$0x20] =	vst v29;
	v29 =	vld.idx.msk [tilespmem:v41+s13+$0x0], $0xffff  }
0x13d: {  	v45 =	vor.u32 s8, v16;
	v41 =	vld.idx.msk [tilespmem:v33+s13+$0x0], $0xffff;
	[tilespmem:s10+$0xFFFFE160] =	vst v42  }
0x13e: {  	v42 =	vor.u32 s23, v16;
	[tilespmem:s10+$0xFFFFE060] =	vst v34;
	v34 =	vld.idx.msk [tilespmem:v38+s13+$0x0], $0xffff  }
0x13f: {  	v38 =	vor.u32 s5, v16;
	v39 =	vld.idx.msk [tilespmem:v39+s13+$0x0], $0xffff;
	[tilespmem:s10+$0x1F0] =	vst v36  }
0x140: {  	v36 =	vor.u32 s0, v28;
	v33 =	vld.idx.msk [tilespmem:v43+s13+$0x0], $0xffff;
	[tilespmem:s6+$0xFFFFE1B0] =	vst v37  }
0x141: {  	v43 =	vor.u32 s1, v28;
	[tilespmem:s6+$0xFFFFE0B0] =	vst v44;
	v35 =	vld.idx.msk [tilespmem:v35+s13+$0x0], $0xffff  }
0x142: {  	v44 =	vld.idx.msk [tilespmem:v45+s13+$0x0], $0xffff;
	[tilespmem:s6+$0xFFFFE130] =	vst v29;
	v29 =	vor.u32 s25, v28  }
0x143: {  	[tilespmem:s6+$0xFFFFE030] =	vst v41;
	v45 =	vld.idx.msk [tilespmem:v42+s13+$0x0], $0xffff;
	v41 =	vor.u32 s9, v48  }
0x144: {  	v51 =	vor.u32 s8, v48;
	v50 =	vld.idx.msk [tilespmem:v38+s13+$0x0], $0xffff;
	[tilespmem:s10+$0xE0] =	vst v40  }
0x145: {  	v52 =	vor.u32 s23, v48;
	v37 =	vld.idx.msk [tilespmem:v36+s13+$0x0], $0xffff;
	[tilespmem:s10+$0x160] =	vst v34  }
.Ltmp0:
0x146: {  	v34 =	vor.u32 s5, v48;
	[tilespmem:s10+$0x60] =	vst v39;
	v38 =	vld.idx.msk [tilespmem:v43+s13+$0x0], $0xffff;
	(pc) =	sbr.rel @p0 .LBB2_2-.Ltmp0, $4  }
0x147: {  	[tilespmem:s6+$0x1B0] =	vst v35;
	v39 =	vld.idx.msk [tilespmem:v29+s13+$0x0], $0xffff;
	v29 =	vor.u32 s0, v30;
	s0 =	smov.u32 s8;
	s8 =	smov.u32 s14  }
0x148: {  	v42 =	vor.u32 s1, v30;
	s1 =	smov.u32 s23;
	s23 =	smov.u32 s19;
	[tilespmem:s6+$0xB0] =	vst v44;
	v40 =	vld.idx.msk [tilespmem:v41+s13+$0x0], $0xffff  }
0x149: {  	v43 =	vor.u32 s25, v30;
	s25 =	smov.u32 s5;
	s5 =	smov.u32 s12;
	v41 =	vld.idx.msk [tilespmem:v51+s13+$0x0], $0xffff;
	[tilespmem:s6+$0x130] =	vst v45  }
0x14a: {  	v36 =	vor.u32 s9, v49;
	s12 =	sadd.s32 $0x4, s12;
	s24 =	sadd.s32 $0x3, s5;
	[tilespmem:s6+$0x30] =	vst v50;
	v35 =	vld.idx.msk [tilespmem:v52+s13+$0x0], $0xffff  }
0x14b: {  	v26 =	vor.u32 s24, v26  }
0x14c: {  	[tilespmem:s10+$0xFFFFE0F0] =	vst v37  }
0x14d: {  	[tilespmem:s10+$0xFFFFE170] =	vst v38  }
0x14e: {  	v46 =	vor.u32 s23, v25;
	s29 =	sadd.s32 $0x200, s6;
	[tilespmem:s10+$0xFFFFE070] =	vst v39  }
0x14f: {  	v47 =	vor.u32 s5, v25;
	v29 =	vld.idx.msk [tilespmem:v29+s13+$0x0], $0xffff;
	[tilespmem:s29+$0xFFFFE080] =	vst v32  }
0x150: {  	v45 =	vor.u32 s8, v25;
	[tilespmem:s29+$0xFFFFE100] =	vst v33;
	v26 =	vld.idx.msk [tilespmem:v26+s13+$0x0], $0xffff  }
0x151: {  	v44 =	vor.u32 s24, v25;
	v34 =	vld.idx.msk [tilespmem:v34+s13+$0x0], $0xffff;
	[tilespmem:s29+$0xFFFFE000] =	vst v31  }
0x152: {  	v42 =	vld.idx.msk [tilespmem:v42+s13+$0x0], $0xffff;
	[tilespmem:s6+$0xFFFFE1C0] =	vst v40  }
0x153: {  	[tilespmem:s6+$0xFFFFE0C0] =	vst v41;
	v53 =	vld.idx.msk [tilespmem:v46+s13+$0x0], $0xffff  }
0x154: {  	v55 =	vor.u32 s23, v23;
	v25 =	vld.idx.msk [tilespmem:v47+s13+$0x0], $0xffff;
	[tilespmem:s10+$0xF0] =	vst v29  }
0x155: {  	v56 =	vor.u32 s5, v23;
	v29 =	vld.idx.msk [tilespmem:v45+s13+$0x0], $0xffff;
	[tilespmem:s29+$0xFFFFE180] =	vst v26  }
0x156: {  	v54 =	vor.u32 s8, v23;
	[tilespmem:s6+$0xFFFFE140] =	vst v35;
	v51 =	vld.idx.msk [tilespmem:v44+s13+$0x0], $0xffff  }
0x157: {  	v52 =	vor.u32 s24, v23;
	v43 =	vld.idx.msk [tilespmem:v43+s13+$0x0], $0xffff;
	[tilespmem:s6+$0xFFFFE040] =	vst v34  }
0x158: {  	v57 =	vor.u32 s1, v49;
	v36 =	vld.idx.msk [tilespmem:v36+s13+$0x0], $0xffff;
	[tilespmem:s29+$0x100] =	vst v53  }
0x159: {  	v50 =	vor.u32 s0, v49;
	[tilespmem:s29+$0x0] =	vst v25;
	v62 =	vld.idx.msk [tilespmem:v55+s13+$0x0], $0xffff  }
0x15a: {  	v40 =	vor.u32 s23, v22;
	[tilespmem:s29+$0x80] =	vst v29;
	v23 =	vld.idx.msk [tilespmem:v56+s13+$0x0], $0xffff  }
0x15b: {  	v41 =	vor.u32 s5, v22;
	v60 =	vld.idx.msk [tilespmem:v54+s13+$0x0], $0xffff;
	[tilespmem:s29+$0x180] =	vst v51  }
0x15c: {  	v63 =	vor.u32 s8, v22;
	[tilespmem:s10+$0x170] =	vst v42;
	v59 =	vld.idx.msk [tilespmem:v52+s13+$0x0], $0xffff  }
0x15d: {  	v61 =	vor.u32 s24, v22;
	v34 =	vld.idx.msk [tilespmem:v57+s13+$0x0], $0xffff;
	[tilespmem:s10+$0x70] =	vst v43  }
0x15e: {  	v58 =	vor.u32 s9, v19;
	v26 =	vld.idx.msk [tilespmem:v50+s13+$0x0], $0xffff;
	[tilespmem:s29+$0xFFFFE110] =	vst v62  }
0x15f: {  	[tilespmem:s29+$0xFFFFE010] =	vst v23;
	v45 =	vld.idx.msk [tilespmem:v40+s13+$0x0], $0xffff  }
0x160: {  	v47 =	vor.u32 s23, v20;
	[tilespmem:s29+$0xFFFFE090] =	vst v60;
	v22 =	vld.idx.msk [tilespmem:v41+s13+$0x0], $0xffff  }
0x161: {  	v50 =	vor.u32 s5, v20;
	v33 =	vld.idx.msk [tilespmem:v63+s13+$0x0], $0xffff;
	[tilespmem:s29+$0xFFFFE190] =	vst v59  }
0x162: {  	v46 =	vor.u32 s8, v20;
	[tilespmem:s6+$0x1C0] =	vst v36;
	v31 =	vld.idx.msk [tilespmem:v61+s13+$0x0], $0xffff  }
0x163: {  	v32 =	vld.idx.msk [tilespmem:v58+s13+$0x0], $0xffff;
	[tilespmem:s6+$0x140] =	vst v34;
	v44 =	vor.u32 s24, v20  }
0x164: {  	v42 =	vor.u32 s25, v49;
	[tilespmem:s29+$0x110] =	vst v45  }
0x165: {  	v43 =	vor.u32 s0, v19;
	[tilespmem:s29+$0x10] =	vst v22;
	v54 =	vld.idx.msk [tilespmem:v47+s13+$0x0], $0xffff  }
0x166: {  	v56 =	vor.u32 s23, v18;
	[tilespmem:s29+$0x90] =	vst v33;
	v20 =	vld.idx.msk [tilespmem:v50+s13+$0x0], $0xffff  }
0x167: {  	v57 =	vor.u32 s5, v18;
	v33 =	vld.idx.msk [tilespmem:v46+s13+$0x0], $0xffff;
	[tilespmem:s29+$0x190] =	vst v31  }
0x168: {  	v55 =	vor.u32 s8, v18;
	[tilespmem:s6+$0xFFFFE1D0] =	vst v32;
	v25 =	vld.idx.msk [tilespmem:v44+s13+$0x0], $0xffff  }
0x169: {  	v53 =	vor.u32 s24, v18;
	[tilespmem:s6+$0xC0] =	vst v26;
	v26 =	vld.idx.msk [tilespmem:v42+s13+$0x0], $0xffff  }
0x16a: {  	v51 =	vor.u32 s9, v21;
	v29 =	vld.idx.msk [tilespmem:v43+s13+$0x0], $0xffff;
	[tilespmem:s29+$0xFFFFE120] =	vst v54  }
0x16b: {  	v52 =	vor.u32 s1, v19;
	[tilespmem:s29+$0xFFFFE020] =	vst v20;
	v62 =	vld.idx.msk [tilespmem:v56+s13+$0x0], $0xffff  }
0x16c: {  	v36 =	vor.u32 s23, v17;
	v63 =	vor.u32 s8, v17;
	[tilespmem:s29+$0xFFFFE0A0] =	vst v33;
	v18 =	vld.idx.msk [tilespmem:v57+s13+$0x0], $0xffff  }
0x16d: {  	v61 =	vor.u32 s24, v17;
	v17 =	vor.u32 s5, v17;
	v33 =	vld.idx.msk [tilespmem:v55+s13+$0x0], $0xffff;
	[tilespmem:s29+$0xFFFFE1A0] =	vst v25  }
0x16e: {  	[tilespmem:s6+$0x40] =	vst v26;
	v23 =	vld.idx.msk [tilespmem:v53+s13+$0x0], $0xffff  }
0x16f: {  	v32 =	vld.idx.msk [tilespmem:v51+s13+$0x0], $0xffff;
	[tilespmem:s6+$0xFFFFE0D0] =	vst v29  }
0x170: {  	v37 =	vor.u32 s0, v21;
	v58 =	vld.idx.msk [tilespmem:v52+s13+$0x0], $0xffff;
	[tilespmem:s29+$0x120] =	vst v62  }
0x171: {  	v59 =	vor.u32 s25, v19;
	[tilespmem:s29+$0x20] =	vst v18;
	v40 =	vld.idx.msk [tilespmem:v36+s13+$0x0], $0xffff  }
0x172: {  	v39 =	vor.u32 s24, v16;
	v42 =	vor.u32 s23, v16;
	[tilespmem:s29+$0xA0] =	vst v33;
	v17 =	vld.idx.msk [tilespmem:v17+s13+$0x0], $0xffff  }
0x173: {  	v41 =	vor.u32 s8, v16;
	v16 =	vor.u32 s5, v16;
	v26 =	vld.idx.msk [tilespmem:v63+s13+$0x0], $0xffff;
	[tilespmem:s29+$0x1A0] =	vst v23  }
0x174: {  	[tilespmem:s6+$0x1D0] =	vst v32;
	v22 =	vld.idx.msk [tilespmem:v61+s13+$0x0], $0xffff  }
0x175: {  	v29 =	vld.idx.msk [tilespmem:v37+s13+$0x0], $0xffff;
	[tilespmem:s6+$0xFFFFE150] =	vst v58  }
0x176: {  	v60 =	vor.u32 s9, v24;
	v31 =	vld.idx.msk [tilespmem:v59+s13+$0x0], $0xffff;
	[tilespmem:s29+$0xFFFFE130] =	vst v40  }
0x177: {  	v50 =	vor.u32 s0, v24;
	[tilespmem:s29+$0xFFFFE030] =	vst v17;
	v17 =	vld.idx.msk [tilespmem:v42+s13+$0x0], $0xffff  }
0x178: {  	v38 =	vor.u32 s1, v21;
	[tilespmem:s29+$0xFFFFE0B0] =	vst v26;
	v16 =	vld.idx.msk [tilespmem:v16+s13+$0x0], $0xffff  }
0x179: {  	v47 =	vor.u32 s23, v48;
	v26 =	vld.idx.msk [tilespmem:v41+s13+$0x0], $0xffff;
	[tilespmem:s29+$0xFFFFE1B0] =	vst v22  }
0x17a: {  	v46 =	vor.u32 s8, v48;
	[tilespmem:s6+$0xD0] =	vst v29;
	v20 =	vld.idx.msk [tilespmem:v39+s13+$0x0], $0xffff  }
0x17b: {  	v45 =	vor.u32 s24, v48;
	[tilespmem:s6+$0xFFFFE050] =	vst v31;
	v25 =	vld.idx.msk [tilespmem:v60+s13+$0x0], $0xffff  }
0x17c: {  	v43 =	vor.u32 s9, v27;
	v54 =	vld.idx.msk [tilespmem:v50+s13+$0x0], $0xffff;
	[tilespmem:s29+$0x130] =	vst v17  }
0x17d: {  	v48 =	vor.u32 s5, v48;
	v23 =	vld.idx.msk [tilespmem:v38+s13+$0x0], $0xffff;
	[tilespmem:s29+$0x30] =	vst v16  }
0x17e: {  	v44 =	vor.u32 s25, v21;
	[tilespmem:s29+$0xB0] =	vst v26;
	v16 =	vld.idx.msk [tilespmem:v47+s13+$0x0], $0xffff  }
0x17f: {  	v56 =	vor.u32 s1, v24;
	v26 =	vld.idx.msk [tilespmem:v46+s13+$0x0], $0xffff;
	[tilespmem:s29+$0x1B0] =	vst v20  }
0x180: {  	v52 =	vor.u32 s8, v49;
	[tilespmem:s6+$0xFFFFE1E0] =	vst v25;
	v18 =	vld.idx.msk [tilespmem:v45+s13+$0x0], $0xffff  }
0x181: {  	[tilespmem:s6+$0xFFFFE0E0] =	vst v54;
	v25 =	vld.idx.msk [tilespmem:v43+s13+$0x0], $0xffff;
	v17 =	vor.u32 s24, v49  }
0x182: {  	v53 =	vor.u32 s23, v49;
	[tilespmem:s6+$0x150] =	vst v23;
	v23 =	vld.idx.msk [tilespmem:v48+s13+$0x0], $0xffff  }
0x183: {  	v55 =	vor.u32 s5, v49;
	v22 =	vld.idx.msk [tilespmem:v44+s13+$0x0], $0xffff;
	[tilespmem:s29+$0xFFFFE140] =	vst v16  }
0x184: {  	v51 =	vor.u32 s9, v28;
	v62 =	vld.idx.msk [tilespmem:v56+s13+$0x0], $0xffff;
	[tilespmem:s29+$0xFFFFE0C0] =	vst v26  }
0x185: {  	v57 =	vor.u32 s25, v24;
	v16 =	vld.idx.msk [tilespmem:v52+s13+$0x0], $0xffff;
	[tilespmem:s29+$0xFFFFE1C0] =	vst v18  }
0x186: {  	v60 =	vor.u32 s8, v19;
	[tilespmem:s6+$0x1E0] =	vst v25;
	v17 =	vld.idx.msk [tilespmem:v17+s13+$0x0], $0xffff  }
0x187: {  	v58 =	vor.u32 s24, v19;
	[tilespmem:s29+$0xFFFFE040] =	vst v23;
	v59 =	vld.idx.msk [tilespmem:v53+s13+$0x0], $0xffff  }
0x188: {  	v61 =	vor.u32 s23, v19;
	[tilespmem:s6+$0x50] =	vst v22;
	v22 =	vld.idx.msk [tilespmem:v55+s13+$0x0], $0xffff  }
0x189: {  	v63 =	vor.u32 s5, v19;
	[tilespmem:s6+$0xFFFFE160] =	vst v62;
	v20 =	vld.idx.msk [tilespmem:v51+s13+$0x0], $0xffff  }
0x18a: {  	v32 =	vor.u32 s9, v30;
	v18 =	vld.idx.msk [tilespmem:v57+s13+$0x0], $0xffff;
	[tilespmem:s29+$0xC0] =	vst v16  }
0x18b: {  	v25 =	vld.idx.msk [tilespmem:v60+s13+$0x0], $0xffff;
	[tilespmem:s29+$0x1C0] =	vst v17;
	v17 =	vor.u32 s0, v27  }
0x18c: {  	v33 =	vor.u32 s8, v21;
	[tilespmem:s29+$0x140] =	vst v59;
	v26 =	vld.idx.msk [tilespmem:v58+s13+$0x0], $0xffff  }
0x18d: {  	[tilespmem:s29+$0x40] =	vst v22;
	v16 =	vor.u32 s24, v21;
	v23 =	vld.idx.msk [tilespmem:v61+s13+$0x0], $0xffff  }
0x18e: {  	v34 =	vor.u32 s23, v21;
	[tilespmem:s6+$0xFFFFE1F0] =	vst v20;
	v19 =	vld.idx.msk [tilespmem:v63+s13+$0x0], $0xffff  }
0x18f: {  	v35 =	vor.u32 s5, v21;
	v20 =	vld.idx.msk [tilespmem:v32+s13+$0x0], $0xffff;
	[tilespmem:s6+$0xFFFFE060] =	vst v18  }
0x190: {  	v37 =	vor.u32 s25, v27;
	[tilespmem:s29+$0xFFFFE0D0] =	vst v25;
	v17 =	vld.idx.msk [tilespmem:v17+s13+$0x0], $0xffff  }
0x191: {  	v36 =	vor.u32 s1, v27;
	v29 =	vld.idx.msk [tilespmem:v33+s13+$0x0], $0xffff;
	[tilespmem:s29+$0xFFFFE1D0] =	vst v26  }
0x192: {  	v40 =	vor.u32 s8, v24;
	[tilespmem:s29+$0xFFFFE150] =	vst v23;
	v16 =	vld.idx.msk [tilespmem:v16+s13+$0x0], $0xffff  }
0x193: {  	v38 =	vor.u32 s24, v24;
	[tilespmem:s29+$0xFFFFE050] =	vst v19;
	v39 =	vld.idx.msk [tilespmem:v34+s13+$0x0], $0xffff  }
0x194: {  	v41 =	vor.u32 s23, v24;
	[tilespmem:s6+$0x1F0] =	vst v20;
	v18 =	vld.idx.msk [tilespmem:v35+s13+$0x0], $0xffff  }
0x195: {  	v42 =	vld.idx.msk [tilespmem:v37+s13+$0x0], $0xffff;
	[tilespmem:s6+$0xE0] =	vst v17;
	v17 =	vor.u32 s5, v24  }
0x196: {  	v49 =	vor.u32 s25, v28;
	v21 =	vld.idx.msk [tilespmem:v36+s13+$0x0], $0xffff;
	[tilespmem:s29+$0xD0] =	vst v29  }
0x197: {  	v22 =	vld.idx.msk [tilespmem:v40+s13+$0x0], $0xffff;
	[tilespmem:s29+$0x1D0] =	vst v16;
	v16 =	vor.u32 s1, v28  }
0x198: {  	v45 =	vor.u32 s8, v27;
	[tilespmem:s29+$0x150] =	vst v39;
	v25 =	vld.idx.msk [tilespmem:v38+s13+$0x0], $0xffff  }
0x199: {  	v44 =	vor.u32 s24, v27;
	[tilespmem:s29+$0x50] =	vst v18;
	v19 =	vld.idx.msk [tilespmem:v41+s13+$0x0], $0xffff  }
0x19a: {  	v46 =	vor.u32 s23, v27;
	[tilespmem:s6+$0x60] =	vst v42;
	v17 =	vld.idx.msk [tilespmem:v17+s13+$0x0], $0xffff  }
0x19b: {  	v48 =	vor.u32 s5, v27;
	[tilespmem:s6+$0x160] =	vst v21;
	v55 =	vld.idx.msk [tilespmem:v49+s13+$0x0], $0xffff  }
0x19c: {  	v43 =	vor.u32 s0, v28;
	[tilespmem:s29+$0xFFFFE0E0] =	vst v22;
	v16 =	vld.idx.msk [tilespmem:v16+s13+$0x0], $0xffff  }
0x19d: {  	v57 =	vor.u32 s25, v30;
	v20 =	vld.idx.msk [tilespmem:v45+s13+$0x0], $0xffff;
	[tilespmem:s29+$0xFFFFE1E0] =	vst v25  }
0x19e: {  	v52 =	vor.u32 s8, v28;
	[tilespmem:s29+$0xFFFFE160] =	vst v19;
	v26 =	vld.idx.msk [tilespmem:v44+s13+$0x0], $0xffff  }
0x19f: {  	v51 =	vor.u32 s24, v28;
	[tilespmem:s29+$0xFFFFE060] =	vst v17;
	v17 =	vld.idx.msk [tilespmem:v46+s13+$0x0], $0xffff  }
0x1a0: {  	v54 =	vor.u32 s23, v28;
	[tilespmem:s6+$0xFFFFE070] =	vst v55;
	v53 =	vld.idx.msk [tilespmem:v48+s13+$0x0], $0xffff  }
0x1a1: {  	v47 =	vld.idx.msk [tilespmem:v43+s13+$0x0], $0xffff;
	[tilespmem:s6+$0xFFFFE170] =	vst v16;
	v16 =	vor.u32 s5, v28  }
0x1a2: {  	v50 =	vor.u32 s0, v30;
	v63 =	vld.idx.msk [tilespmem:v57+s13+$0x0], $0xffff;
	[tilespmem:s29+$0xE0] =	vst v20  }
0x1a3: {  	v56 =	vor.u32 s1, v30;
	v18 =	vld.idx.msk [tilespmem:v52+s13+$0x0], $0xffff;
	[tilespmem:s29+$0x1E0] =	vst v26  }
0x1a4: {  	v59 =	vor.u32 s8, v30;
	v22 =	vld.idx.msk [tilespmem:v51+s13+$0x0], $0xffff;
	[tilespmem:s29+$0x160] =	vst v17  }
0x1a5: {  	v58 =	vor.u32 s24, v30;
	[tilespmem:s29+$0x60] =	vst v53;
	v17 =	vld.idx.msk [tilespmem:v54+s13+$0x0], $0xffff  }
0x1a6: {  	v60 =	vor.u32 s23, v30;
	[tilespmem:s6+$0xFFFFE0F0] =	vst v47;
	v16 =	vld.idx.msk [tilespmem:v16+s13+$0x0], $0xffff  }
0x1a7: {  	v62 =	vor.u32 s5, v30;
	[tilespmem:s6+$0x70] =	vst v63;
	v25 =	vld.idx.msk [tilespmem:v50+s13+$0x0], $0xffff  }
0x1a8: {  	v61 =	vld.idx.msk [tilespmem:v56+s13+$0x0], $0xffff;
	[tilespmem:s29+$0xFFFFE0F0] =	vst v18  }
0x1a9: {  	v18 =	vld.idx.msk [tilespmem:v59+s13+$0x0], $0xffff;
	[tilespmem:s29+$0xFFFFE1F0] =	vst v22  }
0x1aa: {  	v20 =	vld.idx.msk [tilespmem:v58+s13+$0x0], $0xffff;
	[tilespmem:s29+$0xFFFFE170] =	vst v17  }
0x1ab: {  	[tilespmem:s29+$0xFFFFE070] =	vst v16;
	v16 =	vld.idx.msk [tilespmem:v60+s13+$0x0], $0xffff  }
0x1ac: {  	[tilespmem:s6+$0xF0] =	vst v25;
	v17 =	vld.idx.msk [tilespmem:v62+s13+$0x0], $0xffff  }
0x1ad: {  	[tilespmem:s6+$0x170] =	vst v61  }
0x1ae: {  	[tilespmem:s29+$0xF0] =	vst v18  }
0x1af: {  	[tilespmem:s29+$0x1F0] =	vst v20  }
0x1b0: {  	[tilespmem:s29+$0x170] =	vst v16  }
0x1b1: {  	[tilespmem:s29+$0x70] =	vst v17  }
0x1b2: {  	s31 =	simm.s32 $0x16600;
	s25 =	simm.s32 $0x1;
	s30 =	rddreg [dreg:$0x4]  }
0x1b3: {  	[hbm4b:s30+s17] =	stream.strided.scatter [tilespmem:s31], [sflag:$0x3], $0x4000, s18, s17, $0x38;
	[tilespmem:$0x1E600] =	vst v63  }
.LBB2_4:
0x1b4: {  	s29 =	sshll.u32 s25, $0x1  }
0x1b5: {  	s0 =	sand.u32 $0xFE, s29  }
0x1b6: {  	s0 =	smul.u32 $0x29, s0;
	_ =	sdelay $0x1  }
0x1b7: {  	s26 =	sshrl.u32 s0, $0xA  }
0x1b8: {  	s0 =	smul.u32 $0x19, s26;
	_ =	sdelay $0x1  }
0x1b9: {  	v1 =	vld [tilespmem:$0x1FDE0];
	s0 =	ssub.s32 s29, s0  }
0x1ba: {  	v2 =	vld [tilespmem:$0x1FDF0];
	s12 =	smul.u32 $0x1900, s26;
	s28 =	sand.u32 $0xFF, s0  }
0x1bb: {  	s1 =	sshll.u32 s28, $0x1  }
0x1bc: {  	s0 =	sor.u32 s1, s12  }
0x1bd: {  	v49 =	vadd.s32 s0, v0  }
0x1be: {  	v50 =	vadd.s32 s0, v1  }
0x1bf: {  	v51 =	vadd.s32 s0, v2  }
0x1c0: {  	v52 =	vadd.s32 s0, v3  }
0x1c1: {  	v53 =	vadd.s32 s0, v4  }
0x1c2: {  	v55 =	vadd.s32 s0, v5;
	v16 =	vld.idx.msk [tilespmem:v49+s3+$0x0], $0xffff  }
0x1c3: {  	v57 =	vadd.s32 s0, v6;
	v17 =	vld.idx.msk [tilespmem:v50+s3+$0x0], $0xffff  }
0x1c4: {  	v61 =	vadd.s32 s0, v7;
	v18 =	vld.idx.msk [tilespmem:v51+s3+$0x0], $0xffff  }
0x1c5: {  	v62 =	vadd.s32 s0, v8;
	v19 =	vld.idx.msk [tilespmem:v52+s3+$0x0], $0xffff  }
0x1c6: {  	v63 =	vadd.s32 s0, v9;
	v20 =	vld.idx.msk [tilespmem:v53+s3+$0x0], $0xffff  }
0x1c7: {  	v58 =	vadd.s32 s0, v10;
	v21 =	vld.idx.msk [tilespmem:v55+s3+$0x0], $0xffff  }
0x1c8: {  	v59 =	vadd.s32 s0, v11;
	v22 =	vld.idx.msk [tilespmem:v57+s3+$0x0], $0xffff  }
0x1c9: {  	v60 =	vadd.s32 s0, v12;
	v23 =	vld.idx.msk [tilespmem:v61+s3+$0x0], $0xffff  }
0x1ca: {  	v56 =	vadd.s32 s0, v13;
	v24 =	vld.idx.msk [tilespmem:v62+s3+$0x0], $0xffff  }
0x1cb: {  	v54 =	vadd.s32 s0, v14;
	v25 =	vld.idx.msk [tilespmem:v63+s3+$0x0], $0xffff  }
0x1cc: {  	v48 =	vadd.s32 s0, v15;
	v26 =	vld.idx.msk [tilespmem:v58+s3+$0x0], $0xffff  }
0x1cd: {  	v27 =	vld.idx.msk [tilespmem:v59+s3+$0x0], $0xffff  }
0x1ce: {  	v28 =	vld.idx.msk [tilespmem:v60+s3+$0x0], $0xffff  }
0x1cf: {  	v29 =	vld.idx.msk [tilespmem:v56+s3+$0x0], $0xffff  }
0x1d0: {  	v30 =	vld.idx.msk [tilespmem:v54+s3+$0x0], $0xffff;
	v16 =	vshrl.u32 v16, $0x1  }
0x1d1: {  	v31 =	vld.idx.msk [tilespmem:v48+s3+$0x0], $0xffff;
	[tilespmem:$0x6400] =	vst v16;
	v16 =	vshrl.u32 v24, $0x1  }
0x1d2: {  	[tilespmem:$0x6480] =	vst v16;
	v16 =	vshrl.u32 v17, $0x1  }
0x1d3: {  	[tilespmem:$0x6410] =	vst v16;
	v16 =	vshrl.u32 v25, $0x1  }
0x1d4: {  	[tilespmem:$0x6490] =	vst v16;
	v16 =	vshrl.u32 v18, $0x1  }
0x1d5: {  	[tilespmem:$0x6420] =	vst v16;
	v16 =	vshrl.u32 v26, $0x1  }
0x1d6: {  	[tilespmem:$0x64A0] =	vst v16;
	v16 =	vshrl.u32 v19, $0x1  }
0x1d7: {  	s14 =	sadd.s32 $0xFFFFFFFF, s29;
	[tilespmem:$0x6430] =	vst v16;
	v16 =	vshrl.u32 v27, $0x1  }
0x1d8: {  	s19 =	sand.u32 $0xFF, s14;
	[tilespmem:$0x64B0] =	vst v16;
	v16 =	vshrl.u32 v20, $0x1  }
0x1d9: {  	s1 =	smul.u32 $0x29, s19;
	[tilespmem:$0x6440] =	vst v16;
	v16 =	vshrl.u32 v28, $0x1  }
0x1da: {  	[tilespmem:$0x64C0] =	vst v16;
	v16 =	vshrl.u32 v21, $0x1  }
0x1db: {  	s30 =	sshrl.u32 s1, $0xA;
	[tilespmem:$0x6450] =	vst v16;
	v16 =	vshrl.u32 v29, $0x1  }
0x1dc: {  	s1 =	smul.u32 $0x19, s30;
	[tilespmem:$0x64D0] =	vst v16;
	v16 =	vshrl.u32 v22, $0x1  }
0x1dd: {  	[tilespmem:$0x6460] =	vst v16;
	v16 =	vshrl.u32 v30, $0x1  }
0x1de: {  	s0 =	ssub.s32 s14, s1;
	[tilespmem:$0x64E0] =	vst v16;
	v16 =	vshrl.u32 v23, $0x1  }
0x1df: {  	s31 =	sand.u32 $0xFF, s0;
	[tilespmem:$0x6470] =	vst v16;
	v16 =	vshrl.u32 v31, $0x1  }
0x1e0: {  	s5 =	simm.s32 $0x6400;
	s23 =	smul.u32 $0x1900, s30;
	s24 =	sshll.u32 s31, $0x1;
	[tilespmem:$0x64F0] =	vst v16  }
0x1e1: {  	[tilespmem:s13], [sflag:$0x1] =	stream.indirect.gather [hbm4b:s4+s11], $0x80, s5, s11, $0xb8;
	[tilespmem:$0x1E600] =	vst v63  }
0x1e2: {  	s0 =	sor.u32 s24, s23;
	_ =	swait.ge [sflag:s20], $0x8000  }
0x1e3: {  	p0 =	slt.u32 s25, $0x2;
	v16 =	vadd.s32 s0, v0;
	[sflag:s20] =	ssyncset.done $0x0  }
0x1e4: {  	s1 =	simm.s32 @!p0 $0x4;
	[sflag:s20] =	ssyncadd.s32 $0xFFFF8000  }
0x1e5: {  	v17 =	vadd.s32 s0, v1;
	_ =	swait.ge @!p0 [sflag:s1], $0x4000  }
0x1e6: {  	v18 =	vadd.s32 s0, v2;
	[sflag:s1] =	ssyncset.done @!p0 $0x0  }
0x1e7: {  	s12 =	simm.s32 $0x0;
	v22 =	vadd.s32 s0, v6;
	[sflag:s1] =	ssyncadd.s32 @!p0 $0xFFFFC000  }
0x1e8: {  	v23 =	vadd.s32 s0, v7;
	v16 =	vld.idx.msk [tilespmem:v16+s12+$0x0], $0xffff  }
0x1e9: {  	v24 =	vadd.s32 s0, v8;
	v1 =	vld [tilespmem:$0x1FFE0]  }
0x1ea: {  	v25 =	vadd.s32 s0, v10;
	v17 =	vld.idx.msk [tilespmem:v17+s12+$0x0], $0xffff  }
0x1eb: {  	v18 =	vld.idx.msk [tilespmem:v18+s12+$0x0], $0xffff  }
0x1ec: {  	v20 =	vadd.s32 s0, v4;
	v26 =	vld.idx.msk [tilespmem:v22+s12+$0x0], $0xffff  }
0x1ed: {  	v22 =	vadd.s32 s0, v11;
	v31 =	vld.idx.msk [tilespmem:v23+s12+$0x0], $0xffff;
	v16 =	vshll.u32 v16, $0x6  }
0x1ee: {  	v23 =	vadd.s32 s0, v12;
	v24 =	vld.idx.msk [tilespmem:v24+s12+$0x0], $0xffff;
	v16 =	vand.u32 $0x40, v16  }
0x1ef: {  	s24 =	simm.s32 $0x3;
	v28 =	vadd.s32 s0, v13;
	v27 =	vor.u32 v1, v16;
	v16 =	vld.idx.msk [tilespmem:v25+s12+$0x0], $0xffff  }
0x1f0: {  	v1 =	vld [tilespmem:$0x1FF00];
	v25 =	vor.u32 s24, v27  }
0x1f1: {  	v19 =	vadd.s32 s0, v3;
	v29 =	vld.idx.msk [tilespmem:v20+s12+$0x0], $0xffff  }
0x1f2: {  	v21 =	vadd.s32 s0, v5;
	v33 =	vld.idx.msk [tilespmem:v22+s12+$0x0], $0xffff  }
0x1f3: {  	v30 =	vadd.s32 s0, v14;
	v34 =	vld.idx.msk [tilespmem:v23+s12+$0x0], $0xffff;
	v24 =	vshll.u32 v24, $0x6  }
0x1f4: {  	v20 =	vadd.s32 s0, v9;
	v23 =	vld.idx.msk [tilespmem:v28+s12+$0x0], $0xffff;
	v24 =	vand.u32 $0x40, v24  }
0x1f5: {  	v22 =	vadd.s32 s0, v15;
	v28 =	vor.u32 v1, v24;
	v24 =	vld.idx.msk [tilespmem:v25+s15+$0x0], $0xffff  }
0x1f6: {  	v19 =	vld.idx.msk [tilespmem:v19+s12+$0x0], $0xffff  }
0x1f7: {  	s14 =	simm.s32 $0x1;
	v21 =	vld.idx.msk [tilespmem:v21+s12+$0x0], $0xffff  }
0x1f8: {  	s19 =	simm.s32 $0x2;
	v30 =	vld.idx.msk [tilespmem:v30+s12+$0x0], $0xffff;
	v35 =	vor.u32 s14, v27  }
0x1f9: {  	s23 =	simm.s32 $0x1C600;
	v20 =	vld.idx.msk [tilespmem:v20+s12+$0x0], $0xffff;
	v36 =	vor.u32 s19, v27  }
0x1fa: {  	v37 =	vor.u32 s12, v27;
	v32 =	vld.idx.msk [tilespmem:v22+s12+$0x0], $0xffff;
	[tilespmem:s23+$0xFFFFE180] =	vst v24  }
0x1fb: {  	v22 =	vor.u32 s24, v28;
	v1 =	vld [tilespmem:$0x1FF10];
	_ =	sdelay $0x1  }
0x1fc: {  	v35 =	vld.idx.msk [tilespmem:v35+s15+$0x0], $0xffff  }
0x1fd: {  	v17 =	vshll.u32 v17, $0x6;
	v36 =	vld.idx.msk [tilespmem:v36+s15+$0x0], $0xffff  }
0x1fe: {  	v17 =	vand.u32 $0x40, v17;
	v37 =	vld.idx.msk [tilespmem:v37+s15+$0x0], $0xffff  }
0x1ff: {  	v25 =	vor.u32 v1, v17;
	v17 =	vld.idx.msk [tilespmem:v22+s15+$0x0], $0xffff;
	_ =	sdelay $0x1  }
0x200: {  	v38 =	vor.u32 s14, v28;
	[tilespmem:s23+$0xFFFFE080] =	vst v35  }
0x201: {  	v39 =	vor.u32 s19, v28;
	[tilespmem:s23+$0xFFFFE100] =	vst v36  }
0x202: {  	v40 =	vor.u32 s12, v28;
	[tilespmem:s23+$0xFFFFE000] =	vst v37  }
0x203: {  	v22 =	vor.u32 s24, v25;
	[tilespmem:s23+$0x180] =	vst v17  }
0x204: {  	v1 =	vld [tilespmem:$0x1FF20]  }
0x205: {  	v35 =	vld.idx.msk [tilespmem:v38+s15+$0x0], $0xffff  }
0x206: {  	v36 =	vld.idx.msk [tilespmem:v39+s15+$0x0], $0xffff;
	v46 =	vor.u32 s14, v25  }
0x207: {  	v20 =	vshll.u32 v20, $0x6;
	v47 =	vld.idx.msk [tilespmem:v40+s15+$0x0], $0xffff;
	v44 =	vor.u32 s19, v25  }
0x208: {  	v20 =	vand.u32 $0x40, v20;
	v45 =	vor.u32 s12, v25;
	v17 =	vld.idx.msk [tilespmem:v22+s15+$0x0], $0xffff  }
0x209: {  	v24 =	vor.u32 v1, v20  }
0x20a: {  	[tilespmem:s23+$0x80] =	vst v35;
	v20 =	vor.u32 s24, v24  }
0x20b: {  	[tilespmem:s23+$0x100] =	vst v36;
	v35 =	vld.idx.msk [tilespmem:v46+s15+$0x0], $0xffff  }
0x20c: {  	[tilespmem:s23+$0x0] =	vst v47;
	v36 =	vld.idx.msk [tilespmem:v44+s15+$0x0], $0xffff  }
0x20d: {  	v38 =	vld.idx.msk [tilespmem:v45+s15+$0x0], $0xffff;
	[tilespmem:s23+$0xFFFFE190] =	vst v17  }
0x20e: {  	v1 =	vld [tilespmem:$0x1FF30]  }
0x20f: {  	v17 =	vld.idx.msk [tilespmem:v20+s15+$0x0], $0xffff;
	_ =	sdelay $0x1  }
0x210: {  	[tilespmem:s23+$0xFFFFE090] =	vst v35  }
0x211: {  	v18 =	vshll.u32 v18, $0x6;
	v46 =	vor.u32 s14, v24;
	[tilespmem:s23+$0xFFFFE110] =	vst v36  }
0x212: {  	v18 =	vand.u32 $0x40, v18;
	v47 =	vor.u32 s19, v24;
	[tilespmem:s23+$0xFFFFE010] =	vst v38  }
0x213: {  	v44 =	vor.u32 s12, v24;
	v22 =	vor.u32 v1, v18;
	[tilespmem:s23+$0x190] =	vst v17  }
0x214: {  	v18 =	vor.u32 s24, v22;
	v1 =	vld [tilespmem:$0x1FF40];
	_ =	sdelay $0x1  }
0x215: {  	v35 =	vld.idx.msk [tilespmem:v46+s15+$0x0], $0xffff  }
0x216: {  	v16 =	vshll.u32 v16, $0x6;
	v36 =	vld.idx.msk [tilespmem:v47+s15+$0x0], $0xffff  }
0x217: {  	v16 =	vand.u32 $0x40, v16;
	v38 =	vld.idx.msk [tilespmem:v44+s15+$0x0], $0xffff;
	v46 =	vor.u32 s19, v22  }
0x218: {  	v45 =	vor.u32 s14, v22;
	v20 =	vor.u32 v1, v16;
	v16 =	vld.idx.msk [tilespmem:v18+s15+$0x0], $0xffff;
	_ =	sdelay $0x1  }
0x219: {  	v47 =	vor.u32 s12, v22;
	[tilespmem:s23+$0x90] =	vst v35  }
0x21a: {  	[tilespmem:s23+$0x110] =	vst v36;
	v17 =	vor.u32 s24, v20  }
0x21b: {  	[tilespmem:s23+$0x10] =	vst v38;
	v43 =	vld.idx.msk [tilespmem:v46+s15+$0x0], $0xffff  }
0x21c: {  	v18 =	vld.idx.msk [tilespmem:v45+s15+$0x0], $0xffff;
	[tilespmem:s23+$0xFFFFE1A0] =	vst v16  }
0x21d: {  	v1 =	vld [tilespmem:$0x1FF50]  }
0x21e: {  	v45 =	vld.idx.msk [tilespmem:v47+s15+$0x0], $0xffff  }
0x21f: {  	v44 =	vor.u32 s14, v20;
	v16 =	vld.idx.msk [tilespmem:v17+s15+$0x0], $0xffff  }
0x220: {  	v19 =	vshll.u32 v19, $0x6  }
0x221: {  	v19 =	vand.u32 $0x40, v19;
	v46 =	vor.u32 s19, v20;
	[tilespmem:s23+$0xFFFFE0A0] =	vst v18  }
0x222: {  	v47 =	vor.u32 s12, v20;
	[tilespmem:s23+$0xFFFFE120] =	vst v43;
	v19 =	vor.u32 v1, v19  }
0x223: {  	[tilespmem:s23+$0xFFFFE020] =	vst v45;
	v18 =	vor.u32 s24, v19  }
0x224: {  	v36 =	vld.idx.msk [tilespmem:v44+s15+$0x0], $0xffff;
	[tilespmem:s23+$0x1A0] =	vst v16  }
0x225: {  	v1 =	vld [tilespmem:$0x1FF60]  }
0x226: {  	v35 =	vld.idx.msk [tilespmem:v46+s15+$0x0], $0xffff  }
0x227: {  	v43 =	vld.idx.msk [tilespmem:v47+s15+$0x0], $0xffff;
	v42 =	vor.u32 s14, v19  }
0x228: {  	v17 =	vshll.u32 v33, $0x6;
	v44 =	vor.u32 s19, v19;
	v16 =	vld.idx.msk [tilespmem:v18+s15+$0x0], $0xffff  }
0x229: {  	v17 =	vand.u32 $0x40, v17  }
0x22a: {  	v45 =	vor.u32 s12, v19;
	[tilespmem:s23+$0xA0] =	vst v36;
	v17 =	vor.u32 v1, v17  }
0x22b: {  	[tilespmem:s23+$0x120] =	vst v35;
	v18 =	vor.u32 s24, v17  }
0x22c: {  	[tilespmem:s23+$0x20] =	vst v43;
	v36 =	vld.idx.msk [tilespmem:v42+s15+$0x0], $0xffff  }
0x22d: {  	v33 =	vld.idx.msk [tilespmem:v44+s15+$0x0], $0xffff;
	[tilespmem:s23+$0xFFFFE1B0] =	vst v16  }
0x22e: {  	v1 =	vld [tilespmem:$0x1FF70]  }
0x22f: {  	v46 =	vld.idx.msk [tilespmem:v45+s15+$0x0], $0xffff;
	v35 =	vor.u32 s14, v17  }
0x230: {  	v18 =	vld.idx.msk [tilespmem:v18+s15+$0x0], $0xffff  }
0x231: {  	v29 =	vshll.u32 v29, $0x6  }
0x232: {  	v29 =	vand.u32 $0x40, v29;
	v47 =	vor.u32 s19, v17;
	[tilespmem:s23+$0xFFFFE0B0] =	vst v36  }
0x233: {  	v44 =	vor.u32 s12, v17;
	[tilespmem:s23+$0xFFFFE130] =	vst v33;
	v16 =	vor.u32 v1, v29  }
0x234: {  	[tilespmem:s23+$0xFFFFE030] =	vst v46;
	v35 =	vld.idx.msk [tilespmem:v35+s15+$0x0], $0xffff;
	v36 =	vor.u32 s24, v16  }
0x235: {  	s5 =	simm.s32 $0x5;
	[tilespmem:s23+$0x1B0] =	vst v18;
	v46 =	vor.u32 s14, v16  }
0x236: {  	s0 =	simm.s32 $0x6;
	v45 =	vor.u32 s5, v27;
	v1 =	vld [tilespmem:$0x1FF80]  }
0x237: {  	v33 =	vld.idx.msk [tilespmem:v47+s15+$0x0], $0xffff;
	v47 =	vor.u32 s0, v27  }
0x238: {  	v38 =	vld.idx.msk [tilespmem:v44+s15+$0x0], $0xffff;
	v44 =	vor.u32 s19, v16  }
0x239: {  	s10 =	simm.s32 $0x7;
	v34 =	vshll.u32 v34, $0x6;
	v41 =	vor.u32 s12, v16;
	[tilespmem:s23+$0xB0] =	vst v35;
	v36 =	vld.idx.msk [tilespmem:v36+s15+$0x0], $0xffff  }
0x23a: {  	v34 =	vand.u32 $0x40, v34;
	v37 =	vld.idx.msk [tilespmem:v46+s15+$0x0], $0xffff;
	v46 =	vor.u32 s10, v27  }
0x23b: {  	v40 =	vld.idx.msk [tilespmem:v45+s15+$0x0], $0xffff;
	v18 =	vor.u32 v1, v34  }
0x23c: {  	s1 =	simm.s32 $0x4;
	[tilespmem:s23+$0x130] =	vst v33;
	v43 =	vld.idx.msk [tilespmem:v47+s15+$0x0], $0xffff;
	v45 =	vor.u32 s24, v18  }
0x23d: {  	v29 =	vor.u32 s1, v27;
	[tilespmem:s23+$0x30] =	vst v38;
	v38 =	vld.idx.msk [tilespmem:v44+s15+$0x0], $0xffff  }
0x23e: {  	v41 =	vld.idx.msk [tilespmem:v41+s15+$0x0], $0xffff;
	v39 =	vor.u32 s14, v18  }
0x23f: {  	v42 =	vor.u32 s19, v18;
	[tilespmem:s23+$0xFFFFE1C0] =	vst v36;
	v44 =	vld.idx.msk [tilespmem:v46+s15+$0x0], $0xffff  }
0x240: {  	s8 =	simm.s32 $0x8;
	v34 =	vor.u32 s12, v18;
	v1 =	vld [tilespmem:$0x1FF90]  }
0x241: {  	v36 =	vor.u32 s8, v27;
	v35 =	vld.idx.msk [tilespmem:v45+s15+$0x0], $0xffff  }
0x242: {  	s6 =	simm.s32 $0x9;
	v29 =	vld.idx.msk [tilespmem:v29+s15+$0x0], $0xffff;
	[tilespmem:s23+$0xFFFFE0C0] =	vst v37  }
0x243: {  	v21 =	vshll.u32 v21, $0x6;
	v37 =	vor.u32 s6, v27;
	[tilespmem:s23+$0xFFFFE140] =	vst v38;
	v38 =	vld.idx.msk [tilespmem:v39+s15+$0x0], $0xffff  }
0x244: {  	s9 =	simm.s32 $0x1C800;
	v21 =	vand.u32 $0x40, v21;
	[tilespmem:s23+$0xFFFFE040] =	vst v41;
	v41 =	vor.u32 s10, v28;
	v42 =	vld.idx.msk [tilespmem:v42+s15+$0x0], $0xffff  }
0x245: {  	v45 =	vor.u32 s5, v28;
	v46 =	vld.idx.msk [tilespmem:v34+s15+$0x0], $0xffff;
	[tilespmem:s9+$0xFFFFE180] =	vst v44;
	v21 =	vor.u32 v1, v21  }
0x246: {  	v33 =	vld.idx.msk [tilespmem:v36+s15+$0x0], $0xffff;
	[tilespmem:s23+$0x1C0] =	vst v35;
	v39 =	vor.u32 s24, v21  }
0x247: {  	v1 =	vld [tilespmem:$0x1FFA0]  }
0x248: {  	v36 =	vor.u32 s0, v28;
	v34 =	vld.idx.msk [tilespmem:v37+s15+$0x0], $0xffff  }
0x249: {  	v35 =	vor.u32 s1, v28;
	[tilespmem:s9+$0xFFFFE080] =	vst v40;
	v40 =	vld.idx.msk [tilespmem:v41+s15+$0x0], $0xffff  }
0x24a: {  	v23 =	vshll.u32 v23, $0x6;
	v37 =	vor.u32 s14, v21;
	v44 =	vld.idx.msk [tilespmem:v45+s15+$0x0], $0xffff  }
0x24b: {  	v23 =	vand.u32 $0x40, v23;
	[tilespmem:s9+$0xFFFFE100] =	vst v43;
	v45 =	vor.u32 s10, v25;
	v39 =	vld.idx.msk [tilespmem:v39+s15+$0x0], $0xffff  }
0x24c: {  	[tilespmem:s9+$0xFFFFE000] =	vst v29;
	v23 =	vor.u32 v1, v23  }
0x24d: {  	[tilespmem:s23+$0xC0] =	vst v38;
	v29 =	vld.idx.msk [tilespmem:v36+s15+$0x0], $0xffff;
	v47 =	vor.u32 s24, v23  }
0x24e: {  	v41 =	vor.u32 s19, v21;
	[tilespmem:s23+$0x140] =	vst v42;
	v35 =	vld.idx.msk [tilespmem:v35+s15+$0x0], $0xffff  }
0x24f: {  	v38 =	vor.u32 s5, v25;
	v37 =	vld.idx.msk [tilespmem:v37+s15+$0x0], $0xffff;
	[tilespmem:s9+$0x180] =	vst v40  }
0x250: {  	v42 =	vor.u32 s0, v25;
	v36 =	vld.idx.msk [tilespmem:v45+s15+$0x0], $0xffff;
	[tilespmem:s23+$0xFFFFE1D0] =	vst v39  }
0x251: {  	v40 =	vor.u32 s12, v21;
	v1 =	vld [tilespmem:$0x1FFB0];
	[tilespmem:s9+$0x80] =	vst v44  }
0x252: {  	v39 =	vor.u32 s1, v25;
	v43 =	vld.idx.msk [tilespmem:v47+s15+$0x0], $0xffff;
	[tilespmem:s9+$0x100] =	vst v29  }
0x253: {  	v41 =	vld.idx.msk [tilespmem:v41+s15+$0x0], $0xffff;
	[tilespmem:s9+$0x0] =	vst v35  }
0x254: {  	v26 =	vshll.u32 v26, $0x6;
	v44 =	vor.u32 s14, v23;
	[tilespmem:s23+$0x40] =	vst v46;
	v38 =	vld.idx.msk [tilespmem:v38+s15+$0x0], $0xffff  }
0x255: {  	v26 =	vand.u32 $0x40, v26;
	[tilespmem:s23+$0xFFFFE0D0] =	vst v37;
	v35 =	vld.idx.msk [tilespmem:v42+s15+$0x0], $0xffff;
	v42 =	vor.u32 s10, v24  }
0x256: {  	v45 =	vor.u32 s5, v24;
	[tilespmem:s9+$0xFFFFE190] =	vst v36;
	v40 =	vld.idx.msk [tilespmem:v40+s15+$0x0], $0xffff;
	v26 =	vor.u32 v1, v26  }
0x257: {  	v39 =	vld.idx.msk [tilespmem:v39+s15+$0x0], $0xffff;
	[tilespmem:s23+$0x1D0] =	vst v43;
	v29 =	vor.u32 s24, v26  }
0x258: {  	v37 =	vor.u32 s0, v24;
	v1 =	vld [tilespmem:$0x1FFC0]  }
0x259: {  	v36 =	vor.u32 s19, v23;
	v44 =	vld.idx.msk [tilespmem:v44+s15+$0x0], $0xffff  }
0x25a: {  	v43 =	vor.u32 s1, v24;
	[tilespmem:s9+$0xFFFFE090] =	vst v38;
	v38 =	vld.idx.msk [tilespmem:v42+s15+$0x0], $0xffff  }
0x25b: {  	v30 =	vshll.u32 v30, $0x6;
	v42 =	vor.u32 s12, v23;
	v45 =	vld.idx.msk [tilespmem:v45+s15+$0x0], $0xffff  }
0x25c: {  	v30 =	vand.u32 $0x40, v30;
	v47 =	vor.u32 s10, v22;
	[tilespmem:s9+$0xFFFFE110] =	vst v35;
	v29 =	vld.idx.msk [tilespmem:v29+s15+$0x0], $0xffff  }
0x25d: {  	[tilespmem:s23+$0xFFFFE150] =	vst v41;
	v37 =	vld.idx.msk [tilespmem:v37+s15+$0x0], $0xffff;
	v30 =	vor.u32 v1, v30  }
0x25e: {  	v36 =	vld.idx.msk [tilespmem:v36+s15+$0x0], $0xffff;
	[tilespmem:s9+$0xFFFFE010] =	vst v39;
	v46 =	vor.u32 s24, v30  }
0x25f: {  	v41 =	vor.u32 s5, v22;
	[tilespmem:s23+$0xFFFFE050] =	vst v40;
	v43 =	vld.idx.msk [tilespmem:v43+s15+$0x0], $0xffff  }
0x260: {  	v40 =	vor.u32 s0, v22;
	v42 =	vld.idx.msk [tilespmem:v42+s15+$0x0], $0xffff;
	[tilespmem:s9+$0x190] =	vst v38  }
0x261: {  	v38 =	vor.u32 s14, v26;
	v39 =	vld.idx.msk [tilespmem:v47+s15+$0x0], $0xffff;
	[tilespmem:s23+$0xFFFFE1E0] =	vst v29  }
0x262: {  	v29 =	vor.u32 s1, v22;
	v1 =	vld [tilespmem:$0x1FFD0];
	[tilespmem:s9+$0x90] =	vst v45  }
0x263: {  	v35 =	vld.idx.msk [tilespmem:v46+s15+$0x0], $0xffff;
	v45 =	vor.u32 s19, v26;
	[tilespmem:s9+$0x110] =	vst v37  }
0x264: {  	[tilespmem:s9+$0x10] =	vst v43;
	v41 =	vld.idx.msk [tilespmem:v41+s15+$0x0], $0xffff  }
0x265: {  	v43 =	vor.u32 s10, v20;
	[tilespmem:s23+$0xD0] =	vst v44;
	v40 =	vld.idx.msk [tilespmem:v40+s15+$0x0], $0xffff  }
0x266: {  	v31 =	vshll.u32 v31, $0x6;
	v44 =	vor.u32 s5, v20;
	[tilespmem:s23+$0x150] =	vst v36;
	v38 =	vld.idx.msk [tilespmem:v38+s15+$0x0], $0xffff  }
0x267: {  	v31 =	vand.u32 $0x40, v31;
	v36 =	vor.u32 s0, v20;
	[tilespmem:s9+$0xFFFFE1A0] =	vst v39;
	v29 =	vld.idx.msk [tilespmem:v29+s15+$0x0], $0xffff  }
0x268: {  	v31 =	vor.u32 v1, v31;
	[tilespmem:s23+$0x1E0] =	vst v35;
	v45 =	vld.idx.msk [tilespmem:v45+s15+$0x0], $0xffff  }
0x269: {  	v37 =	vor.u32 s24, v31;
	v1 =	vld [tilespmem:$0x1FFF0]  }
0x26a: {  	v39 =	vor.u32 s12, v26;
	[tilespmem:s9+$0xFFFFE0A0] =	vst v41;
	v41 =	vld.idx.msk [tilespmem:v43+s15+$0x0], $0xffff  }
0x26b: {  	v35 =	vor.u32 s1, v20;
	[tilespmem:s9+$0xFFFFE120] =	vst v40;
	v44 =	vld.idx.msk [tilespmem:v44+s15+$0x0], $0xffff  }
0x26c: {  	v32 =	vshll.u32 v32, $0x6;
	v43 =	vor.u32 s14, v30;
	[tilespmem:s9+$0xFFFFE020] =	vst v29;
	v29 =	vld.idx.msk [tilespmem:v36+s15+$0x0], $0xffff  }
0x26d: {  	v32 =	vand.u32 $0x40, v32;
	[tilespmem:s23+$0xFFFFE0E0] =	vst v38;
	v38 =	vor.u32 s0, v19  }
0x26e: {  	v47 =	vor.u32 s10, v19;
	[tilespmem:s23+$0x50] =	vst v42;
	v37 =	vld.idx.msk [tilespmem:v37+s15+$0x0], $0xffff;
	v32 =	vor.u32 v1, v32  }
0x26f: {  	v39 =	vld.idx.msk [tilespmem:v39+s15+$0x0], $0xffff;
	[tilespmem:s23+$0xFFFFE160] =	vst v45;
	v46 =	vor.u32 s24, v32  }
0x270: {  	v42 =	vor.u32 s5, v19;
	v35 =	vld.idx.msk [tilespmem:v35+s15+$0x0], $0xffff;
	[tilespmem:s9+$0xA0] =	vst v44  }
0x271: {  	v43 =	vld.idx.msk [tilespmem:v43+s15+$0x0], $0xffff;
	v44 =	vor.u32 s12, v30;
	[tilespmem:s9+$0x120] =	vst v29  }
0x272: {  	[tilespmem:s9+$0x1A0] =	vst v41;
	v41 =	vor.u32 s19, v30;
	v38 =	vld.idx.msk [tilespmem:v38+s15+$0x0], $0xffff  }
0x273: {  	s24 =	simm.s32 $0xA;
	v36 =	vld.idx.msk [tilespmem:v47+s15+$0x0], $0xffff;
	[tilespmem:s23+$0xFFFFE1F0] =	vst v37;
	v37 =	vor.u32 s1, v19  }
0x274: {  	[tilespmem:s23+$0xFFFFE060] =	vst v39;
	v29 =	vor.u32 s24, v27;
	v40 =	vld.idx.msk [tilespmem:v46+s15+$0x0], $0xffff  }
0x275: {  	v42 =	vld.idx.msk [tilespmem:v42+s15+$0x0], $0xffff;
	[tilespmem:s9+$0x20] =	vst v35;
	v46 =	vor.u32 s10, v17  }
0x276: {  	v45 =	vor.u32 s5, v17;
	[tilespmem:s23+$0xE0] =	vst v43;
	v44 =	vld.idx.msk [tilespmem:v44+s15+$0x0], $0xffff  }
0x277: {  	v41 =	vld.idx.msk [tilespmem:v41+s15+$0x0], $0xffff;
	[tilespmem:s9+$0xFFFFE130] =	vst v38;
	v38 =	vor.u32 s12, v31  }
0x278: {  	v39 =	vor.u32 s0, v17;
	[tilespmem:s9+$0xFFFFE1B0] =	vst v36;
	v37 =	vld.idx.msk [tilespmem:v37+s15+$0x0], $0xffff  }
0x279: {  	v35 =	vld.idx.msk [tilespmem:v29+s15+$0x0], $0xffff;
	[tilespmem:s23+$0x1F0] =	vst v40;
	v40 =	vor.u32 s1, v17  }
0x27a: {  	[tilespmem:s9+$0xFFFFE0B0] =	vst v42;
	v29 =	vor.u32 s14, v31;
	v36 =	vld.idx.msk [tilespmem:v46+s15+$0x0], $0xffff  }
0x27b: {  	v42 =	vor.u32 s19, v31;
	v45 =	vld.idx.msk [tilespmem:v45+s15+$0x0], $0xffff;
	[tilespmem:s23+$0x60] =	vst v44  }
0x27c: {  	v43 =	vor.u32 s5, v16;
	[tilespmem:s23+$0x160] =	vst v41;
	v41 =	vld.idx.msk [tilespmem:v38+s15+$0x0], $0xffff  }
0x27d: {  	v46 =	vor.u32 s10, v16;
	[tilespmem:s9+$0xFFFFE030] =	vst v37;
	v37 =	vld.idx.msk [tilespmem:v39+s15+$0x0], $0xffff  }
0x27e: {  	v1 =	vor.u32 s0, v16;
	v47 =	vld.idx.msk [tilespmem:v40+s15+$0x0], $0xffff  }
0x27f: {  	v39 =	vld.idx.msk [tilespmem:v29+s15+$0x0], $0xffff;
	[tilespmem:s9+$0x1B0] =	vst v36;
	v36 =	vor.u32 s1, v16  }
0x280: {  	v44 =	vor.u32 s14, v32;
	[tilespmem:s9+$0xB0] =	vst v45;
	v40 =	vld.idx.msk [tilespmem:v42+s15+$0x0], $0xffff  }
0x281: {  	v43 =	vld.idx.msk [tilespmem:v43+s15+$0x0], $0xffff;
	v29 =	vor.u32 s19, v32  }
0x282: {  	v45 =	vor.u32 s12, v32;
	v42 =	vld.idx.msk [tilespmem:v46+s15+$0x0], $0xffff;
	[tilespmem:s9+$0x130] =	vst v37  }
0x283: {  	s14 =	simm.s32 $0xC;
	s12 =	simm.s32 $0xB;
	v38 =	vor.u32 s10, v18;
	[tilespmem:s9+$0x30] =	vst v47;
	v37 =	vld.idx.msk [tilespmem:v1+s15+$0x0], $0xffff  }
.LBB2_5:
0x284: {  	p0 =	slt.u32 s14, $0x3C;
	v1 =	vor.u32 s12, v27;
	v36 =	vld.idx.msk [tilespmem:v36+s15+$0x0], $0xffff;
	[tilespmem:s23+$0xFFFFE0F0] =	vst v39  }
0x285: {  	v39 =	vor.u32 s5, v18;
	v44 =	vld.idx.msk [tilespmem:v44+s15+$0x0], $0xffff;
	[tilespmem:s23+$0xFFFFE170] =	vst v40  }
0x286: {  	v40 =	vor.u32 s0, v18;
	[tilespmem:s23+$0xFFFFE070] =	vst v41;
	v29 =	vld.idx.msk [tilespmem:v29+s15+$0x0], $0xffff  }
0x287: {  	v41 =	vor.u32 s1, v18;
	[tilespmem:s9+$0xFFFFE1C0] =	vst v42;
	v42 =	vld.idx.msk [tilespmem:v45+s15+$0x0], $0xffff  }
0x288: {  	s19 =	sadd.s32 $0x1, s14;
	v45 =	vor.u32 s14, v27;
	[tilespmem:s9+$0xFFFFE0C0] =	vst v43;
	v38 =	vld.idx.msk [tilespmem:v38+s15+$0x0], $0xffff  }
0x289: {  	v43 =	vor.u32 s19, v27;
	v1 =	vld.idx.msk [tilespmem:v1+s15+$0x0], $0xffff;
	[tilespmem:s9+$0xFFFFE140] =	vst v37  }
0x28a: {  	v37 =	vor.u32 s10, v21;
	[tilespmem:s9+$0xFFFFE040] =	vst v36;
	v36 =	vld.idx.msk [tilespmem:v39+s15+$0x0], $0xffff  }
0x28b: {  	v39 =	vor.u32 s12, v28;
	v40 =	vld.idx.msk [tilespmem:v40+s15+$0x0], $0xffff;
	[tilespmem:s23+$0xF0] =	vst v44  }
0x28c: {  	v44 =	vor.u32 s6, v28;
	v41 =	vld.idx.msk [tilespmem:v41+s15+$0x0], $0xffff;
	[tilespmem:s23+$0x170] =	vst v29  }
0x28d: {  	v29 =	vld.idx.msk [tilespmem:v45+s15+$0x0], $0xffff;
	v45 =	vor.u32 s24, v28;
	[tilespmem:s23+$0x70] =	vst v42;
	s23 =	smov.u32 s9  }
0x28e: {  	s9 =	sadd.s32 $0x200, s9;
	v42 =	vld.idx.msk [tilespmem:v43+s15+$0x0], $0xffff;
	v43 =	vor.u32 s8, v28;
	[tilespmem:s23+$0x1C0] =	vst v38  }
0x28f: {  	[tilespmem:s9+$0xFFFFE180] =	vst v1;
	v1 =	vor.u32 s5, v21;
	v37 =	vld.idx.msk [tilespmem:v37+s15+$0x0], $0xffff  }
0x290: {  	[tilespmem:s9+$0xFFFFE080] =	vst v34;
	v38 =	vld.idx.msk [tilespmem:v39+s15+$0x0], $0xffff;
	v39 =	vor.u32 s0, v21  }
0x291: {  	v44 =	vld.idx.msk [tilespmem:v44+s15+$0x0], $0xffff;
	[tilespmem:s9+$0xFFFFE100] =	vst v35;
	v35 =	vor.u32 s10, v23  }
0x292: {  	v46 =	vor.u32 s12, v25;
	[tilespmem:s9+$0xFFFFE000] =	vst v33;
	v45 =	vld.idx.msk [tilespmem:v45+s15+$0x0], $0xffff  }
0x293: {  	v47 =	vor.u32 s6, v25;
	v33 =	vmov v29;
	v43 =	vld.idx.msk [tilespmem:v43+s15+$0x0], $0xffff;
	[tilespmem:s23+$0xC0] =	vst v36  }
0x294: {  	v29 =	vor.u32 s24, v25;
	v34 =	vmov v42;
	v1 =	vld.idx.msk [tilespmem:v1+s15+$0x0], $0xffff;
	[tilespmem:s23+$0x140] =	vst v40  }
0x295: {  	v36 =	vor.u32 s8, v25;
	v39 =	vld.idx.msk [tilespmem:v39+s15+$0x0], $0xffff;
	[tilespmem:s23+$0xFFFFE1D0] =	vst v37  }
0x296: {  	v37 =	vor.u32 s1, v21;
	[tilespmem:s9+$0x180] =	vst v38;
	v35 =	vld.idx.msk [tilespmem:v35+s15+$0x0], $0xffff  }
0x297: {  	v40 =	vor.u32 s5, v23;
	[tilespmem:s9+$0x80] =	vst v44;
	v38 =	vld.idx.msk [tilespmem:v46+s15+$0x0], $0xffff  }
0x298: {  	v44 =	vor.u32 s10, v26;
	v42 =	vld.idx.msk [tilespmem:v47+s15+$0x0], $0xffff;
	[tilespmem:s9+$0x100] =	vst v45  }
0x299: {  	[tilespmem:s9+$0x0] =	vst v43;
	v29 =	vld.idx.msk [tilespmem:v29+s15+$0x0], $0xffff;
	v43 =	vor.u32 s12, v24  }
0x29a: {  	v45 =	vor.u32 s6, v24;
	v36 =	vld.idx.msk [tilespmem:v36+s15+$0x0], $0xffff;
	[tilespmem:s23+$0x40] =	vst v41  }
0x29b: {  	v41 =	vor.u32 s24, v24;
	v37 =	vld.idx.msk [tilespmem:v37+s15+$0x0], $0xffff;
	[tilespmem:s23+$0xFFFFE0D0] =	vst v1  }
0x29c: {  	v1 =	vor.u32 s8, v24;
	v40 =	vld.idx.msk [tilespmem:v40+s15+$0x0], $0xffff;
	[tilespmem:s23+$0x1D0] =	vst v35  }
0x29d: {  	v35 =	vor.u32 s0, v23;
	[tilespmem:s9+$0xFFFFE190] =	vst v38;
	v38 =	vld.idx.msk [tilespmem:v44+s15+$0x0], $0xffff  }
0x29e: {  	[tilespmem:s9+$0xFFFFE090] =	vst v42;
	v42 =	vld.idx.msk [tilespmem:v43+s15+$0x0], $0xffff;
	v43 =	vor.u32 s1, v23  }
0x29f: {  	v44 =	vld.idx.msk [tilespmem:v45+s15+$0x0], $0xffff;
	[tilespmem:s9+$0xFFFFE110] =	vst v29;
	v29 =	vor.u32 s10, v30  }
0x2a0: {  	[tilespmem:s9+$0xFFFFE010] =	vst v36;
	v36 =	vld.idx.msk [tilespmem:v41+s15+$0x0], $0xffff;
	v41 =	vor.u32 s12, v22  }
0x2a1: {  	v45 =	vor.u32 s6, v22;
	v1 =	vld.idx.msk [tilespmem:v1+s15+$0x0], $0xffff;
	[tilespmem:s23+$0xFFFFE150] =	vst v39  }
0x2a2: {  	v39 =	vor.u32 s24, v22;
	[tilespmem:s23+$0xFFFFE050] =	vst v37;
	v35 =	vld.idx.msk [tilespmem:v35+s15+$0x0], $0xffff  }
0x2a3: {  	v37 =	vor.u32 s8, v22;
	v43 =	vld.idx.msk [tilespmem:v43+s15+$0x0], $0xffff;
	[tilespmem:s23+$0xFFFFE1E0] =	vst v38  }
0x2a4: {  	v38 =	vor.u32 s5, v26;
	[tilespmem:s9+$0x190] =	vst v42;
	v29 =	vld.idx.msk [tilespmem:v29+s15+$0x0], $0xffff  }
0x2a5: {  	v42 =	vor.u32 s0, v26;
	[tilespmem:s9+$0x90] =	vst v44;
	v41 =	vld.idx.msk [tilespmem:v41+s15+$0x0], $0xffff  }
0x2a6: {  	v44 =	vld.idx.msk [tilespmem:v45+s15+$0x0], $0xffff;
	[tilespmem:s9+$0x110] =	vst v36;
	v36 =	vor.u32 s10, v31  }
0x2a7: {  	[tilespmem:s9+$0x10] =	vst v1;
	v1 =	vld.idx.msk [tilespmem:v39+s15+$0x0], $0xffff;
	v39 =	vor.u32 s12, v20  }
0x2a8: {  	v45 =	vor.u32 s6, v20;
	v37 =	vld.idx.msk [tilespmem:v37+s15+$0x0], $0xffff;
	[tilespmem:s23+$0xD0] =	vst v40  }
0x2a9: {  	v40 =	vor.u32 s24, v20;
	v38 =	vld.idx.msk [tilespmem:v38+s15+$0x0], $0xffff;
	[tilespmem:s23+$0x150] =	vst v35  }
0x2aa: {  	v35 =	vor.u32 s8, v20;
	v42 =	vld.idx.msk [tilespmem:v42+s15+$0x0], $0xffff;
	[tilespmem:s23+$0x1E0] =	vst v29  }
0x2ab: {  	v29 =	vor.u32 s1, v26;
	[tilespmem:s9+$0xFFFFE1A0] =	vst v41;
	v36 =	vld.idx.msk [tilespmem:v36+s15+$0x0], $0xffff  }
0x2ac: {  	v41 =	vor.u32 s5, v30;
	[tilespmem:s9+$0xFFFFE0A0] =	vst v44;
	v39 =	vld.idx.msk [tilespmem:v39+s15+$0x0], $0xffff  }
0x2ad: {  	v44 =	vld.idx.msk [tilespmem:v45+s15+$0x0], $0xffff;
	[tilespmem:s9+$0xFFFFE120] =	vst v1;
	v1 =	vor.u32 s10, v32;
	s10 =	smov.u32 s12  }
0x2ae: {  	[tilespmem:s9+$0xFFFFE020] =	vst v37;
	v37 =	vld.idx.msk [tilespmem:v40+s15+$0x0], $0xffff;
	v40 =	vor.u32 s10, v19  }
0x2af: {  	v45 =	vor.u32 s6, v19;
	v35 =	vld.idx.msk [tilespmem:v35+s15+$0x0], $0xffff;
	[tilespmem:s23+$0x50] =	vst v43  }
0x2b0: {  	v43 =	vor.u32 s24, v19;
	v29 =	vld.idx.msk [tilespmem:v29+s15+$0x0], $0xffff;
	[tilespmem:s23+$0xFFFFE0E0] =	vst v38  }
0x2b1: {  	v38 =	vor.u32 s8, v19;
	v41 =	vld.idx.msk [tilespmem:v41+s15+$0x0], $0xffff;
	[tilespmem:s23+$0xFFFFE1F0] =	vst v36  }
0x2b2: {  	v36 =	vor.u32 s0, v30;
	[tilespmem:s9+$0x1A0] =	vst v39;
	v1 =	vld.idx.msk [tilespmem:v1+s15+$0x0], $0xffff  }
0x2b3: {  	s12 =	sadd.s32 $0x2, s14;
	[tilespmem:s9+$0xA0] =	vst v44;
	v39 =	vld.idx.msk [tilespmem:v40+s15+$0x0], $0xffff;
	v40 =	vor.u32 s1, v30  }
0x2b4: {  	v44 =	vor.u32 s12, v27;
	v45 =	vld.idx.msk [tilespmem:v45+s15+$0x0], $0xffff;
	[tilespmem:s9+$0x120] =	vst v37  }
0x2b5: {  	[tilespmem:s9+$0x20] =	vst v35;
	v37 =	vld.idx.msk [tilespmem:v43+s15+$0x0], $0xffff;
	v43 =	vor.u32 s10, v17  }
0x2b6: {  	v46 =	vor.u32 s6, v17;
	v38 =	vld.idx.msk [tilespmem:v38+s15+$0x0], $0xffff;
	[tilespmem:s23+$0xFFFFE160] =	vst v42  }
0x2b7: {  	v42 =	vor.u32 s24, v17;
	[tilespmem:s23+$0xFFFFE060] =	vst v29;
	v29 =	vld.idx.msk [tilespmem:v36+s15+$0x0], $0xffff  }
0x2b8: {  	v36 =	vor.u32 s8, v17;
	v40 =	vld.idx.msk [tilespmem:v40+s15+$0x0], $0xffff;
	[tilespmem:s23+$0x1F0] =	vst v1  }
0x2b9: {  	v1 =	vor.u32 s5, v31;
	v35 =	vld.idx.msk [tilespmem:v44+s15+$0x0], $0xffff;
	[tilespmem:s9+$0xFFFFE1B0] =	vst v39  }
0x2ba: {  	v44 =	vor.u32 s0, v31;
	[tilespmem:s9+$0xFFFFE0B0] =	vst v45;
	v43 =	vld.idx.msk [tilespmem:v43+s15+$0x0], $0xffff  }
0x2bb: {  	v45 =	vld.idx.msk [tilespmem:v46+s15+$0x0], $0xffff;
	[tilespmem:s9+$0xFFFFE130] =	vst v37;
	v37 =	vor.u32 s1, v31  }
0x2bc: {  	[tilespmem:s9+$0xFFFFE030] =	vst v38;
	v38 =	vld.idx.msk [tilespmem:v42+s15+$0x0], $0xffff;
	v42 =	vor.u32 s10, v16  }
0x2bd: {  	v47 =	vor.u32 s6, v16;
	v46 =	vld.idx.msk [tilespmem:v36+s15+$0x0], $0xffff;
	[tilespmem:s23+$0xE0] =	vst v41  }
0x2be: {  	v2 =	vor.u32 s24, v16;
	v39 =	vld.idx.msk [tilespmem:v1+s15+$0x0], $0xffff;
	[tilespmem:s23+$0x160] =	vst v29  }
.Ltmp1:
0x2bf: {  	v36 =	vor.u32 s8, v16;
	[tilespmem:s23+$0x60] =	vst v40;
	v40 =	vld.idx.msk [tilespmem:v44+s15+$0x0], $0xffff;
	(pc) =	sbr.rel @p0 .LBB2_5-.Ltmp1, $4  }
0x2c0: {  	v44 =	vor.u32 s5, v32;
	s5 =	smov.u32 s6;
	s6 =	smov.u32 s19;
	[tilespmem:s9+$0x1B0] =	vst v43;
	v41 =	vld.idx.msk [tilespmem:v37+s15+$0x0], $0xffff  }
0x2c1: {  	v29 =	vor.u32 s0, v32;
	s0 =	smov.u32 s24;
	s24 =	smov.u32 s12;
	[tilespmem:s9+$0xB0] =	vst v45;
	v42 =	vld.idx.msk [tilespmem:v42+s15+$0x0], $0xffff  }
0x2c2: {  	v45 =	vor.u32 s1, v32;
	s1 =	smov.u32 s8;
	s8 =	smov.u32 s14;
	v43 =	vld.idx.msk [tilespmem:v47+s15+$0x0], $0xffff;
	[tilespmem:s9+$0x130] =	vst v38  }
0x2c3: {  	s14 =	sadd.s32 $0x4, s14;
	s12 =	sadd.s32 $0x3, s8;
	v38 =	vor.u32 s10, v18;
	[tilespmem:s9+$0x30] =	vst v46;
	v37 =	vld.idx.msk [tilespmem:v2+s15+$0x0], $0xffff  }
0x2c4: {  	_ =	sdelay $0x1  }
0x2c5: {  	v1 =	vor.u32 s12, v27  }
0x2c6: {  	[tilespmem:s23+$0xFFFFE0F0] =	vst v39  }
0x2c7: {  	[tilespmem:s23+$0xFFFFE170] =	vst v40;
	v2 =	vld.idx.msk [tilespmem:v44+s15+$0x0], $0xffff  }
0x2c8: {  	v27 =	vld.idx.msk [tilespmem:v29+s15+$0x0], $0xffff  }
0x2c9: {  	s14 =	sadd.s32 $0x200, s9;
	[tilespmem:s23+$0xFFFFE070] =	vst v41  }
0x2ca: {  	[tilespmem:s14+$0xFFFFE080] =	vst v34;
	v1 =	vld.idx.msk [tilespmem:v1+s15+$0x0], $0xffff  }
0x2cb: {  	v44 =	vor.u32 s12, v28;
	[tilespmem:s14+$0xFFFFE100] =	vst v35;
	v29 =	vld.idx.msk [tilespmem:v45+s15+$0x0], $0xffff  }
0x2cc: {  	[tilespmem:s23+$0xF0] =	vst v2;
	v2 =	vor.u32 s6, v28  }
0x2cd: {  	[tilespmem:s23+$0x170] =	vst v27;
	v27 =	vor.u32 s24, v28  }
0x2ce: {  	[tilespmem:s14+$0xFFFFE000] =	vst v33;
	v28 =	vor.u32 s8, v28  }
0x2cf: {  	[tilespmem:s14+$0xFFFFE180] =	vst v1;
	v1 =	vld.idx.msk [tilespmem:v36+s15+$0x0], $0xffff  }
0x2d0: {  	[tilespmem:s23+$0x70] =	vst v29;
	v29 =	vor.u32 s5, v18;
	v45 =	vld.idx.msk [tilespmem:v44+s15+$0x0], $0xffff  }
0x2d1: {  	v46 =	vor.u32 s12, v25;
	[tilespmem:s9+$0xFFFFE1C0] =	vst v42;
	v2 =	vld.idx.msk [tilespmem:v2+s15+$0x0], $0xffff  }
0x2d2: {  	v47 =	vor.u32 s6, v25;
	[tilespmem:s9+$0xFFFFE0C0] =	vst v43;
	v27 =	vld.idx.msk [tilespmem:v27+s15+$0x0], $0xffff  }
0x2d3: {  	v40 =	vor.u32 s24, v25;
	[tilespmem:s9+$0xFFFFE140] =	vst v37;
	v28 =	vld.idx.msk [tilespmem:v28+s15+$0x0], $0xffff  }
0x2d4: {  	v25 =	vor.u32 s8, v25;
	[tilespmem:s9+$0xFFFFE040] =	vst v1;
	v1 =	vld.idx.msk [tilespmem:v38+s15+$0x0], $0xffff  }
0x2d5: {  	v41 =	vor.u32 s0, v18;
	v29 =	vld.idx.msk [tilespmem:v29+s15+$0x0], $0xffff;
	[tilespmem:s14+$0x180] =	vst v45  }
0x2d6: {  	[tilespmem:s14+$0x80] =	vst v2;
	v2 =	vor.u32 s10, v21;
	v35 =	vld.idx.msk [tilespmem:v46+s15+$0x0], $0xffff  }
0x2d7: {  	[tilespmem:s14+$0x100] =	vst v27;
	v27 =	vor.u32 s12, v24;
	v33 =	vld.idx.msk [tilespmem:v47+s15+$0x0], $0xffff  }
0x2d8: {  	v42 =	vor.u32 s6, v24;
	[tilespmem:s14+$0x0] =	vst v28;
	v28 =	vld.idx.msk [tilespmem:v40+s15+$0x0], $0xffff  }
0x2d9: {  	[tilespmem:s9+$0x1C0] =	vst v1;
	v1 =	vld.idx.msk [tilespmem:v25+s15+$0x0], $0xffff;
	v25 =	vor.u32 s24, v24  }
0x2da: {  	[tilespmem:s9+$0xC0] =	vst v29;
	v29 =	vld.idx.msk [tilespmem:v41+s15+$0x0], $0xffff;
	v24 =	vor.u32 s8, v24  }
0x2db: {  	v43 =	vor.u32 s1, v18;
	v2 =	vld.idx.msk [tilespmem:v2+s15+$0x0], $0xffff;
	[tilespmem:s14+$0xFFFFE190] =	vst v35  }
0x2dc: {  	v44 =	vor.u32 s5, v21;
	[tilespmem:s14+$0xFFFFE090] =	vst v33;
	v27 =	vld.idx.msk [tilespmem:v27+s15+$0x0], $0xffff  }
0x2dd: {  	[tilespmem:s14+$0xFFFFE110] =	vst v28;
	v28 =	vor.u32 s12, v22;
	v45 =	vld.idx.msk [tilespmem:v42+s15+$0x0], $0xffff  }
0x2de: {  	[tilespmem:s14+$0xFFFFE010] =	vst v1;
	v1 =	vld.idx.msk [tilespmem:v25+s15+$0x0], $0xffff;
	v25 =	vor.u32 s6, v22  }
0x2df: {  	[tilespmem:s9+$0x140] =	vst v29;
	v29 =	vor.u32 s24, v22;
	v24 =	vld.idx.msk [tilespmem:v24+s15+$0x0], $0xffff  }
0x2e0: {  	v22 =	vor.u32 s8, v22;
	[tilespmem:s9+$0xFFFFE1D0] =	vst v2;
	v2 =	vld.idx.msk [tilespmem:v43+s15+$0x0], $0xffff  }
0x2e1: {  	v33 =	vld.idx.msk [tilespmem:v44+s15+$0x0], $0xffff;
	[tilespmem:s14+$0x190] =	vst v27;
	v27 =	vor.u32 s10, v23  }
0x2e2: {  	v46 =	vor.u32 s0, v21;
	[tilespmem:s14+$0x90] =	vst v45;
	v28 =	vld.idx.msk [tilespmem:v28+s15+$0x0], $0xffff  }
0x2e3: {  	v25 =	vld.idx.msk [tilespmem:v25+s15+$0x0], $0xffff;
	[tilespmem:s14+$0x110] =	vst v1;
	v1 =	vor.u32 s12, v20  }
0x2e4: {  	[tilespmem:s14+$0x10] =	vst v24;
	v24 =	vld.idx.msk [tilespmem:v29+s15+$0x0], $0xffff;
	v29 =	vor.u32 s6, v20  }
0x2e5: {  	[tilespmem:s9+$0x40] =	vst v2;
	v2 =	vld.idx.msk [tilespmem:v22+s15+$0x0], $0xffff;
	v22 =	vor.u32 s24, v20  }
0x2e6: {  	[tilespmem:s9+$0xFFFFE0D0] =	vst v33;
	v20 =	vor.u32 s8, v20;
	v27 =	vld.idx.msk [tilespmem:v27+s15+$0x0], $0xffff  }
0x2e7: {  	v47 =	vld.idx.msk [tilespmem:v46+s15+$0x0], $0xffff;
	[tilespmem:s14+$0xFFFFE1A0] =	vst v28;
	v28 =	vor.u32 s1, v21  }
0x2e8: {  	[tilespmem:s14+$0xFFFFE0A0] =	vst v25;
	v25 =	vor.u32 s10, v26;
	v1 =	vld.idx.msk [tilespmem:v1+s15+$0x0], $0xffff  }
0x2e9: {  	v29 =	vld.idx.msk [tilespmem:v29+s15+$0x0], $0xffff;
	[tilespmem:s14+$0xFFFFE120] =	vst v24;
	v24 =	vor.u32 s12, v19  }
0x2ea: {  	[tilespmem:s14+$0xFFFFE020] =	vst v2;
	v2 =	vld.idx.msk [tilespmem:v22+s15+$0x0], $0xffff;
	v22 =	vor.u32 s6, v19  }
0x2eb: {  	[tilespmem:s9+$0x1D0] =	vst v27;
	v20 =	vld.idx.msk [tilespmem:v20+s15+$0x0], $0xffff;
	v27 =	vor.u32 s24, v19  }
0x2ec: {  	[tilespmem:s9+$0xFFFFE150] =	vst v47;
	v19 =	vor.u32 s8, v19;
	v28 =	vld.idx.msk [tilespmem:v28+s15+$0x0], $0xffff  }
0x2ed: {  	[tilespmem:s14+$0x1A0] =	vst v1;
	v1 =	vor.u32 s5, v23;
	v25 =	vld.idx.msk [tilespmem:v25+s15+$0x0], $0xffff  }
0x2ee: {  	[tilespmem:s14+$0xA0] =	vst v29;
	v29 =	vor.u32 s0, v23;
	v24 =	vld.idx.msk [tilespmem:v24+s15+$0x0], $0xffff  }
0x2ef: {  	v22 =	vld.idx.msk [tilespmem:v22+s15+$0x0], $0xffff;
	[tilespmem:s14+$0x120] =	vst v2;
	v2 =	vor.u32 s12, v17  }
0x2f0: {  	[tilespmem:s14+$0x20] =	vst v20;
	v20 =	vld.idx.msk [tilespmem:v27+s15+$0x0], $0xffff;
	v27 =	vor.u32 s6, v17  }
0x2f1: {  	[tilespmem:s9+$0xFFFFE050] =	vst v28;
	v19 =	vld.idx.msk [tilespmem:v19+s15+$0x0], $0xffff;
	v28 =	vor.u32 s24, v17  }
0x2f2: {  	v17 =	vor.u32 s8, v17;
	[tilespmem:s9+$0xFFFFE1E0] =	vst v25;
	v1 =	vld.idx.msk [tilespmem:v1+s15+$0x0], $0xffff  }
0x2f3: {  	[tilespmem:s14+$0xFFFFE1B0] =	vst v24;
	v24 =	vor.u32 s10, v30;
	v25 =	vld.idx.msk [tilespmem:v29+s15+$0x0], $0xffff  }
0x2f4: {  	[tilespmem:s14+$0xFFFFE0B0] =	vst v22;
	v22 =	vor.u32 s1, v23;
	v2 =	vld.idx.msk [tilespmem:v2+s15+$0x0], $0xffff  }
0x2f5: {  	v27 =	vld.idx.msk [tilespmem:v27+s15+$0x0], $0xffff;
	[tilespmem:s14+$0xFFFFE130] =	vst v20;
	v20 =	vor.u32 s12, v16  }
0x2f6: {  	[tilespmem:s14+$0xFFFFE030] =	vst v19;
	v19 =	vld.idx.msk [tilespmem:v28+s15+$0x0], $0xffff;
	v28 =	vor.u32 s6, v16  }
0x2f7: {  	[tilespmem:s9+$0xD0] =	vst v1;
	v1 =	vld.idx.msk [tilespmem:v17+s15+$0x0], $0xffff;
	v17 =	vor.u32 s24, v16  }
0x2f8: {  	v16 =	vor.u32 s8, v16;
	[tilespmem:s9+$0x150] =	vst v25;
	v24 =	vld.idx.msk [tilespmem:v24+s15+$0x0], $0xffff  }
0x2f9: {  	v22 =	vld.idx.msk [tilespmem:v22+s15+$0x0], $0xffff;
	[tilespmem:s14+$0x1B0] =	vst v2;
	v2 =	vor.u32 s5, v26  }
0x2fa: {  	v25 =	vor.u32 s10, v31;
	[tilespmem:s14+$0xB0] =	vst v27;
	v20 =	vld.idx.msk [tilespmem:v20+s15+$0x0], $0xffff  }
0x2fb: {  	v27 =	vld.idx.msk [tilespmem:v28+s15+$0x0], $0xffff;
	[tilespmem:s14+$0x130] =	vst v19;
	v19 =	vor.u32 s12, v18  }
0x2fc: {  	[tilespmem:s14+$0x30] =	vst v1;
	v1 =	vld.idx.msk [tilespmem:v17+s15+$0x0], $0xffff;
	v17 =	vor.u32 s6, v18  }
0x2fd: {  	[tilespmem:s9+$0x1E0] =	vst v24;
	v16 =	vld.idx.msk [tilespmem:v16+s15+$0x0], $0xffff;
	v24 =	vor.u32 s24, v18  }
0x2fe: {  	v18 =	vor.u32 s8, v18;
	[tilespmem:s9+$0x50] =	vst v22;
	v2 =	vld.idx.msk [tilespmem:v2+s15+$0x0], $0xffff  }
0x2ff: {  	v22 =	vld.idx.msk [tilespmem:v25+s15+$0x0], $0xffff;
	[tilespmem:s14+$0xFFFFE1C0] =	vst v20;
	v20 =	vor.u32 s0, v26  }
0x300: {  	v25 =	vor.u32 s1, v26;
	[tilespmem:s14+$0xFFFFE0C0] =	vst v27;
	v19 =	vld.idx.msk [tilespmem:v19+s15+$0x0], $0xffff  }
0x301: {  	[tilespmem:s14+$0xFFFFE140] =	vst v1;
	v1 =	vld.idx.msk [tilespmem:v17+s15+$0x0], $0xffff;
	v17 =	vor.u32 s12, v21  }
0x302: {  	[tilespmem:s14+$0xFFFFE040] =	vst v16;
	v16 =	vld.idx.msk [tilespmem:v24+s15+$0x0], $0xffff;
	v24 =	vor.u32 s6, v21  }
0x303: {  	[tilespmem:s9+$0xFFFFE0E0] =	vst v2;
	v2 =	vld.idx.msk [tilespmem:v18+s15+$0x0], $0xffff;
	v18 =	vor.u32 s24, v21  }
0x304: {  	[tilespmem:s9+$0xFFFFE1F0] =	vst v22;
	v21 =	vor.u32 s8, v21;
	v20 =	vld.idx.msk [tilespmem:v20+s15+$0x0], $0xffff  }
0x305: {  	v22 =	vor.u32 s10, v32;
	v25 =	vld.idx.msk [tilespmem:v25+s15+$0x0], $0xffff;
	[tilespmem:s14+$0x1C0] =	vst v19  }
0x306: {  	v19 =	vor.u32 s5, v30;
	v17 =	vld.idx.msk [tilespmem:v17+s15+$0x0], $0xffff;
	[tilespmem:s14+$0xC0] =	vst v1  }
0x307: {  	v1 =	vor.u32 s12, v23;
	v24 =	vld.idx.msk [tilespmem:v24+s15+$0x0], $0xffff;
	[tilespmem:s14+$0x140] =	vst v16  }
0x308: {  	v16 =	vld.idx.msk [tilespmem:v18+s15+$0x0], $0xffff;
	v18 =	vor.u32 s6, v23;
	[tilespmem:s14+$0x40] =	vst v2  }
0x309: {  	[tilespmem:s9+$0xFFFFE160] =	vst v20;
	v2 =	vld.idx.msk [tilespmem:v21+s15+$0x0], $0xffff;
	v20 =	vor.u32 s24, v23  }
0x30a: {  	[tilespmem:s9+$0xFFFFE060] =	vst v25;
	v21 =	vld.idx.msk [tilespmem:v22+s15+$0x0], $0xffff;
	v22 =	vor.u32 s8, v23  }
0x30b: {  	v23 =	vor.u32 s0, v30;
	v19 =	vld.idx.msk [tilespmem:v19+s15+$0x0], $0xffff;
	[tilespmem:s14+$0xFFFFE1D0] =	vst v17  }
0x30c: {  	v17 =	vor.u32 s1, v30;
	v1 =	vld.idx.msk [tilespmem:v1+s15+$0x0], $0xffff;
	[tilespmem:s14+$0xFFFFE0D0] =	vst v24  }
0x30d: {  	v24 =	vor.u32 s12, v26;
	v18 =	vld.idx.msk [tilespmem:v18+s15+$0x0], $0xffff;
	[tilespmem:s14+$0xFFFFE150] =	vst v16  }
0x30e: {  	v16 =	vor.u32 s6, v26;
	[tilespmem:s14+$0xFFFFE050] =	vst v2;
	v2 =	vld.idx.msk [tilespmem:v20+s15+$0x0], $0xffff  }
0x30f: {  	[tilespmem:s9+$0x1F0] =	vst v21;
	v21 =	vor.u32 s24, v26;
	v20 =	vld.idx.msk [tilespmem:v22+s15+$0x0], $0xffff  }
0x310: {  	v22 =	vld.idx.msk [tilespmem:v23+s15+$0x0], $0xffff;
	[tilespmem:s9+$0xE0] =	vst v19;
	v19 =	vor.u32 s8, v26  }
0x311: {  	v23 =	vor.u32 s5, v31;
	v17 =	vld.idx.msk [tilespmem:v17+s15+$0x0], $0xffff;
	[tilespmem:s14+$0x1D0] =	vst v1  }
0x312: {  	v1 =	vor.u32 s0, v31;
	v24 =	vld.idx.msk [tilespmem:v24+s15+$0x0], $0xffff;
	[tilespmem:s14+$0xD0] =	vst v18  }
0x313: {  	v18 =	vor.u32 s12, v30;
	v16 =	vld.idx.msk [tilespmem:v16+s15+$0x0], $0xffff;
	[tilespmem:s14+$0x150] =	vst v2  }
0x314: {  	v2 =	vld.idx.msk [tilespmem:v21+s15+$0x0], $0xffff;
	v21 =	vor.u32 s6, v30;
	[tilespmem:s14+$0x50] =	vst v20  }
0x315: {  	[tilespmem:s9+$0x160] =	vst v22;
	v20 =	vor.u32 s24, v30;
	v19 =	vld.idx.msk [tilespmem:v19+s15+$0x0], $0xffff  }
0x316: {  	v22 =	vld.idx.msk [tilespmem:v23+s15+$0x0], $0xffff;
	[tilespmem:s9+$0x60] =	vst v17;
	v17 =	vor.u32 s8, v30  }
0x317: {  	v23 =	vor.u32 s1, v31;
	v1 =	vld.idx.msk [tilespmem:v1+s15+$0x0], $0xffff;
	[tilespmem:s14+$0xFFFFE1E0] =	vst v24  }
0x318: {  	v24 =	vor.u32 s5, v32;
	v18 =	vld.idx.msk [tilespmem:v18+s15+$0x0], $0xffff;
	[tilespmem:s14+$0xFFFFE0E0] =	vst v16  }
0x319: {  	v16 =	vor.u32 s12, v31;
	v21 =	vld.idx.msk [tilespmem:v21+s15+$0x0], $0xffff;
	[tilespmem:s14+$0xFFFFE160] =	vst v2  }
0x31a: {  	[tilespmem:s14+$0xFFFFE060] =	vst v19;
	v2 =	vld.idx.msk [tilespmem:v20+s15+$0x0], $0xffff;
	v19 =	vor.u32 s6, v31  }
0x31b: {  	[tilespmem:s9+$0xFFFFE0F0] =	vst v22;
	v20 =	vor.u32 s24, v31;
	v17 =	vld.idx.msk [tilespmem:v17+s15+$0x0], $0xffff  }
0x31c: {  	v22 =	vld.idx.msk [tilespmem:v23+s15+$0x0], $0xffff;
	[tilespmem:s9+$0xFFFFE170] =	vst v1;
	v1 =	vor.u32 s8, v31  }
0x31d: {  	v23 =	vor.u32 s0, v32;
	v24 =	vld.idx.msk [tilespmem:v24+s15+$0x0], $0xffff;
	[tilespmem:s14+$0x1E0] =	vst v18  }
0x31e: {  	v18 =	vor.u32 s1, v32;
	v16 =	vld.idx.msk [tilespmem:v16+s15+$0x0], $0xffff;
	[tilespmem:s14+$0xE0] =	vst v21  }
0x31f: {  	v21 =	vor.u32 s12, v32;
	v19 =	vld.idx.msk [tilespmem:v19+s15+$0x0], $0xffff;
	[tilespmem:s14+$0x160] =	vst v2  }
0x320: {  	s10 =	sor.u32 $0x1, s29;
	[tilespmem:s14+$0x60] =	vst v17;
	v2 =	vld.idx.msk [tilespmem:v20+s15+$0x0], $0xffff;
	v17 =	vor.u32 s6, v32  }
0x321: {  	[tilespmem:s9+$0xFFFFE070] =	vst v22;
	s12 =	smulhi.u32 $0x51EB851F, s10;
	v20 =	vor.u32 s24, v32;
	v1 =	vld.idx.msk [tilespmem:v1+s15+$0x0], $0xffff  }
0x322: {  	v22 =	vld.idx.msk [tilespmem:v23+s15+$0x0], $0xffff;
	v23 =	vor.u32 s8, v32;
	[tilespmem:s9+$0xF0] =	vst v24  }
0x323: {  	s1 =	sshrl.u32 s12, $0x3;
	v18 =	vld.idx.msk [tilespmem:v18+s15+$0x0], $0xffff;
	[tilespmem:s14+$0xFFFFE1F0] =	vst v16  }
0x324: {  	s19 =	smul.u32 $0x19, s1;
	v16 =	vld.idx.msk [tilespmem:v21+s15+$0x0], $0xffff;
	[tilespmem:s14+$0xFFFFE0F0] =	vst v19  }
0x325: {  	v17 =	vld.idx.msk [tilespmem:v17+s15+$0x0], $0xffff;
	[tilespmem:s14+$0xFFFFE170] =	vst v2  }
0x326: {  	s1 =	smul.u32 $0x1900, s1;
	s0 =	ssub.s32 s10, s19;
	[tilespmem:s14+$0xFFFFE070] =	vst v1;
	v1 =	vld.idx.msk [tilespmem:v20+s15+$0x0], $0xffff  }
0x327: {  	[tilespmem:s9+$0x170] =	vst v22;
	s0 =	sshll.u32 s0, $0x1;
	v2 =	vld.idx.msk [tilespmem:v23+s15+$0x0], $0xffff  }
0x328: {  	s0 =	sor.u32 s0, s1;
	[tilespmem:s9+$0x70] =	vst v18  }
0x329: {  	[tilespmem:s14+$0x1F0] =	vst v16;
	v16 =	vadd.s32 s0, v0  }
0x32a: {  	s23 =	sshll.u32 s31, $0x12;
	s24 =	sadd.s32 s30, s7;
	v18 =	vadd.s32 s0, v4;
	[tilespmem:s14+$0xF0] =	vst v17  }
0x32b: {  	s5 =	sshll.u32 s24, $0x7;
	s1 =	sadd.s32 s2, s23;
	v19 =	vadd.s32 s0, v5;
	[tilespmem:s14+$0x170] =	vst v1  }
0x32c: {  	s12 =	simm.s32 $0x0;
	s1 =	sadd.s32 s5, s1;
	v20 =	vadd.s32 s0, v6;
	v1 =	vld [tilespmem:$0x1FDE0];
	[tilespmem:s14+$0x70] =	vst v2  }
0x32d: {  	v21 =	vadd.s32 s0, v7;
	v2 =	vld [tilespmem:$0x1FDF0];
	[hbm4b:s1+s17] =	stream.strided.scatter [tilespmem:s21], [sflag:$0x4], $0x4000, s18, s17, $0x38  }
0x32e: {  	v22 =	vadd.s32 s0, v8;
	v16 =	vld.idx.msk [tilespmem:v16+s12+$0x0], $0xffff  }
0x32f: {  	v23 =	vadd.s32 s0, v9;
	v18 =	vld.idx.msk [tilespmem:v18+s12+$0x0], $0xffff  }
0x330: {  	v24 =	vadd.s32 s0, v10;
	v19 =	vld.idx.msk [tilespmem:v19+s12+$0x0], $0xffff  }
0x331: {  	v25 =	vadd.s32 s0, v11;
	v20 =	vld.idx.msk [tilespmem:v20+s12+$0x0], $0xffff  }
0x332: {  	v26 =	vadd.s32 s0, v12;
	v21 =	vld.idx.msk [tilespmem:v21+s12+$0x0], $0xffff  }
0x333: {  	v27 =	vadd.s32 s0, v13;
	v22 =	vld.idx.msk [tilespmem:v22+s12+$0x0], $0xffff  }
0x334: {  	v23 =	vld.idx.msk [tilespmem:v23+s12+$0x0], $0xffff;
	v1 =	vadd.s32 s0, v1  }
0x335: {  	v28 =	vadd.s32 s0, v14;
	v24 =	vld.idx.msk [tilespmem:v24+s12+$0x0], $0xffff  }
0x336: {  	v25 =	vld.idx.msk [tilespmem:v25+s12+$0x0], $0xffff;
	v2 =	vadd.s32 s0, v2  }
0x337: {  	v29 =	vadd.s32 s0, v15;
	v26 =	vld.idx.msk [tilespmem:v26+s12+$0x0], $0xffff  }
0x338: {  	v17 =	vadd.s32 s0, v3;
	v27 =	vld.idx.msk [tilespmem:v27+s12+$0x0], $0xffff  }
0x339: {  	v1 =	vld.idx.msk [tilespmem:v1+s12+$0x0], $0xffff  }
0x33a: {  	v28 =	vld.idx.msk [tilespmem:v28+s12+$0x0], $0xffff  }
0x33b: {  	v2 =	vld.idx.msk [tilespmem:v2+s12+$0x0], $0xffff  }
0x33c: {  	v29 =	vld.idx.msk [tilespmem:v29+s12+$0x0], $0xffff;
	v16 =	vshrl.u32 v16, $0x1  }
0x33d: {  	v17 =	vld.idx.msk [tilespmem:v17+s12+$0x0], $0xffff;
	[tilespmem:$0x6500] =	vst v16;
	v16 =	vshrl.u32 v22, $0x1  }
0x33e: {  	[tilespmem:$0x6580] =	vst v16;
	v1 =	vshrl.u32 v1, $0x1  }
0x33f: {  	[tilespmem:$0x6510] =	vst v1;
	v1 =	vshrl.u32 v23, $0x1  }
0x340: {  	[tilespmem:$0x6590] =	vst v1;
	v1 =	vshrl.u32 v2, $0x1  }
0x341: {  	[tilespmem:$0x6520] =	vst v1;
	v1 =	vshrl.u32 v24, $0x1  }
0x342: {  	[tilespmem:$0x65A0] =	vst v1;
	v1 =	vshrl.u32 v17, $0x1  }
0x343: {  	[tilespmem:$0x6530] =	vst v1;
	v1 =	vshrl.u32 v25, $0x1  }
0x344: {  	[tilespmem:$0x65B0] =	vst v1;
	v1 =	vshrl.u32 v18, $0x1  }
0x345: {  	[tilespmem:$0x6540] =	vst v1;
	v1 =	vshrl.u32 v26, $0x1  }
0x346: {  	[tilespmem:$0x65C0] =	vst v1;
	v1 =	vshrl.u32 v19, $0x1  }
0x347: {  	[tilespmem:$0x6550] =	vst v1;
	v1 =	vshrl.u32 v27, $0x1  }
0x348: {  	[tilespmem:$0x65D0] =	vst v1;
	v1 =	vshrl.u32 v20, $0x1  }
0x349: {  	[tilespmem:$0x6560] =	vst v1;
	v1 =	vshrl.u32 v28, $0x1  }
0x34a: {  	[tilespmem:$0x65E0] =	vst v1;
	v1 =	vshrl.u32 v21, $0x1  }
0x34b: {  	[tilespmem:$0x6570] =	vst v1;
	v1 =	vshrl.u32 v29, $0x1  }
0x34c: {  	s29 =	simm.s32 $0x6500;
	[tilespmem:$0x65F0] =	vst v1  }
0x34d: {  	[tilespmem:s15], [sflag:$0x2] =	stream.indirect.gather [hbm4b:s4+s11], $0x80, s29, s11, $0xb8;
	[tilespmem:$0x1E600] =	vst v63  }
0x34e: {  	_ =	swait.ge [sflag:s16], $0x8000  }
0x34f: {  	[sflag:s16] =	ssyncset.done $0x0  }
0x350: {  	[sflag:s16] =	ssyncadd.s32 $0xFFFF8000  }
0x351: {  	_ =	swait.ge [sflag:s22], $0x4000  }
0x352: {  	[sflag:s22] =	ssyncset.done $0x0  }
0x353: {  	[sflag:s22] =	ssyncadd.s32 $0xFFFFC000  }
0x354: {  	v1 =	vld.idx.msk [tilespmem:v49+s12+$0x0], $0xffff  }
0x355: {  	v22 =	vld [tilespmem:$0x1FFE0]  }
0x356: {  	v27 =	vld [tilespmem:$0x1FF00]  }
0x357: {  	v2 =	vld.idx.msk [tilespmem:v50+s12+$0x0], $0xffff  }
0x358: {  	v16 =	vld.idx.msk [tilespmem:v51+s12+$0x0], $0xffff  }
0x359: {  	v17 =	vld.idx.msk [tilespmem:v52+s12+$0x0], $0xffff;
	v1 =	vshll.u32 v1, $0x6  }
0x35a: {  	v19 =	vld.idx.msk [tilespmem:v62+s12+$0x0], $0xffff;
	v1 =	vand.u32 $0x40, v1  }
0x35b: {  	s30 =	simm.s32 $0x3;
	v18 =	vld.idx.msk [tilespmem:v53+s12+$0x0], $0xffff;
	v28 =	vor.u32 v22, v1  }
0x35c: {  	v21 =	vld.idx.msk [tilespmem:v55+s12+$0x0], $0xffff;
	v22 =	vor.u32 s30, v28  }
0x35d: {  	v26 =	vld.idx.msk [tilespmem:v57+s12+$0x0], $0xffff  }
0x35e: {  	v31 =	vld.idx.msk [tilespmem:v61+s12+$0x0], $0xffff  }
0x35f: {  	v20 =	vld.idx.msk [tilespmem:v63+s12+$0x0], $0xffff;
	v19 =	vshll.u32 v19, $0x6  }
0x360: {  	v29 =	vld.idx.msk [tilespmem:v59+s12+$0x0], $0xffff;
	v19 =	vand.u32 $0x40, v19  }
0x361: {  	v27 =	vor.u32 v27, v19;
	v19 =	vld.idx.msk [tilespmem:v22+s13+$0x0], $0xffff  }
0x362: {  	v33 =	vld.idx.msk [tilespmem:v60+s12+$0x0], $0xffff  }
0x363: {  	s31 =	simm.s32 $0x1;
	v23 =	vld.idx.msk [tilespmem:v56+s12+$0x0], $0xffff  }
0x364: {  	s19 =	simm.s32 $0x2;
	v30 =	vld.idx.msk [tilespmem:v54+s12+$0x0], $0xffff;
	v24 =	vor.u32 s31, v28  }
0x365: {  	s23 =	simm.s32 $0x18600;
	v32 =	vld.idx.msk [tilespmem:v48+s12+$0x0], $0xffff;
	v25 =	vor.u32 s19, v28  }
0x366: {  	v1 =	vld.idx.msk [tilespmem:v58+s12+$0x0], $0xffff;
	v51 =	vor.u32 s12, v28;
	[tilespmem:s23+$0xFFFFE180] =	vst v19  }
0x367: {  	v22 =	vor.u32 s30, v27;
	v19 =	vld [tilespmem:$0x1FF10];
	_ =	sdelay $0x1  }
0x368: {  	v24 =	vld.idx.msk [tilespmem:v24+s13+$0x0], $0xffff  }
0x369: {  	v2 =	vshll.u32 v2, $0x6;
	v52 =	vld.idx.msk [tilespmem:v25+s13+$0x0], $0xffff  }
0x36a: {  	v2 =	vand.u32 $0x40, v2;
	v34 =	vld.idx.msk [tilespmem:v51+s13+$0x0], $0xffff  }
0x36b: {  	v25 =	vor.u32 v19, v2;
	v2 =	vld.idx.msk [tilespmem:v22+s13+$0x0], $0xffff;
	_ =	sdelay $0x1  }
0x36c: {  	[tilespmem:s23+$0xFFFFE080] =	vst v24  }
0x36d: {  	v53 =	vor.u32 s31, v27;
	[tilespmem:s23+$0xFFFFE100] =	vst v52  }
0x36e: {  	v54 =	vor.u32 s19, v27;
	[tilespmem:s23+$0xFFFFE000] =	vst v34  }
0x36f: {  	v55 =	vor.u32 s12, v27;
	[tilespmem:s23+$0x180] =	vst v2  }
0x370: {  	v19 =	vor.u32 s30, v25;
	v2 =	vld [tilespmem:$0x1FF20];
	_ =	sdelay $0x1  }
0x371: {  	v22 =	vld.idx.msk [tilespmem:v53+s13+$0x0], $0xffff  }
0x372: {  	v20 =	vshll.u32 v20, $0x6;
	v56 =	vld.idx.msk [tilespmem:v54+s13+$0x0], $0xffff  }
0x373: {  	v20 =	vand.u32 $0x40, v20;
	v58 =	vld.idx.msk [tilespmem:v55+s13+$0x0], $0xffff  }
0x374: {  	v24 =	vor.u32 v2, v20;
	v2 =	vld.idx.msk [tilespmem:v19+s13+$0x0], $0xffff;
	_ =	sdelay $0x1  }
0x375: {  	[tilespmem:s23+$0x80] =	vst v22  }
0x376: {  	v57 =	vor.u32 s31, v25;
	[tilespmem:s23+$0x100] =	vst v56  }
0x377: {  	v59 =	vor.u32 s19, v25;
	[tilespmem:s23+$0x0] =	vst v58  }
0x378: {  	v60 =	vor.u32 s12, v25;
	[tilespmem:s23+$0xFFFFE190] =	vst v2  }
0x379: {  	v19 =	vor.u32 s30, v24;
	v2 =	vld [tilespmem:$0x1FF30];
	_ =	sdelay $0x1  }
0x37a: {  	v20 =	vld.idx.msk [tilespmem:v57+s13+$0x0], $0xffff  }
0x37b: {  	v16 =	vshll.u32 v16, $0x6;
	v34 =	vld.idx.msk [tilespmem:v59+s13+$0x0], $0xffff  }
0x37c: {  	v16 =	vand.u32 $0x40, v16;
	v36 =	vld.idx.msk [tilespmem:v60+s13+$0x0], $0xffff  }
0x37d: {  	v22 =	vor.u32 v2, v16;
	v2 =	vld.idx.msk [tilespmem:v19+s13+$0x0], $0xffff;
	_ =	sdelay $0x1  }
0x37e: {  	[tilespmem:s23+$0xFFFFE090] =	vst v20  }
0x37f: {  	v61 =	vor.u32 s31, v24;
	[tilespmem:s23+$0xFFFFE110] =	vst v34  }
0x380: {  	v62 =	vor.u32 s19, v24;
	[tilespmem:s23+$0xFFFFE010] =	vst v36  }
0x381: {  	v63 =	vor.u32 s12, v24;
	[tilespmem:s23+$0x190] =	vst v2  }
0x382: {  	v16 =	vor.u32 s30, v22;
	v2 =	vld [tilespmem:$0x1FF40];
	_ =	sdelay $0x1  }
0x383: {  	v19 =	vld.idx.msk [tilespmem:v61+s13+$0x0], $0xffff  }
0x384: {  	v1 =	vshll.u32 v1, $0x6;
	v34 =	vld.idx.msk [tilespmem:v62+s13+$0x0], $0xffff  }
0x385: {  	v1 =	vand.u32 $0x40, v1;
	v36 =	vld.idx.msk [tilespmem:v63+s13+$0x0], $0xffff  }
0x386: {  	v20 =	vor.u32 v2, v1;
	v1 =	vld.idx.msk [tilespmem:v16+s13+$0x0], $0xffff;
	_ =	sdelay $0x1  }
0x387: {  	[tilespmem:s23+$0x90] =	vst v19  }
0x388: {  	v40 =	vor.u32 s31, v22;
	[tilespmem:s23+$0x110] =	vst v34  }
0x389: {  	v41 =	vor.u32 s19, v22;
	[tilespmem:s23+$0x10] =	vst v36  }
0x38a: {  	v42 =	vor.u32 s12, v22;
	[tilespmem:s23+$0xFFFFE1A0] =	vst v1  }
0x38b: {  	v2 =	vor.u32 s30, v20;
	v1 =	vld [tilespmem:$0x1FF50];
	_ =	sdelay $0x1  }
0x38c: {  	v16 =	vld.idx.msk [tilespmem:v40+s13+$0x0], $0xffff  }
0x38d: {  	v17 =	vshll.u32 v17, $0x6;
	v34 =	vld.idx.msk [tilespmem:v41+s13+$0x0], $0xffff  }
0x38e: {  	v17 =	vand.u32 $0x40, v17;
	v36 =	vld.idx.msk [tilespmem:v42+s13+$0x0], $0xffff  }
0x38f: {  	v19 =	vor.u32 v1, v17;
	v1 =	vld.idx.msk [tilespmem:v2+s13+$0x0], $0xffff;
	_ =	sdelay $0x1  }
0x390: {  	[tilespmem:s23+$0xFFFFE0A0] =	vst v16  }
0x391: {  	v43 =	vor.u32 s31, v20;
	[tilespmem:s23+$0xFFFFE120] =	vst v34  }
0x392: {  	v44 =	vor.u32 s19, v20;
	[tilespmem:s23+$0xFFFFE020] =	vst v36  }
0x393: {  	v45 =	vor.u32 s12, v20;
	[tilespmem:s23+$0x1A0] =	vst v1  }
0x394: {  	v2 =	vor.u32 s30, v19;
	v1 =	vld [tilespmem:$0x1FF60];
	_ =	sdelay $0x1  }
0x395: {  	v16 =	vld.idx.msk [tilespmem:v43+s13+$0x0], $0xffff  }
0x396: {  	v34 =	vld.idx.msk [tilespmem:v44+s13+$0x0], $0xffff;
	v17 =	vshll.u32 v29, $0x6;
	v46 =	vor.u32 s31, v19  }
0x397: {  	v29 =	vld.idx.msk [tilespmem:v45+s13+$0x0], $0xffff;
	v47 =	vor.u32 s19, v19;
	v17 =	vand.u32 $0x40, v17  }
0x398: {  	v48 =	vor.u32 s12, v19;
	v17 =	vor.u32 v1, v17;
	v1 =	vld.idx.msk [tilespmem:v2+s13+$0x0], $0xffff;
	_ =	sdelay $0x1  }
0x399: {  	[tilespmem:s23+$0xA0] =	vst v16;
	v2 =	vor.u32 s30, v17  }
0x39a: {  	[tilespmem:s23+$0x120] =	vst v34;
	v35 =	vld.idx.msk [tilespmem:v46+s13+$0x0], $0xffff  }
0x39b: {  	[tilespmem:s23+$0x20] =	vst v29;
	v29 =	vld.idx.msk [tilespmem:v47+s13+$0x0], $0xffff  }
0x39c: {  	v16 =	vshll.u32 v18, $0x6;
	v18 =	vld.idx.msk [tilespmem:v48+s13+$0x0], $0xffff;
	[tilespmem:s23+$0xFFFFE1B0] =	vst v1  }
0x39d: {  	v49 =	vor.u32 s31, v17;
	v1 =	vld [tilespmem:$0x1FF70]  }
0x39e: {  	v50 =	vor.u32 s19, v17;
	v2 =	vld.idx.msk [tilespmem:v2+s13+$0x0], $0xffff;
	_ =	sdelay $0x1  }
0x39f: {  	[tilespmem:s23+$0xFFFFE0B0] =	vst v35  }
0x3a0: {  	v16 =	vand.u32 $0x40, v16;
	v51 =	vor.u32 s12, v17;
	[tilespmem:s23+$0xFFFFE130] =	vst v29  }
0x3a1: {  	[tilespmem:s23+$0xFFFFE030] =	vst v18;
	v34 =	vld.idx.msk [tilespmem:v49+s13+$0x0], $0xffff;
	v16 =	vor.u32 v1, v16  }
0x3a2: {  	s5 =	simm.s32 $0x5;
	v29 =	vld.idx.msk [tilespmem:v50+s13+$0x0], $0xffff;
	[tilespmem:s23+$0x1B0] =	vst v2;
	v52 =	vor.u32 s30, v16  }
0x3a3: {  	v53 =	vor.u32 s5, v28;
	v2 =	vld [tilespmem:$0x1FF80]  }
0x3a4: {  	v54 =	vor.u32 s31, v16  }
0x3a5: {  	v55 =	vld.idx.msk [tilespmem:v51+s13+$0x0], $0xffff;
	v56 =	vor.u32 s19, v16  }
0x3a6: {  	s10 =	simm.s32 $0x7;
	v18 =	vshll.u32 v33, $0x6;
	v57 =	vor.u32 s12, v16  }
0x3a7: {  	v18 =	vand.u32 $0x40, v18;
	[tilespmem:s23+$0x130] =	vst v29;
	v29 =	vor.u32 s10, v28;
	v35 =	vld.idx.msk [tilespmem:v52+s13+$0x0], $0xffff  }
0x3a8: {  	v38 =	vld.idx.msk [tilespmem:v53+s13+$0x0], $0xffff;
	[tilespmem:s23+$0xB0] =	vst v34;
	v18 =	vor.u32 v2, v18  }
0x3a9: {  	s6 =	simm.s32 $0x9;
	v36 =	vld.idx.msk [tilespmem:v54+s13+$0x0], $0xffff;
	v58 =	vor.u32 s30, v18  }
0x3aa: {  	s8 =	simm.s32 $0x8;
	v46 =	vor.u32 s6, v28;
	[tilespmem:s23+$0x30] =	vst v55;
	v59 =	vld.idx.msk [tilespmem:v56+s13+$0x0], $0xffff  }
0x3ab: {  	s1 =	simm.s32 $0x4;
	v63 =	vor.u32 s8, v28;
	v39 =	vld.idx.msk [tilespmem:v57+s13+$0x0], $0xffff  }
0x3ac: {  	s0 =	simm.s32 $0x6;
	v1 =	vor.u32 s1, v28;
	v29 =	vld.idx.msk [tilespmem:v29+s13+$0x0], $0xffff;
	[tilespmem:s23+$0xFFFFE1C0] =	vst v35  }
0x3ad: {  	v2 =	vor.u32 s0, v28;
	v45 =	vld [tilespmem:$0x1FF90]  }
0x3ae: {  	v60 =	vor.u32 s31, v18;
	v34 =	vld.idx.msk [tilespmem:v58+s13+$0x0], $0xffff  }
0x3af: {  	v48 =	vld.idx.msk [tilespmem:v46+s13+$0x0], $0xffff;
	[tilespmem:s23+$0xFFFFE0C0] =	vst v36  }
0x3b0: {  	v21 =	vshll.u32 v21, $0x6;
	v33 =	vld.idx.msk [tilespmem:v63+s13+$0x0], $0xffff;
	v61 =	vor.u32 s19, v18;
	[tilespmem:s23+$0xFFFFE140] =	vst v59  }
0x3b1: {  	s9 =	simm.s32 $0x18800;
	v21 =	vand.u32 $0x40, v21;
	v47 =	vor.u32 s10, v27;
	v1 =	vld.idx.msk [tilespmem:v1+s13+$0x0], $0xffff;
	[tilespmem:s23+$0xFFFFE040] =	vst v39  }
0x3b2: {  	v62 =	vor.u32 s12, v18;
	v2 =	vld.idx.msk [tilespmem:v2+s13+$0x0], $0xffff;
	[tilespmem:s9+$0xFFFFE180] =	vst v29;
	v21 =	vor.u32 v45, v21  }
0x3b3: {  	v37 =	vld.idx.msk [tilespmem:v60+s13+$0x0], $0xffff;
	[tilespmem:s23+$0x1C0] =	vst v34;
	v42 =	vor.u32 s30, v21  }
0x3b4: {  	v52 =	vor.u32 s5, v27;
	v56 =	vld [tilespmem:$0x1FFA0]  }
0x3b5: {  	v53 =	vor.u32 s0, v27;
	v40 =	vld.idx.msk [tilespmem:v61+s13+$0x0], $0xffff  }
0x3b6: {  	v54 =	vor.u32 s1, v27;
	v57 =	vld.idx.msk [tilespmem:v47+s13+$0x0], $0xffff  }
0x3b7: {  	v23 =	vshll.u32 v23, $0x6;
	v41 =	vld.idx.msk [tilespmem:v62+s13+$0x0], $0xffff;
	v60 =	vor.u32 s10, v25;
	[tilespmem:s9+$0xFFFFE080] =	vst v38  }
0x3b8: {  	v23 =	vand.u32 $0x40, v23;
	v29 =	vor.u32 s31, v21;
	[tilespmem:s9+$0xFFFFE100] =	vst v2;
	v55 =	vld.idx.msk [tilespmem:v42+s13+$0x0], $0xffff  }
0x3b9: {  	[tilespmem:s9+$0xFFFFE000] =	vst v1;
	v59 =	vld.idx.msk [tilespmem:v52+s13+$0x0], $0xffff;
	v23 =	vor.u32 v56, v23  }
0x3ba: {  	[tilespmem:s23+$0xC0] =	vst v37;
	v1 =	vld.idx.msk [tilespmem:v53+s13+$0x0], $0xffff;
	v2 =	vor.u32 s30, v23  }
0x3bb: {  	[tilespmem:s9+$0x180] =	vst v57;
	v34 =	vld.idx.msk [tilespmem:v54+s13+$0x0], $0xffff  }
0x3bc: {  	v58 =	vor.u32 s19, v21;
	[tilespmem:s23+$0x140] =	vst v40;
	v35 =	vld.idx.msk [tilespmem:v60+s13+$0x0], $0xffff  }
0x3bd: {  	v61 =	vor.u32 s5, v25;
	v29 =	vld.idx.msk [tilespmem:v29+s13+$0x0], $0xffff;
	[tilespmem:s23+$0xFFFFE1D0] =	vst v55  }
0x3be: {  	v62 =	vor.u32 s0, v25;
	v46 =	vld [tilespmem:$0x1FFB0];
	[tilespmem:s9+$0x80] =	vst v59  }
0x3bf: {  	v63 =	vor.u32 s1, v25;
	v2 =	vld.idx.msk [tilespmem:v2+s13+$0x0], $0xffff;
	[tilespmem:s9+$0x100] =	vst v1  }
0x3c0: {  	[tilespmem:s9+$0x0] =	vst v34  }
0x3c1: {  	v26 =	vshll.u32 v26, $0x6;
	v45 =	vor.u32 s12, v21;
	v39 =	vld.idx.msk [tilespmem:v58+s13+$0x0], $0xffff;
	[tilespmem:s23+$0x40] =	vst v41  }
0x3c2: {  	v26 =	vand.u32 $0x40, v26;
	v47 =	vor.u32 s31, v23;
	[tilespmem:s23+$0xFFFFE0D0] =	vst v29;
	v37 =	vld.idx.msk [tilespmem:v61+s13+$0x0], $0xffff  }
0x3c3: {  	v50 =	vor.u32 s10, v24;
	[tilespmem:s9+$0xFFFFE190] =	vst v35;
	v49 =	vld.idx.msk [tilespmem:v62+s13+$0x0], $0xffff;
	v26 =	vor.u32 v46, v26  }
0x3c4: {  	v36 =	vld.idx.msk [tilespmem:v63+s13+$0x0], $0xffff;
	[tilespmem:s23+$0x1D0] =	vst v2;
	v1 =	vor.u32 s30, v26  }
0x3c5: {  	v51 =	vor.u32 s5, v24;
	v53 =	vld [tilespmem:$0x1FFC0]  }
0x3c6: {  	v29 =	vor.u32 s0, v24;
	v38 =	vld.idx.msk [tilespmem:v45+s13+$0x0], $0xffff  }
0x3c7: {  	v42 =	vld.idx.msk [tilespmem:v47+s13+$0x0], $0xffff;
	v2 =	vor.u32 s1, v24  }
0x3c8: {  	v30 =	vshll.u32 v30, $0x6;
	v52 =	vor.u32 s19, v23;
	v54 =	vld.idx.msk [tilespmem:v50+s13+$0x0], $0xffff;
	[tilespmem:s9+$0xFFFFE090] =	vst v37  }
0x3c9: {  	v30 =	vand.u32 $0x40, v30;
	v57 =	vor.u32 s10, v22;
	[tilespmem:s9+$0xFFFFE110] =	vst v49;
	v1 =	vld.idx.msk [tilespmem:v1+s13+$0x0], $0xffff  }
0x3ca: {  	[tilespmem:s9+$0xFFFFE010] =	vst v36;
	v41 =	vld.idx.msk [tilespmem:v51+s13+$0x0], $0xffff;
	v30 =	vor.u32 v53, v30  }
0x3cb: {  	[tilespmem:s23+$0xFFFFE150] =	vst v39;
	v29 =	vld.idx.msk [tilespmem:v29+s13+$0x0], $0xffff;
	v56 =	vor.u32 s30, v30  }
0x3cc: {  	v55 =	vor.u32 s12, v23;
	[tilespmem:s23+$0xFFFFE050] =	vst v38;
	v2 =	vld.idx.msk [tilespmem:v2+s13+$0x0], $0xffff  }
0x3cd: {  	v58 =	vor.u32 s5, v22;
	[tilespmem:s9+$0x190] =	vst v54;
	v35 =	vld.idx.msk [tilespmem:v52+s13+$0x0], $0xffff  }
0x3ce: {  	v59 =	vor.u32 s0, v22;
	v36 =	vld.idx.msk [tilespmem:v57+s13+$0x0], $0xffff;
	[tilespmem:s23+$0xFFFFE1E0] =	vst v1  }
0x3cf: {  	v60 =	vor.u32 s31, v26;
	v61 =	vld [tilespmem:$0x1FFD0];
	[tilespmem:s9+$0x90] =	vst v41  }
0x3d0: {  	v63 =	vor.u32 s10, v20;
	v34 =	vld.idx.msk [tilespmem:v56+s13+$0x0], $0xffff;
	[tilespmem:s9+$0x110] =	vst v29  }
0x3d1: {  	v40 =	vld.idx.msk [tilespmem:v55+s13+$0x0], $0xffff;
	[tilespmem:s9+$0x10] =	vst v2  }
0x3d2: {  	v31 =	vshll.u32 v31, $0x6;
	v62 =	vor.u32 s19, v26;
	[tilespmem:s23+$0xD0] =	vst v42;
	v39 =	vld.idx.msk [tilespmem:v58+s13+$0x0], $0xffff  }
0x3d3: {  	v31 =	vand.u32 $0x40, v31;
	v1 =	vor.u32 s1, v22;
	[tilespmem:s23+$0x150] =	vst v35;
	v2 =	vld.idx.msk [tilespmem:v59+s13+$0x0], $0xffff  }
0x3d4: {  	v45 =	vor.u32 s5, v20;
	[tilespmem:s9+$0xFFFFE1A0] =	vst v36;
	v37 =	vld.idx.msk [tilespmem:v60+s13+$0x0], $0xffff;
	v31 =	vor.u32 v61, v31  }
0x3d5: {  	v38 =	vld.idx.msk [tilespmem:v63+s13+$0x0], $0xffff;
	[tilespmem:s23+$0x1E0] =	vst v34;
	v29 =	vor.u32 s30, v31  }
0x3d6: {  	v49 =	vor.u32 s12, v26;
	v50 =	vld [tilespmem:$0x1FFF0]  }
0x3d7: {  	v52 =	vor.u32 s10, v19;
	v41 =	vld.idx.msk [tilespmem:v62+s13+$0x0], $0xffff;
	[tilespmem:s9+$0xFFFFE0A0] =	vst v39  }
0x3d8: {  	v46 =	vor.u32 s0, v20;
	v1 =	vld.idx.msk [tilespmem:v1+s13+$0x0], $0xffff;
	[tilespmem:s9+$0xFFFFE120] =	vst v2  }
0x3d9: {  	v32 =	vshll.u32 v32, $0x6;
	v47 =	vor.u32 s1, v20;
	[tilespmem:s23+$0x50] =	vst v40;
	v42 =	vld.idx.msk [tilespmem:v45+s13+$0x0], $0xffff  }
0x3da: {  	v32 =	vand.u32 $0x40, v32;
	v51 =	vor.u32 s31, v30;
	[tilespmem:s23+$0xFFFFE0E0] =	vst v37;
	v29 =	vld.idx.msk [tilespmem:v29+s13+$0x0], $0xffff  }
0x3db: {  	v55 =	vor.u32 s19, v30;
	[tilespmem:s9+$0x1A0] =	vst v38;
	v36 =	vld.idx.msk [tilespmem:v49+s13+$0x0], $0xffff;
	v32 =	vor.u32 v50, v32  }
0x3dc: {  	[tilespmem:s23+$0xFFFFE160] =	vst v41;
	v35 =	vld.idx.msk [tilespmem:v52+s13+$0x0], $0xffff;
	v2 =	vor.u32 s30, v32  }
0x3dd: {  	v53 =	vor.u32 s5, v19;
	[tilespmem:s9+$0xFFFFE020] =	vst v1;
	v1 =	vld.idx.msk [tilespmem:v46+s13+$0x0], $0xffff  }
0x3de: {  	v54 =	vor.u32 s0, v19;
	v34 =	vld.idx.msk [tilespmem:v47+s13+$0x0], $0xffff;
	[tilespmem:s9+$0xA0] =	vst v42  }
0x3df: {  	v39 =	vld.idx.msk [tilespmem:v51+s13+$0x0], $0xffff;
	[tilespmem:s23+$0xFFFFE1F0] =	vst v29;
	v29 =	vor.u32 s1, v19  }
0x3e0: {  	v56 =	vor.u32 s12, v30;
	v38 =	vld.idx.msk [tilespmem:v55+s13+$0x0], $0xffff;
	[tilespmem:s23+$0xFFFFE060] =	vst v36  }
0x3e1: {  	s24 =	simm.s32 $0xA;
	v57 =	vor.u32 s10, v17;
	[tilespmem:s9+$0xFFFFE1B0] =	vst v35;
	v2 =	vld.idx.msk [tilespmem:v2+s13+$0x0], $0xffff  }
0x3e2: {  	v40 =	vld.idx.msk [tilespmem:v53+s13+$0x0], $0xffff;
	[tilespmem:s9+$0x120] =	vst v1;
	v1 =	vor.u32 s24, v28  }
0x3e3: {  	v60 =	vor.u32 s19, v31;
	[tilespmem:s9+$0x20] =	vst v34;
	v37 =	vld.idx.msk [tilespmem:v54+s13+$0x0], $0xffff  }
0x3e4: {  	v58 =	vor.u32 s5, v17;
	[tilespmem:s23+$0xE0] =	vst v39;
	v29 =	vld.idx.msk [tilespmem:v29+s13+$0x0], $0xffff  }
0x3e5: {  	v59 =	vor.u32 s0, v17;
	[tilespmem:s23+$0x160] =	vst v38;
	v42 =	vld.idx.msk [tilespmem:v56+s13+$0x0], $0xffff  }
0x3e6: {  	v35 =	vld.idx.msk [tilespmem:v57+s13+$0x0], $0xffff;
	[tilespmem:s23+$0x1F0] =	vst v2;
	v2 =	vor.u32 s1, v17  }
0x3e7: {  	[tilespmem:s9+$0xFFFFE0B0] =	vst v40;
	v34 =	vld.idx.msk [tilespmem:v1+s13+$0x0], $0xffff;
	v1 =	vor.u32 s31, v31  }
0x3e8: {  	v61 =	vor.u32 s12, v31;
	v39 =	vld.idx.msk [tilespmem:v60+s13+$0x0], $0xffff;
	[tilespmem:s9+$0xFFFFE130] =	vst v37  }
0x3e9: {  	v41 =	vld.idx.msk [tilespmem:v58+s13+$0x0], $0xffff;
	[tilespmem:s9+$0xFFFFE030] =	vst v29;
	v29 =	vor.u32 s10, v16  }
0x3ea: {  	v62 =	vor.u32 s5, v16;
	v36 =	vld.idx.msk [tilespmem:v59+s13+$0x0], $0xffff  }
0x3eb: {  	v63 =	vor.u32 s0, v16;
	[tilespmem:s23+$0x60] =	vst v42;
	v2 =	vld.idx.msk [tilespmem:v2+s13+$0x0], $0xffff  }
0x3ec: {  	[tilespmem:s9+$0x1B0] =	vst v35;
	v35 =	vor.u32 s1, v16;
	v38 =	vld.idx.msk [tilespmem:v1+s13+$0x0], $0xffff  }
0x3ed: {  	v43 =	vor.u32 s31, v32;
	v40 =	vld.idx.msk [tilespmem:v61+s13+$0x0], $0xffff  }
0x3ee: {  	[tilespmem:s9+$0xB0] =	vst v41;
	v41 =	vld.idx.msk [tilespmem:v29+s13+$0x0], $0xffff;
	v29 =	vor.u32 s19, v32  }
0x3ef: {  	v44 =	vor.u32 s12, v32;
	v42 =	vld.idx.msk [tilespmem:v62+s13+$0x0], $0xffff;
	[tilespmem:s9+$0x130] =	vst v36  }
0x3f0: {  	s14 =	simm.s32 $0xC;
	s12 =	simm.s32 $0xB;
	v37 =	vor.u32 s10, v18;
	v36 =	vld.idx.msk [tilespmem:v63+s13+$0x0], $0xffff;
	[tilespmem:s9+$0x30] =	vst v2  }
.LBB2_7:
0x3f1: {  	p0 =	slt.u32 s14, $0x3C;
	v1 =	vor.u32 s12, v28;
	v2 =	vld.idx.msk [tilespmem:v35+s13+$0x0], $0xffff;
	[tilespmem:s23+$0xFFFFE0F0] =	vst v38  }
0x3f2: {  	v35 =	vor.u32 s5, v18;
	v38 =	vld.idx.msk [tilespmem:v43+s13+$0x0], $0xffff;
	[tilespmem:s23+$0xFFFFE170] =	vst v39  }
0x3f3: {  	v39 =	vor.u32 s0, v18;
	[tilespmem:s23+$0xFFFFE070] =	vst v40;
	v29 =	vld.idx.msk [tilespmem:v29+s13+$0x0], $0xffff  }
0x3f4: {  	v40 =	vor.u32 s1, v18;
	[tilespmem:s9+$0xFFFFE1C0] =	vst v41;
	v41 =	vld.idx.msk [tilespmem:v44+s13+$0x0], $0xffff  }
0x3f5: {  	s19 =	sadd.s32 $0x1, s14;
	v43 =	vor.u32 s14, v28;
	[tilespmem:s9+$0xFFFFE0C0] =	vst v42;
	v37 =	vld.idx.msk [tilespmem:v37+s13+$0x0], $0xffff  }
0x3f6: {  	v42 =	vor.u32 s19, v28;
	v1 =	vld.idx.msk [tilespmem:v1+s13+$0x0], $0xffff;
	[tilespmem:s9+$0xFFFFE140] =	vst v36  }
0x3f7: {  	[tilespmem:s9+$0xFFFFE040] =	vst v2;
	v2 =	vld.idx.msk [tilespmem:v35+s13+$0x0], $0xffff;
	v35 =	vor.u32 s10, v21  }
0x3f8: {  	v36 =	vor.u32 s12, v27;
	v39 =	vld.idx.msk [tilespmem:v39+s13+$0x0], $0xffff;
	[tilespmem:s23+$0xF0] =	vst v38  }
0x3f9: {  	v38 =	vor.u32 s6, v27;
	v40 =	vld.idx.msk [tilespmem:v40+s13+$0x0], $0xffff;
	[tilespmem:s23+$0x170] =	vst v29  }
0x3fa: {  	v29 =	vld.idx.msk [tilespmem:v43+s13+$0x0], $0xffff;
	v43 =	vor.u32 s24, v27;
	[tilespmem:s23+$0x70] =	vst v41;
	s23 =	smov.u32 s9  }
0x3fb: {  	s9 =	sadd.s32 $0x200, s9;
	v41 =	vld.idx.msk [tilespmem:v42+s13+$0x0], $0xffff;
	v42 =	vor.u32 s8, v27;
	[tilespmem:s23+$0x1C0] =	vst v37  }
0x3fc: {  	[tilespmem:s9+$0xFFFFE180] =	vst v1;
	v1 =	vor.u32 s5, v21;
	v35 =	vld.idx.msk [tilespmem:v35+s13+$0x0], $0xffff  }
0x3fd: {  	v37 =	vor.u32 s0, v21;
	[tilespmem:s9+$0xFFFFE080] =	vst v48;
	v36 =	vld.idx.msk [tilespmem:v36+s13+$0x0], $0xffff  }
0x3fe: {  	v38 =	vld.idx.msk [tilespmem:v38+s13+$0x0], $0xffff;
	[tilespmem:s9+$0xFFFFE100] =	vst v34;
	v34 =	vor.u32 s10, v23  }
0x3ff: {  	v44 =	vor.u32 s12, v25;
	[tilespmem:s9+$0xFFFFE000] =	vst v33;
	v43 =	vld.idx.msk [tilespmem:v43+s13+$0x0], $0xffff  }
0x400: {  	v45 =	vor.u32 s6, v25;
	v33 =	vmov v29;
	v42 =	vld.idx.msk [tilespmem:v42+s13+$0x0], $0xffff;
	[tilespmem:s23+$0xC0] =	vst v2  }
0x401: {  	v2 =	vor.u32 s24, v25;
	v48 =	vmov v41;
	v1 =	vld.idx.msk [tilespmem:v1+s13+$0x0], $0xffff;
	[tilespmem:s23+$0x140] =	vst v39  }
0x402: {  	v29 =	vor.u32 s8, v25;
	v37 =	vld.idx.msk [tilespmem:v37+s13+$0x0], $0xffff;
	[tilespmem:s23+$0xFFFFE1D0] =	vst v35  }
0x403: {  	v35 =	vor.u32 s1, v21;
	[tilespmem:s9+$0x180] =	vst v36;
	v34 =	vld.idx.msk [tilespmem:v34+s13+$0x0], $0xffff  }
0x404: {  	[tilespmem:s9+$0x80] =	vst v38;
	v36 =	vld.idx.msk [tilespmem:v44+s13+$0x0], $0xffff;
	v38 =	vor.u32 s5, v23  }
0x405: {  	v41 =	vor.u32 s10, v26;
	v39 =	vld.idx.msk [tilespmem:v45+s13+$0x0], $0xffff;
	[tilespmem:s9+$0x100] =	vst v43  }
0x406: {  	[tilespmem:s9+$0x0] =	vst v42;
	v2 =	vld.idx.msk [tilespmem:v2+s13+$0x0], $0xffff;
	v42 =	vor.u32 s12, v24  }
0x407: {  	v43 =	vor.u32 s6, v24;
	v29 =	vld.idx.msk [tilespmem:v29+s13+$0x0], $0xffff;
	[tilespmem:s23+$0x40] =	vst v40  }
0x408: {  	v40 =	vor.u32 s24, v24;
	v35 =	vld.idx.msk [tilespmem:v35+s13+$0x0], $0xffff;
	[tilespmem:s23+$0xFFFFE0D0] =	vst v1  }
0x409: {  	v1 =	vor.u32 s8, v24;
	v38 =	vld.idx.msk [tilespmem:v38+s13+$0x0], $0xffff;
	[tilespmem:s23+$0x1D0] =	vst v34  }
0x40a: {  	v34 =	vor.u32 s0, v23;
	[tilespmem:s9+$0xFFFFE190] =	vst v36;
	v36 =	vld.idx.msk [tilespmem:v41+s13+$0x0], $0xffff  }
0x40b: {  	v41 =	vor.u32 s1, v23;
	[tilespmem:s9+$0xFFFFE090] =	vst v39;
	v39 =	vld.idx.msk [tilespmem:v42+s13+$0x0], $0xffff  }
0x40c: {  	v42 =	vld.idx.msk [tilespmem:v43+s13+$0x0], $0xffff;
	[tilespmem:s9+$0xFFFFE110] =	vst v2;
	v2 =	vor.u32 s10, v30  }
0x40d: {  	[tilespmem:s9+$0xFFFFE010] =	vst v29;
	v29 =	vld.idx.msk [tilespmem:v40+s13+$0x0], $0xffff;
	v40 =	vor.u32 s12, v22  }
0x40e: {  	v43 =	vor.u32 s6, v22;
	v1 =	vld.idx.msk [tilespmem:v1+s13+$0x0], $0xffff;
	[tilespmem:s23+$0xFFFFE150] =	vst v37  }
0x40f: {  	v37 =	vor.u32 s24, v22;
	[tilespmem:s23+$0xFFFFE050] =	vst v35;
	v34 =	vld.idx.msk [tilespmem:v34+s13+$0x0], $0xffff  }
0x410: {  	v35 =	vor.u32 s8, v22;
	v41 =	vld.idx.msk [tilespmem:v41+s13+$0x0], $0xffff;
	[tilespmem:s23+$0xFFFFE1E0] =	vst v36  }
0x411: {  	v36 =	vor.u32 s5, v26;
	[tilespmem:s9+$0x190] =	vst v39;
	v2 =	vld.idx.msk [tilespmem:v2+s13+$0x0], $0xffff  }
0x412: {  	[tilespmem:s9+$0x90] =	vst v42;
	v39 =	vld.idx.msk [tilespmem:v40+s13+$0x0], $0xffff;
	v40 =	vor.u32 s0, v26  }
0x413: {  	v42 =	vld.idx.msk [tilespmem:v43+s13+$0x0], $0xffff;
	[tilespmem:s9+$0x110] =	vst v29;
	v29 =	vor.u32 s10, v31  }
0x414: {  	[tilespmem:s9+$0x10] =	vst v1;
	v1 =	vld.idx.msk [tilespmem:v37+s13+$0x0], $0xffff;
	v37 =	vor.u32 s12, v20  }
0x415: {  	v43 =	vor.u32 s6, v20;
	v35 =	vld.idx.msk [tilespmem:v35+s13+$0x0], $0xffff;
	[tilespmem:s23+$0xD0] =	vst v38  }
0x416: {  	v38 =	vor.u32 s24, v20;
	v36 =	vld.idx.msk [tilespmem:v36+s13+$0x0], $0xffff;
	[tilespmem:s23+$0x150] =	vst v34  }
0x417: {  	v34 =	vor.u32 s8, v20;
	v40 =	vld.idx.msk [tilespmem:v40+s13+$0x0], $0xffff;
	[tilespmem:s23+$0x1E0] =	vst v2  }
0x418: {  	v2 =	vor.u32 s1, v26;
	[tilespmem:s9+$0xFFFFE1A0] =	vst v39;
	v29 =	vld.idx.msk [tilespmem:v29+s13+$0x0], $0xffff  }
0x419: {  	v39 =	vor.u32 s5, v30;
	[tilespmem:s9+$0xFFFFE0A0] =	vst v42;
	v37 =	vld.idx.msk [tilespmem:v37+s13+$0x0], $0xffff  }
0x41a: {  	v42 =	vld.idx.msk [tilespmem:v43+s13+$0x0], $0xffff;
	[tilespmem:s9+$0xFFFFE120] =	vst v1;
	v1 =	vor.u32 s10, v32;
	s10 =	smov.u32 s12  }
0x41b: {  	[tilespmem:s9+$0xFFFFE020] =	vst v35;
	v35 =	vld.idx.msk [tilespmem:v38+s13+$0x0], $0xffff;
	v38 =	vor.u32 s10, v19  }
0x41c: {  	v43 =	vor.u32 s6, v19;
	v34 =	vld.idx.msk [tilespmem:v34+s13+$0x0], $0xffff;
	[tilespmem:s23+$0x50] =	vst v41  }
0x41d: {  	v41 =	vor.u32 s24, v19;
	v2 =	vld.idx.msk [tilespmem:v2+s13+$0x0], $0xffff;
	[tilespmem:s23+$0xFFFFE0E0] =	vst v36  }
0x41e: {  	v36 =	vor.u32 s8, v19;
	v39 =	vld.idx.msk [tilespmem:v39+s13+$0x0], $0xffff;
	[tilespmem:s23+$0xFFFFE1F0] =	vst v29  }
0x41f: {  	v29 =	vor.u32 s0, v30;
	[tilespmem:s9+$0x1A0] =	vst v37;
	v1 =	vld.idx.msk [tilespmem:v1+s13+$0x0], $0xffff  }
0x420: {  	s12 =	sadd.s32 $0x2, s14;
	[tilespmem:s9+$0xA0] =	vst v42;
	v37 =	vld.idx.msk [tilespmem:v38+s13+$0x0], $0xffff;
	v38 =	vor.u32 s1, v30  }
0x421: {  	v42 =	vor.u32 s12, v28;
	v43 =	vld.idx.msk [tilespmem:v43+s13+$0x0], $0xffff;
	[tilespmem:s9+$0x120] =	vst v35  }
0x422: {  	[tilespmem:s9+$0x20] =	vst v34;
	v35 =	vld.idx.msk [tilespmem:v41+s13+$0x0], $0xffff;
	v41 =	vor.u32 s10, v17  }
0x423: {  	v44 =	vor.u32 s6, v17;
	v36 =	vld.idx.msk [tilespmem:v36+s13+$0x0], $0xffff;
	[tilespmem:s23+$0xFFFFE160] =	vst v40  }
0x424: {  	v40 =	vor.u32 s24, v17;
	[tilespmem:s23+$0xFFFFE060] =	vst v2;
	v2 =	vld.idx.msk [tilespmem:v29+s13+$0x0], $0xffff  }
0x425: {  	v29 =	vor.u32 s8, v17;
	v45 =	vld.idx.msk [tilespmem:v38+s13+$0x0], $0xffff;
	[tilespmem:s23+$0x1F0] =	vst v1  }
0x426: {  	v1 =	vor.u32 s5, v31;
	v34 =	vld.idx.msk [tilespmem:v42+s13+$0x0], $0xffff;
	[tilespmem:s9+$0xFFFFE1B0] =	vst v37  }
0x427: {  	[tilespmem:s9+$0xFFFFE0B0] =	vst v43;
	v37 =	vld.idx.msk [tilespmem:v41+s13+$0x0], $0xffff;
	v41 =	vor.u32 s0, v31  }
0x428: {  	v43 =	vor.u32 s1, v31;
	v42 =	vld.idx.msk [tilespmem:v44+s13+$0x0], $0xffff;
	[tilespmem:s9+$0xFFFFE130] =	vst v35  }
0x429: {  	v44 =	vor.u32 s10, v16;
	[tilespmem:s9+$0xFFFFE030] =	vst v36;
	v36 =	vld.idx.msk [tilespmem:v40+s13+$0x0], $0xffff  }
0x42a: {  	v47 =	vor.u32 s6, v16;
	v46 =	vld.idx.msk [tilespmem:v29+s13+$0x0], $0xffff;
	[tilespmem:s23+$0xE0] =	vst v39  }
0x42b: {  	v49 =	vor.u32 s24, v16;
	v38 =	vld.idx.msk [tilespmem:v1+s13+$0x0], $0xffff;
	[tilespmem:s23+$0x160] =	vst v2  }
.Ltmp2:
0x42c: {  	v35 =	vor.u32 s8, v16;
	[tilespmem:s23+$0x60] =	vst v45;
	v39 =	vld.idx.msk [tilespmem:v41+s13+$0x0], $0xffff;
	(pc) =	sbr.rel @p0 .LBB2_7-.Ltmp2, $4  }
0x42d: {  	[tilespmem:s9+$0x1B0] =	vst v37;
	v40 =	vld.idx.msk [tilespmem:v43+s13+$0x0], $0xffff;
	v43 =	vor.u32 s5, v32;
	s5 =	smov.u32 s6;
	s6 =	smov.u32 s19  }
0x42e: {  	v29 =	vor.u32 s0, v32;
	s0 =	smov.u32 s24;
	s24 =	smov.u32 s12;
	[tilespmem:s9+$0xB0] =	vst v42;
	v41 =	vld.idx.msk [tilespmem:v44+s13+$0x0], $0xffff  }
0x42f: {  	v44 =	vor.u32 s1, v32;
	s1 =	smov.u32 s8;
	s8 =	smov.u32 s14;
	v42 =	vld.idx.msk [tilespmem:v47+s13+$0x0], $0xffff;
	[tilespmem:s9+$0x130] =	vst v36  }
0x430: {  	v37 =	vor.u32 s10, v18;
	s14 =	sadd.s32 $0x4, s14;
	s12 =	sadd.s32 $0x3, s8;
	[tilespmem:s9+$0x30] =	vst v46;
	v36 =	vld.idx.msk [tilespmem:v49+s13+$0x0], $0xffff  }
0x431: {  	_ =	sdelay $0x1  }
0x432: {  	v1 =	vor.u32 s12, v28  }
0x433: {  	[tilespmem:s23+$0xFFFFE0F0] =	vst v38  }
0x434: {  	v2 =	vld.idx.msk [tilespmem:v43+s13+$0x0], $0xffff  }
0x435: {  	[tilespmem:s23+$0xFFFFE170] =	vst v39  }
0x436: {  	s14 =	sadd.s32 $0x200, s9;
	[tilespmem:s23+$0xFFFFE070] =	vst v40  }
0x437: {  	[tilespmem:s14+$0xFFFFE080] =	vst v48;
	v1 =	vld.idx.msk [tilespmem:v1+s13+$0x0], $0xffff  }
0x438: {  	[tilespmem:s9+$0xFFFFE0C0] =	vst v42;
	v42 =	vor.u32 s12, v27  }
0x439: {  	v45 =	vld.idx.msk [tilespmem:v35+s13+$0x0], $0xffff;
	[tilespmem:s23+$0xF0] =	vst v2;
	v2 =	vor.u32 s6, v27  }
0x43a: {  	v63 =	vld.idx.msk [tilespmem:v29+s13+$0x0], $0xffff;
	v43 =	vor.u32 s24, v27;
	[tilespmem:s14+$0xFFFFE100] =	vst v34  }
0x43b: {  	[tilespmem:s14+$0xFFFFE000] =	vst v33;
	v40 =	vld.idx.msk [tilespmem:v44+s13+$0x0], $0xffff;
	v44 =	vor.u32 s8, v27  }
0x43c: {  	[tilespmem:s14+$0xFFFFE180] =	vst v1  }
0x43d: {  	[tilespmem:s9+$0xFFFFE1C0] =	vst v41;
	v1 =	vor.u32 s5, v18;
	v46 =	vld.idx.msk [tilespmem:v42+s13+$0x0], $0xffff  }
0x43e: {  	v47 =	vor.u32 s12, v25;
	[tilespmem:s9+$0xFFFFE140] =	vst v36;
	v2 =	vld.idx.msk [tilespmem:v2+s13+$0x0], $0xffff  }
0x43f: {  	v48 =	vor.u32 s6, v25;
	[tilespmem:s9+$0xFFFFE040] =	vst v45;
	v28 =	vld.idx.msk [tilespmem:v43+s13+$0x0], $0xffff  }
0x440: {  	v49 =	vor.u32 s24, v25;
	[tilespmem:s23+$0x170] =	vst v63;
	v27 =	vld.idx.msk [tilespmem:v44+s13+$0x0], $0xffff  }
0x441: {  	v50 =	vor.u32 s8, v25;
	v37 =	vld.idx.msk [tilespmem:v37+s13+$0x0], $0xffff;
	[tilespmem:s23+$0x70] =	vst v40  }
0x442: {  	v51 =	vor.u32 s0, v18;
	v1 =	vld.idx.msk [tilespmem:v1+s13+$0x0], $0xffff;
	[tilespmem:s14+$0x180] =	vst v46  }
0x443: {  	v52 =	vor.u32 s10, v21;
	[tilespmem:s14+$0x80] =	vst v2;
	v2 =	vld.idx.msk [tilespmem:v47+s13+$0x0], $0xffff  }
0x444: {  	v53 =	vor.u32 s12, v24;
	[tilespmem:s14+$0x100] =	vst v28;
	v33 =	vld.idx.msk [tilespmem:v48+s13+$0x0], $0xffff  }
0x445: {  	v55 =	vor.u32 s6, v24;
	[tilespmem:s14+$0x0] =	vst v27;
	v54 =	vld.idx.msk [tilespmem:v49+s13+$0x0], $0xffff  }
0x446: {  	v56 =	vor.u32 s24, v24;
	[tilespmem:s9+$0x1C0] =	vst v37;
	v25 =	vld.idx.msk [tilespmem:v50+s13+$0x0], $0xffff  }
0x447: {  	v29 =	vld.idx.msk [tilespmem:v51+s13+$0x0], $0xffff;
	[tilespmem:s9+$0xC0] =	vst v1;
	v1 =	vor.u32 s8, v24  }
0x448: {  	v36 =	vor.u32 s0, v21;
	v35 =	vld.idx.msk [tilespmem:v52+s13+$0x0], $0xffff;
	[tilespmem:s14+$0xFFFFE190] =	vst v2  }
0x449: {  	v2 =	vor.u32 s5, v21;
	[tilespmem:s14+$0xFFFFE090] =	vst v33;
	v28 =	vld.idx.msk [tilespmem:v53+s13+$0x0], $0xffff  }
0x44a: {  	v58 =	vor.u32 s12, v22;
	[tilespmem:s14+$0xFFFFE110] =	vst v54;
	v33 =	vld.idx.msk [tilespmem:v55+s13+$0x0], $0xffff  }
0x44b: {  	v60 =	vor.u32 s6, v22;
	[tilespmem:s14+$0xFFFFE010] =	vst v25;
	v59 =	vld.idx.msk [tilespmem:v56+s13+$0x0], $0xffff  }
0x44c: {  	v61 =	vor.u32 s24, v22;
	[tilespmem:s9+$0x140] =	vst v29;
	v1 =	vld.idx.msk [tilespmem:v1+s13+$0x0], $0xffff  }
0x44d: {  	v62 =	vor.u32 s8, v22;
	v41 =	vld.idx.msk [tilespmem:v36+s13+$0x0], $0xffff;
	[tilespmem:s9+$0xFFFFE1D0] =	vst v35  }
0x44e: {  	v57 =	vor.u32 s1, v18;
	v2 =	vld.idx.msk [tilespmem:v2+s13+$0x0], $0xffff;
	[tilespmem:s14+$0x190] =	vst v28  }
0x44f: {  	v63 =	vor.u32 s10, v23;
	[tilespmem:s14+$0x90] =	vst v33;
	v27 =	vld.idx.msk [tilespmem:v58+s13+$0x0], $0xffff  }
0x450: {  	v37 =	vor.u32 s12, v20;
	[tilespmem:s14+$0x110] =	vst v59;
	v33 =	vld.idx.msk [tilespmem:v60+s13+$0x0], $0xffff  }
0x451: {  	v38 =	vor.u32 s6, v20;
	[tilespmem:s14+$0x10] =	vst v1;
	v1 =	vld.idx.msk [tilespmem:v61+s13+$0x0], $0xffff  }
0x452: {  	v39 =	vor.u32 s24, v20;
	[tilespmem:s9+$0xFFFFE150] =	vst v41;
	v22 =	vld.idx.msk [tilespmem:v62+s13+$0x0], $0xffff  }
0x453: {  	v24 =	vld.idx.msk [tilespmem:v57+s13+$0x0], $0xffff;
	[tilespmem:s9+$0xFFFFE0D0] =	vst v2;
	v2 =	vor.u32 s8, v20  }
0x454: {  	v42 =	vor.u32 s1, v21;
	v40 =	vld.idx.msk [tilespmem:v63+s13+$0x0], $0xffff;
	[tilespmem:s14+$0xFFFFE1A0] =	vst v27  }
0x455: {  	v48 =	vor.u32 s5, v23;
	[tilespmem:s14+$0xFFFFE0A0] =	vst v33;
	v25 =	vld.idx.msk [tilespmem:v37+s13+$0x0], $0xffff  }
0x456: {  	v29 =	vld.idx.msk [tilespmem:v38+s13+$0x0], $0xffff;
	[tilespmem:s14+$0xFFFFE120] =	vst v1;
	v1 =	vor.u32 s12, v19  }
0x457: {  	v45 =	vor.u32 s6, v19;
	[tilespmem:s14+$0xFFFFE020] =	vst v22;
	v44 =	vld.idx.msk [tilespmem:v39+s13+$0x0], $0xffff  }
0x458: {  	v46 =	vor.u32 s24, v19;
	[tilespmem:s9+$0x40] =	vst v24;
	v2 =	vld.idx.msk [tilespmem:v2+s13+$0x0], $0xffff  }
0x459: {  	v47 =	vor.u32 s8, v19;
	[tilespmem:s9+$0x1D0] =	vst v40;
	v28 =	vld.idx.msk [tilespmem:v42+s13+$0x0], $0xffff  }
0x45a: {  	v43 =	vor.u32 s10, v26;
	v20 =	vld.idx.msk [tilespmem:v48+s13+$0x0], $0xffff;
	[tilespmem:s14+$0x1A0] =	vst v25  }
0x45b: {  	v49 =	vor.u32 s0, v23;
	[tilespmem:s14+$0xA0] =	vst v29;
	v1 =	vld.idx.msk [tilespmem:v1+s13+$0x0], $0xffff  }
0x45c: {  	v50 =	vor.u32 s12, v17;
	v24 =	vld.idx.msk [tilespmem:v45+s13+$0x0], $0xffff;
	[tilespmem:s14+$0x120] =	vst v44  }
0x45d: {  	v51 =	vor.u32 s6, v17;
	[tilespmem:s14+$0x20] =	vst v2;
	v2 =	vld.idx.msk [tilespmem:v46+s13+$0x0], $0xffff  }
0x45e: {  	v52 =	vor.u32 s24, v17;
	[tilespmem:s9+$0xFFFFE050] =	vst v28;
	v19 =	vld.idx.msk [tilespmem:v47+s13+$0x0], $0xffff  }
0x45f: {  	v17 =	vor.u32 s8, v17;
	v27 =	vld.idx.msk [tilespmem:v43+s13+$0x0], $0xffff;
	[tilespmem:s9+$0xD0] =	vst v20  }
0x460: {  	v53 =	vor.u32 s10, v30;
	v25 =	vld.idx.msk [tilespmem:v49+s13+$0x0], $0xffff;
	[tilespmem:s14+$0xFFFFE1B0] =	vst v1  }
0x461: {  	v1 =	vor.u32 s1, v23;
	[tilespmem:s14+$0xFFFFE0B0] =	vst v24;
	v22 =	vld.idx.msk [tilespmem:v50+s13+$0x0], $0xffff  }
0x462: {  	v24 =	vld.idx.msk [tilespmem:v51+s13+$0x0], $0xffff;
	[tilespmem:s14+$0xFFFFE130] =	vst v2;
	v2 =	vor.u32 s12, v16  }
0x463: {  	v55 =	vor.u32 s6, v16;
	[tilespmem:s14+$0xFFFFE030] =	vst v19;
	v54 =	vld.idx.msk [tilespmem:v52+s13+$0x0], $0xffff  }
0x464: {  	v56 =	vor.u32 s24, v16;
	[tilespmem:s9+$0xFFFFE1E0] =	vst v27;
	v17 =	vld.idx.msk [tilespmem:v17+s13+$0x0], $0xffff  }
0x465: {  	v27 =	vld.idx.msk [tilespmem:v53+s13+$0x0], $0xffff;
	[tilespmem:s9+$0x150] =	vst v25;
	v16 =	vor.u32 s8, v16  }
0x466: {  	v57 =	vor.u32 s5, v26;
	v1 =	vld.idx.msk [tilespmem:v1+s13+$0x0], $0xffff;
	[tilespmem:s14+$0x1B0] =	vst v22  }
0x467: {  	v58 =	vor.u32 s10, v31;
	[tilespmem:s14+$0xB0] =	vst v24;
	v2 =	vld.idx.msk [tilespmem:v2+s13+$0x0], $0xffff  }
0x468: {  	v59 =	vor.u32 s12, v18;
	v24 =	vld.idx.msk [tilespmem:v55+s13+$0x0], $0xffff;
	[tilespmem:s14+$0x130] =	vst v54  }
0x469: {  	v60 =	vor.u32 s6, v18;
	[tilespmem:s14+$0x30] =	vst v17;
	v17 =	vld.idx.msk [tilespmem:v56+s13+$0x0], $0xffff  }
0x46a: {  	v61 =	vor.u32 s24, v18;
	[tilespmem:s9+$0x1E0] =	vst v27;
	v16 =	vld.idx.msk [tilespmem:v16+s13+$0x0], $0xffff  }
0x46b: {  	v25 =	vld.idx.msk [tilespmem:v57+s13+$0x0], $0xffff;
	[tilespmem:s9+$0x50] =	vst v1;
	v1 =	vor.u32 s8, v18  }
0x46c: {  	v62 =	vor.u32 s0, v26;
	v22 =	vld.idx.msk [tilespmem:v58+s13+$0x0], $0xffff;
	[tilespmem:s14+$0xFFFFE1C0] =	vst v2  }
0x46d: {  	v2 =	vor.u32 s1, v26;
	[tilespmem:s14+$0xFFFFE0C0] =	vst v24;
	v19 =	vld.idx.msk [tilespmem:v59+s13+$0x0], $0xffff  }
0x46e: {  	v63 =	vor.u32 s12, v21;
	[tilespmem:s14+$0xFFFFE140] =	vst v17;
	v17 =	vld.idx.msk [tilespmem:v60+s13+$0x0], $0xffff  }
0x46f: {  	v28 =	vor.u32 s6, v21;
	[tilespmem:s14+$0xFFFFE040] =	vst v16;
	v16 =	vld.idx.msk [tilespmem:v61+s13+$0x0], $0xffff  }
0x470: {  	v29 =	vor.u32 s24, v21;
	[tilespmem:s9+$0xFFFFE0E0] =	vst v25;
	v1 =	vld.idx.msk [tilespmem:v1+s13+$0x0], $0xffff  }
0x471: {  	v33 =	vor.u32 s8, v21;
	v18 =	vld.idx.msk [tilespmem:v62+s13+$0x0], $0xffff;
	[tilespmem:s9+$0xFFFFE1F0] =	vst v22  }
0x472: {  	v34 =	vor.u32 s10, v32;
	v2 =	vld.idx.msk [tilespmem:v2+s13+$0x0], $0xffff;
	[tilespmem:s14+$0x1C0] =	vst v19  }
0x473: {  	v39 =	vor.u32 s0, v30;
	[tilespmem:s14+$0xC0] =	vst v17;
	v20 =	vld.idx.msk [tilespmem:v63+s13+$0x0], $0xffff  }
0x474: {  	v17 =	vor.u32 s12, v23;
	v24 =	vld.idx.msk [tilespmem:v28+s13+$0x0], $0xffff;
	[tilespmem:s14+$0x140] =	vst v16  }
0x475: {  	v36 =	vor.u32 s6, v23;
	v16 =	vld.idx.msk [tilespmem:v29+s13+$0x0], $0xffff;
	[tilespmem:s14+$0x40] =	vst v1  }
0x476: {  	v37 =	vor.u32 s24, v23;
	[tilespmem:s9+$0xFFFFE160] =	vst v18;
	v1 =	vld.idx.msk [tilespmem:v33+s13+$0x0], $0xffff  }
0x477: {  	v38 =	vld.idx.msk [tilespmem:v34+s13+$0x0], $0xffff;
	[tilespmem:s9+$0xFFFFE060] =	vst v2;
	v2 =	vor.u32 s8, v23  }
0x478: {  	v35 =	vor.u32 s5, v30;
	v43 =	vld.idx.msk [tilespmem:v39+s13+$0x0], $0xffff;
	[tilespmem:s14+$0xFFFFE1D0] =	vst v20  }
0x479: {  	v40 =	vor.u32 s1, v30;
	[tilespmem:s14+$0xFFFFE0D0] =	vst v24;
	v17 =	vld.idx.msk [tilespmem:v17+s13+$0x0], $0xffff  }
0x47a: {  	v41 =	vor.u32 s12, v26;
	v24 =	vld.idx.msk [tilespmem:v36+s13+$0x0], $0xffff;
	[tilespmem:s14+$0xFFFFE150] =	vst v16  }
0x47b: {  	v16 =	vor.u32 s6, v26;
	[tilespmem:s14+$0xFFFFE050] =	vst v1;
	v1 =	vld.idx.msk [tilespmem:v37+s13+$0x0], $0xffff  }
0x47c: {  	v42 =	vor.u32 s24, v26;
	[tilespmem:s9+$0x1F0] =	vst v38;
	v2 =	vld.idx.msk [tilespmem:v2+s13+$0x0], $0xffff  }
0x47d: {  	v44 =	vor.u32 s8, v26;
	v19 =	vld.idx.msk [tilespmem:v35+s13+$0x0], $0xffff;
	[tilespmem:s9+$0x160] =	vst v43  }
0x47e: {  	v45 =	vor.u32 s5, v31;
	v20 =	vld.idx.msk [tilespmem:v40+s13+$0x0], $0xffff;
	[tilespmem:s14+$0x1D0] =	vst v17  }
0x47f: {  	v17 =	vor.u32 s0, v31;
	[tilespmem:s14+$0xD0] =	vst v24;
	v23 =	vld.idx.msk [tilespmem:v41+s13+$0x0], $0xffff  }
0x480: {  	v46 =	vor.u32 s12, v30;
	v16 =	vld.idx.msk [tilespmem:v16+s13+$0x0], $0xffff;
	[tilespmem:s14+$0x150] =	vst v1  }
0x481: {  	v47 =	vor.u32 s6, v30;
	v1 =	vld.idx.msk [tilespmem:v42+s13+$0x0], $0xffff;
	[tilespmem:s14+$0x50] =	vst v2  }
0x482: {  	v48 =	vor.u32 s24, v30;
	[tilespmem:s9+$0xE0] =	vst v19;
	v2 =	vld.idx.msk [tilespmem:v44+s13+$0x0], $0xffff  }
0x483: {  	v50 =	vor.u32 s8, v30;
	v49 =	vld.idx.msk [tilespmem:v45+s13+$0x0], $0xffff;
	[tilespmem:s9+$0x60] =	vst v20  }
0x484: {  	v51 =	vor.u32 s1, v31;
	v17 =	vld.idx.msk [tilespmem:v17+s13+$0x0], $0xffff;
	[tilespmem:s14+$0xFFFFE1E0] =	vst v23  }
0x485: {  	v52 =	vor.u32 s5, v32;
	[tilespmem:s14+$0xFFFFE0E0] =	vst v16;
	v24 =	vld.idx.msk [tilespmem:v46+s13+$0x0], $0xffff  }
0x486: {  	v16 =	vor.u32 s12, v31;
	v18 =	vld.idx.msk [tilespmem:v47+s13+$0x0], $0xffff;
	[tilespmem:s14+$0xFFFFE160] =	vst v1  }
0x487: {  	[tilespmem:s14+$0xFFFFE060] =	vst v2;
	v1 =	vld.idx.msk [tilespmem:v48+s13+$0x0], $0xffff;
	v2 =	vor.u32 s6, v31  }
0x488: {  	v54 =	vor.u32 s24, v31;
	[tilespmem:s9+$0xFFFFE0F0] =	vst v49;
	v53 =	vld.idx.msk [tilespmem:v50+s13+$0x0], $0xffff  }
0x489: {  	v55 =	vld.idx.msk [tilespmem:v51+s13+$0x0], $0xffff;
	[tilespmem:s9+$0xFFFFE170] =	vst v17;
	v17 =	vor.u32 s8, v31  }
0x48a: {  	v57 =	vor.u32 s1, v32;
	v23 =	vld.idx.msk [tilespmem:v52+s13+$0x0], $0xffff;
	[tilespmem:s14+$0x1E0] =	vst v24  }
0x48b: {  	v56 =	vor.u32 s0, v32;
	[tilespmem:s14+$0xE0] =	vst v18;
	v16 =	vld.idx.msk [tilespmem:v16+s13+$0x0], $0xffff  }
0x48c: {  	v58 =	vor.u32 s12, v32;
	v2 =	vld.idx.msk [tilespmem:v2+s13+$0x0], $0xffff;
	[tilespmem:s14+$0x160] =	vst v1  }
0x48d: {  	v59 =	vor.u32 s6, v32;
	[tilespmem:s14+$0x60] =	vst v53;
	v1 =	vld.idx.msk [tilespmem:v54+s13+$0x0], $0xffff  }
0x48e: {  	v60 =	vor.u32 s24, v32;
	[tilespmem:s9+$0xFFFFE070] =	vst v55;
	v17 =	vld.idx.msk [tilespmem:v17+s13+$0x0], $0xffff  }
0x48f: {  	v62 =	vor.u32 s8, v32;
	v63 =	vld.idx.msk [tilespmem:v57+s13+$0x0], $0xffff;
	[tilespmem:s9+$0xF0] =	vst v23  }
0x490: {  	v61 =	vld.idx.msk [tilespmem:v56+s13+$0x0], $0xffff;
	[tilespmem:s14+$0xFFFFE1F0] =	vst v16  }
0x491: {  	[tilespmem:s14+$0xFFFFE0F0] =	vst v2;
	v16 =	vld.idx.msk [tilespmem:v58+s13+$0x0], $0xffff  }
0x492: {  	v2 =	vld.idx.msk [tilespmem:v59+s13+$0x0], $0xffff;
	[tilespmem:s14+$0xFFFFE170] =	vst v1  }
0x493: {  	[tilespmem:s14+$0xFFFFE070] =	vst v17;
	v1 =	vld.idx.msk [tilespmem:v60+s13+$0x0], $0xffff  }
0x494: {  	s25 =	sadd.s32 $0x1, s25;
	[tilespmem:s9+$0x70] =	vst v63;
	v17 =	vld.idx.msk [tilespmem:v62+s13+$0x0], $0xffff  }
0x495: {  	p0 =	sne.s32 s25, $0x32;
	[tilespmem:s9+$0x170] =	vst v61  }
.Ltmp3:
0x496: {  	[tilespmem:s14+$0x1F0] =	vst v16;
	(pc) =	sbr.rel @p0 .LBB2_4-.Ltmp3, $4  }
0x497: {  	s29 =	sshll.u32 s28, $0x12;
	s30 =	sadd.s32 s26, s7;
	[tilespmem:s14+$0xF0] =	vst v2  }
0x498: {  	s1 =	sshll.u32 s30, $0x7;
	s0 =	sadd.s32 s2, s29;
	[tilespmem:s14+$0x170] =	vst v1  }
0x499: {  	s31 =	simm.s32 $0x16600;
	s0 =	sadd.s32 s1, s0;
	[tilespmem:s14+$0x70] =	vst v17  }
0x49a: {  	[hbm4b:s0+s17] =	stream.strided.scatter [tilespmem:s31], [sflag:$0x3], $0x4000, s18, s17, $0x38;
	[tilespmem:$0x1E600] =	vst v63  }
0x49b: {  	_ =	swait.ge [sflag:s20], $0x8000  }
0x49c: {  	v1 =	vadd.s32 $0x4B30, v0;
	[sflag:s20] =	ssyncset.done $0x0  }
0x49d: {  	s25 =	simm.s32 $0x4;
	[sflag:s20] =	ssyncadd.s32 $0xFFFF8000  }
0x49e: {  	v2 =	vadd.s32 $0x4E50, v0;
	_ =	swait.ge [sflag:s25], $0x4000  }
0x49f: {  	v19 =	vadd.s32 $0x5AD0, v0;
	[sflag:s25] =	ssyncset.done $0x0  }
0x4a0: {  	v16 =	vadd.s32 $0x5170, v0;
	s12 =	simm.s32 $0x0;
	[sflag:s25] =	ssyncadd.s32 $0xFFFFC000  }
0x4a1: {  	v17 =	vadd.s32 $0x5490, v0;
	v1 =	vld.idx.msk [tilespmem:v1+s12+$0x0], $0xffff  }
0x4a2: {  	v20 =	vadd.s32 $0x5DF0, v0;
	v27 =	vld [tilespmem:$0x1FFE0]  }
0x4a3: {  	v22 =	vadd.s32 $0x6110, v0;
	v2 =	vld.idx.msk [tilespmem:v2+s12+$0x0], $0xffff  }
0x4a4: {  	v21 =	vld.idx.msk [tilespmem:v19+s12+$0x0], $0xffff;
	v19 =	vadd.s32 $0x5171, v0  }
0x4a5: {  	v23 =	vadd.s32 $0x4B31, v0;
	v16 =	vld.idx.msk [tilespmem:v16+s12+$0x0], $0xffff  }
0x4a6: {  	v28 =	vadd.s32 $0x5DF1, v0;
	v17 =	vld.idx.msk [tilespmem:v17+s12+$0x0], $0xffff;
	v1 =	vshll.u32 v1, $0x6  }
0x4a7: {  	v26 =	vld.idx.msk [tilespmem:v20+s12+$0x0], $0xffff;
	v1 =	vand.u32 $0x40, v1  }
0x4a8: {  	s24 =	simm.s32 $0x3;
	v20 =	vadd.s32 $0x5491, v0;
	v31 =	vld.idx.msk [tilespmem:v22+s12+$0x0], $0xffff;
	v27 =	vor.u32 v27, v1  }
0x4a9: {  	v1 =	vld.idx.msk [tilespmem:v19+s12+$0x0], $0xffff;
	v19 =	vor.u32 s24, v27  }
0x4aa: {  	v18 =	vadd.s32 $0x57B0, v0;
	v25 =	vld.idx.msk [tilespmem:v23+s12+$0x0], $0xffff  }
0x4ab: {  	v24 =	vadd.s32 $0x4E51, v0;
	v30 =	vld.idx.msk [tilespmem:v28+s12+$0x0], $0xffff  }
0x4ac: {  	v22 =	vadd.s32 $0x57B1, v0;
	v28 =	vld [tilespmem:$0x1FF00]  }
0x4ad: {  	v23 =	vadd.s32 $0x5AD1, v0;
	v29 =	vld.idx.msk [tilespmem:v20+s12+$0x0], $0xffff  }
0x4ae: {  	v20 =	vadd.s32 $0x6111, v0;
	v19 =	vld.idx.msk [tilespmem:v19+s15+$0x0], $0xffff  }
0x4af: {  	v18 =	vld.idx.msk [tilespmem:v18+s12+$0x0], $0xffff  }
0x4b0: {  	s14 =	simm.s32 $0x1;
	v24 =	vld.idx.msk [tilespmem:v24+s12+$0x0], $0xffff  }
0x4b1: {  	s19 =	simm.s32 $0x2;
	v33 =	vld.idx.msk [tilespmem:v22+s12+$0x0], $0xffff;
	v25 =	vshll.u32 v25, $0x6;
	v22 =	vor.u32 s14, v27  }
0x4b2: {  	s23 =	simm.s32 $0x1C600;
	v23 =	vld.idx.msk [tilespmem:v23+s12+$0x0], $0xffff;
	v25 =	vand.u32 $0x40, v25;
	v34 =	vor.u32 s19, v27  }
0x4b3: {  	v28 =	vor.u32 v28, v25;
	v35 =	vor.u32 s12, v27;
	v32 =	vld.idx.msk [tilespmem:v20+s12+$0x0], $0xffff;
	[tilespmem:s23+$0xFFFFE180] =	vst v19  }
0x4b4: {  	v20 =	vor.u32 s24, v28;
	v19 =	vld [tilespmem:$0x1FF10];
	_ =	sdelay $0x1  }
0x4b5: {  	v22 =	vld.idx.msk [tilespmem:v22+s15+$0x0], $0xffff  }
0x4b6: {  	v2 =	vshll.u32 v2, $0x6;
	v34 =	vld.idx.msk [tilespmem:v34+s15+$0x0], $0xffff  }
0x4b7: {  	v2 =	vand.u32 $0x40, v2;
	v35 =	vld.idx.msk [tilespmem:v35+s15+$0x0], $0xffff  }
0x4b8: {  	v25 =	vor.u32 v19, v2;
	v2 =	vld.idx.msk [tilespmem:v20+s15+$0x0], $0xffff;
	_ =	sdelay $0x1  }
0x4b9: {  	[tilespmem:s23+$0xFFFFE080] =	vst v22  }
0x4ba: {  	v36 =	vor.u32 s14, v28;
	[tilespmem:s23+$0xFFFFE100] =	vst v34  }
0x4bb: {  	v37 =	vor.u32 s19, v28;
	[tilespmem:s23+$0xFFFFE000] =	vst v35  }
0x4bc: {  	v38 =	vor.u32 s12, v28;
	[tilespmem:s23+$0x180] =	vst v2  }
0x4bd: {  	v19 =	vor.u32 s24, v25;
	v2 =	vld [tilespmem:$0x1FF20];
	_ =	sdelay $0x1  }
0x4be: {  	v20 =	vld.idx.msk [tilespmem:v36+s15+$0x0], $0xffff  }
0x4bf: {  	v24 =	vshll.u32 v24, $0x6;
	v22 =	vld.idx.msk [tilespmem:v37+s15+$0x0], $0xffff  }
0x4c0: {  	v24 =	vand.u32 $0x40, v24;
	v35 =	vld.idx.msk [tilespmem:v38+s15+$0x0], $0xffff  }
0x4c1: {  	v24 =	vor.u32 v2, v24;
	v2 =	vld.idx.msk [tilespmem:v19+s15+$0x0], $0xffff;
	_ =	sdelay $0x1  }
0x4c2: {  	[tilespmem:s23+$0x80] =	vst v20  }
0x4c3: {  	v59 =	vor.u32 s14, v25;
	[tilespmem:s23+$0x100] =	vst v22  }
0x4c4: {  	v60 =	vor.u32 s19, v25;
	[tilespmem:s23+$0x0] =	vst v35  }
0x4c5: {  	v61 =	vor.u32 s12, v25;
	[tilespmem:s23+$0xFFFFE190] =	vst v2  }
0x4c6: {  	v19 =	vor.u32 s24, v24;
	v2 =	vld [tilespmem:$0x1FF30];
	_ =	sdelay $0x1  }
0x4c7: {  	v20 =	vld.idx.msk [tilespmem:v59+s15+$0x0], $0xffff  }
0x4c8: {  	v16 =	vshll.u32 v16, $0x6;
	v62 =	vld.idx.msk [tilespmem:v60+s15+$0x0], $0xffff  }
0x4c9: {  	v16 =	vand.u32 $0x40, v16;
	v40 =	vld.idx.msk [tilespmem:v61+s15+$0x0], $0xffff  }
0x4ca: {  	v22 =	vor.u32 v2, v16;
	v2 =	vld.idx.msk [tilespmem:v19+s15+$0x0], $0xffff;
	_ =	sdelay $0x1  }
0x4cb: {  	[tilespmem:s23+$0xFFFFE090] =	vst v20  }
0x4cc: {  	v63 =	vor.u32 s14, v24;
	[tilespmem:s23+$0xFFFFE110] =	vst v62  }
0x4cd: {  	v41 =	vor.u32 s19, v24;
	[tilespmem:s23+$0xFFFFE010] =	vst v40  }
0x4ce: {  	v42 =	vor.u32 s12, v24;
	[tilespmem:s23+$0x190] =	vst v2  }
0x4cf: {  	v16 =	vor.u32 s24, v22;
	v2 =	vld [tilespmem:$0x1FF40];
	_ =	sdelay $0x1  }
0x4d0: {  	v19 =	vld.idx.msk [tilespmem:v63+s15+$0x0], $0xffff  }
0x4d1: {  	v1 =	vshll.u32 v1, $0x6;
	v34 =	vld.idx.msk [tilespmem:v41+s15+$0x0], $0xffff  }
0x4d2: {  	v1 =	vand.u32 $0x40, v1;
	v36 =	vld.idx.msk [tilespmem:v42+s15+$0x0], $0xffff  }
0x4d3: {  	v20 =	vor.u32 v2, v1;
	v1 =	vld.idx.msk [tilespmem:v16+s15+$0x0], $0xffff;
	_ =	sdelay $0x1  }
0x4d4: {  	[tilespmem:s23+$0x90] =	vst v19  }
0x4d5: {  	v43 =	vor.u32 s14, v22;
	[tilespmem:s23+$0x110] =	vst v34  }
0x4d6: {  	v44 =	vor.u32 s19, v22;
	[tilespmem:s23+$0x10] =	vst v36  }
0x4d7: {  	v45 =	vor.u32 s12, v22;
	[tilespmem:s23+$0xFFFFE1A0] =	vst v1  }
0x4d8: {  	v2 =	vor.u32 s24, v20;
	v1 =	vld [tilespmem:$0x1FF50];
	_ =	sdelay $0x1  }
0x4d9: {  	v16 =	vld.idx.msk [tilespmem:v43+s15+$0x0], $0xffff  }
0x4da: {  	v17 =	vshll.u32 v17, $0x6;
	v34 =	vld.idx.msk [tilespmem:v44+s15+$0x0], $0xffff  }
0x4db: {  	v17 =	vand.u32 $0x40, v17;
	v36 =	vld.idx.msk [tilespmem:v45+s15+$0x0], $0xffff  }
0x4dc: {  	v19 =	vor.u32 v1, v17;
	v1 =	vld.idx.msk [tilespmem:v2+s15+$0x0], $0xffff;
	_ =	sdelay $0x1  }
0x4dd: {  	[tilespmem:s23+$0xFFFFE0A0] =	vst v16  }
0x4de: {  	v46 =	vor.u32 s14, v20;
	[tilespmem:s23+$0xFFFFE120] =	vst v34  }
0x4df: {  	v47 =	vor.u32 s19, v20;
	[tilespmem:s23+$0xFFFFE020] =	vst v36  }
0x4e0: {  	v48 =	vor.u32 s12, v20;
	[tilespmem:s23+$0x1A0] =	vst v1  }
0x4e1: {  	v2 =	vor.u32 s24, v19;
	v1 =	vld [tilespmem:$0x1FF60];
	_ =	sdelay $0x1  }
0x4e2: {  	v16 =	vld.idx.msk [tilespmem:v46+s15+$0x0], $0xffff  }
0x4e3: {  	v34 =	vld.idx.msk [tilespmem:v47+s15+$0x0], $0xffff;
	v17 =	vshll.u32 v29, $0x6;
	v49 =	vor.u32 s14, v19  }
0x4e4: {  	v29 =	vld.idx.msk [tilespmem:v48+s15+$0x0], $0xffff;
	v50 =	vor.u32 s19, v19;
	v17 =	vand.u32 $0x40, v17  }
0x4e5: {  	v51 =	vor.u32 s12, v19;
	v17 =	vor.u32 v1, v17;
	v1 =	vld.idx.msk [tilespmem:v2+s15+$0x0], $0xffff;
	_ =	sdelay $0x1  }
0x4e6: {  	[tilespmem:s23+$0xA0] =	vst v16;
	v2 =	vor.u32 s24, v17  }
0x4e7: {  	[tilespmem:s23+$0x120] =	vst v34;
	v35 =	vld.idx.msk [tilespmem:v49+s15+$0x0], $0xffff  }
0x4e8: {  	[tilespmem:s23+$0x20] =	vst v29;
	v29 =	vld.idx.msk [tilespmem:v50+s15+$0x0], $0xffff  }
0x4e9: {  	v16 =	vshll.u32 v18, $0x6;
	v18 =	vld.idx.msk [tilespmem:v51+s15+$0x0], $0xffff;
	[tilespmem:s23+$0xFFFFE1B0] =	vst v1  }
0x4ea: {  	v52 =	vor.u32 s14, v17;
	v1 =	vld [tilespmem:$0x1FF70]  }
0x4eb: {  	v53 =	vor.u32 s19, v17;
	v2 =	vld.idx.msk [tilespmem:v2+s15+$0x0], $0xffff;
	_ =	sdelay $0x1  }
0x4ec: {  	[tilespmem:s23+$0xFFFFE0B0] =	vst v35  }
0x4ed: {  	v16 =	vand.u32 $0x40, v16;
	v54 =	vor.u32 s12, v17;
	[tilespmem:s23+$0xFFFFE130] =	vst v29  }
0x4ee: {  	[tilespmem:s23+$0xFFFFE030] =	vst v18;
	v34 =	vld.idx.msk [tilespmem:v52+s15+$0x0], $0xffff;
	v16 =	vor.u32 v1, v16  }
0x4ef: {  	v29 =	vld.idx.msk [tilespmem:v53+s15+$0x0], $0xffff;
	[tilespmem:s23+$0x1B0] =	vst v2;
	v55 =	vor.u32 s24, v16  }
0x4f0: {  	v2 =	vld [tilespmem:$0x1FF80]  }
0x4f1: {  	v57 =	vor.u32 s14, v16  }
0x4f2: {  	v58 =	vld.idx.msk [tilespmem:v54+s15+$0x0], $0xffff;
	v59 =	vor.u32 s19, v16  }
0x4f3: {  	s10 =	simm.s32 $0x7;
	v18 =	vshll.u32 v33, $0x6;
	v39 =	vor.u32 s12, v16  }
0x4f4: {  	v18 =	vand.u32 $0x40, v18;
	[tilespmem:s23+$0x130] =	vst v29;
	v29 =	vor.u32 s10, v27;
	v35 =	vld.idx.msk [tilespmem:v55+s15+$0x0], $0xffff  }
0x4f5: {  	[tilespmem:s23+$0xB0] =	vst v34;
	v18 =	vor.u32 v2, v18  }
0x4f6: {  	v36 =	vld.idx.msk [tilespmem:v57+s15+$0x0], $0xffff;
	v60 =	vor.u32 s24, v18  }
0x4f7: {  	s5 =	simm.s32 $0x5;
	[tilespmem:s23+$0x30] =	vst v58;
	v61 =	vld.idx.msk [tilespmem:v59+s15+$0x0], $0xffff  }
0x4f8: {  	s1 =	simm.s32 $0x4;
	v56 =	vor.u32 s5, v27;
	v39 =	vld.idx.msk [tilespmem:v39+s15+$0x0], $0xffff  }
0x4f9: {  	s0 =	simm.s32 $0x6;
	v1 =	vor.u32 s1, v27;
	v29 =	vld.idx.msk [tilespmem:v29+s15+$0x0], $0xffff;
	[tilespmem:s23+$0xFFFFE1C0] =	vst v35  }
0x4fa: {  	v2 =	vor.u32 s0, v27;
	v42 =	vld [tilespmem:$0x1FF90]  }
0x4fb: {  	v62 =	vor.u32 s14, v18;
	v34 =	vld.idx.msk [tilespmem:v60+s15+$0x0], $0xffff  }
0x4fc: {  	[tilespmem:s23+$0xFFFFE0C0] =	vst v36  }
0x4fd: {  	v21 =	vshll.u32 v21, $0x6;
	v38 =	vld.idx.msk [tilespmem:v56+s15+$0x0], $0xffff;
	v40 =	vor.u32 s19, v18;
	[tilespmem:s23+$0xFFFFE140] =	vst v61  }
0x4fe: {  	s9 =	simm.s32 $0x1C800;
	v21 =	vand.u32 $0x40, v21;
	v46 =	vor.u32 s10, v28;
	v1 =	vld.idx.msk [tilespmem:v1+s15+$0x0], $0xffff;
	[tilespmem:s23+$0xFFFFE040] =	vst v39  }
0x4ff: {  	v41 =	vor.u32 s12, v18;
	v2 =	vld.idx.msk [tilespmem:v2+s15+$0x0], $0xffff;
	[tilespmem:s9+$0xFFFFE180] =	vst v29;
	v21 =	vor.u32 v42, v21  }
0x500: {  	v37 =	vld.idx.msk [tilespmem:v62+s15+$0x0], $0xffff;
	[tilespmem:s23+$0x1C0] =	vst v34;
	v42 =	vor.u32 s24, v21  }
0x501: {  	v43 =	vor.u32 s5, v28;
	v50 =	vld [tilespmem:$0x1FFA0]  }
0x502: {  	v47 =	vor.u32 s0, v28;
	v40 =	vld.idx.msk [tilespmem:v40+s15+$0x0], $0xffff  }
0x503: {  	v49 =	vor.u32 s1, v28;
	v51 =	vld.idx.msk [tilespmem:v46+s15+$0x0], $0xffff  }
0x504: {  	v23 =	vshll.u32 v23, $0x6;
	v54 =	vor.u32 s10, v25;
	v41 =	vld.idx.msk [tilespmem:v41+s15+$0x0], $0xffff;
	[tilespmem:s9+$0xFFFFE080] =	vst v38  }
0x505: {  	v23 =	vand.u32 $0x40, v23;
	v29 =	vor.u32 s14, v21;
	[tilespmem:s9+$0xFFFFE100] =	vst v2;
	v34 =	vld.idx.msk [tilespmem:v42+s15+$0x0], $0xffff  }
0x506: {  	[tilespmem:s9+$0xFFFFE000] =	vst v1;
	v53 =	vld.idx.msk [tilespmem:v43+s15+$0x0], $0xffff;
	v23 =	vor.u32 v50, v23  }
0x507: {  	[tilespmem:s23+$0xC0] =	vst v37;
	v1 =	vld.idx.msk [tilespmem:v47+s15+$0x0], $0xffff;
	v2 =	vor.u32 s24, v23  }
0x508: {  	[tilespmem:s9+$0x180] =	vst v51;
	v36 =	vld.idx.msk [tilespmem:v49+s15+$0x0], $0xffff  }
0x509: {  	s8 =	simm.s32 $0x8;
	[tilespmem:s23+$0x140] =	vst v40;
	v35 =	vld.idx.msk [tilespmem:v54+s15+$0x0], $0xffff  }
0x50a: {  	v63 =	vor.u32 s8, v27;
	v29 =	vld.idx.msk [tilespmem:v29+s15+$0x0], $0xffff;
	[tilespmem:s23+$0xFFFFE1D0] =	vst v34  }
0x50b: {  	v55 =	vor.u32 s5, v25;
	v38 =	vld [tilespmem:$0x1FFB0];
	[tilespmem:s9+$0x80] =	vst v53  }
0x50c: {  	v56 =	vor.u32 s0, v25;
	v2 =	vld.idx.msk [tilespmem:v2+s15+$0x0], $0xffff;
	[tilespmem:s9+$0x100] =	vst v1  }
0x50d: {  	[tilespmem:s9+$0x0] =	vst v36  }
0x50e: {  	v26 =	vshll.u32 v26, $0x6;
	v57 =	vor.u32 s1, v25;
	[tilespmem:s23+$0x40] =	vst v41  }
0x50f: {  	v26 =	vand.u32 $0x40, v26;
	v33 =	vld.idx.msk [tilespmem:v63+s15+$0x0], $0xffff;
	v52 =	vor.u32 s19, v21;
	[tilespmem:s23+$0xFFFFE0D0] =	vst v29  }
0x510: {  	v58 =	vor.u32 s12, v21;
	[tilespmem:s9+$0xFFFFE190] =	vst v35;
	v42 =	vld.idx.msk [tilespmem:v55+s15+$0x0], $0xffff;
	v26 =	vor.u32 v38, v26  }
0x511: {  	v60 =	vld.idx.msk [tilespmem:v56+s15+$0x0], $0xffff;
	[tilespmem:s23+$0x1D0] =	vst v2;
	v1 =	vor.u32 s24, v26  }
0x512: {  	v61 =	vor.u32 s10, v24;
	v29 =	vshll.u32 v30, $0x6;
	v30 =	vld [tilespmem:$0x1FFC0]  }
0x513: {  	s6 =	simm.s32 $0x9;
	v40 =	vld.idx.msk [tilespmem:v57+s15+$0x0], $0xffff  }
0x514: {  	v45 =	vor.u32 s6, v27;
	v39 =	vld.idx.msk [tilespmem:v52+s15+$0x0], $0xffff  }
0x515: {  	v59 =	vor.u32 s14, v23;
	v34 =	vld.idx.msk [tilespmem:v58+s15+$0x0], $0xffff  }
0x516: {  	v62 =	vor.u32 s5, v24;
	v2 =	vand.u32 $0x40, v29;
	[tilespmem:s9+$0xFFFFE090] =	vst v42;
	v1 =	vld.idx.msk [tilespmem:v1+s15+$0x0], $0xffff  }
0x517: {  	v63 =	vor.u32 s0, v24;
	[tilespmem:s9+$0xFFFFE110] =	vst v60;
	v30 =	vor.u32 v30, v2;
	v2 =	vld.idx.msk [tilespmem:v61+s15+$0x0], $0xffff  }
0x518: {  	[tilespmem:s9+$0xFFFFE010] =	vst v40  }
0x519: {  	v44 =	vor.u32 s1, v24;
	v48 =	vld.idx.msk [tilespmem:v45+s15+$0x0], $0xffff;
	[tilespmem:s23+$0xFFFFE150] =	vst v39  }
0x51a: {  	v47 =	vor.u32 s12, v23;
	v38 =	vld.idx.msk [tilespmem:v59+s15+$0x0], $0xffff;
	[tilespmem:s23+$0xFFFFE050] =	vst v34  }
0x51b: {  	v29 =	vor.u32 s19, v23;
	v49 =	vld.idx.msk [tilespmem:v62+s15+$0x0], $0xffff;
	[tilespmem:s23+$0xFFFFE1E0] =	vst v1  }
0x51c: {  	v31 =	vshll.u32 v31, $0x6;
	v51 =	vld.idx.msk [tilespmem:v63+s15+$0x0], $0xffff;
	v50 =	vor.u32 s24, v30;
	[tilespmem:s9+$0x190] =	vst v2  }
0x51d: {  	v52 =	vor.u32 s10, v22;
	v1 =	vand.u32 $0x40, v31;
	v31 =	vld [tilespmem:$0x1FFD0]  }
0x51e: {  	v54 =	vor.u32 s5, v22;
	v53 =	vld.idx.msk [tilespmem:v44+s15+$0x0], $0xffff  }
0x51f: {  	v55 =	vor.u32 s0, v22;
	v35 =	vld.idx.msk [tilespmem:v47+s15+$0x0], $0xffff  }
0x520: {  	v56 =	vor.u32 s1, v22;
	v29 =	vld.idx.msk [tilespmem:v29+s15+$0x0], $0xffff  }
0x521: {  	v57 =	vor.u32 s19, v26;
	v36 =	vld.idx.msk [tilespmem:v50+s15+$0x0], $0xffff;
	[tilespmem:s9+$0x90] =	vst v49  }
0x522: {  	v2 =	vor.u32 s14, v26;
	[tilespmem:s9+$0x110] =	vst v51;
	v31 =	vor.u32 v31, v1;
	v1 =	vld.idx.msk [tilespmem:v52+s15+$0x0], $0xffff  }
0x523: {  	[tilespmem:s9+$0x10] =	vst v53;
	v58 =	vld.idx.msk [tilespmem:v54+s15+$0x0], $0xffff  }
0x524: {  	v61 =	vor.u32 s5, v20;
	[tilespmem:s23+$0xD0] =	vst v38;
	v39 =	vld.idx.msk [tilespmem:v55+s15+$0x0], $0xffff  }
0x525: {  	v62 =	vor.u32 s0, v20;
	[tilespmem:s23+$0x150] =	vst v29;
	v34 =	vld.idx.msk [tilespmem:v56+s15+$0x0], $0xffff  }
0x526: {  	v63 =	vor.u32 s1, v20;
	v37 =	vld.idx.msk [tilespmem:v57+s15+$0x0], $0xffff;
	[tilespmem:s23+$0x1E0] =	vst v36  }
0x527: {  	v2 =	vld.idx.msk [tilespmem:v2+s15+$0x0], $0xffff;
	[tilespmem:s9+$0xFFFFE1A0] =	vst v1;
	v1 =	vor.u32 s12, v26  }
0x528: {  	v60 =	vor.u32 s10, v20;
	v40 =	vld [tilespmem:$0x1FFF0];
	[tilespmem:s9+$0xFFFFE0A0] =	vst v58  }
0x529: {  	v59 =	vor.u32 s24, v31;
	[tilespmem:s9+$0xFFFFE120] =	vst v39;
	v41 =	vld.idx.msk [tilespmem:v61+s15+$0x0], $0xffff  }
0x52a: {  	v45 =	vor.u32 s14, v30;
	[tilespmem:s9+$0xFFFFE020] =	vst v34;
	v47 =	vld.idx.msk [tilespmem:v62+s15+$0x0], $0xffff  }
0x52b: {  	v29 =	vshll.u32 v32, $0x6;
	v51 =	vor.u32 s5, v19;
	[tilespmem:s23+$0x50] =	vst v35;
	v50 =	vld.idx.msk [tilespmem:v63+s15+$0x0], $0xffff  }
0x52c: {  	v29 =	vand.u32 $0x40, v29;
	v52 =	vor.u32 s0, v19;
	v1 =	vld.idx.msk [tilespmem:v1+s15+$0x0], $0xffff  }
0x52d: {  	[tilespmem:s23+$0xFFFFE0E0] =	vst v2;
	v2 =	vor.u32 s1, v19;
	v32 =	vor.u32 v40, v29;
	v29 =	vld.idx.msk [tilespmem:v60+s15+$0x0], $0xffff  }
0x52e: {  	v53 =	vor.u32 s12, v30;
	v36 =	vld.idx.msk [tilespmem:v59+s15+$0x0], $0xffff;
	[tilespmem:s9+$0xA0] =	vst v41  }
0x52f: {  	v49 =	vor.u32 s10, v19;
	v40 =	vld.idx.msk [tilespmem:v45+s15+$0x0], $0xffff;
	[tilespmem:s9+$0x120] =	vst v47  }
0x530: {  	v46 =	vor.u32 s24, v32;
	s24 =	simm.s32 $0xA;
	[tilespmem:s9+$0x20] =	vst v50;
	v43 =	vld.idx.msk [tilespmem:v51+s15+$0x0], $0xffff  }
0x531: {  	v54 =	vor.u32 s24, v27;
	v35 =	vld.idx.msk [tilespmem:v52+s15+$0x0], $0xffff;
	[tilespmem:s23+$0xFFFFE060] =	vst v1  }
0x532: {  	v2 =	vld.idx.msk [tilespmem:v2+s15+$0x0], $0xffff;
	[tilespmem:s9+$0x1A0] =	vst v29;
	v29 =	vor.u32 s19, v30  }
0x533: {  	v56 =	vor.u32 s5, v17;
	v39 =	vld.idx.msk [tilespmem:v53+s15+$0x0], $0xffff  }
0x534: {  	v57 =	vor.u32 s0, v17;
	[tilespmem:s23+$0xFFFFE1F0] =	vst v36;
	v38 =	vld.idx.msk [tilespmem:v49+s15+$0x0], $0xffff  }
0x535: {  	v55 =	vor.u32 s10, v17;
	[tilespmem:s23+$0xFFFFE160] =	vst v37;
	v36 =	vld.idx.msk [tilespmem:v46+s15+$0x0], $0xffff  }
0x536: {  	v58 =	vor.u32 s14, v31;
	v34 =	vld.idx.msk [tilespmem:v54+s15+$0x0], $0xffff;
	[tilespmem:s9+$0xFFFFE0B0] =	vst v43  }
0x537: {  	[tilespmem:s9+$0xFFFFE130] =	vst v35;
	v1 =	vld.idx.msk [tilespmem:v29+s15+$0x0], $0xffff;
	v29 =	vor.u32 s1, v17  }
0x538: {  	v61 =	vor.u32 s12, v31;
	[tilespmem:s9+$0xFFFFE030] =	vst v2;
	v43 =	vld.idx.msk [tilespmem:v56+s15+$0x0], $0xffff  }
0x539: {  	v60 =	vor.u32 s19, v31;
	v2 =	vld.idx.msk [tilespmem:v57+s15+$0x0], $0xffff;
	[tilespmem:s9+$0xFFFFE1B0] =	vst v38  }
0x53a: {  	v63 =	vor.u32 s5, v16;
	[tilespmem:s23+$0xE0] =	vst v40;
	v59 =	vld.idx.msk [tilespmem:v55+s15+$0x0], $0xffff  }
0x53b: {  	v62 =	vor.u32 s10, v16;
	[tilespmem:s23+$0x60] =	vst v39;
	v38 =	vld.idx.msk [tilespmem:v58+s15+$0x0], $0xffff  }
0x53c: {  	v46 =	vor.u32 s0, v16;
	[tilespmem:s23+$0x1F0] =	vst v36;
	v45 =	vld.idx.msk [tilespmem:v29+s15+$0x0], $0xffff  }
0x53d: {  	v35 =	vor.u32 s1, v16;
	v40 =	vld.idx.msk [tilespmem:v61+s15+$0x0], $0xffff;
	[tilespmem:s23+$0x160] =	vst v1  }
0x53e: {  	[tilespmem:s9+$0xB0] =	vst v43;
	v43 =	vor.u32 s14, v32;
	v39 =	vld.idx.msk [tilespmem:v60+s15+$0x0], $0xffff  }
0x53f: {  	v42 =	vld.idx.msk [tilespmem:v63+s15+$0x0], $0xffff;
	v29 =	vor.u32 s19, v32;
	[tilespmem:s9+$0x1B0] =	vst v59  }
0x540: {  	v44 =	vor.u32 s12, v32;
	[tilespmem:s9+$0x130] =	vst v2;
	v41 =	vld.idx.msk [tilespmem:v62+s15+$0x0], $0xffff  }
0x541: {  	v37 =	vor.u32 s10, v18;
	s12 =	simm.s32 $0xB;
	s14 =	simm.s32 $0xC;
	v36 =	vld.idx.msk [tilespmem:v46+s15+$0x0], $0xffff;
	[tilespmem:s9+$0x30] =	vst v45  }
.LBB2_10:
0x542: {  	p0 =	slt.u32 s14, $0x3C;
	v1 =	vor.u32 s12, v27;
	v2 =	vld.idx.msk [tilespmem:v35+s15+$0x0], $0xffff;
	[tilespmem:s23+$0xFFFFE0F0] =	vst v38  }
0x543: {  	v35 =	vor.u32 s5, v18;
	v38 =	vld.idx.msk [tilespmem:v43+s15+$0x0], $0xffff;
	[tilespmem:s23+$0xFFFFE170] =	vst v39  }
0x544: {  	v39 =	vor.u32 s0, v18;
	[tilespmem:s23+$0xFFFFE070] =	vst v40;
	v29 =	vld.idx.msk [tilespmem:v29+s15+$0x0], $0xffff  }
0x545: {  	v40 =	vor.u32 s1, v18;
	[tilespmem:s9+$0xFFFFE1C0] =	vst v41;
	v41 =	vld.idx.msk [tilespmem:v44+s15+$0x0], $0xffff  }
0x546: {  	s19 =	sadd.s32 $0x1, s14;
	v43 =	vor.u32 s14, v27;
	[tilespmem:s9+$0xFFFFE0C0] =	vst v42;
	v37 =	vld.idx.msk [tilespmem:v37+s15+$0x0], $0xffff  }
0x547: {  	v42 =	vor.u32 s19, v27;
	v1 =	vld.idx.msk [tilespmem:v1+s15+$0x0], $0xffff;
	[tilespmem:s9+$0xFFFFE140] =	vst v36  }
0x548: {  	[tilespmem:s9+$0xFFFFE040] =	vst v2;
	v2 =	vld.idx.msk [tilespmem:v35+s15+$0x0], $0xffff;
	v35 =	vor.u32 s10, v21  }
0x549: {  	v36 =	vor.u32 s12, v28;
	v39 =	vld.idx.msk [tilespmem:v39+s15+$0x0], $0xffff;
	[tilespmem:s23+$0xF0] =	vst v38  }
0x54a: {  	v38 =	vor.u32 s6, v28;
	v40 =	vld.idx.msk [tilespmem:v40+s15+$0x0], $0xffff;
	[tilespmem:s23+$0x170] =	vst v29  }
0x54b: {  	v29 =	vld.idx.msk [tilespmem:v43+s15+$0x0], $0xffff;
	v43 =	vor.u32 s24, v28;
	[tilespmem:s23+$0x70] =	vst v41;
	s23 =	smov.u32 s9  }
0x54c: {  	s9 =	sadd.s32 $0x200, s9;
	v41 =	vld.idx.msk [tilespmem:v42+s15+$0x0], $0xffff;
	v42 =	vor.u32 s8, v28;
	[tilespmem:s23+$0x1C0] =	vst v37  }
0x54d: {  	[tilespmem:s9+$0xFFFFE180] =	vst v1;
	v1 =	vor.u32 s5, v21;
	v35 =	vld.idx.msk [tilespmem:v35+s15+$0x0], $0xffff  }
0x54e: {  	v37 =	vor.u32 s0, v21;
	[tilespmem:s9+$0xFFFFE080] =	vst v48;
	v36 =	vld.idx.msk [tilespmem:v36+s15+$0x0], $0xffff  }
0x54f: {  	v38 =	vld.idx.msk [tilespmem:v38+s15+$0x0], $0xffff;
	[tilespmem:s9+$0xFFFFE100] =	vst v34;
	v34 =	vor.u32 s10, v23  }
0x550: {  	v44 =	vor.u32 s12, v25;
	[tilespmem:s9+$0xFFFFE000] =	vst v33;
	v43 =	vld.idx.msk [tilespmem:v43+s15+$0x0], $0xffff  }
0x551: {  	v45 =	vor.u32 s6, v25;
	v33 =	vmov v29;
	v42 =	vld.idx.msk [tilespmem:v42+s15+$0x0], $0xffff;
	[tilespmem:s23+$0xC0] =	vst v2  }
0x552: {  	v2 =	vor.u32 s24, v25;
	v48 =	vmov v41;
	v1 =	vld.idx.msk [tilespmem:v1+s15+$0x0], $0xffff;
	[tilespmem:s23+$0x140] =	vst v39  }
0x553: {  	v29 =	vor.u32 s8, v25;
	v37 =	vld.idx.msk [tilespmem:v37+s15+$0x0], $0xffff;
	[tilespmem:s23+$0xFFFFE1D0] =	vst v35  }
0x554: {  	v35 =	vor.u32 s1, v21;
	[tilespmem:s9+$0x180] =	vst v36;
	v34 =	vld.idx.msk [tilespmem:v34+s15+$0x0], $0xffff  }
0x555: {  	[tilespmem:s9+$0x80] =	vst v38;
	v36 =	vld.idx.msk [tilespmem:v44+s15+$0x0], $0xffff;
	v38 =	vor.u32 s5, v23  }
0x556: {  	v41 =	vor.u32 s10, v26;
	v39 =	vld.idx.msk [tilespmem:v45+s15+$0x0], $0xffff;
	[tilespmem:s9+$0x100] =	vst v43  }
0x557: {  	[tilespmem:s9+$0x0] =	vst v42;
	v2 =	vld.idx.msk [tilespmem:v2+s15+$0x0], $0xffff;
	v42 =	vor.u32 s12, v24  }
0x558: {  	v43 =	vor.u32 s6, v24;
	v29 =	vld.idx.msk [tilespmem:v29+s15+$0x0], $0xffff;
	[tilespmem:s23+$0x40] =	vst v40  }
0x559: {  	v40 =	vor.u32 s24, v24;
	v35 =	vld.idx.msk [tilespmem:v35+s15+$0x0], $0xffff;
	[tilespmem:s23+$0xFFFFE0D0] =	vst v1  }
0x55a: {  	v1 =	vor.u32 s8, v24;
	v38 =	vld.idx.msk [tilespmem:v38+s15+$0x0], $0xffff;
	[tilespmem:s23+$0x1D0] =	vst v34  }
0x55b: {  	v34 =	vor.u32 s0, v23;
	[tilespmem:s9+$0xFFFFE190] =	vst v36;
	v36 =	vld.idx.msk [tilespmem:v41+s15+$0x0], $0xffff  }
0x55c: {  	v41 =	vor.u32 s1, v23;
	[tilespmem:s9+$0xFFFFE090] =	vst v39;
	v39 =	vld.idx.msk [tilespmem:v42+s15+$0x0], $0xffff  }
0x55d: {  	v42 =	vld.idx.msk [tilespmem:v43+s15+$0x0], $0xffff;
	[tilespmem:s9+$0xFFFFE110] =	vst v2;
	v2 =	vor.u32 s10, v30  }
0x55e: {  	[tilespmem:s9+$0xFFFFE010] =	vst v29;
	v29 =	vld.idx.msk [tilespmem:v40+s15+$0x0], $0xffff;
	v40 =	vor.u32 s12, v22  }
0x55f: {  	v43 =	vor.u32 s6, v22;
	v1 =	vld.idx.msk [tilespmem:v1+s15+$0x0], $0xffff;
	[tilespmem:s23+$0xFFFFE150] =	vst v37  }
0x560: {  	v37 =	vor.u32 s24, v22;
	[tilespmem:s23+$0xFFFFE050] =	vst v35;
	v34 =	vld.idx.msk [tilespmem:v34+s15+$0x0], $0xffff  }
0x561: {  	v35 =	vor.u32 s8, v22;
	v41 =	vld.idx.msk [tilespmem:v41+s15+$0x0], $0xffff;
	[tilespmem:s23+$0xFFFFE1E0] =	vst v36  }
0x562: {  	v36 =	vor.u32 s5, v26;
	[tilespmem:s9+$0x190] =	vst v39;
	v2 =	vld.idx.msk [tilespmem:v2+s15+$0x0], $0xffff  }
0x563: {  	[tilespmem:s9+$0x90] =	vst v42;
	v39 =	vld.idx.msk [tilespmem:v40+s15+$0x0], $0xffff;
	v40 =	vor.u32 s0, v26  }
0x564: {  	v42 =	vld.idx.msk [tilespmem:v43+s15+$0x0], $0xffff;
	[tilespmem:s9+$0x110] =	vst v29;
	v29 =	vor.u32 s10, v31  }
0x565: {  	[tilespmem:s9+$0x10] =	vst v1;
	v1 =	vld.idx.msk [tilespmem:v37+s15+$0x0], $0xffff;
	v37 =	vor.u32 s12, v20  }
0x566: {  	v43 =	vor.u32 s6, v20;
	v35 =	vld.idx.msk [tilespmem:v35+s15+$0x0], $0xffff;
	[tilespmem:s23+$0xD0] =	vst v38  }
0x567: {  	v38 =	vor.u32 s24, v20;
	v36 =	vld.idx.msk [tilespmem:v36+s15+$0x0], $0xffff;
	[tilespmem:s23+$0x150] =	vst v34  }
0x568: {  	v34 =	vor.u32 s8, v20;
	v40 =	vld.idx.msk [tilespmem:v40+s15+$0x0], $0xffff;
	[tilespmem:s23+$0x1E0] =	vst v2  }
0x569: {  	v2 =	vor.u32 s1, v26;
	[tilespmem:s9+$0xFFFFE1A0] =	vst v39;
	v29 =	vld.idx.msk [tilespmem:v29+s15+$0x0], $0xffff  }
0x56a: {  	v39 =	vor.u32 s5, v30;
	[tilespmem:s9+$0xFFFFE0A0] =	vst v42;
	v37 =	vld.idx.msk [tilespmem:v37+s15+$0x0], $0xffff  }
0x56b: {  	v42 =	vld.idx.msk [tilespmem:v43+s15+$0x0], $0xffff;
	[tilespmem:s9+$0xFFFFE120] =	vst v1;
	v1 =	vor.u32 s10, v32;
	s10 =	smov.u32 s12  }
0x56c: {  	[tilespmem:s9+$0xFFFFE020] =	vst v35;
	v35 =	vld.idx.msk [tilespmem:v38+s15+$0x0], $0xffff;
	v38 =	vor.u32 s10, v19  }
0x56d: {  	v43 =	vor.u32 s6, v19;
	v34 =	vld.idx.msk [tilespmem:v34+s15+$0x0], $0xffff;
	[tilespmem:s23+$0x50] =	vst v41  }
0x56e: {  	v41 =	vor.u32 s24, v19;
	v2 =	vld.idx.msk [tilespmem:v2+s15+$0x0], $0xffff;
	[tilespmem:s23+$0xFFFFE0E0] =	vst v36  }
0x56f: {  	v36 =	vor.u32 s8, v19;
	v39 =	vld.idx.msk [tilespmem:v39+s15+$0x0], $0xffff;
	[tilespmem:s23+$0xFFFFE1F0] =	vst v29  }
0x570: {  	v29 =	vor.u32 s0, v30;
	[tilespmem:s9+$0x1A0] =	vst v37;
	v1 =	vld.idx.msk [tilespmem:v1+s15+$0x0], $0xffff  }
0x571: {  	s12 =	sadd.s32 $0x2, s14;
	[tilespmem:s9+$0xA0] =	vst v42;
	v37 =	vld.idx.msk [tilespmem:v38+s15+$0x0], $0xffff;
	v38 =	vor.u32 s1, v30  }
0x572: {  	v42 =	vor.u32 s12, v27;
	v43 =	vld.idx.msk [tilespmem:v43+s15+$0x0], $0xffff;
	[tilespmem:s9+$0x120] =	vst v35  }
0x573: {  	[tilespmem:s9+$0x20] =	vst v34;
	v35 =	vld.idx.msk [tilespmem:v41+s15+$0x0], $0xffff;
	v41 =	vor.u32 s10, v17  }
0x574: {  	v44 =	vor.u32 s6, v17;
	v36 =	vld.idx.msk [tilespmem:v36+s15+$0x0], $0xffff;
	[tilespmem:s23+$0xFFFFE160] =	vst v40  }
0x575: {  	v40 =	vor.u32 s24, v17;
	[tilespmem:s23+$0xFFFFE060] =	vst v2;
	v2 =	vld.idx.msk [tilespmem:v29+s15+$0x0], $0xffff  }
0x576: {  	v29 =	vor.u32 s8, v17;
	v45 =	vld.idx.msk [tilespmem:v38+s15+$0x0], $0xffff;
	[tilespmem:s23+$0x1F0] =	vst v1  }
0x577: {  	v1 =	vor.u32 s5, v31;
	v34 =	vld.idx.msk [tilespmem:v42+s15+$0x0], $0xffff;
	[tilespmem:s9+$0xFFFFE1B0] =	vst v37  }
0x578: {  	[tilespmem:s9+$0xFFFFE0B0] =	vst v43;
	v37 =	vld.idx.msk [tilespmem:v41+s15+$0x0], $0xffff;
	v41 =	vor.u32 s0, v31  }
0x579: {  	v43 =	vor.u32 s1, v31;
	v42 =	vld.idx.msk [tilespmem:v44+s15+$0x0], $0xffff;
	[tilespmem:s9+$0xFFFFE130] =	vst v35  }
0x57a: {  	v44 =	vor.u32 s10, v16;
	[tilespmem:s9+$0xFFFFE030] =	vst v36;
	v36 =	vld.idx.msk [tilespmem:v40+s15+$0x0], $0xffff  }
0x57b: {  	v47 =	vor.u32 s6, v16;
	v46 =	vld.idx.msk [tilespmem:v29+s15+$0x0], $0xffff;
	[tilespmem:s23+$0xE0] =	vst v39  }
0x57c: {  	v49 =	vor.u32 s24, v16;
	v38 =	vld.idx.msk [tilespmem:v1+s15+$0x0], $0xffff;
	[tilespmem:s23+$0x160] =	vst v2  }
.Ltmp4:
0x57d: {  	v35 =	vor.u32 s8, v16;
	[tilespmem:s23+$0x60] =	vst v45;
	v39 =	vld.idx.msk [tilespmem:v41+s15+$0x0], $0xffff;
	(pc) =	sbr.rel @p0 .LBB2_10-.Ltmp4, $4  }
0x57e: {  	[tilespmem:s9+$0x1B0] =	vst v37;
	v40 =	vld.idx.msk [tilespmem:v43+s15+$0x0], $0xffff;
	v43 =	vor.u32 s5, v32;
	s5 =	smov.u32 s6;
	s6 =	smov.u32 s19  }
0x57f: {  	v29 =	vor.u32 s0, v32;
	s0 =	smov.u32 s24;
	s24 =	smov.u32 s12;
	[tilespmem:s9+$0xB0] =	vst v42;
	v41 =	vld.idx.msk [tilespmem:v44+s15+$0x0], $0xffff  }
0x580: {  	v44 =	vor.u32 s1, v32;
	s1 =	smov.u32 s8;
	s8 =	smov.u32 s14;
	v42 =	vld.idx.msk [tilespmem:v47+s15+$0x0], $0xffff;
	[tilespmem:s9+$0x130] =	vst v36  }
0x581: {  	v37 =	vor.u32 s10, v18;
	s14 =	sadd.s32 $0x4, s14;
	s12 =	sadd.s32 $0x3, s8;
	[tilespmem:s9+$0x30] =	vst v46;
	v36 =	vld.idx.msk [tilespmem:v49+s15+$0x0], $0xffff  }
0x582: {  	_ =	sdelay $0x1  }
0x583: {  	v1 =	vor.u32 s12, v27  }
0x584: {  	[tilespmem:s23+$0xFFFFE0F0] =	vst v38  }
0x585: {  	v2 =	vld.idx.msk [tilespmem:v43+s15+$0x0], $0xffff  }
0x586: {  	[tilespmem:s23+$0xFFFFE170] =	vst v39  }
0x587: {  	s14 =	sadd.s32 $0x200, s9;
	[tilespmem:s23+$0xFFFFE070] =	vst v40  }
0x588: {  	[tilespmem:s14+$0xFFFFE080] =	vst v48;
	v1 =	vld.idx.msk [tilespmem:v1+s15+$0x0], $0xffff  }
0x589: {  	[tilespmem:s9+$0xFFFFE0C0] =	vst v42;
	v42 =	vor.u32 s12, v28  }
0x58a: {  	v45 =	vld.idx.msk [tilespmem:v35+s15+$0x0], $0xffff;
	[tilespmem:s23+$0xF0] =	vst v2;
	v2 =	vor.u32 s6, v28  }
0x58b: {  	v63 =	vld.idx.msk [tilespmem:v29+s15+$0x0], $0xffff;
	v43 =	vor.u32 s24, v28;
	[tilespmem:s14+$0xFFFFE100] =	vst v34  }
0x58c: {  	[tilespmem:s14+$0xFFFFE000] =	vst v33;
	v40 =	vld.idx.msk [tilespmem:v44+s15+$0x0], $0xffff;
	v44 =	vor.u32 s8, v28  }
0x58d: {  	[tilespmem:s14+$0xFFFFE180] =	vst v1  }
0x58e: {  	[tilespmem:s9+$0xFFFFE1C0] =	vst v41;
	v1 =	vor.u32 s5, v18;
	v46 =	vld.idx.msk [tilespmem:v42+s15+$0x0], $0xffff  }
0x58f: {  	v47 =	vor.u32 s12, v25;
	[tilespmem:s9+$0xFFFFE140] =	vst v36;
	v2 =	vld.idx.msk [tilespmem:v2+s15+$0x0], $0xffff  }
0x590: {  	v48 =	vor.u32 s6, v25;
	[tilespmem:s9+$0xFFFFE040] =	vst v45;
	v27 =	vld.idx.msk [tilespmem:v43+s15+$0x0], $0xffff  }
0x591: {  	v49 =	vor.u32 s24, v25;
	[tilespmem:s23+$0x170] =	vst v63;
	v28 =	vld.idx.msk [tilespmem:v44+s15+$0x0], $0xffff  }
0x592: {  	v50 =	vor.u32 s8, v25;
	v37 =	vld.idx.msk [tilespmem:v37+s15+$0x0], $0xffff;
	[tilespmem:s23+$0x70] =	vst v40  }
0x593: {  	v51 =	vor.u32 s0, v18;
	v1 =	vld.idx.msk [tilespmem:v1+s15+$0x0], $0xffff;
	[tilespmem:s14+$0x180] =	vst v46  }
0x594: {  	v52 =	vor.u32 s10, v21;
	[tilespmem:s14+$0x80] =	vst v2;
	v2 =	vld.idx.msk [tilespmem:v47+s15+$0x0], $0xffff  }
0x595: {  	v53 =	vor.u32 s12, v24;
	[tilespmem:s14+$0x100] =	vst v27;
	v33 =	vld.idx.msk [tilespmem:v48+s15+$0x0], $0xffff  }
0x596: {  	v55 =	vor.u32 s6, v24;
	[tilespmem:s14+$0x0] =	vst v28;
	v54 =	vld.idx.msk [tilespmem:v49+s15+$0x0], $0xffff  }
0x597: {  	v56 =	vor.u32 s24, v24;
	[tilespmem:s9+$0x1C0] =	vst v37;
	v25 =	vld.idx.msk [tilespmem:v50+s15+$0x0], $0xffff  }
0x598: {  	v29 =	vld.idx.msk [tilespmem:v51+s15+$0x0], $0xffff;
	[tilespmem:s9+$0xC0] =	vst v1;
	v1 =	vor.u32 s8, v24  }
0x599: {  	v36 =	vor.u32 s0, v21;
	v35 =	vld.idx.msk [tilespmem:v52+s15+$0x0], $0xffff;
	[tilespmem:s14+$0xFFFFE190] =	vst v2  }
0x59a: {  	v2 =	vor.u32 s5, v21;
	[tilespmem:s14+$0xFFFFE090] =	vst v33;
	v27 =	vld.idx.msk [tilespmem:v53+s15+$0x0], $0xffff  }
0x59b: {  	v58 =	vor.u32 s12, v22;
	[tilespmem:s14+$0xFFFFE110] =	vst v54;
	v33 =	vld.idx.msk [tilespmem:v55+s15+$0x0], $0xffff  }
0x59c: {  	v60 =	vor.u32 s6, v22;
	[tilespmem:s14+$0xFFFFE010] =	vst v25;
	v59 =	vld.idx.msk [tilespmem:v56+s15+$0x0], $0xffff  }
0x59d: {  	v61 =	vor.u32 s24, v22;
	[tilespmem:s9+$0x140] =	vst v29;
	v1 =	vld.idx.msk [tilespmem:v1+s15+$0x0], $0xffff  }
0x59e: {  	v62 =	vor.u32 s8, v22;
	v41 =	vld.idx.msk [tilespmem:v36+s15+$0x0], $0xffff;
	[tilespmem:s9+$0xFFFFE1D0] =	vst v35  }
0x59f: {  	v57 =	vor.u32 s1, v18;
	v2 =	vld.idx.msk [tilespmem:v2+s15+$0x0], $0xffff;
	[tilespmem:s14+$0x190] =	vst v27  }
0x5a0: {  	v63 =	vor.u32 s10, v23;
	[tilespmem:s14+$0x90] =	vst v33;
	v28 =	vld.idx.msk [tilespmem:v58+s15+$0x0], $0xffff  }
0x5a1: {  	v37 =	vor.u32 s12, v20;
	[tilespmem:s14+$0x110] =	vst v59;
	v33 =	vld.idx.msk [tilespmem:v60+s15+$0x0], $0xffff  }
0x5a2: {  	v38 =	vor.u32 s6, v20;
	[tilespmem:s14+$0x10] =	vst v1;
	v1 =	vld.idx.msk [tilespmem:v61+s15+$0x0], $0xffff  }
0x5a3: {  	v39 =	vor.u32 s24, v20;
	[tilespmem:s9+$0xFFFFE150] =	vst v41;
	v22 =	vld.idx.msk [tilespmem:v62+s15+$0x0], $0xffff  }
0x5a4: {  	v24 =	vld.idx.msk [tilespmem:v57+s15+$0x0], $0xffff;
	[tilespmem:s9+$0xFFFFE0D0] =	vst v2;
	v2 =	vor.u32 s8, v20  }
0x5a5: {  	v42 =	vor.u32 s1, v21;
	v40 =	vld.idx.msk [tilespmem:v63+s15+$0x0], $0xffff;
	[tilespmem:s14+$0xFFFFE1A0] =	vst v28  }
0x5a6: {  	v48 =	vor.u32 s5, v23;
	[tilespmem:s14+$0xFFFFE0A0] =	vst v33;
	v25 =	vld.idx.msk [tilespmem:v37+s15+$0x0], $0xffff  }
0x5a7: {  	v29 =	vld.idx.msk [tilespmem:v38+s15+$0x0], $0xffff;
	[tilespmem:s14+$0xFFFFE120] =	vst v1;
	v1 =	vor.u32 s12, v19  }
0x5a8: {  	v45 =	vor.u32 s6, v19;
	[tilespmem:s14+$0xFFFFE020] =	vst v22;
	v44 =	vld.idx.msk [tilespmem:v39+s15+$0x0], $0xffff  }
0x5a9: {  	v46 =	vor.u32 s24, v19;
	[tilespmem:s9+$0x40] =	vst v24;
	v2 =	vld.idx.msk [tilespmem:v2+s15+$0x0], $0xffff  }
0x5aa: {  	v47 =	vor.u32 s8, v19;
	[tilespmem:s9+$0x1D0] =	vst v40;
	v27 =	vld.idx.msk [tilespmem:v42+s15+$0x0], $0xffff  }
0x5ab: {  	v43 =	vor.u32 s10, v26;
	v20 =	vld.idx.msk [tilespmem:v48+s15+$0x0], $0xffff;
	[tilespmem:s14+$0x1A0] =	vst v25  }
0x5ac: {  	v49 =	vor.u32 s0, v23;
	[tilespmem:s14+$0xA0] =	vst v29;
	v1 =	vld.idx.msk [tilespmem:v1+s15+$0x0], $0xffff  }
0x5ad: {  	v50 =	vor.u32 s12, v17;
	v24 =	vld.idx.msk [tilespmem:v45+s15+$0x0], $0xffff;
	[tilespmem:s14+$0x120] =	vst v44  }
0x5ae: {  	v51 =	vor.u32 s6, v17;
	[tilespmem:s14+$0x20] =	vst v2;
	v2 =	vld.idx.msk [tilespmem:v46+s15+$0x0], $0xffff  }
0x5af: {  	v52 =	vor.u32 s24, v17;
	[tilespmem:s9+$0xFFFFE050] =	vst v27;
	v19 =	vld.idx.msk [tilespmem:v47+s15+$0x0], $0xffff  }
0x5b0: {  	v17 =	vor.u32 s8, v17;
	v28 =	vld.idx.msk [tilespmem:v43+s15+$0x0], $0xffff;
	[tilespmem:s9+$0xD0] =	vst v20  }
0x5b1: {  	v53 =	vor.u32 s10, v30;
	v25 =	vld.idx.msk [tilespmem:v49+s15+$0x0], $0xffff;
	[tilespmem:s14+$0xFFFFE1B0] =	vst v1  }
0x5b2: {  	v1 =	vor.u32 s1, v23;
	[tilespmem:s14+$0xFFFFE0B0] =	vst v24;
	v22 =	vld.idx.msk [tilespmem:v50+s15+$0x0], $0xffff  }
0x5b3: {  	v24 =	vld.idx.msk [tilespmem:v51+s15+$0x0], $0xffff;
	[tilespmem:s14+$0xFFFFE130] =	vst v2;
	v2 =	vor.u32 s12, v16  }
0x5b4: {  	v55 =	vor.u32 s6, v16;
	[tilespmem:s14+$0xFFFFE030] =	vst v19;
	v54 =	vld.idx.msk [tilespmem:v52+s15+$0x0], $0xffff  }
0x5b5: {  	v56 =	vor.u32 s24, v16;
	[tilespmem:s9+$0xFFFFE1E0] =	vst v28;
	v17 =	vld.idx.msk [tilespmem:v17+s15+$0x0], $0xffff  }
0x5b6: {  	v28 =	vld.idx.msk [tilespmem:v53+s15+$0x0], $0xffff;
	[tilespmem:s9+$0x150] =	vst v25;
	v16 =	vor.u32 s8, v16  }
0x5b7: {  	v57 =	vor.u32 s5, v26;
	v1 =	vld.idx.msk [tilespmem:v1+s15+$0x0], $0xffff;
	[tilespmem:s14+$0x1B0] =	vst v22  }
0x5b8: {  	v58 =	vor.u32 s10, v31;
	[tilespmem:s14+$0xB0] =	vst v24;
	v2 =	vld.idx.msk [tilespmem:v2+s15+$0x0], $0xffff  }
0x5b9: {  	v59 =	vor.u32 s12, v18;
	v24 =	vld.idx.msk [tilespmem:v55+s15+$0x0], $0xffff;
	[tilespmem:s14+$0x130] =	vst v54  }
0x5ba: {  	v60 =	vor.u32 s6, v18;
	[tilespmem:s14+$0x30] =	vst v17;
	v17 =	vld.idx.msk [tilespmem:v56+s15+$0x0], $0xffff  }
0x5bb: {  	v61 =	vor.u32 s24, v18;
	[tilespmem:s9+$0x1E0] =	vst v28;
	v16 =	vld.idx.msk [tilespmem:v16+s15+$0x0], $0xffff  }
0x5bc: {  	v25 =	vld.idx.msk [tilespmem:v57+s15+$0x0], $0xffff;
	[tilespmem:s9+$0x50] =	vst v1;
	v1 =	vor.u32 s8, v18  }
0x5bd: {  	v62 =	vor.u32 s0, v26;
	v22 =	vld.idx.msk [tilespmem:v58+s15+$0x0], $0xffff;
	[tilespmem:s14+$0xFFFFE1C0] =	vst v2  }
0x5be: {  	v2 =	vor.u32 s1, v26;
	[tilespmem:s14+$0xFFFFE0C0] =	vst v24;
	v19 =	vld.idx.msk [tilespmem:v59+s15+$0x0], $0xffff  }
0x5bf: {  	v63 =	vor.u32 s12, v21;
	[tilespmem:s14+$0xFFFFE140] =	vst v17;
	v17 =	vld.idx.msk [tilespmem:v60+s15+$0x0], $0xffff  }
0x5c0: {  	v28 =	vor.u32 s6, v21;
	[tilespmem:s14+$0xFFFFE040] =	vst v16;
	v16 =	vld.idx.msk [tilespmem:v61+s15+$0x0], $0xffff  }
0x5c1: {  	v29 =	vor.u32 s24, v21;
	[tilespmem:s9+$0xFFFFE0E0] =	vst v25;
	v1 =	vld.idx.msk [tilespmem:v1+s15+$0x0], $0xffff  }
0x5c2: {  	v33 =	vor.u32 s8, v21;
	v18 =	vld.idx.msk [tilespmem:v62+s15+$0x0], $0xffff;
	[tilespmem:s9+$0xFFFFE1F0] =	vst v22  }
0x5c3: {  	v34 =	vor.u32 s10, v32;
	v2 =	vld.idx.msk [tilespmem:v2+s15+$0x0], $0xffff;
	[tilespmem:s14+$0x1C0] =	vst v19  }
0x5c4: {  	v39 =	vor.u32 s0, v30;
	[tilespmem:s14+$0xC0] =	vst v17;
	v20 =	vld.idx.msk [tilespmem:v63+s15+$0x0], $0xffff  }
0x5c5: {  	v17 =	vor.u32 s12, v23;
	v24 =	vld.idx.msk [tilespmem:v28+s15+$0x0], $0xffff;
	[tilespmem:s14+$0x140] =	vst v16  }
0x5c6: {  	v36 =	vor.u32 s6, v23;
	v16 =	vld.idx.msk [tilespmem:v29+s15+$0x0], $0xffff;
	[tilespmem:s14+$0x40] =	vst v1  }
0x5c7: {  	v37 =	vor.u32 s24, v23;
	[tilespmem:s9+$0xFFFFE160] =	vst v18;
	v1 =	vld.idx.msk [tilespmem:v33+s15+$0x0], $0xffff  }
0x5c8: {  	v38 =	vld.idx.msk [tilespmem:v34+s15+$0x0], $0xffff;
	[tilespmem:s9+$0xFFFFE060] =	vst v2;
	v2 =	vor.u32 s8, v23  }
0x5c9: {  	v35 =	vor.u32 s5, v30;
	v43 =	vld.idx.msk [tilespmem:v39+s15+$0x0], $0xffff;
	[tilespmem:s14+$0xFFFFE1D0] =	vst v20  }
0x5ca: {  	v40 =	vor.u32 s1, v30;
	[tilespmem:s14+$0xFFFFE0D0] =	vst v24;
	v17 =	vld.idx.msk [tilespmem:v17+s15+$0x0], $0xffff  }
0x5cb: {  	v41 =	vor.u32 s12, v26;
	v24 =	vld.idx.msk [tilespmem:v36+s15+$0x0], $0xffff;
	[tilespmem:s14+$0xFFFFE150] =	vst v16  }
0x5cc: {  	v16 =	vor.u32 s6, v26;
	[tilespmem:s14+$0xFFFFE050] =	vst v1;
	v1 =	vld.idx.msk [tilespmem:v37+s15+$0x0], $0xffff  }
0x5cd: {  	v42 =	vor.u32 s24, v26;
	[tilespmem:s9+$0x1F0] =	vst v38;
	v2 =	vld.idx.msk [tilespmem:v2+s15+$0x0], $0xffff  }
0x5ce: {  	v44 =	vor.u32 s8, v26;
	v19 =	vld.idx.msk [tilespmem:v35+s15+$0x0], $0xffff;
	[tilespmem:s9+$0x160] =	vst v43  }
0x5cf: {  	v45 =	vor.u32 s5, v31;
	v20 =	vld.idx.msk [tilespmem:v40+s15+$0x0], $0xffff;
	[tilespmem:s14+$0x1D0] =	vst v17  }
0x5d0: {  	v17 =	vor.u32 s0, v31;
	[tilespmem:s14+$0xD0] =	vst v24;
	v23 =	vld.idx.msk [tilespmem:v41+s15+$0x0], $0xffff  }
0x5d1: {  	v46 =	vor.u32 s12, v30;
	v16 =	vld.idx.msk [tilespmem:v16+s15+$0x0], $0xffff;
	[tilespmem:s14+$0x150] =	vst v1  }
0x5d2: {  	v47 =	vor.u32 s6, v30;
	v1 =	vld.idx.msk [tilespmem:v42+s15+$0x0], $0xffff;
	[tilespmem:s14+$0x50] =	vst v2  }
0x5d3: {  	v48 =	vor.u32 s24, v30;
	[tilespmem:s9+$0xE0] =	vst v19;
	v2 =	vld.idx.msk [tilespmem:v44+s15+$0x0], $0xffff  }
0x5d4: {  	v50 =	vor.u32 s8, v30;
	v49 =	vld.idx.msk [tilespmem:v45+s15+$0x0], $0xffff;
	[tilespmem:s9+$0x60] =	vst v20  }
0x5d5: {  	v51 =	vor.u32 s1, v31;
	v17 =	vld.idx.msk [tilespmem:v17+s15+$0x0], $0xffff;
	[tilespmem:s14+$0xFFFFE1E0] =	vst v23  }
0x5d6: {  	v52 =	vor.u32 s5, v32;
	[tilespmem:s14+$0xFFFFE0E0] =	vst v16;
	v24 =	vld.idx.msk [tilespmem:v46+s15+$0x0], $0xffff  }
0x5d7: {  	v16 =	vor.u32 s12, v31;
	v18 =	vld.idx.msk [tilespmem:v47+s15+$0x0], $0xffff;
	[tilespmem:s14+$0xFFFFE160] =	vst v1  }
0x5d8: {  	[tilespmem:s14+$0xFFFFE060] =	vst v2;
	v1 =	vld.idx.msk [tilespmem:v48+s15+$0x0], $0xffff;
	v2 =	vor.u32 s6, v31  }
0x5d9: {  	v54 =	vor.u32 s24, v31;
	[tilespmem:s9+$0xFFFFE0F0] =	vst v49;
	v53 =	vld.idx.msk [tilespmem:v50+s15+$0x0], $0xffff  }
0x5da: {  	v55 =	vld.idx.msk [tilespmem:v51+s15+$0x0], $0xffff;
	[tilespmem:s9+$0xFFFFE170] =	vst v17;
	v17 =	vor.u32 s8, v31  }
0x5db: {  	v57 =	vor.u32 s1, v32;
	v23 =	vld.idx.msk [tilespmem:v52+s15+$0x0], $0xffff;
	[tilespmem:s14+$0x1E0] =	vst v24  }
0x5dc: {  	v56 =	vor.u32 s0, v32;
	[tilespmem:s14+$0xE0] =	vst v18;
	v16 =	vld.idx.msk [tilespmem:v16+s15+$0x0], $0xffff  }
0x5dd: {  	v58 =	vor.u32 s12, v32;
	v2 =	vld.idx.msk [tilespmem:v2+s15+$0x0], $0xffff;
	[tilespmem:s14+$0x160] =	vst v1  }
0x5de: {  	v59 =	vor.u32 s6, v32;
	[tilespmem:s14+$0x60] =	vst v53;
	v1 =	vld.idx.msk [tilespmem:v54+s15+$0x0], $0xffff  }
0x5df: {  	v60 =	vor.u32 s24, v32;
	[tilespmem:s9+$0xFFFFE070] =	vst v55;
	v17 =	vld.idx.msk [tilespmem:v17+s15+$0x0], $0xffff  }
0x5e0: {  	v62 =	vor.u32 s8, v32;
	v63 =	vld.idx.msk [tilespmem:v57+s15+$0x0], $0xffff;
	[tilespmem:s9+$0xF0] =	vst v23  }
0x5e1: {  	v61 =	vld.idx.msk [tilespmem:v56+s15+$0x0], $0xffff;
	[tilespmem:s14+$0xFFFFE1F0] =	vst v16  }
0x5e2: {  	[tilespmem:s14+$0xFFFFE0F0] =	vst v2;
	v16 =	vld.idx.msk [tilespmem:v58+s15+$0x0], $0xffff  }
0x5e3: {  	v2 =	vld.idx.msk [tilespmem:v59+s15+$0x0], $0xffff;
	[tilespmem:s14+$0xFFFFE170] =	vst v1  }
0x5e4: {  	[tilespmem:s14+$0xFFFFE070] =	vst v17;
	v1 =	vld.idx.msk [tilespmem:v60+s15+$0x0], $0xffff  }
0x5e5: {  	[tilespmem:s9+$0x70] =	vst v63;
	v17 =	vld.idx.msk [tilespmem:v62+s15+$0x0], $0xffff  }
0x5e6: {  	[tilespmem:s9+$0x170] =	vst v61  }
0x5e7: {  	[tilespmem:s14+$0x1F0] =	vst v16  }
0x5e8: {  	[tilespmem:s14+$0xF0] =	vst v2  }
0x5e9: {  	[tilespmem:s14+$0x170] =	vst v1  }
0x5ea: {  	[tilespmem:s14+$0x70] =	vst v17  }
0x5eb: {  	s29 =	rddreg [dreg:$0x5]  }
0x5ec: {  	[hbm4b:s29+s17] =	stream.strided.scatter [tilespmem:s21], [sflag:$0x4], $0x4000, s18, s17, $0x38;
	[tilespmem:$0x1E600] =	vst v63  }
0x5ed: {  	_ =	swait.ge [sflag:s22], $0x4000  }
0x5ee: {  	[sflag:s22] =	ssyncset.done $0x0  }
0x5ef: {  	[sflag:s22] =	ssyncadd.s32 $0xFFFFC000  }
0x5f0: {  	_ =	swait.ge [sflag:s25], $0x4000  }
0x5f1: {  	s30 =	rddreg [dreg:$0x7]  }
0x5f2: {  	s31 =	rddreg [dreg:$0x6];
	s1 =	sadd.s32 $0x1, s30  }
0x5f3: {  	p0 =	sne.s32 s1, s31  }
.Ltmp5:
0x5f4: {  	_ = 	snop;
	(pc) =	sbr.rel @p0 .LBB2_1-.Ltmp5, $3  }
0x5f5: {  	_ =	sdelay $0x1  }
0x5f6: {  	[sflag:s25] =	ssyncset.done $0x0  }
0x5f7: {  	[sflag:s25] =	ssyncadd.s32 $0xFFFFC000  }
0x5f8: {  	_ =	sfence.sel $0x180000  }
0x5f9: {  	[bflag:$0x0] =	sbarrier.arrive $0xFFFF  }
0x5fa: {  	_ =	strace $0x90000047  }
0x5fb: {  	s0 =	stileid.u32;
	[bflag:$0x2] =	sbarrier.arrive $0xFFFF  }
0x5fc: {  	p0 =	sne.s32 s0, $0x0;
	s0 =	rddreg [dreg:$0x2]  }
0x5fd: {  	s0 =	sadd.s32 @!p0 $0x100000, s0  }
0x5fe: {  	[sflag:s0] =	ssyncadd.tile.s32 @!p0 $0x1;
	_ =	shalt  }
.Lfunc_end2:
_tile_overlayer_lowered:
.L_overlay_start_2:
0x5ff: {  	(tag) =	ssettag $0x2  }
0x600: {  	s0 =	rddreg [dreg:$0x0];
	s2 =	stileid.u32  }
0x601: {  	s1 =	rddreg [dreg:$0x1];
	p0 =	sne.s32 s2, $0x0  }
0x602: {  	s3 =	rddreg [dreg:$0x2];
	[bflag:$0x3] =	sbarrier.arrive $0xFFFF;
	s2 =	simm.s32 @!p0 $0x1C05  }
0x603: {  	[timem:s3], [sflag:s2] =	dma.local @!p0 [hbm:s0], s1  }
0x604: {  	s0 =	simm.s32 @!p0 $0x5  }
0x605: {  	_ =	swait.ge @!p0 [sflag:s0], s1  }
0x606: {  	s1 =	ssub.s32 @!p0 $0x0, s1;
	[sflag:s0] =	ssyncset.done @!p0 $0x0  }
0x607: {  	[sflag:s0] =	ssyncadd.s32 @!p0 s1  }
0x608: {  	[bflag:$0x3] =	sbarrier.arrive $0xFFFF  }
0x609: {  	_ =	shalt  }

</sc_bundles>
